<compile_context>
chip_gen: v7x
topology: tpu7x:2x2x1
jax: 0.10.2.dev20260603
libtpu: 0.0.44.dev20260713+nightly
codegen_flags: <defaults>
</compile_context>

<pallas_src>
import functools

import jax
import jax.numpy as jnp
from jax import lax
from jax.experimental import pallas as pl
from jax.experimental.pallas import tpu as pltpu
from jax.experimental.pallas import tpu_sc as plsc

NC, NS, L = 2, 16, 16
NEG = -3.0e38
BIG = 10**9


def _scores_body(q_ref, w1_ref, b1_ref, vw_ref, vb_ref, out_ref, *, rows,
                 t_pad):
    for i in range(rows):
        h = jnp.tanh(jnp.dot(q_ref[i], w1_ref[...],
                             preferred_element_type=jnp.float32) + b1_ref[0])
        s = lax.dot_general(vw_ref[...], h, (((1,), (1,)), ((), ())),
                            preferred_element_type=jnp.float32)
        out_ref[i, :] = jnp.concatenate(
            [s[0] + vb_ref[0, 0], jnp.full((t_pad,), NEG, jnp.float32)])


def _nms_one_row(r, raw_hbm, cv_hbm, ci_hbm, row_v, raw_v, chosen_v, cv_v,
                 ci_v, *, T, C, radius, nstep, kslot):
    nch = row_v.shape[0] // L
    pltpu.sync_copy(raw_hbm.at[r], row_v)
    pltpu.sync_copy(raw_hbm.at[r], raw_v)
    iota = lax.iota(jnp.int32, L)
    ones = jnp.ones((L,), jnp.float32)
    zeros = jnp.zeros((L,), jnp.float32)
    lane0 = iota == 0
    cache = jnp.full((L,), NEG, jnp.float32)
    for j in range(nch):
        sl = pl.ds(j * L, L)
        chosen_v[sl] = zeros
        mx = jnp.max(row_v[sl])
        cache = jnp.where(iota == j, jnp.full((L,), mx, jnp.float32), cache)

    def cond(c):
        return c[0] > -1.0e29

    def body(c):
        M, cache = c
        Ms = jnp.full((L,), M, jnp.float32)
        jv = plsc.all_reduce_ffs(cache == Ms)
        ch = plsc.load_gather(row_v, [jv * L + iota])
        lv = plsc.all_reduce_ffs(ch == Ms)
        idxv = jv * L + lv
        plsc.store_scatter(chosen_v, [idxv], ones, mask=lane0)
        for dj in (-1, 0, 1):
            jn = jv + dj
            jc = jnp.clip(jn, 0, nch - 1)
            pos = jc * L + iota
            chn = ch if dj == 0 else plsc.load_gather(row_v, [pos])
            inwin = ((pos >= idxv - radius) & (pos <= idxv + radius)
                     & (jn == jc))
            new = jnp.where(inwin, NEG, chn)
            plsc.store_scatter(row_v, [pos], new)
            mx = jnp.max(new)
            cache = jnp.where(iota == jc, jnp.full((L,), mx, jnp.float32),
                              cache)
        return (jnp.max(cache), cache)

    lax.while_loop(cond, body, (jnp.max(cache), cache))

    for j in range(kslot // L):
        sl = pl.ds(j * L, L)
        cv_v[sl] = zeros
        ci_v[sl] = zeros
    rowc = r % C
    base = jnp.int32(0)
    for j in range(nch):
        sl = pl.ds(j * L, L)
        msk = chosen_v[sl] > 0
        chi = msk.astype(jnp.int32)
        slots = base + plsc.cumsum(chi) - 1
        pv = 1.0 / (1.0 + jnp.exp(-raw_v[sl]))
        plsc.store_scatter(cv_v, [slots], pv, mask=msk)
        gidx = (rowc * T + iota + j * L).astype(jnp.float32)
        plsc.store_scatter(ci_v, [slots], gidx, mask=msk)
        base = base + jnp.sum(chi)
    pltpu.sync_copy(cv_v, cv_hbm.at[r])
    pltpu.sync_copy(ci_v, ci_hbm.at[r])


def _sc_nms_body(raw_hbm, cv_hbm, ci_hbm, row_v, raw_v, chosen_v, cv_v,
                 ci_v, *, R, T, C, radius, nstep, kslot):
    wid = lax.axis_index("c") * NS + lax.axis_index("s")
    nw = NC * NS
    do = functools.partial(_nms_one_row, raw_hbm=raw_hbm, cv_hbm=cv_hbm,
                           ci_hbm=ci_hbm, row_v=row_v, raw_v=raw_v,
                           chosen_v=chosen_v, cv_v=cv_v, ci_v=ci_v, T=T, C=C,
                           radius=radius, nstep=nstep, kslot=kslot)
    do(wid)
    if R > nw:
        @pl.when(wid < R - nw)
        def _():
            do(wid + nw)


def _sc_topp_body(cv_hbm, ci_hbm, masked_hbm, attn_hbm, cva, cia,
                  masked_v, attn_v, *, B, CK, N, p):
    wid = lax.axis_index("c") * NS + lax.axis_index("s")
    ncc = CK // L
    nmc = N // L

    @pl.when(wid < B)
    def _():
        b = wid
        pltpu.sync_copy(cv_hbm.at[b], cva)
        pltpu.sync_copy(ci_hbm.at[b], cia)
        iota = lax.iota(jnp.int32, L)
        lane0 = iota == 0
        zeros = jnp.zeros((L,), jnp.float32)
        sv = zeros
        for j in range(ncc):
            sv = sv + cva[pl.ds(j * L, L)]
        denom_v = jnp.full((L,), jnp.sum(sv), jnp.float32) + 1e-8
        c0 = jnp.full((L,), NEG, jnp.float32)
        c1 = jnp.full((L,), NEG, jnp.float32)
        for j in range(ncc):
            mxv = jnp.full((L,), jnp.max(cva[pl.ds(j * L, L)]), jnp.float32)
            if j < L:
                c0 = jnp.where(iota == j, mxv, c0)
            else:
                c1 = jnp.where(iota == j - L, mxv, c1)
        for j in range(nmc):
            masked_v[pl.ds(j * L, L)] = zeros

        def cond(c):
            return ~c[0]

        def body(c):
            _, count_v, cum_v, ssum_v, c0, c1 = c
            M = jnp.max(jnp.maximum(c0, c1))
            Ms = jnp.full((L,), M, jnp.float32)
            h0 = c0 == Ms
            n0 = plsc.all_reduce_population_count(h0)
            j0 = plsc.all_reduce_ffs(h0)
            j1 = plsc.all_reduce_ffs(c1 == Ms)
            jv = jnp.where(n0 > 0, j0, j1 + L)
            cidx = jv * L + iota
            ch = plsc.load_gather(cva, [cidx])
            lv = plsc.all_reduce_ffs(ch == Ms)
            idxv = jv * L + lv
            gv = plsc.load_gather(cia, [idxv])
            cum2 = cum_v + Ms / denom_v
            keep_v = ((cum2 <= p) | (count_v < 3)) & (Ms > -1.0e29)
            keep = jnp.min(keep_v.astype(jnp.int32)) > 0
            newch = jnp.where(iota == lv, NEG, ch)
            mx2v = jnp.full((L,), jnp.max(newch), jnp.float32)
            c0n = jnp.where(keep_v & (jv < L) & (iota == jv), mx2v, c0)
            c1n = jnp.where(keep_v & (jv >= L) & (iota == jv - L), mx2v, c1)

            @pl.when(keep)
            def _():
                plsc.store_scatter(masked_v, [gv.astype(jnp.int32)], Ms,
                                   mask=lane0)
                plsc.store_scatter(cva, [cidx], newch)

            return (~keep, count_v + 1, jnp.where(keep_v, cum2, cum_v),
                    jnp.where(keep_v, ssum_v + Ms, ssum_v), c0n, c1n)

        final = lax.while_loop(cond, body,
                               (jnp.bool_(False),
                                jnp.zeros((L,), jnp.int32),
                                jnp.zeros((L,), jnp.float32),
                                jnp.zeros((L,), jnp.float32), c0, c1))
        d2 = final[3] + 1e-8
        for j in range(nmc):
            sl = pl.ds(j * L, L)
            attn_v[sl] = masked_v[sl] / d2
        pltpu.sync_copy(masked_v, masked_hbm.at[b])
        pltpu.sync_copy(attn_v, attn_hbm.at[b])


def _context_body(attn_ref, vals_ref, out_ref):
    out_ref[0] = lax.dot_general(
        attn_ref[0], vals_ref[0], (((1,), (0,)), ((), ())),
        preferred_element_type=jnp.float32,
        precision=lax.Precision.HIGHEST)


def kernel(query, values, W1_w, W1_b, V_w, V_b):
    B, C, T, D_in = query.shape
    D_hid = W1_w.shape[1]
    R = B * C
    N = C * T
    radius = int(round(0.05 * T))
    nstep = -(-T // (radius + 1))
    kslot = 32
    assert nstep <= kslot
    CK = C * kslot
    t_pad = -T % L
    Tp = T + t_pad
    f32 = jnp.float32

    q = query.reshape(R, T, D_in)
    rows_blk = 8

    raw = pl.pallas_call(
        functools.partial(_scores_body, rows=rows_blk, t_pad=t_pad),
        grid=(R // rows_blk,),
        in_specs=[
            pl.BlockSpec((rows_blk, T, D_in), lambda r: (r, 0, 0)),
            pl.BlockSpec((D_in, D_hid), lambda r: (0, 0)),
            pl.BlockSpec((1, D_hid), lambda r: (0, 0)),
            pl.BlockSpec((1, D_hid), lambda r: (0, 0)),
            pl.BlockSpec((1, 1), lambda r: (0, 0)),
        ],
        out_specs=pl.BlockSpec((rows_blk, Tp), lambda r: (r, 0)),
        out_shape=jax.ShapeDtypeStruct((R, Tp), f32),
    )(q, W1_w, W1_b.reshape(1, D_hid), V_w.reshape(1, D_hid),
      V_b.reshape(1, 1))

    mesh = plsc.VectorSubcoreMesh(core_axis_name="c", subcore_axis_name="s",
                                  num_cores=NC, num_subcores=NS)
    sc_params = pltpu.CompilerParams(needs_layout_passes=False)

    cv, ci = pl.kernel(
        functools.partial(_sc_nms_body, R=R, T=T, C=C, radius=radius,
                          nstep=nstep, kslot=kslot),
        out_type=(jax.ShapeDtypeStruct((R, kslot), f32),
                  jax.ShapeDtypeStruct((R, kslot), f32)),
        mesh=mesh,
        scratch_types=[
            pltpu.VMEM((Tp,), f32),
            pltpu.VMEM((Tp,), f32),
            pltpu.VMEM((Tp,), f32),
            pltpu.VMEM((kslot,), f32),
            pltpu.VMEM((kslot,), f32),
        ],
        compiler_params=sc_params,
    )(raw)

    masked, attn = pl.kernel(
        functools.partial(_sc_topp_body, B=B, CK=CK, N=N, p=0.7),
        out_type=(jax.ShapeDtypeStruct((B, N), f32),
                  jax.ShapeDtypeStruct((B, N), f32)),
        mesh=mesh,
        scratch_types=[
            pltpu.VMEM((CK,), f32),
            pltpu.VMEM((CK,), f32),
            pltpu.VMEM((N,), f32),
            pltpu.VMEM((N,), f32),
        ],
        compiler_params=sc_params,
    )(cv.reshape(B, CK), ci.reshape(B, CK))

    context = pl.pallas_call(
        _context_body,
        grid=(B,),
        in_specs=[
            pl.BlockSpec((1, 1, N), lambda b: (b, 0, 0)),
            pl.BlockSpec((1, N, D_in), lambda b: (b, 0, 0)),
        ],
        out_specs=pl.BlockSpec((1, 1, D_in), lambda b: (b, 0, 0)),
        out_shape=jax.ShapeDtypeStruct((B, 1, D_in), f32),
    )(attn.reshape(B, 1, N), values.reshape(B, N, D_in))

    return (context.reshape(B, D_in), attn.reshape(B, C, T, 1),
            masked.reshape(B, C, T, 1))

# --- scband reference (transcript-rebuilt; emitter-appended) ---
"""Pipeline reference for scband-self-attention-37769942401291 (READ-ONLY COPY).

The authoritative reference and input builder live on the scoring server;
editing this copy changes nothing except your own understanding.
"""

import jax, jax.numpy as jnp
import numpy as np


def _suppress(scores, radius):
    B, C, T, _ = scores.shape
    neg_inf = jnp.finfo(scores.dtype).min
    pos = jnp.arange(T)
    rows = scores.reshape(B * C, T)

    def per_row(row):
        order = jnp.argsort(-row)

        def body(carry, i):
            mask, s = carry
            kept = mask[i]
            nb = (pos >= i - radius) & (pos <= i + radius)
            cand = jnp.where(nb, pos == i, mask)
            new_mask = jnp.where(kept, cand, mask)
            new_s = s.at[i].set(jnp.where(kept, s[i], neg_inf))
            return (new_mask, new_s), None

        (m, s), _ = jax.lax.scan(body, (jnp.ones(T, dtype=bool), row), order)
        return s

    out = jax.vmap(per_row)(rows)
    return out.reshape(B, C, T, 1)


def _top_p_mask(scores, p):
    scores = jax.lax.stop_gradient(scores)
    scores = jnp.where(jnp.isfinite(scores), scores, jnp.zeros_like(scores))
    scores = jnp.maximum(scores, 0.0)
    sorted_idx = jnp.argsort(-scores, axis=-1)
    sorted_scores = jnp.take_along_axis(scores, sorted_idx, axis=-1)
    row_sum = sorted_scores.sum(axis=-1, keepdims=True)
    norm = sorted_scores / (row_sum + 1e-08)
    cum = jnp.cumsum(norm, axis=-1)
    keep = cum <= p
    keep = keep.at[..., :3].set(True)
    Bn = scores.shape[0]
    mask = jnp.zeros(scores.shape, dtype=bool)
    mask = mask.at[jnp.arange(Bn)[:, None], sorted_idx].set(keep)
    return mask.astype(jnp.float32)


def _forward(query, values, W1_w, W1_b, V_w, V_b):
    hidden = jnp.tanh(query @ W1_w + W1_b)
    raw_before = hidden @ V_w + V_b
    radius = int(round(0.05 * raw_before.shape[-2]))
    raw = _suppress(raw_before, radius)
    score = jax.nn.sigmoid(raw)
    B, C, Tn, _ = score.shape
    T = C * Tn
    flat_probs = score[..., 0].reshape(B, T)
    flat_probs = jnp.where(jnp.isfinite(flat_probs), flat_probs, jnp.zeros_like(flat_probs))
    mask = _top_p_mask(flat_probs, 0.7)
    mask = jnp.where(jnp.isfinite(mask), mask, jnp.zeros_like(mask))
    mask = (mask > 0).astype(flat_probs.dtype)
    flat_masked = flat_probs * mask
    masked_score = flat_masked.reshape(B, C, Tn, 1)
    sum_score = jnp.sum(masked_score, axis=(1, 2), keepdims=True)
    zero_mask = sum_score <= 0
    attn = masked_score / (sum_score + 1e-08)
    uniform = jnp.full_like(attn, 1.0 / float(T))
    attn = jnp.where(jnp.broadcast_to(zero_mask, attn.shape), uniform, attn)
    context = jnp.sum(attn * values, axis=(1, 2))
    return context, attn, masked_score


def setup_inputs(seed: int = 0):
    key = jax.random.key(seed)
    k1, k2, k3, k4, k5, k6 = jax.random.split(key, 6)
    B, C, T, D_in, D_hid = 4, 10, 200, 512, 256
    query = jax.random.normal(k1, (B, C, T, D_in), dtype=jnp.float32)
    values = jax.random.normal(k2, (B, C, T, D_in), dtype=jnp.float32)
    b1 = 1.0 / np.sqrt(D_in)
    b2 = 1.0 / np.sqrt(D_hid)
    W1_w = jax.random.uniform(k3, (D_in, D_hid), minval=-b1, maxval=b1, dtype=jnp.float32)
    W1_b = jax.random.uniform(k4, (D_hid,), minval=-b1, maxval=b1, dtype=jnp.float32)
    V_w = jax.random.uniform(k5, (D_hid, 1), minval=-b2, maxval=b2, dtype=jnp.float32)
    V_b = jax.random.uniform(k6, (1,), minval=-b2, maxval=b2, dtype=jnp.float32)
    return {"query": query, "values": values, "W1_w": W1_w, "W1_b": W1_b, "V_w": V_w, "V_b": V_b}


def reference(query, values, W1_w, W1_b, V_w, V_b):
    return _forward(query, values, W1_w, W1_b, V_w, V_b)

if __name__ == "__main__":
    import jax
    _d = setup_inputs()
    print(jax.jit(kernel)(*tuple(_d.values())))

</pallas_src>

<mosaic_0001>
#map = affine_map<(d0, d1) -> (0, 0)>
module attributes {stable_mosaic.version = 14 : i64} {
  func.func @_sc_nms_body(%arg0: i32, %arg1: i32, %arg2: memref<40x208xf32, #tpu.memory_space<hbm>>, %arg3: memref<40x32xf32, #tpu.memory_space<hbm>>, %arg4: memref<40x32xf32, #tpu.memory_space<hbm>>, %arg5: memref<208xf32, #tpu.memory_space<vmem>>, %arg6: memref<208xf32, #tpu.memory_space<vmem>>, %arg7: memref<208xf32, #tpu.memory_space<vmem>>, %arg8: memref<32xf32, #tpu.memory_space<vmem>>, %arg9: memref<32xf32, #tpu.memory_space<vmem>>) attributes {dimension_semantics = [#tpu.dimension_semantics<core_parallel>, #tpu.dimension_semantics<subcore_parallel>], iteration_bounds = array<i64: 2, 16>, scalar_prefetch = 0 : i64, scratch_operands = 5 : i64, tpu.core_type = #tpu.core_type<sc_vector_subcore>, window_params = [{transform_indices = #map}, {transform_indices = #map}, {transform_indices = #map}]} {
    %mul3A = arith.constant 16 : i32
    %mul3A_0 = arith.muli %arg0, %mul3A : i32
    %add3A = arith.addi %mul3A_0, %arg1 : i32
    "tpu.region"() ({
      %run_scoped3A = tpu.sem_alloc : memref<!tpu.dma_semaphore, #tpu.memory_space<semaphore_mem>>
      %dma_start3A = arith.constant 0 : i32
      %dma_start3A_701 = tpu.memref_slice %arg2[%add3A, %dma_start3A] : memref<40x208xf32, #tpu.memory_space<hbm>> -> memref<1x208xf32, #tpu.memory_space<hbm>>
      %dma_start3A_702 = tpu.memref_squeeze %dma_start3A_701 : memref<1x208xf32, #tpu.memory_space<hbm>> -> memref<208xf32, #tpu.memory_space<hbm>>
      %dma_start3A_703 = arith.constant 0 : i32
      %dma_start3A_704 = tpu.memref_slice %arg2[%add3A, %dma_start3A_703] : memref<40x208xf32, #tpu.memory_space<hbm>> -> memref<1x208xf32, #tpu.memory_space<hbm>>
      %dma_start3A_705 = tpu.memref_squeeze %dma_start3A_704 : memref<1x208xf32, #tpu.memory_space<hbm>> -> memref<208xf32, #tpu.memory_space<hbm>>
      tpu.enqueue_dma source(%dma_start3A_705 : memref<208xf32, #tpu.memory_space<hbm>>) target(%arg5 : memref<208xf32, #tpu.memory_space<vmem>>) target_semaphore(%run_scoped3A : memref<!tpu.dma_semaphore, #tpu.memory_space<semaphore_mem>>)
      %dma_wait3A = arith.constant 0 : i32
      %dma_wait3A_706 = tpu.memref_slice %arg2[%add3A, %dma_wait3A] : memref<40x208xf32, #tpu.memory_space<hbm>> -> memref<1x208xf32, #tpu.memory_space<hbm>>
      %dma_wait3A_707 = tpu.memref_squeeze %dma_wait3A_706 : memref<1x208xf32, #tpu.memory_space<hbm>> -> memref<208xf32, #tpu.memory_space<hbm>>
      %dma_wait3A_708 = arith.constant 0 : i32
      %dma_wait3A_709 = tpu.memref_slice %arg2[%add3A, %dma_wait3A_708] : memref<40x208xf32, #tpu.memory_space<hbm>> -> memref<1x208xf32, #tpu.memory_space<hbm>>
      %dma_wait3A_710 = tpu.memref_squeeze %dma_wait3A_709 : memref<1x208xf32, #tpu.memory_space<hbm>> -> memref<208xf32, #tpu.memory_space<hbm>>
      tpu.wait_dma2 semaphore(%run_scoped3A : memref<!tpu.dma_semaphore, #tpu.memory_space<semaphore_mem>>) src(%dma_wait3A_710 : memref<208xf32, #tpu.memory_space<hbm>>) dst(%arg5 : memref<208xf32, #tpu.memory_space<vmem>>)
      tpu.yield
    }) : () -> ()
    "tpu.region"() ({
      %run_scoped3A = tpu.sem_alloc : memref<!tpu.dma_semaphore, #tpu.memory_space<semaphore_mem>>
      %dma_start3A = arith.constant 0 : i32
      %dma_start3A_701 = tpu.memref_slice %arg2[%add3A, %dma_start3A] : memref<40x208xf32, #tpu.memory_space<hbm>> -> memref<1x208xf32, #tpu.memory_space<hbm>>
      %dma_start3A_702 = tpu.memref_squeeze %dma_start3A_701 : memref<1x208xf32, #tpu.memory_space<hbm>> -> memref<208xf32, #tpu.memory_space<hbm>>
      %dma_start3A_703 = arith.constant 0 : i32
      %dma_start3A_704 = tpu.memref_slice %arg2[%add3A, %dma_start3A_703] : memref<40x208xf32, #tpu.memory_space<hbm>> -> memref<1x208xf32, #tpu.memory_space<hbm>>
      %dma_start3A_705 = tpu.memref_squeeze %dma_start3A_704 : memref<1x208xf32, #tpu.memory_space<hbm>> -> memref<208xf32, #tpu.memory_space<hbm>>
      tpu.enqueue_dma source(%dma_start3A_705 : memref<208xf32, #tpu.memory_space<hbm>>) target(%arg6 : memref<208xf32, #tpu.memory_space<vmem>>) target_semaphore(%run_scoped3A : memref<!tpu.dma_semaphore, #tpu.memory_space<semaphore_mem>>)
      %dma_wait3A = arith.constant 0 : i32
      %dma_wait3A_706 = tpu.memref_slice %arg2[%add3A, %dma_wait3A] : memref<40x208xf32, #tpu.memory_space<hbm>> -> memref<1x208xf32, #tpu.memory_space<hbm>>
      %dma_wait3A_707 = tpu.memref_squeeze %dma_wait3A_706 : memref<1x208xf32, #tpu.memory_space<hbm>> -> memref<208xf32, #tpu.memory_space<hbm>>
      %dma_wait3A_708 = arith.constant 0 : i32
      %dma_wait3A_709 = tpu.memref_slice %arg2[%add3A, %dma_wait3A_708] : memref<40x208xf32, #tpu.memory_space<hbm>> -> memref<1x208xf32, #tpu.memory_space<hbm>>
      %dma_wait3A_710 = tpu.memref_squeeze %dma_wait3A_709 : memref<1x208xf32, #tpu.memory_space<hbm>> -> memref<208xf32, #tpu.memory_space<hbm>>
      tpu.wait_dma2 semaphore(%run_scoped3A : memref<!tpu.dma_semaphore, #tpu.memory_space<semaphore_mem>>) src(%dma_wait3A_710 : memref<208xf32, #tpu.memory_space<hbm>>) dst(%arg6 : memref<208xf32, #tpu.memory_space<vmem>>)
      tpu.yield
    }) : () -> ()
    %iota3A = tpu.iota {dimensions = array<i32: 0>} : vector<16xi32>
    %broadcast_in_dim3A = arith.constant 1.000000e+00 : f32
    %broadcast_in_dim3A_1 = vector.broadcast %broadcast_in_dim3A : f32 to vector<16xf32>
    %broadcast_in_dim3A_2 = arith.constant 0.000000e+00 : f32
    %broadcast_in_dim3A_3 = vector.broadcast %broadcast_in_dim3A_2 : f32 to vector<16xf32>
    %eq3A = arith.constant 0 : i32
    %eq3A_4 = vector.broadcast %eq3A : i32 to vector<16xi32>
    %eq3A_5 = arith.cmpi eq, %iota3A, %eq3A_4 : vector<16xi32>
    %broadcast_in_dim3A_6 = arith.constant -3.000000e+38 : f32
    %broadcast_in_dim3A_7 = vector.broadcast %broadcast_in_dim3A_6 : f32 to vector<16xf32>
    %swap3A = arith.constant 0 : index
    %swap3A_8 = tpu.vector_load %arg7[%swap3A] {strides = array<i32>} : memref<208xf32, #tpu.memory_space<vmem>>, vector<16xf32>,
    tpu.vector_store %arg7[%swap3A], %broadcast_in_dim3A_3 {strides = array<i32>} : memref<208xf32, #tpu.memory_space<vmem>>, vector<16xf32>,
    %get3A = arith.constant 0 : index
    %get3A_9 = tpu.vector_load %arg5[%get3A] {strides = array<i32>} : memref<208xf32, #tpu.memory_space<vmem>>, vector<16xf32>,
    %reduce_max3A = arith.constant true
    %reduce_max3A_10 = vector.broadcast %reduce_max3A : i1 to vector<16xi1>
    %reduce_max3A_11 = tpu.scan <max>, %get3A_9 masked %reduce_max3A_10 : vector<16xf32>, vector<16xi1> -> vector<16xf32>
    %reduce_max3A_12 = vector.extract %reduce_max3A_11[15] : f32 from vector<16xf32>
    %eq3A_13 = arith.constant 0 : i32
    %eq3A_14 = vector.broadcast %eq3A_13 : i32 to vector<16xi32>
    %eq3A_15 = arith.cmpi eq, %iota3A, %eq3A_14 : vector<16xi32>
    %broadcast_in_dim3A_16 = vector.broadcast %reduce_max3A_12 : f32 to vector<16xf32>
    %select_n3A = arith.select %eq3A_15, %broadcast_in_dim3A_16, %broadcast_in_dim3A_7 : vector<16xi1>, vector<16xf32>
    %swap3A_17 = arith.constant 16 : index
    %swap3A_18 = tpu.vector_load %arg7[%swap3A_17] {strides = array<i32>} : memref<208xf32, #tpu.memory_space<vmem>>, vector<16xf32>,
    tpu.vector_store %arg7[%swap3A_17], %broadcast_in_dim3A_3 {strides = array<i32>} : memref<208xf32, #tpu.memory_space<vmem>>, vector<16xf32>,
    %get3A_19 = arith.constant 16 : index
    %get3A_20 = tpu.vector_load %arg5[%get3A_19] {strides = array<i32>} : memref<208xf32, #tpu.memory_space<vmem>>, vector<16xf32>,
    %reduce_max3A_21 = arith.constant true
    %reduce_max3A_22 = vector.broadcast %reduce_max3A_21 : i1 to vector<16xi1>
    %reduce_max3A_23 = tpu.scan <max>, %get3A_20 masked %reduce_max3A_22 : vector<16xf32>, vector<16xi1> -> vector<16xf32>
    %reduce_max3A_24 = vector.extract %reduce_max3A_23[15] : f32 from vector<16xf32>
    %eq3A_25 = arith.constant 1 : i32
    %eq3A_26 = vector.broadcast %eq3A_25 : i32 to vector<16xi32>
    %eq3A_27 = arith.cmpi eq, %iota3A, %eq3A_26 : vector<16xi32>
    %broadcast_in_dim3A_28 = vector.broadcast %reduce_max3A_24 : f32 to vector<16xf32>
    %select_n3A_29 = arith.select %eq3A_27, %broadcast_in_dim3A_28, %select_n3A : vector<16xi1>, vector<16xf32>
    %swap3A_30 = arith.constant 32 : index
    %swap3A_31 = tpu.vector_load %arg7[%swap3A_30] {strides = array<i32>} : memref<208xf32, #tpu.memory_space<vmem>>, vector<16xf32>,
    tpu.vector_store %arg7[%swap3A_30], %broadcast_in_dim3A_3 {strides = array<i32>} : memref<208xf32, #tpu.memory_space<vmem>>, vector<16xf32>,
    %get3A_32 = arith.constant 32 : index
    %get3A_33 = tpu.vector_load %arg5[%get3A_32] {strides = array<i32>} : memref<208xf32, #tpu.memory_space<vmem>>, vector<16xf32>,
    %reduce_max3A_34 = arith.constant true
    %reduce_max3A_35 = vector.broadcast %reduce_max3A_34 : i1 to vector<16xi1>
    %reduce_max3A_36 = tpu.scan <max>, %get3A_33 masked %reduce_max3A_35 : vector<16xf32>, vector<16xi1> -> vector<16xf32>
    %reduce_max3A_37 = vector.extract %reduce_max3A_36[15] : f32 from vector<16xf32>
    %eq3A_38 = arith.constant 2 : i32
    %eq3A_39 = vector.broadcast %eq3A_38 : i32 to vector<16xi32>
    %eq3A_40 = arith.cmpi eq, %iota3A, %eq3A_39 : vector<16xi32>
    %broadcast_in_dim3A_41 = vector.broadcast %reduce_max3A_37 : f32 to vector<16xf32>
    %select_n3A_42 = arith.select %eq3A_40, %broadcast_in_dim3A_41, %select_n3A_29 : vector<16xi1>, vector<16xf32>
    %swap3A_43 = arith.constant 48 : index
    %swap3A_44 = tpu.vector_load %arg7[%swap3A_43] {strides = array<i32>} : memref<208xf32, #tpu.memory_space<vmem>>, vector<16xf32>,
    tpu.vector_store %arg7[%swap3A_43], %broadcast_in_dim3A_3 {strides = array<i32>} : memref<208xf32, #tpu.memory_space<vmem>>, vector<16xf32>,
    %get3A_45 = arith.constant 48 : index
    %get3A_46 = tpu.vector_load %arg5[%get3A_45] {strides = array<i32>} : memref<208xf32, #tpu.memory_space<vmem>>, vector<16xf32>,
    %reduce_max3A_47 = arith.constant true
    %reduce_max3A_48 = vector.broadcast %reduce_max3A_47 : i1 to vector<16xi1>
    %reduce_max3A_49 = tpu.scan <max>, %get3A_46 masked %reduce_max3A_48 : vector<16xf32>, vector<16xi1> -> vector<16xf32>
    %reduce_max3A_50 = vector.extract %reduce_max3A_49[15] : f32 from vector<16xf32>
    %eq3A_51 = arith.constant 3 : i32
    %eq3A_52 = vector.broadcast %eq3A_51 : i32 to vector<16xi32>
    %eq3A_53 = arith.cmpi eq, %iota3A, %eq3A_52 : vector<16xi32>
    %broadcast_in_dim3A_54 = vector.broadcast %reduce_max3A_50 : f32 to vector<16xf32>
    %select_n3A_55 = arith.select %eq3A_53, %broadcast_in_dim3A_54, %select_n3A_42 : vector<16xi1>, vector<16xf32>
    %swap3A_56 = arith.constant 64 : index
    %swap3A_57 = tpu.vector_load %arg7[%swap3A_56] {strides = array<i32>} : memref<208xf32, #tpu.memory_space<vmem>>, vector<16xf32>,
    tpu.vector_store %arg7[%swap3A_56], %broadcast_in_dim3A_3 {strides = array<i32>} : memref<208xf32, #tpu.memory_space<vmem>>, vector<16xf32>,
    %get3A_58 = arith.constant 64 : index
    %get3A_59 = tpu.vector_load %arg5[%get3A_58] {strides = array<i32>} : memref<208xf32, #tpu.memory_space<vmem>>, vector<16xf32>,
    %reduce_max3A_60 = arith.constant true
    %reduce_max3A_61 = vector.broadcast %reduce_max3A_60 : i1 to vector<16xi1>
    %reduce_max3A_62 = tpu.scan <max>, %get3A_59 masked %reduce_max3A_61 : vector<16xf32>, vector<16xi1> -> vector<16xf32>
    %reduce_max3A_63 = vector.extract %reduce_max3A_62[15] : f32 from vector<16xf32>
    %eq3A_64 = arith.constant 4 : i32
    %eq3A_65 = vector.broadcast %eq3A_64 : i32 to vector<16xi32>
    %eq3A_66 = arith.cmpi eq, %iota3A, %eq3A_65 : vector<16xi32>
    %broadcast_in_dim3A_67 = vector.broadcast %reduce_max3A_63 : f32 to vector<16xf32>
    %select_n3A_68 = arith.select %eq3A_66, %broadcast_in_dim3A_67, %select_n3A_55 : vector<16xi1>, vector<16xf32>
    %swap3A_69 = arith.constant 80 : index
    %swap3A_70 = tpu.vector_load %arg7[%swap3A_69] {strides = array<i32>} : memref<208xf32, #tpu.memory_space<vmem>>, vector<16xf32>,
    tpu.vector_store %arg7[%swap3A_69], %broadcast_in_dim3A_3 {strides = array<i32>} : memref<208xf32, #tpu.memory_space<vmem>>, vector<16xf32>,
    %get3A_71 = arith.constant 80 : index
    %get3A_72 = tpu.vector_load %arg5[%get3A_71] {strides = array<i32>} : memref<208xf32, #tpu.memory_space<vmem>>, vector<16xf32>,
    %reduce_max3A_73 = arith.constant true
    %reduce_max3A_74 = vector.broadcast %reduce_max3A_73 : i1 to vector<16xi1>
    %reduce_max3A_75 = tpu.scan <max>, %get3A_72 masked %reduce_max3A_74 : vector<16xf32>, vector<16xi1> -> vector<16xf32>
    %reduce_max3A_76 = vector.extract %reduce_max3A_75[15] : f32 from vector<16xf32>
    %eq3A_77 = arith.constant 5 : i32
    %eq3A_78 = vector.broadcast %eq3A_77 : i32 to vector<16xi32>
    %eq3A_79 = arith.cmpi eq, %iota3A, %eq3A_78 : vector<16xi32>
    %broadcast_in_dim3A_80 = vector.broadcast %reduce_max3A_76 : f32 to vector<16xf32>
    %select_n3A_81 = arith.select %eq3A_79, %broadcast_in_dim3A_80, %select_n3A_68 : vector<16xi1>, vector<16xf32>
    %swap3A_82 = arith.constant 96 : index
    %swap3A_83 = tpu.vector_load %arg7[%swap3A_82] {strides = array<i32>} : memref<208xf32, #tpu.memory_space<vmem>>, vector<16xf32>,
    tpu.vector_store %arg7[%swap3A_82], %broadcast_in_dim3A_3 {strides = array<i32>} : memref<208xf32, #tpu.memory_space<vmem>>, vector<16xf32>,
    %get3A_84 = arith.constant 96 : index
    %get3A_85 = tpu.vector_load %arg5[%get3A_84] {strides = array<i32>} : memref<208xf32, #tpu.memory_space<vmem>>, vector<16xf32>,
    %reduce_max3A_86 = arith.constant true
    %reduce_max3A_87 = vector.broadcast %reduce_max3A_86 : i1 to vector<16xi1>
    %reduce_max3A_88 = tpu.scan <max>, %get3A_85 masked %reduce_max3A_87 : vector<16xf32>, vector<16xi1> -> vector<16xf32>
    %reduce_max3A_89 = vector.extract %reduce_max3A_88[15] : f32 from vector<16xf32>
    %eq3A_90 = arith.constant 6 : i32
    %eq3A_91 = vector.broadcast %eq3A_90 : i32 to vector<16xi32>
    %eq3A_92 = arith.cmpi eq, %iota3A, %eq3A_91 : vector<16xi32>
    %broadcast_in_dim3A_93 = vector.broadcast %reduce_max3A_89 : f32 to vector<16xf32>
    %select_n3A_94 = arith.select %eq3A_92, %broadcast_in_dim3A_93, %select_n3A_81 : vector<16xi1>, vector<16xf32>
    %swap3A_95 = arith.constant 112 : index
    %swap3A_96 = tpu.vector_load %arg7[%swap3A_95] {strides = array<i32>} : memref<208xf32, #tpu.memory_space<vmem>>, vector<16xf32>,
    tpu.vector_store %arg7[%swap3A_95], %broadcast_in_dim3A_3 {strides = array<i32>} : memref<208xf32, #tpu.memory_space<vmem>>, vector<16xf32>,
    %get3A_97 = arith.constant 112 : index
    %get3A_98 = tpu.vector_load %arg5[%get3A_97] {strides = array<i32>} : memref<208xf32, #tpu.memory_space<vmem>>, vector<16xf32>,
    %reduce_max3A_99 = arith.constant true
    %reduce_max3A_100 = vector.broadcast %reduce_max3A_99 : i1 to vector<16xi1>
    %reduce_max3A_101 = tpu.scan <max>, %get3A_98 masked %reduce_max3A_100 : vector<16xf32>, vector<16xi1> -> vector<16xf32>
    %reduce_max3A_102 = vector.extract %reduce_max3A_101[15] : f32 from vector<16xf32>
    %eq3A_103 = arith.constant 7 : i32
    %eq3A_104 = vector.broadcast %eq3A_103 : i32 to vector<16xi32>
    %eq3A_105 = arith.cmpi eq, %iota3A, %eq3A_104 : vector<16xi32>
    %broadcast_in_dim3A_106 = vector.broadcast %reduce_max3A_102 : f32 to vector<16xf32>
    %select_n3A_107 = arith.select %eq3A_105, %broadcast_in_dim3A_106, %select_n3A_94 : vector<16xi1>, vector<16xf32>
    %swap3A_108 = arith.constant 128 : index
    %swap3A_109 = tpu.vector_load %arg7[%swap3A_108] {strides = array<i32>} : memref<208xf32, #tpu.memory_space<vmem>>, vector<16xf32>,
    tpu.vector_store %arg7[%swap3A_108], %broadcast_in_dim3A_3 {strides = array<i32>} : memref<208xf32, #tpu.memory_space<vmem>>, vector<16xf32>,
    %get3A_110 = arith.constant 128 : index
    %get3A_111 = tpu.vector_load %arg5[%get3A_110] {strides = array<i32>} : memref<208xf32, #tpu.memory_space<vmem>>, vector<16xf32>,
    %reduce_max3A_112 = arith.constant true
    %reduce_max3A_113 = vector.broadcast %reduce_max3A_112 : i1 to vector<16xi1>
    %reduce_max3A_114 = tpu.scan <max>, %get3A_111 masked %reduce_max3A_113 : vector<16xf32>, vector<16xi1> -> vector<16xf32>
    %reduce_max3A_115 = vector.extract %reduce_max3A_114[15] : f32 from vector<16xf32>
    %eq3A_116 = arith.constant 8 : i32
    %eq3A_117 = vector.broadcast %eq3A_116 : i32 to vector<16xi32>
    %eq3A_118 = arith.cmpi eq, %iota3A, %eq3A_117 : vector<16xi32>
    %broadcast_in_dim3A_119 = vector.broadcast %reduce_max3A_115 : f32 to vector<16xf32>
    %select_n3A_120 = arith.select %eq3A_118, %broadcast_in_dim3A_119, %select_n3A_107 : vector<16xi1>, vector<16xf32>
    %swap3A_121 = arith.constant 144 : index
    %swap3A_122 = tpu.vector_load %arg7[%swap3A_121] {strides = array<i32>} : memref<208xf32, #tpu.memory_space<vmem>>, vector<16xf32>,
    tpu.vector_store %arg7[%swap3A_121], %broadcast_in_dim3A_3 {strides = array<i32>} : memref<208xf32, #tpu.memory_space<vmem>>, vector<16xf32>,
    %get3A_123 = arith.constant 144 : index
    %get3A_124 = tpu.vector_load %arg5[%get3A_123] {strides = array<i32>} : memref<208xf32, #tpu.memory_space<vmem>>, vector<16xf32>,
    %reduce_max3A_125 = arith.constant true
    %reduce_max3A_126 = vector.broadcast %reduce_max3A_125 : i1 to vector<16xi1>
    %reduce_max3A_127 = tpu.scan <max>, %get3A_124 masked %reduce_max3A_126 : vector<16xf32>, vector<16xi1> -> vector<16xf32>
    %reduce_max3A_128 = vector.extract %reduce_max3A_127[15] : f32 from vector<16xf32>
    %eq3A_129 = arith.constant 9 : i32
    %eq3A_130 = vector.broadcast %eq3A_129 : i32 to vector<16xi32>
    %eq3A_131 = arith.cmpi eq, %iota3A, %eq3A_130 : vector<16xi32>
    %broadcast_in_dim3A_132 = vector.broadcast %reduce_max3A_128 : f32 to vector<16xf32>
    %select_n3A_133 = arith.select %eq3A_131, %broadcast_in_dim3A_132, %select_n3A_120 : vector<16xi1>, vector<16xf32>
    %swap3A_134 = arith.constant 160 : index
    %swap3A_135 = tpu.vector_load %arg7[%swap3A_134] {strides = array<i32>} : memref<208xf32, #tpu.memory_space<vmem>>, vector<16xf32>,
    tpu.vector_store %arg7[%swap3A_134], %broadcast_in_dim3A_3 {strides = array<i32>} : memref<208xf32, #tpu.memory_space<vmem>>, vector<16xf32>,
    %get3A_136 = arith.constant 160 : index
    %get3A_137 = tpu.vector_load %arg5[%get3A_136] {strides = array<i32>} : memref<208xf32, #tpu.memory_space<vmem>>, vector<16xf32>,
    %reduce_max3A_138 = arith.constant true
    %reduce_max3A_139 = vector.broadcast %reduce_max3A_138 : i1 to vector<16xi1>
    %reduce_max3A_140 = tpu.scan <max>, %get3A_137 masked %reduce_max3A_139 : vector<16xf32>, vector<16xi1> -> vector<16xf32>
    %reduce_max3A_141 = vector.extract %reduce_max3A_140[15] : f32 from vector<16xf32>
    %eq3A_142 = arith.constant 10 : i32
    %eq3A_143 = vector.broadcast %eq3A_142 : i32 to vector<16xi32>
    %eq3A_144 = arith.cmpi eq, %iota3A, %eq3A_143 : vector<16xi32>
    %broadcast_in_dim3A_145 = vector.broadcast %reduce_max3A_141 : f32 to vector<16xf32>
    %select_n3A_146 = arith.select %eq3A_144, %broadcast_in_dim3A_145, %select_n3A_133 : vector<16xi1>, vector<16xf32>
    %swap3A_147 = arith.constant 176 : index
    %swap3A_148 = tpu.vector_load %arg7[%swap3A_147] {strides = array<i32>} : memref<208xf32, #tpu.memory_space<vmem>>, vector<16xf32>,
    tpu.vector_store %arg7[%swap3A_147], %broadcast_in_dim3A_3 {strides = array<i32>} : memref<208xf32, #tpu.memory_space<vmem>>, vector<16xf32>,
    %get3A_149 = arith.constant 176 : index
    %get3A_150 = tpu.vector_load %arg5[%get3A_149] {strides = array<i32>} : memref<208xf32, #tpu.memory_space<vmem>>, vector<16xf32>,
    %reduce_max3A_151 = arith.constant true
    %reduce_max3A_152 = vector.broadcast %reduce_max3A_151 : i1 to vector<16xi1>
    %reduce_max3A_153 = tpu.scan <max>, %get3A_150 masked %reduce_max3A_152 : vector<16xf32>, vector<16xi1> -> vector<16xf32>
    %reduce_max3A_154 = vector.extract %reduce_max3A_153[15] : f32 from vector<16xf32>
    %eq3A_155 = arith.constant 11 : i32
    %eq3A_156 = vector.broadcast %eq3A_155 : i32 to vector<16xi32>
    %eq3A_157 = arith.cmpi eq, %iota3A, %eq3A_156 : vector<16xi32>
    %broadcast_in_dim3A_158 = vector.broadcast %reduce_max3A_154 : f32 to vector<16xf32>
    %select_n3A_159 = arith.select %eq3A_157, %broadcast_in_dim3A_158, %select_n3A_146 : vector<16xi1>, vector<16xf32>
    %swap3A_160 = arith.constant 192 : index
    %swap3A_161 = tpu.vector_load %arg7[%swap3A_160] {strides = array<i32>} : memref<208xf32, #tpu.memory_space<vmem>>, vector<16xf32>,
    tpu.vector_store %arg7[%swap3A_160], %broadcast_in_dim3A_3 {strides = array<i32>} : memref<208xf32, #tpu.memory_space<vmem>>, vector<16xf32>,
    %get3A_162 = arith.constant 192 : index
    %get3A_163 = tpu.vector_load %arg5[%get3A_162] {strides = array<i32>} : memref<208xf32, #tpu.memory_space<vmem>>, vector<16xf32>,
    %reduce_max3A_164 = arith.constant true
    %reduce_max3A_165 = vector.broadcast %reduce_max3A_164 : i1 to vector<16xi1>
    %reduce_max3A_166 = tpu.scan <max>, %get3A_163 masked %reduce_max3A_165 : vector<16xf32>, vector<16xi1> -> vector<16xf32>
    %reduce_max3A_167 = vector.extract %reduce_max3A_166[15] : f32 from vector<16xf32>
    %eq3A_168 = arith.constant 12 : i32
    %eq3A_169 = vector.broadcast %eq3A_168 : i32 to vector<16xi32>
    %eq3A_170 = arith.cmpi eq, %iota3A, %eq3A_169 : vector<16xi32>
    %broadcast_in_dim3A_171 = vector.broadcast %reduce_max3A_167 : f32 to vector<16xf32>
    %select_n3A_172 = arith.select %eq3A_170, %broadcast_in_dim3A_171, %select_n3A_159 : vector<16xi1>, vector<16xf32>
    %reduce_max3A_173 = arith.constant true
    %reduce_max3A_174 = vector.broadcast %reduce_max3A_173 : i1 to vector<16xi1>
    %reduce_max3A_175 = tpu.scan <max>, %select_n3A_172 masked %reduce_max3A_174 : vector<16xf32>, vector<16xi1> -> vector<16xf32>
    %reduce_max3A_176 = vector.extract %reduce_max3A_175[15] : f32 from vector<16xf32>
    %while3A:2 = scf.while (%while3A_701 = %reduce_max3A_176, %while3A_702 = %select_n3A_172) : (f32, vector<16xf32>) -> (f32, vector<16xf32>) {
      %gt3A_703 = arith.constant -1.000000e+29 : f32
      %gt3A_704 = arith.cmpf ogt, %while3A_701, %gt3A_703 : f32
      scf.condition(%gt3A_704) %while3A_701, %while3A_702 : f32, vector<16xf32>
    } do {
    ^bb0(%while3A_701: f32, %while3A_702: vector<16xf32>):
      %broadcast_in_dim3A_703 = vector.broadcast %while3A_701 : f32 to vector<16xf32>
      %eq3A_704 = arith.cmpf oeq, %while3A_702, %broadcast_in_dim3A_703 : vector<16xf32>
      %all_reduce_ffs3A = tpu.all_reduce %eq3A_704 {dim = 0 : i64, kind = #tpu.reduction_kind<find_first_set>} : vector<16xi1> -> vector<16xi32>
      %mul3A_705 = arith.constant 16 : i32
      %mul3A_706 = vector.broadcast %mul3A_705 : i32 to vector<16xi32>
      %mul3A_707 = arith.muli %all_reduce_ffs3A, %mul3A_706 : vector<16xi32>
      %add3A_708 = arith.addi %mul3A_707, %iota3A : vector<16xi32>
      %gather3A = tpu.vector_load_idx %arg5[%add3A_708] : memref<208xf32, #tpu.memory_space<vmem>>[vector<16xi32>], vector<16xf32>,
      %eq3A_709 = arith.cmpf oeq, %gather3A, %broadcast_in_dim3A_703 : vector<16xf32>
      %all_reduce_ffs3A_710 = tpu.all_reduce %eq3A_709 {dim = 0 : i64, kind = #tpu.reduction_kind<find_first_set>} : vector<16xi1> -> vector<16xi32>
      %mul3A_711 = arith.constant 16 : i32
      %mul3A_712 = vector.broadcast %mul3A_711 : i32 to vector<16xi32>
      %mul3A_713 = arith.muli %all_reduce_ffs3A, %mul3A_712 : vector<16xi32>
      %add3A_714 = arith.addi %mul3A_713, %all_reduce_ffs3A_710 : vector<16xi32>
      tpu.vector_store_idx %arg7[%add3A_714], %broadcast_in_dim3A_1 masked %eq3A_5 : memref<208xf32, #tpu.memory_space<vmem>>[vector<16xi32>], vector<16xf32>, vector<16xi1>
      %add3A_715 = arith.constant -1 : i32
      %add3A_716 = vector.broadcast %add3A_715 : i32 to vector<16xi32>
      %add3A_717 = arith.addi %all_reduce_ffs3A, %add3A_716 : vector<16xi32>
      %jit3A_718 = arith.constant 0 : i32
      %jit3A_719 = arith.constant 12 : i32
      %max3A = vector.broadcast %jit3A_718 : i32 to vector<16xi32>
      %max3A_720 = arith.maxsi %max3A, %add3A_717 : vector<16xi32>
      %min3A = vector.broadcast %jit3A_719 : i32 to vector<16xi32>
      %min3A_721 = arith.minsi %min3A, %max3A_720 : vector<16xi32>
      %mul3A_722 = arith.constant 16 : i32
      %mul3A_723 = vector.broadcast %mul3A_722 : i32 to vector<16xi32>
      %mul3A_724 = arith.muli %min3A_721, %mul3A_723 : vector<16xi32>
      %add3A_725 = arith.addi %mul3A_724, %iota3A : vector<16xi32>
      %gather3A_726 = tpu.vector_load_idx %arg5[%add3A_725] : memref<208xf32, #tpu.memory_space<vmem>>[vector<16xi32>], vector<16xf32>,
      %sub3A_727 = arith.constant 10 : i32
      %sub3A_728 = vector.broadcast %sub3A_727 : i32 to vector<16xi32>
      %sub3A_729 = arith.subi %add3A_714, %sub3A_728 : vector<16xi32>
      %ge3A = arith.cmpi sge, %add3A_725, %sub3A_729 : vector<16xi32>
      %add3A_730 = arith.constant 10 : i32
      %add3A_731 = vector.broadcast %add3A_730 : i32 to vector<16xi32>
      %add3A_732 = arith.addi %add3A_714, %add3A_731 : vector<16xi32>
      %le3A = arith.cmpi sle, %add3A_725, %add3A_732 : vector<16xi32>
      %and3A_733 = arith.andi %ge3A, %le3A : vector<16xi1>
      %eq3A_734 = arith.cmpi eq, %add3A_717, %min3A_721 : vector<16xi32>
      %and3A_735 = arith.andi %and3A_733, %eq3A_734 : vector<16xi1>
      %jit3A_736 = arith.constant -3.000000e+38 : f32
      %broadcast_in_dim3A_737 = vector.broadcast %jit3A_736 : f32 to vector<16xf32>
      %select_n3A_738 = arith.select %and3A_735, %broadcast_in_dim3A_737, %gather3A_726 : vector<16xi1>, vector<16xf32>
      tpu.vector_store_idx %arg5[%add3A_725], %select_n3A_738 : memref<208xf32, #tpu.memory_space<vmem>>[vector<16xi32>], vector<16xf32>,
      %reduce_max3A_739 = arith.constant true
      %reduce_max3A_740 = vector.broadcast %reduce_max3A_739 : i1 to vector<16xi1>
      %reduce_max3A_741 = tpu.scan <max>, %select_n3A_738 masked %reduce_max3A_740 : vector<16xf32>, vector<16xi1> -> vector<16xf32>
      %reduce_max3A_742 = vector.extract %reduce_max3A_741[15] : f32 from vector<16xf32>
      %eq3A_743 = arith.cmpi eq, %iota3A, %min3A_721 : vector<16xi32>
      %broadcast_in_dim3A_744 = vector.broadcast %reduce_max3A_742 : f32 to vector<16xf32>
      %select_n3A_745 = arith.select %eq3A_743, %broadcast_in_dim3A_744, %while3A_702 : vector<16xi1>, vector<16xf32>
      %add3A_746 = arith.constant 0 : i32
      %add3A_747 = vector.broadcast %add3A_746 : i32 to vector<16xi32>
      %add3A_748 = arith.addi %all_reduce_ffs3A, %add3A_747 : vector<16xi32>
      %jit3A_749 = arith.constant 0 : i32
      %jit3A_750 = arith.constant 12 : i32
      %max3A_751 = vector.broadcast %jit3A_749 : i32 to vector<16xi32>
      %max3A_752 = arith.maxsi %max3A_751, %add3A_748 : vector<16xi32>
      %min3A_753 = vector.broadcast %jit3A_750 : i32 to vector<16xi32>
      %min3A_754 = arith.minsi %min3A_753, %max3A_752 : vector<16xi32>
      %mul3A_755 = arith.constant 16 : i32
      %mul3A_756 = vector.broadcast %mul3A_755 : i32 to vector<16xi32>
      %mul3A_757 = arith.muli %min3A_754, %mul3A_756 : vector<16xi32>
      %add3A_758 = arith.addi %mul3A_757, %iota3A : vector<16xi32>
      %sub3A_759 = arith.constant 10 : i32
      %sub3A_760 = vector.broadcast %sub3A_759 : i32 to vector<16xi32>
      %sub3A_761 = arith.subi %add3A_714, %sub3A_760 : vector<16xi32>
      %ge3A_762 = arith.cmpi sge, %add3A_758, %sub3A_761 : vector<16xi32>
      %add3A_763 = arith.constant 10 : i32
      %add3A_764 = vector.broadcast %add3A_763 : i32 to vector<16xi32>
      %add3A_765 = arith.addi %add3A_714, %add3A_764 : vector<16xi32>
      %le3A_766 = arith.cmpi sle, %add3A_758, %add3A_765 : vector<16xi32>
      %and3A_767 = arith.andi %ge3A_762, %le3A_766 : vector<16xi1>
      %eq3A_768 = arith.cmpi eq, %add3A_748, %min3A_754 : vector<16xi32>
      %and3A_769 = arith.andi %and3A_767, %eq3A_768 : vector<16xi1>
      %jit3A_770 = arith.constant -3.000000e+38 : f32
      %broadcast_in_dim3A_771 = vector.broadcast %jit3A_770 : f32 to vector<16xf32>
      %select_n3A_772 = arith.select %and3A_769, %broadcast_in_dim3A_771, %gather3A : vector<16xi1>, vector<16xf32>
      tpu.vector_store_idx %arg5[%add3A_758], %select_n3A_772 : memref<208xf32, #tpu.memory_space<vmem>>[vector<16xi32>], vector<16xf32>,
      %reduce_max3A_773 = arith.constant true
      %reduce_max3A_774 = vector.broadcast %reduce_max3A_773 : i1 to vector<16xi1>
      %reduce_max3A_775 = tpu.scan <max>, %select_n3A_772 masked %reduce_max3A_774 : vector<16xf32>, vector<16xi1> -> vector<16xf32>
      %reduce_max3A_776 = vector.extract %reduce_max3A_775[15] : f32 from vector<16xf32>
      %eq3A_777 = arith.cmpi eq, %iota3A, %min3A_754 : vector<16xi32>
      %broadcast_in_dim3A_778 = vector.broadcast %reduce_max3A_776 : f32 to vector<16xf32>
      %select_n3A_779 = arith.select %eq3A_777, %broadcast_in_dim3A_778, %select_n3A_745 : vector<16xi1>, vector<16xf32>
      %add3A_780 = arith.constant 1 : i32
      %add3A_781 = vector.broadcast %add3A_780 : i32 to vector<16xi32>
      %add3A_782 = arith.addi %all_reduce_ffs3A, %add3A_781 : vector<16xi32>
      %jit3A_783 = arith.constant 0 : i32
      %jit3A_784 = arith.constant 12 : i32
      %max3A_785 = vector.broadcast %jit3A_783 : i32 to vector<16xi32>
      %max3A_786 = arith.maxsi %max3A_785, %add3A_782 : vector<16xi32>
      %min3A_787 = vector.broadcast %jit3A_784 : i32 to vector<16xi32>
      %min3A_788 = arith.minsi %min3A_787, %max3A_786 : vector<16xi32>
      %mul3A_789 = arith.constant 16 : i32
      %mul3A_790 = vector.broadcast %mul3A_789 : i32 to vector<16xi32>
      %mul3A_791 = arith.muli %min3A_788, %mul3A_790 : vector<16xi32>
      %add3A_792 = arith.addi %mul3A_791, %iota3A : vector<16xi32>
      %gather3A_793 = tpu.vector_load_idx %arg5[%add3A_792] : memref<208xf32, #tpu.memory_space<vmem>>[vector<16xi32>], vector<16xf32>,
      %sub3A_794 = arith.constant 10 : i32
      %sub3A_795 = vector.broadcast %sub3A_794 : i32 to vector<16xi32>
      %sub3A_796 = arith.subi %add3A_714, %sub3A_795 : vector<16xi32>
      %ge3A_797 = arith.cmpi sge, %add3A_792, %sub3A_796 : vector<16xi32>
      %add3A_798 = arith.constant 10 : i32
      %add3A_799 = vector.broadcast %add3A_798 : i32 to vector<16xi32>
      %add3A_800 = arith.addi %add3A_714, %add3A_799 : vector<16xi32>
      %le3A_801 = arith.cmpi sle, %add3A_792, %add3A_800 : vector<16xi32>
      %and3A_802 = arith.andi %ge3A_797, %le3A_801 : vector<16xi1>
      %eq3A_803 = arith.cmpi eq, %add3A_782, %min3A_788 : vector<16xi32>
      %and3A_804 = arith.andi %and3A_802, %eq3A_803 : vector<16xi1>
      %jit3A_805 = arith.constant -3.000000e+38 : f32
      %broadcast_in_dim3A_806 = vector.broadcast %jit3A_805 : f32 to vector<16xf32>
      %select_n3A_807 = arith.select %and3A_804, %broadcast_in_dim3A_806, %gather3A_793 : vector<16xi1>, vector<16xf32>
      tpu.vector_store_idx %arg5[%add3A_792], %select_n3A_807 : memref<208xf32, #tpu.memory_space<vmem>>[vector<16xi32>], vector<16xf32>,
      %reduce_max3A_808 = arith.constant true
      %reduce_max3A_809 = vector.broadcast %reduce_max3A_808 : i1 to vector<16xi1>
      %reduce_max3A_810 = tpu.scan <max>, %select_n3A_807 masked %reduce_max3A_809 : vector<16xf32>, vector<16xi1> -> vector<16xf32>
      %reduce_max3A_811 = vector.extract %reduce_max3A_810[15] : f32 from vector<16xf32>
      %eq3A_812 = arith.cmpi eq, %iota3A, %min3A_788 : vector<16xi32>
      %broadcast_in_dim3A_813 = vector.broadcast %reduce_max3A_811 : f32 to vector<16xf32>
      %select_n3A_814 = arith.select %eq3A_812, %broadcast_in_dim3A_813, %select_n3A_779 : vector<16xi1>, vector<16xf32>
      %reduce_max3A_815 = arith.constant true
      %reduce_max3A_816 = vector.broadcast %reduce_max3A_815 : i1 to vector<16xi1>
      %reduce_max3A_817 = tpu.scan <max>, %select_n3A_814 masked %reduce_max3A_816 : vector<16xf32>, vector<16xi1> -> vector<16xf32>
      %reduce_max3A_818 = vector.extract %reduce_max3A_817[15] : f32 from vector<16xf32>
      scf.yield %reduce_max3A_818, %select_n3A_814 : f32, vector<16xf32>
    }
    %swap3A_177 = arith.constant 0 : index
    %swap3A_178 = tpu.vector_load %arg8[%swap3A_177] {strides = array<i32>} : memref<32xf32, #tpu.memory_space<vmem>>, vector<16xf32>,
    tpu.vector_store %arg8[%swap3A_177], %broadcast_in_dim3A_3 {strides = array<i32>} : memref<32xf32, #tpu.memory_space<vmem>>, vector<16xf32>,
    %swap3A_179 = arith.constant 0 : index
    %swap3A_180 = tpu.vector_load %arg9[%swap3A_179] {strides = array<i32>} : memref<32xf32, #tpu.memory_space<vmem>>, vector<16xf32>,
    tpu.vector_store %arg9[%swap3A_179], %broadcast_in_dim3A_3 {strides = array<i32>} : memref<32xf32, #tpu.memory_space<vmem>>, vector<16xf32>,
    %swap3A_181 = arith.constant 16 : index
    %swap3A_182 = tpu.vector_load %arg8[%swap3A_181] {strides = array<i32>} : memref<32xf32, #tpu.memory_space<vmem>>, vector<16xf32>,
    tpu.vector_store %arg8[%swap3A_181], %broadcast_in_dim3A_3 {strides = array<i32>} : memref<32xf32, #tpu.memory_space<vmem>>, vector<16xf32>,
    %swap3A_183 = arith.constant 16 : index
    %swap3A_184 = tpu.vector_load %arg9[%swap3A_183] {strides = array<i32>} : memref<32xf32, #tpu.memory_space<vmem>>, vector<16xf32>,
    tpu.vector_store %arg9[%swap3A_183], %broadcast_in_dim3A_3 {strides = array<i32>} : memref<32xf32, #tpu.memory_space<vmem>>, vector<16xf32>,
    %jit3A = arith.constant 10 : i32
    %eq3A_185 = arith.constant 0 : i32
    %eq3A_186 = arith.cmpi eq, %jit3A, %eq3A_185 : i32
    %jit3A_187 = arith.constant 1 : i32
    %select_n3A_188 = arith.select %eq3A_186, %jit3A_187, %jit3A : i32
    %rem3A = arith.remsi %add3A, %select_n3A_188 : i32
    %ne3A = arith.constant 0 : i32
    %ne3A_189 = arith.cmpi ne, %rem3A, %ne3A : i32
    %lt3A = arith.constant 0 : i32
    %lt3A_190 = arith.cmpi slt, %rem3A, %lt3A : i32
    %lt3A_191 = arith.constant 0 : i32
    %lt3A_192 = arith.cmpi slt, %select_n3A_188, %lt3A_191 : i32
    %ne3A_193 = arith.xori %lt3A_190, %lt3A_192 : i1
    %and3A = arith.andi %ne3A_193, %ne3A_189 : i1
    %add3A_194 = arith.addi %rem3A, %select_n3A_188 : i32
    %select_n3A_195 = arith.select %and3A, %add3A_194, %rem3A : i32
    %get3A_196 = arith.constant 0 : index
    %get3A_197 = tpu.vector_load %arg7[%get3A_196] {strides = array<i32>} : memref<208xf32, #tpu.memory_space<vmem>>, vector<16xf32>,
    %gt3A = arith.constant 0.000000e+00 : f32
    %gt3A_198 = vector.broadcast %gt3A : f32 to vector<16xf32>
    %gt3A_199 = arith.cmpf ogt, %get3A_197, %gt3A_198 : vector<16xf32>
    %convert_element_type3A = arith.extui %gt3A_199 : vector<16xi1> to vector<16xi32>
    %broadcast_in_dim3A_200 = arith.constant true
    %broadcast_in_dim3A_201 = vector.broadcast %broadcast_in_dim3A_200 : i1 to vector<16xi1>
    %masked_cumsum3A = tpu.scan <sum>, %convert_element_type3A masked %broadcast_in_dim3A_201 : vector<16xi32>, vector<16xi1> -> vector<16xi32>
    %add3A_202 = arith.constant 0 : i32
    %add3A_203 = vector.broadcast %add3A_202 : i32 to vector<16xi32>
    %add3A_204 = arith.addi %add3A_203, %masked_cumsum3A : vector<16xi32>
    %sub3A = arith.constant 1 : i32
    %sub3A_205 = vector.broadcast %sub3A : i32 to vector<16xi32>
    %sub3A_206 = arith.subi %add3A_204, %sub3A_205 : vector<16xi32>
    %get3A_207 = arith.constant 0 : index
    %get3A_208 = tpu.vector_load %arg6[%get3A_207] {strides = array<i32>} : memref<208xf32, #tpu.memory_space<vmem>>, vector<16xf32>,
    %neg3A = arith.constant 0.000000e+00 : f32
    %neg3A_209 = vector.broadcast %neg3A : f32 to vector<16xf32>
    %neg3A_210 = arith.subf %neg3A_209, %get3A_208 : vector<16xf32>
    %exp3A = math.exp %neg3A_210 : vector<16xf32>
    %add3A_211 = arith.constant 1.000000e+00 : f32
    %add3A_212 = vector.broadcast %add3A_211 : f32 to vector<16xf32>
    %add3A_213 = arith.addf %add3A_212, %exp3A : vector<16xf32>
    %div3A = arith.constant 1.000000e+00 : f32
    %div3A_214 = vector.broadcast %div3A : f32 to vector<16xf32>
    %div3A_215 = arith.divf %div3A_214, %add3A_213 : vector<16xf32>
    tpu.vector_store_idx %arg8[%sub3A_206], %div3A_215 masked %gt3A_199 : memref<32xf32, #tpu.memory_space<vmem>>[vector<16xi32>], vector<16xf32>, vector<16xi1>
    %mul3A_216 = arith.constant 200 : i32
    %mul3A_217 = arith.muli %select_n3A_195, %mul3A_216 : i32
    %add3A_218 = vector.broadcast %mul3A_217 : i32 to vector<16xi32>
    %add3A_219 = arith.addi %add3A_218, %iota3A : vector<16xi32>
    %add3A_220 = arith.constant 0 : i32
    %add3A_221 = vector.broadcast %add3A_220 : i32 to vector<16xi32>
    %add3A_222 = arith.addi %add3A_219, %add3A_221 : vector<16xi32>
    %convert_element_type3A_223 = arith.sitofp %add3A_222 : vector<16xi32> to vector<16xf32>
    tpu.vector_store_idx %arg9[%sub3A_206], %convert_element_type3A_223 masked %gt3A_199 : memref<32xf32, #tpu.memory_space<vmem>>[vector<16xi32>], vector<16xf32>, vector<16xi1>
    %reduce_sum3A = arith.constant true
    %reduce_sum3A_224 = vector.broadcast %reduce_sum3A : i1 to vector<16xi1>
    %reduce_sum3A_225 = tpu.scan <sum>, %convert_element_type3A masked %reduce_sum3A_224 : vector<16xi32>, vector<16xi1> -> vector<16xi32>
    %reduce_sum3A_226 = vector.extract %reduce_sum3A_225[15] : i32 from vector<16xi32>
    %add3A_227 = arith.constant 0 : i32
    %add3A_228 = arith.addi %add3A_227, %reduce_sum3A_226 : i32
    %get3A_229 = arith.constant 16 : index
    %get3A_230 = tpu.vector_load %arg7[%get3A_229] {strides = array<i32>} : memref<208xf32, #tpu.memory_space<vmem>>, vector<16xf32>,
    %gt3A_231 = arith.constant 0.000000e+00 : f32
    %gt3A_232 = vector.broadcast %gt3A_231 : f32 to vector<16xf32>
    %gt3A_233 = arith.cmpf ogt, %get3A_230, %gt3A_232 : vector<16xf32>
    %convert_element_type3A_234 = arith.extui %gt3A_233 : vector<16xi1> to vector<16xi32>
    %broadcast_in_dim3A_235 = arith.constant true
    %broadcast_in_dim3A_236 = vector.broadcast %broadcast_in_dim3A_235 : i1 to vector<16xi1>
    %masked_cumsum3A_237 = tpu.scan <sum>, %convert_element_type3A_234 masked %broadcast_in_dim3A_236 : vector<16xi32>, vector<16xi1> -> vector<16xi32>
    %add3A_238 = vector.broadcast %add3A_228 : i32 to vector<16xi32>
    %add3A_239 = arith.addi %add3A_238, %masked_cumsum3A_237 : vector<16xi32>
    %sub3A_240 = arith.constant 1 : i32
    %sub3A_241 = vector.broadcast %sub3A_240 : i32 to vector<16xi32>
    %sub3A_242 = arith.subi %add3A_239, %sub3A_241 : vector<16xi32>
    %get3A_243 = arith.constant 16 : index
    %get3A_244 = tpu.vector_load %arg6[%get3A_243] {strides = array<i32>} : memref<208xf32, #tpu.memory_space<vmem>>, vector<16xf32>,
    %neg3A_245 = arith.constant 0.000000e+00 : f32
    %neg3A_246 = vector.broadcast %neg3A_245 : f32 to vector<16xf32>
    %neg3A_247 = arith.subf %neg3A_246, %get3A_244 : vector<16xf32>
    %exp3A_248 = math.exp %neg3A_247 : vector<16xf32>
    %add3A_249 = arith.constant 1.000000e+00 : f32
    %add3A_250 = vector.broadcast %add3A_249 : f32 to vector<16xf32>
    %add3A_251 = arith.addf %add3A_250, %exp3A_248 : vector<16xf32>
    %div3A_252 = arith.constant 1.000000e+00 : f32
    %div3A_253 = vector.broadcast %div3A_252 : f32 to vector<16xf32>
    %div3A_254 = arith.divf %div3A_253, %add3A_251 : vector<16xf32>
    tpu.vector_store_idx %arg8[%sub3A_242], %div3A_254 masked %gt3A_233 : memref<32xf32, #tpu.memory_space<vmem>>[vector<16xi32>], vector<16xf32>, vector<16xi1>
    %mul3A_255 = arith.constant 200 : i32
    %mul3A_256 = arith.muli %select_n3A_195, %mul3A_255 : i32
    %add3A_257 = vector.broadcast %mul3A_256 : i32 to vector<16xi32>
    %add3A_258 = arith.addi %add3A_257, %iota3A : vector<16xi32>
    %add3A_259 = arith.constant 16 : i32
    %add3A_260 = vector.broadcast %add3A_259 : i32 to vector<16xi32>
    %add3A_261 = arith.addi %add3A_258, %add3A_260 : vector<16xi32>
    %convert_element_type3A_262 = arith.sitofp %add3A_261 : vector<16xi32> to vector<16xf32>
    tpu.vector_store_idx %arg9[%sub3A_242], %convert_element_type3A_262 masked %gt3A_233 : memref<32xf32, #tpu.memory_space<vmem>>[vector<16xi32>], vector<16xf32>, vector<16xi1>
    %reduce_sum3A_263 = arith.constant true
    %reduce_sum3A_264 = vector.broadcast %reduce_sum3A_263 : i1 to vector<16xi1>
    %reduce_sum3A_265 = tpu.scan <sum>, %convert_element_type3A_234 masked %reduce_sum3A_264 : vector<16xi32>, vector<16xi1> -> vector<16xi32>
    %reduce_sum3A_266 = vector.extract %reduce_sum3A_265[15] : i32 from vector<16xi32>
    %add3A_267 = arith.addi %add3A_228, %reduce_sum3A_266 : i32
    %get3A_268 = arith.constant 32 : index
    %get3A_269 = tpu.vector_load %arg7[%get3A_268] {strides = array<i32>} : memref<208xf32, #tpu.memory_space<vmem>>, vector<16xf32>,
    %gt3A_270 = arith.constant 0.000000e+00 : f32
    %gt3A_271 = vector.broadcast %gt3A_270 : f32 to vector<16xf32>
    %gt3A_272 = arith.cmpf ogt, %get3A_269, %gt3A_271 : vector<16xf32>
    %convert_element_type3A_273 = arith.extui %gt3A_272 : vector<16xi1> to vector<16xi32>
    %broadcast_in_dim3A_274 = arith.constant true
    %broadcast_in_dim3A_275 = vector.broadcast %broadcast_in_dim3A_274 : i1 to vector<16xi1>
    %masked_cumsum3A_276 = tpu.scan <sum>, %convert_element_type3A_273 masked %broadcast_in_dim3A_275 : vector<16xi32>, vector<16xi1> -> vector<16xi32>
    %add3A_277 = vector.broadcast %add3A_267 : i32 to vector<16xi32>
    %add3A_278 = arith.addi %add3A_277, %masked_cumsum3A_276 : vector<16xi32>
    %sub3A_279 = arith.constant 1 : i32
    %sub3A_280 = vector.broadcast %sub3A_279 : i32 to vector<16xi32>
    %sub3A_281 = arith.subi %add3A_278, %sub3A_280 : vector<16xi32>
    %get3A_282 = arith.constant 32 : index
    %get3A_283 = tpu.vector_load %arg6[%get3A_282] {strides = array<i32>} : memref<208xf32, #tpu.memory_space<vmem>>, vector<16xf32>,
    %neg3A_284 = arith.constant 0.000000e+00 : f32
    %neg3A_285 = vector.broadcast %neg3A_284 : f32 to vector<16xf32>
    %neg3A_286 = arith.subf %neg3A_285, %get3A_283 : vector<16xf32>
    %exp3A_287 = math.exp %neg3A_286 : vector<16xf32>
    %add3A_288 = arith.constant 1.000000e+00 : f32
    %add3A_289 = vector.broadcast %add3A_288 : f32 to vector<16xf32>
    %add3A_290 = arith.addf %add3A_289, %exp3A_287 : vector<16xf32>
    %div3A_291 = arith.constant 1.000000e+00 : f32
    %div3A_292 = vector.broadcast %div3A_291 : f32 to vector<16xf32>
    %div3A_293 = arith.divf %div3A_292, %add3A_290 : vector<16xf32>
    tpu.vector_store_idx %arg8[%sub3A_281], %div3A_293 masked %gt3A_272 : memref<32xf32, #tpu.memory_space<vmem>>[vector<16xi32>], vector<16xf32>, vector<16xi1>
    %mul3A_294 = arith.constant 200 : i32
    %mul3A_295 = arith.muli %select_n3A_195, %mul3A_294 : i32
    %add3A_296 = vector.broadcast %mul3A_295 : i32 to vector<16xi32>
    %add3A_297 = arith.addi %add3A_296, %iota3A : vector<16xi32>
    %add3A_298 = arith.constant 32 : i32
    %add3A_299 = vector.broadcast %add3A_298 : i32 to vector<16xi32>
    %add3A_300 = arith.addi %add3A_297, %add3A_299 : vector<16xi32>
    %convert_element_type3A_301 = arith.sitofp %add3A_300 : vector<16xi32> to vector<16xf32>
    tpu.vector_store_idx %arg9[%sub3A_281], %convert_element_type3A_301 masked %gt3A_272 : memref<32xf32, #tpu.memory_space<vmem>>[vector<16xi32>], vector<16xf32>, vector<16xi1>
    %reduce_sum3A_302 = arith.constant true
    %reduce_sum3A_303 = vector.broadcast %reduce_sum3A_302 : i1 to vector<16xi1>
    %reduce_sum3A_304 = tpu.scan <sum>, %convert_element_type3A_273 masked %reduce_sum3A_303 : vector<16xi32>, vector<16xi1> -> vector<16xi32>
    %reduce_sum3A_305 = vector.extract %reduce_sum3A_304[15] : i32 from vector<16xi32>
    %add3A_306 = arith.addi %add3A_267, %reduce_sum3A_305 : i32
    %get3A_307 = arith.constant 48 : index
    %get3A_308 = tpu.vector_load %arg7[%get3A_307] {strides = array<i32>} : memref<208xf32, #tpu.memory_space<vmem>>, vector<16xf32>,
    %gt3A_309 = arith.constant 0.000000e+00 : f32
    %gt3A_310 = vector.broadcast %gt3A_309 : f32 to vector<16xf32>
    %gt3A_311 = arith.cmpf ogt, %get3A_308, %gt3A_310 : vector<16xf32>
    %convert_element_type3A_312 = arith.extui %gt3A_311 : vector<16xi1> to vector<16xi32>
    %broadcast_in_dim3A_313 = arith.constant true
    %broadcast_in_dim3A_314 = vector.broadcast %broadcast_in_dim3A_313 : i1 to vector<16xi1>
    %masked_cumsum3A_315 = tpu.scan <sum>, %convert_element_type3A_312 masked %broadcast_in_dim3A_314 : vector<16xi32>, vector<16xi1> -> vector<16xi32>
    %add3A_316 = vector.broadcast %add3A_306 : i32 to vector<16xi32>
    %add3A_317 = arith.addi %add3A_316, %masked_cumsum3A_315 : vector<16xi32>
    %sub3A_318 = arith.constant 1 : i32
    %sub3A_319 = vector.broadcast %sub3A_318 : i32 to vector<16xi32>
    %sub3A_320 = arith.subi %add3A_317, %sub3A_319 : vector<16xi32>
    %get3A_321 = arith.constant 48 : index
    %get3A_322 = tpu.vector_load %arg6[%get3A_321] {strides = array<i32>} : memref<208xf32, #tpu.memory_space<vmem>>, vector<16xf32>,
    %neg3A_323 = arith.constant 0.000000e+00 : f32
    %neg3A_324 = vector.broadcast %neg3A_323 : f32 to vector<16xf32>
    %neg3A_325 = arith.subf %neg3A_324, %get3A_322 : vector<16xf32>
    %exp3A_326 = math.exp %neg3A_325 : vector<16xf32>
    %add3A_327 = arith.constant 1.000000e+00 : f32
    %add3A_328 = vector.broadcast %add3A_327 : f32 to vector<16xf32>
    %add3A_329 = arith.addf %add3A_328, %exp3A_326 : vector<16xf32>
    %div3A_330 = arith.constant 1.000000e+00 : f32
    %div3A_331 = vector.broadcast %div3A_330 : f32 to vector<16xf32>
    %div3A_332 = arith.divf %div3A_331, %add3A_329 : vector<16xf32>
    tpu.vector_store_idx %arg8[%sub3A_320], %div3A_332 masked %gt3A_311 : memref<32xf32, #tpu.memory_space<vmem>>[vector<16xi32>], vector<16xf32>, vector<16xi1>
    %mul3A_333 = arith.constant 200 : i32
    %mul3A_334 = arith.muli %select_n3A_195, %mul3A_333 : i32
    %add3A_335 = vector.broadcast %mul3A_334 : i32 to vector<16xi32>
    %add3A_336 = arith.addi %add3A_335, %iota3A : vector<16xi32>
    %add3A_337 = arith.constant 48 : i32
    %add3A_338 = vector.broadcast %add3A_337 : i32 to vector<16xi32>
    %add3A_339 = arith.addi %add3A_336, %add3A_338 : vector<16xi32>
    %convert_element_type3A_340 = arith.sitofp %add3A_339 : vector<16xi32> to vector<16xf32>
    tpu.vector_store_idx %arg9[%sub3A_320], %convert_element_type3A_340 masked %gt3A_311 : memref<32xf32, #tpu.memory_space<vmem>>[vector<16xi32>], vector<16xf32>, vector<16xi1>
    %reduce_sum3A_341 = arith.constant true
    %reduce_sum3A_342 = vector.broadcast %reduce_sum3A_341 : i1 to vector<16xi1>
    %reduce_sum3A_343 = tpu.scan <sum>, %convert_element_type3A_312 masked %reduce_sum3A_342 : vector<16xi32>, vector<16xi1> -> vector<16xi32>
    %reduce_sum3A_344 = vector.extract %reduce_sum3A_343[15] : i32 from vector<16xi32>
    %add3A_345 = arith.addi %add3A_306, %reduce_sum3A_344 : i32
    %get3A_346 = arith.constant 64 : index
    %get3A_347 = tpu.vector_load %arg7[%get3A_346] {strides = array<i32>} : memref<208xf32, #tpu.memory_space<vmem>>, vector<16xf32>,
    %gt3A_348 = arith.constant 0.000000e+00 : f32
    %gt3A_349 = vector.broadcast %gt3A_348 : f32 to vector<16xf32>
    %gt3A_350 = arith.cmpf ogt, %get3A_347, %gt3A_349 : vector<16xf32>
    %convert_element_type3A_351 = arith.extui %gt3A_350 : vector<16xi1> to vector<16xi32>
    %broadcast_in_dim3A_352 = arith.constant true
    %broadcast_in_dim3A_353 = vector.broadcast %broadcast_in_dim3A_352 : i1 to vector<16xi1>
    %masked_cumsum3A_354 = tpu.scan <sum>, %convert_element_type3A_351 masked %broadcast_in_dim3A_353 : vector<16xi32>, vector<16xi1> -> vector<16xi32>
    %add3A_355 = vector.broadcast %add3A_345 : i32 to vector<16xi32>
    %add3A_356 = arith.addi %add3A_355, %masked_cumsum3A_354 : vector<16xi32>
    %sub3A_357 = arith.constant 1 : i32
    %sub3A_358 = vector.broadcast %sub3A_357 : i32 to vector<16xi32>
    %sub3A_359 = arith.subi %add3A_356, %sub3A_358 : vector<16xi32>
    %get3A_360 = arith.constant 64 : index
    %get3A_361 = tpu.vector_load %arg6[%get3A_360] {strides = array<i32>} : memref<208xf32, #tpu.memory_space<vmem>>, vector<16xf32>,
    %neg3A_362 = arith.constant 0.000000e+00 : f32
    %neg3A_363 = vector.broadcast %neg3A_362 : f32 to vector<16xf32>
    %neg3A_364 = arith.subf %neg3A_363, %get3A_361 : vector<16xf32>
    %exp3A_365 = math.exp %neg3A_364 : vector<16xf32>
    %add3A_366 = arith.constant 1.000000e+00 : f32
    %add3A_367 = vector.broadcast %add3A_366 : f32 to vector<16xf32>
    %add3A_368 = arith.addf %add3A_367, %exp3A_365 : vector<16xf32>
    %div3A_369 = arith.constant 1.000000e+00 : f32
    %div3A_370 = vector.broadcast %div3A_369 : f32 to vector<16xf32>
    %div3A_371 = arith.divf %div3A_370, %add3A_368 : vector<16xf32>
    tpu.vector_store_idx %arg8[%sub3A_359], %div3A_371 masked %gt3A_350 : memref<32xf32, #tpu.memory_space<vmem>>[vector<16xi32>], vector<16xf32>, vector<16xi1>
    %mul3A_372 = arith.constant 200 : i32
    %mul3A_373 = arith.muli %select_n3A_195, %mul3A_372 : i32
    %add3A_374 = vector.broadcast %mul3A_373 : i32 to vector<16xi32>
    %add3A_375 = arith.addi %add3A_374, %iota3A : vector<16xi32>
    %add3A_376 = arith.constant 64 : i32
    %add3A_377 = vector.broadcast %add3A_376 : i32 to vector<16xi32>
    %add3A_378 = arith.addi %add3A_375, %add3A_377 : vector<16xi32>
    %convert_element_type3A_379 = arith.sitofp %add3A_378 : vector<16xi32> to vector<16xf32>
    tpu.vector_store_idx %arg9[%sub3A_359], %convert_element_type3A_379 masked %gt3A_350 : memref<32xf32, #tpu.memory_space<vmem>>[vector<16xi32>], vector<16xf32>, vector<16xi1>
    %reduce_sum3A_380 = arith.constant true
    %reduce_sum3A_381 = vector.broadcast %reduce_sum3A_380 : i1 to vector<16xi1>
    %reduce_sum3A_382 = tpu.scan <sum>, %convert_element_type3A_351 masked %reduce_sum3A_381 : vector<16xi32>, vector<16xi1> -> vector<16xi32>
    %reduce_sum3A_383 = vector.extract %reduce_sum3A_382[15] : i32 from vector<16xi32>
    %add3A_384 = arith.addi %add3A_345, %reduce_sum3A_383 : i32
    %get3A_385 = arith.constant 80 : index
    %get3A_386 = tpu.vector_load %arg7[%get3A_385] {strides = array<i32>} : memref<208xf32, #tpu.memory_space<vmem>>, vector<16xf32>,
    %gt3A_387 = arith.constant 0.000000e+00 : f32
    %gt3A_388 = vector.broadcast %gt3A_387 : f32 to vector<16xf32>
    %gt3A_389 = arith.cmpf ogt, %get3A_386, %gt3A_388 : vector<16xf32>
    %convert_element_type3A_390 = arith.extui %gt3A_389 : vector<16xi1> to vector<16xi32>
    %broadcast_in_dim3A_391 = arith.constant true
    %broadcast_in_dim3A_392 = vector.broadcast %broadcast_in_dim3A_391 : i1 to vector<16xi1>
    %masked_cumsum3A_393 = tpu.scan <sum>, %convert_element_type3A_390 masked %broadcast_in_dim3A_392 : vector<16xi32>, vector<16xi1> -> vector<16xi32>
    %add3A_394 = vector.broadcast %add3A_384 : i32 to vector<16xi32>
    %add3A_395 = arith.addi %add3A_394, %masked_cumsum3A_393 : vector<16xi32>
    %sub3A_396 = arith.constant 1 : i32
    %sub3A_397 = vector.broadcast %sub3A_396 : i32 to vector<16xi32>
    %sub3A_398 = arith.subi %add3A_395, %sub3A_397 : vector<16xi32>
    %get3A_399 = arith.constant 80 : index
    %get3A_400 = tpu.vector_load %arg6[%get3A_399] {strides = array<i32>} : memref<208xf32, #tpu.memory_space<vmem>>, vector<16xf32>,
    %neg3A_401 = arith.constant 0.000000e+00 : f32
    %neg3A_402 = vector.broadcast %neg3A_401 : f32 to vector<16xf32>
    %neg3A_403 = arith.subf %neg3A_402, %get3A_400 : vector<16xf32>
    %exp3A_404 = math.exp %neg3A_403 : vector<16xf32>
    %add3A_405 = arith.constant 1.000000e+00 : f32
    %add3A_406 = vector.broadcast %add3A_405 : f32 to vector<16xf32>
    %add3A_407 = arith.addf %add3A_406, %exp3A_404 : vector<16xf32>
    %div3A_408 = arith.constant 1.000000e+00 : f32
    %div3A_409 = vector.broadcast %div3A_408 : f32 to vector<16xf32>
    %div3A_410 = arith.divf %div3A_409, %add3A_407 : vector<16xf32>
    tpu.vector_store_idx %arg8[%sub3A_398], %div3A_410 masked %gt3A_389 : memref<32xf32, #tpu.memory_space<vmem>>[vector<16xi32>], vector<16xf32>, vector<16xi1>
    %mul3A_411 = arith.constant 200 : i32
    %mul3A_412 = arith.muli %select_n3A_195, %mul3A_411 : i32
    %add3A_413 = vector.broadcast %mul3A_412 : i32 to vector<16xi32>
    %add3A_414 = arith.addi %add3A_413, %iota3A : vector<16xi32>
    %add3A_415 = arith.constant 80 : i32
    %add3A_416 = vector.broadcast %add3A_415 : i32 to vector<16xi32>
    %add3A_417 = arith.addi %add3A_414, %add3A_416 : vector<16xi32>
    %convert_element_type3A_418 = arith.sitofp %add3A_417 : vector<16xi32> to vector<16xf32>
    tpu.vector_store_idx %arg9[%sub3A_398], %convert_element_type3A_418 masked %gt3A_389 : memref<32xf32, #tpu.memory_space<vmem>>[vector<16xi32>], vector<16xf32>, vector<16xi1>
    %reduce_sum3A_419 = arith.constant true
    %reduce_sum3A_420 = vector.broadcast %reduce_sum3A_419 : i1 to vector<16xi1>
    %reduce_sum3A_421 = tpu.scan <sum>, %convert_element_type3A_390 masked %reduce_sum3A_420 : vector<16xi32>, vector<16xi1> -> vector<16xi32>
    %reduce_sum3A_422 = vector.extract %reduce_sum3A_421[15] : i32 from vector<16xi32>
    %add3A_423 = arith.addi %add3A_384, %reduce_sum3A_422 : i32
    %get3A_424 = arith.constant 96 : index
    %get3A_425 = tpu.vector_load %arg7[%get3A_424] {strides = array<i32>} : memref<208xf32, #tpu.memory_space<vmem>>, vector<16xf32>,
    %gt3A_426 = arith.constant 0.000000e+00 : f32
    %gt3A_427 = vector.broadcast %gt3A_426 : f32 to vector<16xf32>
    %gt3A_428 = arith.cmpf ogt, %get3A_425, %gt3A_427 : vector<16xf32>
    %convert_element_type3A_429 = arith.extui %gt3A_428 : vector<16xi1> to vector<16xi32>
    %broadcast_in_dim3A_430 = arith.constant true
    %broadcast_in_dim3A_431 = vector.broadcast %broadcast_in_dim3A_430 : i1 to vector<16xi1>
    %masked_cumsum3A_432 = tpu.scan <sum>, %convert_element_type3A_429 masked %broadcast_in_dim3A_431 : vector<16xi32>, vector<16xi1> -> vector<16xi32>
    %add3A_433 = vector.broadcast %add3A_423 : i32 to vector<16xi32>
    %add3A_434 = arith.addi %add3A_433, %masked_cumsum3A_432 : vector<16xi32>
    %sub3A_435 = arith.constant 1 : i32
    %sub3A_436 = vector.broadcast %sub3A_435 : i32 to vector<16xi32>
    %sub3A_437 = arith.subi %add3A_434, %sub3A_436 : vector<16xi32>
    %get3A_438 = arith.constant 96 : index
    %get3A_439 = tpu.vector_load %arg6[%get3A_438] {strides = array<i32>} : memref<208xf32, #tpu.memory_space<vmem>>, vector<16xf32>,
    %neg3A_440 = arith.constant 0.000000e+00 : f32
    %neg3A_441 = vector.broadcast %neg3A_440 : f32 to vector<16xf32>
    %neg3A_442 = arith.subf %neg3A_441, %get3A_439 : vector<16xf32>
    %exp3A_443 = math.exp %neg3A_442 : vector<16xf32>
    %add3A_444 = arith.constant 1.000000e+00 : f32
    %add3A_445 = vector.broadcast %add3A_444 : f32 to vector<16xf32>
    %add3A_446 = arith.addf %add3A_445, %exp3A_443 : vector<16xf32>
    %div3A_447 = arith.constant 1.000000e+00 : f32
    %div3A_448 = vector.broadcast %div3A_447 : f32 to vector<16xf32>
    %div3A_449 = arith.divf %div3A_448, %add3A_446 : vector<16xf32>
    tpu.vector_store_idx %arg8[%sub3A_437], %div3A_449 masked %gt3A_428 : memref<32xf32, #tpu.memory_space<vmem>>[vector<16xi32>], vector<16xf32>, vector<16xi1>
    %mul3A_450 = arith.constant 200 : i32
    %mul3A_451 = arith.muli %select_n3A_195, %mul3A_450 : i32
    %add3A_452 = vector.broadcast %mul3A_451 : i32 to vector<16xi32>
    %add3A_453 = arith.addi %add3A_452, %iota3A : vector<16xi32>
    %add3A_454 = arith.constant 96 : i32
    %add3A_455 = vector.broadcast %add3A_454 : i32 to vector<16xi32>
    %add3A_456 = arith.addi %add3A_453, %add3A_455 : vector<16xi32>
    %convert_element_type3A_457 = arith.sitofp %add3A_456 : vector<16xi32> to vector<16xf32>
    tpu.vector_store_idx %arg9[%sub3A_437], %convert_element_type3A_457 masked %gt3A_428 : memref<32xf32, #tpu.memory_space<vmem>>[vector<16xi32>], vector<16xf32>, vector<16xi1>
    %reduce_sum3A_458 = arith.constant true
    %reduce_sum3A_459 = vector.broadcast %reduce_sum3A_458 : i1 to vector<16xi1>
    %reduce_sum3A_460 = tpu.scan <sum>, %convert_element_type3A_429 masked %reduce_sum3A_459 : vector<16xi32>, vector<16xi1> -> vector<16xi32>
    %reduce_sum3A_461 = vector.extract %reduce_sum3A_460[15] : i32 from vector<16xi32>
    %add3A_462 = arith.addi %add3A_423, %reduce_sum3A_461 : i32
    %get3A_463 = arith.constant 112 : index
    %get3A_464 = tpu.vector_load %arg7[%get3A_463] {strides = array<i32>} : memref<208xf32, #tpu.memory_space<vmem>>, vector<16xf32>,
    %gt3A_465 = arith.constant 0.000000e+00 : f32
    %gt3A_466 = vector.broadcast %gt3A_465 : f32 to vector<16xf32>
    %gt3A_467 = arith.cmpf ogt, %get3A_464, %gt3A_466 : vector<16xf32>
    %convert_element_type3A_468 = arith.extui %gt3A_467 : vector<16xi1> to vector<16xi32>
    %broadcast_in_dim3A_469 = arith.constant true
    %broadcast_in_dim3A_470 = vector.broadcast %broadcast_in_dim3A_469 : i1 to vector<16xi1>
    %masked_cumsum3A_471 = tpu.scan <sum>, %convert_element_type3A_468 masked %broadcast_in_dim3A_470 : vector<16xi32>, vector<16xi1> -> vector<16xi32>
    %add3A_472 = vector.broadcast %add3A_462 : i32 to vector<16xi32>
    %add3A_473 = arith.addi %add3A_472, %masked_cumsum3A_471 : vector<16xi32>
    %sub3A_474 = arith.constant 1 : i32
    %sub3A_475 = vector.broadcast %sub3A_474 : i32 to vector<16xi32>
    %sub3A_476 = arith.subi %add3A_473, %sub3A_475 : vector<16xi32>
    %get3A_477 = arith.constant 112 : index
    %get3A_478 = tpu.vector_load %arg6[%get3A_477] {strides = array<i32>} : memref<208xf32, #tpu.memory_space<vmem>>, vector<16xf32>,
    %neg3A_479 = arith.constant 0.000000e+00 : f32
    %neg3A_480 = vector.broadcast %neg3A_479 : f32 to vector<16xf32>
    %neg3A_481 = arith.subf %neg3A_480, %get3A_478 : vector<16xf32>
    %exp3A_482 = math.exp %neg3A_481 : vector<16xf32>
    %add3A_483 = arith.constant 1.000000e+00 : f32
    %add3A_484 = vector.broadcast %add3A_483 : f32 to vector<16xf32>
    %add3A_485 = arith.addf %add3A_484, %exp3A_482 : vector<16xf32>
    %div3A_486 = arith.constant 1.000000e+00 : f32
    %div3A_487 = vector.broadcast %div3A_486 : f32 to vector<16xf32>
    %div3A_488 = arith.divf %div3A_487, %add3A_485 : vector<16xf32>
    tpu.vector_store_idx %arg8[%sub3A_476], %div3A_488 masked %gt3A_467 : memref<32xf32, #tpu.memory_space<vmem>>[vector<16xi32>], vector<16xf32>, vector<16xi1>
    %mul3A_489 = arith.constant 200 : i32
    %mul3A_490 = arith.muli %select_n3A_195, %mul3A_489 : i32
    %add3A_491 = vector.broadcast %mul3A_490 : i32 to vector<16xi32>
    %add3A_492 = arith.addi %add3A_491, %iota3A : vector<16xi32>
    %add3A_493 = arith.constant 112 : i32
    %add3A_494 = vector.broadcast %add3A_493 : i32 to vector<16xi32>
    %add3A_495 = arith.addi %add3A_492, %add3A_494 : vector<16xi32>
    %convert_element_type3A_496 = arith.sitofp %add3A_495 : vector<16xi32> to vector<16xf32>
    tpu.vector_store_idx %arg9[%sub3A_476], %convert_element_type3A_496 masked %gt3A_467 : memref<32xf32, #tpu.memory_space<vmem>>[vector<16xi32>], vector<16xf32>, vector<16xi1>
    %reduce_sum3A_497 = arith.constant true
    %reduce_sum3A_498 = vector.broadcast %reduce_sum3A_497 : i1 to vector<16xi1>
    %reduce_sum3A_499 = tpu.scan <sum>, %convert_element_type3A_468 masked %reduce_sum3A_498 : vector<16xi32>, vector<16xi1> -> vector<16xi32>
    %reduce_sum3A_500 = vector.extract %reduce_sum3A_499[15] : i32 from vector<16xi32>
    %add3A_501 = arith.addi %add3A_462, %reduce_sum3A_500 : i32
    %get3A_502 = arith.constant 128 : index
    %get3A_503 = tpu.vector_load %arg7[%get3A_502] {strides = array<i32>} : memref<208xf32, #tpu.memory_space<vmem>>, vector<16xf32>,
    %gt3A_504 = arith.constant 0.000000e+00 : f32
    %gt3A_505 = vector.broadcast %gt3A_504 : f32 to vector<16xf32>
    %gt3A_506 = arith.cmpf ogt, %get3A_503, %gt3A_505 : vector<16xf32>
    %convert_element_type3A_507 = arith.extui %gt3A_506 : vector<16xi1> to vector<16xi32>
    %broadcast_in_dim3A_508 = arith.constant true
    %broadcast_in_dim3A_509 = vector.broadcast %broadcast_in_dim3A_508 : i1 to vector<16xi1>
    %masked_cumsum3A_510 = tpu.scan <sum>, %convert_element_type3A_507 masked %broadcast_in_dim3A_509 : vector<16xi32>, vector<16xi1> -> vector<16xi32>
    %add3A_511 = vector.broadcast %add3A_501 : i32 to vector<16xi32>
    %add3A_512 = arith.addi %add3A_511, %masked_cumsum3A_510 : vector<16xi32>
    %sub3A_513 = arith.constant 1 : i32
    %sub3A_514 = vector.broadcast %sub3A_513 : i32 to vector<16xi32>
    %sub3A_515 = arith.subi %add3A_512, %sub3A_514 : vector<16xi32>
    %get3A_516 = arith.constant 128 : index
    %get3A_517 = tpu.vector_load %arg6[%get3A_516] {strides = array<i32>} : memref<208xf32, #tpu.memory_space<vmem>>, vector<16xf32>,
    %neg3A_518 = arith.constant 0.000000e+00 : f32
    %neg3A_519 = vector.broadcast %neg3A_518 : f32 to vector<16xf32>
    %neg3A_520 = arith.subf %neg3A_519, %get3A_517 : vector<16xf32>
    %exp3A_521 = math.exp %neg3A_520 : vector<16xf32>
    %add3A_522 = arith.constant 1.000000e+00 : f32
    %add3A_523 = vector.broadcast %add3A_522 : f32 to vector<16xf32>
    %add3A_524 = arith.addf %add3A_523, %exp3A_521 : vector<16xf32>
    %div3A_525 = arith.constant 1.000000e+00 : f32
    %div3A_526 = vector.broadcast %div3A_525 : f32 to vector<16xf32>
    %div3A_527 = arith.divf %div3A_526, %add3A_524 : vector<16xf32>
    tpu.vector_store_idx %arg8[%sub3A_515], %div3A_527 masked %gt3A_506 : memref<32xf32, #tpu.memory_space<vmem>>[vector<16xi32>], vector<16xf32>, vector<16xi1>
    %mul3A_528 = arith.constant 200 : i32
    %mul3A_529 = arith.muli %select_n3A_195, %mul3A_528 : i32
    %add3A_530 = vector.broadcast %mul3A_529 : i32 to vector<16xi32>
    %add3A_531 = arith.addi %add3A_530, %iota3A : vector<16xi32>
    %add3A_532 = arith.constant 128 : i32
    %add3A_533 = vector.broadcast %add3A_532 : i32 to vector<16xi32>
    %add3A_534 = arith.addi %add3A_531, %add3A_533 : vector<16xi32>
    %convert_element_type3A_535 = arith.sitofp %add3A_534 : vector<16xi32> to vector<16xf32>
    tpu.vector_store_idx %arg9[%sub3A_515], %convert_element_type3A_535 masked %gt3A_506 : memref<32xf32, #tpu.memory_space<vmem>>[vector<16xi32>], vector<16xf32>, vector<16xi1>
    %reduce_sum3A_536 = arith.constant true
    %reduce_sum3A_537 = vector.broadcast %reduce_sum3A_536 : i1 to vector<16xi1>
    %reduce_sum3A_538 = tpu.scan <sum>, %convert_element_type3A_507 masked %reduce_sum3A_537 : vector<16xi32>, vector<16xi1> -> vector<16xi32>
    %reduce_sum3A_539 = vector.extract %reduce_sum3A_538[15] : i32 from vector<16xi32>
    %add3A_540 = arith.addi %add3A_501, %reduce_sum3A_539 : i32
    %get3A_541 = arith.constant 144 : index
    %get3A_542 = tpu.vector_load %arg7[%get3A_541] {strides = array<i32>} : memref<208xf32, #tpu.memory_space<vmem>>, vector<16xf32>,
    %gt3A_543 = arith.constant 0.000000e+00 : f32
    %gt3A_544 = vector.broadcast %gt3A_543 : f32 to vector<16xf32>
    %gt3A_545 = arith.cmpf ogt, %get3A_542, %gt3A_544 : vector<16xf32>
    %convert_element_type3A_546 = arith.extui %gt3A_545 : vector<16xi1> to vector<16xi32>
    %broadcast_in_dim3A_547 = arith.constant true
    %broadcast_in_dim3A_548 = vector.broadcast %broadcast_in_dim3A_547 : i1 to vector<16xi1>
    %masked_cumsum3A_549 = tpu.scan <sum>, %convert_element_type3A_546 masked %broadcast_in_dim3A_548 : vector<16xi32>, vector<16xi1> -> vector<16xi32>
    %add3A_550 = vector.broadcast %add3A_540 : i32 to vector<16xi32>
    %add3A_551 = arith.addi %add3A_550, %masked_cumsum3A_549 : vector<16xi32>
    %sub3A_552 = arith.constant 1 : i32
    %sub3A_553 = vector.broadcast %sub3A_552 : i32 to vector<16xi32>
    %sub3A_554 = arith.subi %add3A_551, %sub3A_553 : vector<16xi32>
    %get3A_555 = arith.constant 144 : index
    %get3A_556 = tpu.vector_load %arg6[%get3A_555] {strides = array<i32>} : memref<208xf32, #tpu.memory_space<vmem>>, vector<16xf32>,
    %neg3A_557 = arith.constant 0.000000e+00 : f32
    %neg3A_558 = vector.broadcast %neg3A_557 : f32 to vector<16xf32>
    %neg3A_559 = arith.subf %neg3A_558, %get3A_556 : vector<16xf32>
    %exp3A_560 = math.exp %neg3A_559 : vector<16xf32>
    %add3A_561 = arith.constant 1.000000e+00 : f32
    %add3A_562 = vector.broadcast %add3A_561 : f32 to vector<16xf32>
    %add3A_563 = arith.addf %add3A_562, %exp3A_560 : vector<16xf32>
    %div3A_564 = arith.constant 1.000000e+00 : f32
    %div3A_565 = vector.broadcast %div3A_564 : f32 to vector<16xf32>
    %div3A_566 = arith.divf %div3A_565, %add3A_563 : vector<16xf32>
    tpu.vector_store_idx %arg8[%sub3A_554], %div3A_566 masked %gt3A_545 : memref<32xf32, #tpu.memory_space<vmem>>[vector<16xi32>], vector<16xf32>, vector<16xi1>
    %mul3A_567 = arith.constant 200 : i32
    %mul3A_568 = arith.muli %select_n3A_195, %mul3A_567 : i32
    %add3A_569 = vector.broadcast %mul3A_568 : i32 to vector<16xi32>
    %add3A_570 = arith.addi %add3A_569, %iota3A : vector<16xi32>
    %add3A_571 = arith.constant 144 : i32
    %add3A_572 = vector.broadcast %add3A_571 : i32 to vector<16xi32>
    %add3A_573 = arith.addi %add3A_570, %add3A_572 : vector<16xi32>
    %convert_element_type3A_574 = arith.sitofp %add3A_573 : vector<16xi32> to vector<16xf32>
    tpu.vector_store_idx %arg9[%sub3A_554], %convert_element_type3A_574 masked %gt3A_545 : memref<32xf32, #tpu.memory_space<vmem>>[vector<16xi32>], vector<16xf32>, vector<16xi1>
    %reduce_sum3A_575 = arith.constant true
    %reduce_sum3A_576 = vector.broadcast %reduce_sum3A_575 : i1 to vector<16xi1>
    %reduce_sum3A_577 = tpu.scan <sum>, %convert_element_type3A_546 masked %reduce_sum3A_576 : vector<16xi32>, vector<16xi1> -> vector<16xi32>
    %reduce_sum3A_578 = vector.extract %reduce_sum3A_577[15] : i32 from vector<16xi32>
    %add3A_579 = arith.addi %add3A_540, %reduce_sum3A_578 : i32
    %get3A_580 = arith.constant 160 : index
    %get3A_581 = tpu.vector_load %arg7[%get3A_580] {strides = array<i32>} : memref<208xf32, #tpu.memory_space<vmem>>, vector<16xf32>,
    %gt3A_582 = arith.constant 0.000000e+00 : f32
    %gt3A_583 = vector.broadcast %gt3A_582 : f32 to vector<16xf32>
    %gt3A_584 = arith.cmpf ogt, %get3A_581, %gt3A_583 : vector<16xf32>
    %convert_element_type3A_585 = arith.extui %gt3A_584 : vector<16xi1> to vector<16xi32>
    %broadcast_in_dim3A_586 = arith.constant true
    %broadcast_in_dim3A_587 = vector.broadcast %broadcast_in_dim3A_586 : i1 to vector<16xi1>
    %masked_cumsum3A_588 = tpu.scan <sum>, %convert_element_type3A_585 masked %broadcast_in_dim3A_587 : vector<16xi32>, vector<16xi1> -> vector<16xi32>
    %add3A_589 = vector.broadcast %add3A_579 : i32 to vector<16xi32>
    %add3A_590 = arith.addi %add3A_589, %masked_cumsum3A_588 : vector<16xi32>
    %sub3A_591 = arith.constant 1 : i32
    %sub3A_592 = vector.broadcast %sub3A_591 : i32 to vector<16xi32>
    %sub3A_593 = arith.subi %add3A_590, %sub3A_592 : vector<16xi32>
    %get3A_594 = arith.constant 160 : index
    %get3A_595 = tpu.vector_load %arg6[%get3A_594] {strides = array<i32>} : memref<208xf32, #tpu.memory_space<vmem>>, vector<16xf32>,
    %neg3A_596 = arith.constant 0.000000e+00 : f32
    %neg3A_597 = vector.broadcast %neg3A_596 : f32 to vector<16xf32>
    %neg3A_598 = arith.subf %neg3A_597, %get3A_595 : vector<16xf32>
    %exp3A_599 = math.exp %neg3A_598 : vector<16xf32>
    %add3A_600 = arith.constant 1.000000e+00 : f32
    %add3A_601 = vector.broadcast %add3A_600 : f32 to vector<16xf32>
    %add3A_602 = arith.addf %add3A_601, %exp3A_599 : vector<16xf32>
    %div3A_603 = arith.constant 1.000000e+00 : f32
    %div3A_604 = vector.broadcast %div3A_603 : f32 to vector<16xf32>
    %div3A_605 = arith.divf %div3A_604, %add3A_602 : vector<16xf32>
    tpu.vector_store_idx %arg8[%sub3A_593], %div3A_605 masked %gt3A_584 : memref<32xf32, #tpu.memory_space<vmem>>[vector<16xi32>], vector<16xf32>, vector<16xi1>
    %mul3A_606 = arith.constant 200 : i32
    %mul3A_607 = arith.muli %select_n3A_195, %mul3A_606 : i32
    %add3A_608 = vector.broadcast %mul3A_607 : i32 to vector<16xi32>
    %add3A_609 = arith.addi %add3A_608, %iota3A : vector<16xi32>
    %add3A_610 = arith.constant 160 : i32
    %add3A_611 = vector.broadcast %add3A_610 : i32 to vector<16xi32>
    %add3A_612 = arith.addi %add3A_609, %add3A_611 : vector<16xi32>
    %convert_element_type3A_613 = arith.sitofp %add3A_612 : vector<16xi32> to vector<16xf32>
    tpu.vector_store_idx %arg9[%sub3A_593], %convert_element_type3A_613 masked %gt3A_584 : memref<32xf32, #tpu.memory_space<vmem>>[vector<16xi32>], vector<16xf32>, vector<16xi1>
    %reduce_sum3A_614 = arith.constant true
    %reduce_sum3A_615 = vector.broadcast %reduce_sum3A_614 : i1 to vector<16xi1>
    %reduce_sum3A_616 = tpu.scan <sum>, %convert_element_type3A_585 masked %reduce_sum3A_615 : vector<16xi32>, vector<16xi1> -> vector<16xi32>
    %reduce_sum3A_617 = vector.extract %reduce_sum3A_616[15] : i32 from vector<16xi32>
    %add3A_618 = arith.addi %add3A_579, %reduce_sum3A_617 : i32
    %get3A_619 = arith.constant 176 : index
    %get3A_620 = tpu.vector_load %arg7[%get3A_619] {strides = array<i32>} : memref<208xf32, #tpu.memory_space<vmem>>, vector<16xf32>,
    %gt3A_621 = arith.constant 0.000000e+00 : f32
    %gt3A_622 = vector.broadcast %gt3A_621 : f32 to vector<16xf32>
    %gt3A_623 = arith.cmpf ogt, %get3A_620, %gt3A_622 : vector<16xf32>
    %convert_element_type3A_624 = arith.extui %gt3A_623 : vector<16xi1> to vector<16xi32>
    %broadcast_in_dim3A_625 = arith.constant true
    %broadcast_in_dim3A_626 = vector.broadcast %broadcast_in_dim3A_625 : i1 to vector<16xi1>
    %masked_cumsum3A_627 = tpu.scan <sum>, %convert_element_type3A_624 masked %broadcast_in_dim3A_626 : vector<16xi32>, vector<16xi1> -> vector<16xi32>
    %add3A_628 = vector.broadcast %add3A_618 : i32 to vector<16xi32>
    %add3A_629 = arith.addi %add3A_628, %masked_cumsum3A_627 : vector<16xi32>
    %sub3A_630 = arith.constant 1 : i32
    %sub3A_631 = vector.broadcast %sub3A_630 : i32 to vector<16xi32>
    %sub3A_632 = arith.subi %add3A_629, %sub3A_631 : vector<16xi32>
    %get3A_633 = arith.constant 176 : index
    %get3A_634 = tpu.vector_load %arg6[%get3A_633] {strides = array<i32>} : memref<208xf32, #tpu.memory_space<vmem>>, vector<16xf32>,
    %neg3A_635 = arith.constant 0.000000e+00 : f32
    %neg3A_636 = vector.broadcast %neg3A_635 : f32 to vector<16xf32>
    %neg3A_637 = arith.subf %neg3A_636, %get3A_634 : vector<16xf32>
    %exp3A_638 = math.exp %neg3A_637 : vector<16xf32>
    %add3A_639 = arith.constant 1.000000e+00 : f32
    %add3A_640 = vector.broadcast %add3A_639 : f32 to vector<16xf32>
    %add3A_641 = arith.addf %add3A_640, %exp3A_638 : vector<16xf32>
    %div3A_642 = arith.constant 1.000000e+00 : f32
    %div3A_643 = vector.broadcast %div3A_642 : f32 to vector<16xf32>
    %div3A_644 = arith.divf %div3A_643, %add3A_641 : vector<16xf32>
    tpu.vector_store_idx %arg8[%sub3A_632], %div3A_644 masked %gt3A_623 : memref<32xf32, #tpu.memory_space<vmem>>[vector<16xi32>], vector<16xf32>, vector<16xi1>
    %mul3A_645 = arith.constant 200 : i32
    %mul3A_646 = arith.muli %select_n3A_195, %mul3A_645 : i32
    %add3A_647 = vector.broadcast %mul3A_646 : i32 to vector<16xi32>
    %add3A_648 = arith.addi %add3A_647, %iota3A : vector<16xi32>
    %add3A_649 = arith.constant 176 : i32
    %add3A_650 = vector.broadcast %add3A_649 : i32 to vector<16xi32>
    %add3A_651 = arith.addi %add3A_648, %add3A_650 : vector<16xi32>
    %convert_element_type3A_652 = arith.sitofp %add3A_651 : vector<16xi32> to vector<16xf32>
    tpu.vector_store_idx %arg9[%sub3A_632], %convert_element_type3A_652 masked %gt3A_623 : memref<32xf32, #tpu.memory_space<vmem>>[vector<16xi32>], vector<16xf32>, vector<16xi1>
    %reduce_sum3A_653 = arith.constant true
    %reduce_sum3A_654 = vector.broadcast %reduce_sum3A_653 : i1 to vector<16xi1>
    %reduce_sum3A_655 = tpu.scan <sum>, %convert_element_type3A_624 masked %reduce_sum3A_654 : vector<16xi32>, vector<16xi1> -> vector<16xi32>
    %reduce_sum3A_656 = vector.extract %reduce_sum3A_655[15] : i32 from vector<16xi32>
    %add3A_657 = arith.addi %add3A_618, %reduce_sum3A_656 : i32
    %get3A_658 = arith.constant 192 : index
    %get3A_659 = tpu.vector_load %arg7[%get3A_658] {strides = array<i32>} : memref<208xf32, #tpu.memory_space<vmem>>, vector<16xf32>,
    %gt3A_660 = arith.constant 0.000000e+00 : f32
    %gt3A_661 = vector.broadcast %gt3A_660 : f32 to vector<16xf32>
    %gt3A_662 = arith.cmpf ogt, %get3A_659, %gt3A_661 : vector<16xf32>
    %convert_element_type3A_663 = arith.extui %gt3A_662 : vector<16xi1> to vector<16xi32>
    %broadcast_in_dim3A_664 = arith.constant true
    %broadcast_in_dim3A_665 = vector.broadcast %broadcast_in_dim3A_664 : i1 to vector<16xi1>
    %masked_cumsum3A_666 = tpu.scan <sum>, %convert_element_type3A_663 masked %broadcast_in_dim3A_665 : vector<16xi32>, vector<16xi1> -> vector<16xi32>
    %add3A_667 = vector.broadcast %add3A_657 : i32 to vector<16xi32>
    %add3A_668 = arith.addi %add3A_667, %masked_cumsum3A_666 : vector<16xi32>
    %sub3A_669 = arith.constant 1 : i32
    %sub3A_670 = vector.broadcast %sub3A_669 : i32 to vector<16xi32>
    %sub3A_671 = arith.subi %add3A_668, %sub3A_670 : vector<16xi32>
    %get3A_672 = arith.constant 192 : index
    %get3A_673 = tpu.vector_load %arg6[%get3A_672] {strides = array<i32>} : memref<208xf32, #tpu.memory_space<vmem>>, vector<16xf32>,
    %neg3A_674 = arith.constant 0.000000e+00 : f32
    %neg3A_675 = vector.broadcast %neg3A_674 : f32 to vector<16xf32>
    %neg3A_676 = arith.subf %neg3A_675, %get3A_673 : vector<16xf32>
    %exp3A_677 = math.exp %neg3A_676 : vector<16xf32>
    %add3A_678 = arith.constant 1.000000e+00 : f32
    %add3A_679 = vector.broadcast %add3A_678 : f32 to vector<16xf32>
    %add3A_680 = arith.addf %add3A_679, %exp3A_677 : vector<16xf32>
    %div3A_681 = arith.constant 1.000000e+00 : f32
    %div3A_682 = vector.broadcast %div3A_681 : f32 to vector<16xf32>
    %div3A_683 = arith.divf %div3A_682, %add3A_680 : vector<16xf32>
    tpu.vector_store_idx %arg8[%sub3A_671], %div3A_683 masked %gt3A_662 : memref<32xf32, #tpu.memory_space<vmem>>[vector<16xi32>], vector<16xf32>, vector<16xi1>
    %mul3A_684 = arith.constant 200 : i32
    %mul3A_685 = arith.muli %select_n3A_195, %mul3A_684 : i32
    %add3A_686 = vector.broadcast %mul3A_685 : i32 to vector<16xi32>
    %add3A_687 = arith.addi %add3A_686, %iota3A : vector<16xi32>
    %add3A_688 = arith.constant 192 : i32
    %add3A_689 = vector.broadcast %add3A_688 : i32 to vector<16xi32>
    %add3A_690 = arith.addi %add3A_687, %add3A_689 : vector<16xi32>
    %convert_element_type3A_691 = arith.sitofp %add3A_690 : vector<16xi32> to vector<16xf32>
    tpu.vector_store_idx %arg9[%sub3A_671], %convert_element_type3A_691 masked %gt3A_662 : memref<32xf32, #tpu.memory_space<vmem>>[vector<16xi32>], vector<16xf32>, vector<16xi1>
    %reduce_sum3A_692 = arith.constant true
    %reduce_sum3A_693 = vector.broadcast %reduce_sum3A_692 : i1 to vector<16xi1>
    %reduce_sum3A_694 = tpu.scan <sum>, %convert_element_type3A_663 masked %reduce_sum3A_693 : vector<16xi32>, vector<16xi1> -> vector<16xi32>
    %reduce_sum3A_695 = vector.extract %reduce_sum3A_694[15] : i32 from vector<16xi32>
    %add3A_696 = arith.addi %add3A_657, %reduce_sum3A_695 : i32
    "tpu.region"() ({
      %run_scoped3A = tpu.sem_alloc : memref<!tpu.dma_semaphore, #tpu.memory_space<semaphore_mem>>
      %dma_start3A = arith.constant 0 : i32
      %dma_start3A_701 = tpu.memref_slice %arg3[%add3A, %dma_start3A] : memref<40x32xf32, #tpu.memory_space<hbm>> -> memref<1x32xf32, #tpu.memory_space<hbm>>
      %dma_start3A_702 = tpu.memref_squeeze %dma_start3A_701 : memref<1x32xf32, #tpu.memory_space<hbm>> -> memref<32xf32, #tpu.memory_space<hbm>>
      %dma_start3A_703 = arith.constant 0 : i32
      %dma_start3A_704 = tpu.memref_slice %arg3[%add3A, %dma_start3A_703] : memref<40x32xf32, #tpu.memory_space<hbm>> -> memref<1x32xf32, #tpu.memory_space<hbm>>
      %dma_start3A_705 = tpu.memref_squeeze %dma_start3A_704 : memref<1x32xf32, #tpu.memory_space<hbm>> -> memref<32xf32, #tpu.memory_space<hbm>>
      tpu.enqueue_dma source(%arg8 : memref<32xf32, #tpu.memory_space<vmem>>) target(%dma_start3A_705 : memref<32xf32, #tpu.memory_space<hbm>>) target_semaphore(%run_scoped3A : memref<!tpu.dma_semaphore, #tpu.memory_space<semaphore_mem>>)
      %dma_wait3A = arith.constant 0 : i32
      %dma_wait3A_706 = tpu.memref_slice %arg3[%add3A, %dma_wait3A] : memref<40x32xf32, #tpu.memory_space<hbm>> -> memref<1x32xf32, #tpu.memory_space<hbm>>
      %dma_wait3A_707 = tpu.memref_squeeze %dma_wait3A_706 : memref<1x32xf32, #tpu.memory_space<hbm>> -> memref<32xf32, #tpu.memory_space<hbm>>
      %dma_wait3A_708 = arith.constant 0 : i32
      %dma_wait3A_709 = tpu.memref_slice %arg3[%add3A, %dma_wait3A_708] : memref<40x32xf32, #tpu.memory_space<hbm>> -> memref<1x32xf32, #tpu.memory_space<hbm>>
      %dma_wait3A_710 = tpu.memref_squeeze %dma_wait3A_709 : memref<1x32xf32, #tpu.memory_space<hbm>> -> memref<32xf32, #tpu.memory_space<hbm>>
      tpu.wait_dma2 semaphore(%run_scoped3A : memref<!tpu.dma_semaphore, #tpu.memory_space<semaphore_mem>>) src(%arg8 : memref<32xf32, #tpu.memory_space<vmem>>) dst(%dma_wait3A_710 : memref<32xf32, #tpu.memory_space<hbm>>)
      tpu.yield
    }) : () -> ()
    "tpu.region"() ({
      %run_scoped3A = tpu.sem_alloc : memref<!tpu.dma_semaphore, #tpu.memory_space<semaphore_mem>>
      %dma_start3A = arith.constant 0 : i32
      %dma_start3A_701 = tpu.memref_slice %arg4[%add3A, %dma_start3A] : memref<40x32xf32, #tpu.memory_space<hbm>> -> memref<1x32xf32, #tpu.memory_space<hbm>>
      %dma_start3A_702 = tpu.memref_squeeze %dma_start3A_701 : memref<1x32xf32, #tpu.memory_space<hbm>> -> memref<32xf32, #tpu.memory_space<hbm>>
      %dma_start3A_703 = arith.constant 0 : i32
      %dma_start3A_704 = tpu.memref_slice %arg4[%add3A, %dma_start3A_703] : memref<40x32xf32, #tpu.memory_space<hbm>> -> memref<1x32xf32, #tpu.memory_space<hbm>>
      %dma_start3A_705 = tpu.memref_squeeze %dma_start3A_704 : memref<1x32xf32, #tpu.memory_space<hbm>> -> memref<32xf32, #tpu.memory_space<hbm>>
      tpu.enqueue_dma source(%arg9 : memref<32xf32, #tpu.memory_space<vmem>>) target(%dma_start3A_705 : memref<32xf32, #tpu.memory_space<hbm>>) target_semaphore(%run_scoped3A : memref<!tpu.dma_semaphore, #tpu.memory_space<semaphore_mem>>)
      %dma_wait3A = arith.constant 0 : i32
      %dma_wait3A_706 = tpu.memref_slice %arg4[%add3A, %dma_wait3A] : memref<40x32xf32, #tpu.memory_space<hbm>> -> memref<1x32xf32, #tpu.memory_space<hbm>>
      %dma_wait3A_707 = tpu.memref_squeeze %dma_wait3A_706 : memref<1x32xf32, #tpu.memory_space<hbm>> -> memref<32xf32, #tpu.memory_space<hbm>>
      %dma_wait3A_708 = arith.constant 0 : i32
      %dma_wait3A_709 = tpu.memref_slice %arg4[%add3A, %dma_wait3A_708] : memref<40x32xf32, #tpu.memory_space<hbm>> -> memref<1x32xf32, #tpu.memory_space<hbm>>
      %dma_wait3A_710 = tpu.memref_squeeze %dma_wait3A_709 : memref<1x32xf32, #tpu.memory_space<hbm>> -> memref<32xf32, #tpu.memory_space<hbm>>
      tpu.wait_dma2 semaphore(%run_scoped3A : memref<!tpu.dma_semaphore, #tpu.memory_space<semaphore_mem>>) src(%arg9 : memref<32xf32, #tpu.memory_space<vmem>>) dst(%dma_wait3A_710 : memref<32xf32, #tpu.memory_space<hbm>>)
      tpu.yield
    }) : () -> ()
    %lt3A_697 = arith.constant 8 : i32
    %lt3A_698 = arith.cmpi slt, %add3A, %lt3A_697 : i32
    %convert_element_type3A_699 = arith.extui %lt3A_698 : i1 to i32
    %cond3A = arith.constant 0 : i32
    %cond3A_700 = arith.cmpi ne, %convert_element_type3A_699, %cond3A : i32
    scf.if %cond3A_700 {
      %add3A_701 = arith.constant 32 : i32
      %add3A_702 = arith.addi %add3A, %add3A_701 : i32
      "tpu.region"() ({
        %run_scoped3A = tpu.sem_alloc : memref<!tpu.dma_semaphore, #tpu.memory_space<semaphore_mem>>
        %dma_start3A = arith.constant 0 : i32
        %dma_start3A_1420 = tpu.memref_slice %arg2[%add3A_702, %dma_start3A] : memref<40x208xf32, #tpu.memory_space<hbm>> -> memref<1x208xf32, #tpu.memory_space<hbm>>
        %dma_start3A_1421 = tpu.memref_squeeze %dma_start3A_1420 : memref<1x208xf32, #tpu.memory_space<hbm>> -> memref<208xf32, #tpu.memory_space<hbm>>
        %dma_start3A_1422 = arith.constant 0 : i32
        %dma_start3A_1423 = tpu.memref_slice %arg2[%add3A_702, %dma_start3A_1422] : memref<40x208xf32, #tpu.memory_space<hbm>> -> memref<1x208xf32, #tpu.memory_space<hbm>>
        %dma_start3A_1424 = tpu.memref_squeeze %dma_start3A_1423 : memref<1x208xf32, #tpu.memory_space<hbm>> -> memref<208xf32, #tpu.memory_space<hbm>>
        tpu.enqueue_dma source(%dma_start3A_1424 : memref<208xf32, #tpu.memory_space<hbm>>) target(%arg5 : memref<208xf32, #tpu.memory_space<vmem>>) target_semaphore(%run_scoped3A : memref<!tpu.dma_semaphore, #tpu.memory_space<semaphore_mem>>)
        %dma_wait3A = arith.constant 0 : i32
        %dma_wait3A_1425 = tpu.memref_slice %arg2[%add3A_702, %dma_wait3A] : memref<40x208xf32, #tpu.memory_space<hbm>> -> memref<1x208xf32, #tpu.memory_space<hbm>>
        %dma_wait3A_1426 = tpu.memref_squeeze %dma_wait3A_1425 : memref<1x208xf32, #tpu.memory_space<hbm>> -> memref<208xf32, #tpu.memory_space<hbm>>
        %dma_wait3A_1427 = arith.constant 0 : i32
        %dma_wait3A_1428 = tpu.memref_slice %arg2[%add3A_702, %dma_wait3A_1427] : memref<40x208xf32, #tpu.memory_space<hbm>> -> memref<1x208xf32, #tpu.memory_space<hbm>>
        %dma_wait3A_1429 = tpu.memref_squeeze %dma_wait3A_1428 : memref<1x208xf32, #tpu.memory_space<hbm>> -> memref<208xf32, #tpu.memory_space<hbm>>
        tpu.wait_dma2 semaphore(%run_scoped3A : memref<!tpu.dma_semaphore, #tpu.memory_space<semaphore_mem>>) src(%dma_wait3A_1429 : memref<208xf32, #tpu.memory_space<hbm>>) dst(%arg5 : memref<208xf32, #tpu.memory_space<vmem>>)
        tpu.yield
      }) : () -> ()
      "tpu.region"() ({
        %run_scoped3A = tpu.sem_alloc : memref<!tpu.dma_semaphore, #tpu.memory_space<semaphore_mem>>
        %dma_start3A = arith.constant 0 : i32
        %dma_start3A_1420 = tpu.memref_slice %arg2[%add3A_702, %dma_start3A] : memref<40x208xf32, #tpu.memory_space<hbm>> -> memref<1x208xf32, #tpu.memory_space<hbm>>
        %dma_start3A_1421 = tpu.memref_squeeze %dma_start3A_1420 : memref<1x208xf32, #tpu.memory_space<hbm>> -> memref<208xf32, #tpu.memory_space<hbm>>
        %dma_start3A_1422 = arith.constant 0 : i32
        %dma_start3A_1423 = tpu.memref_slice %arg2[%add3A_702, %dma_start3A_1422] : memref<40x208xf32, #tpu.memory_space<hbm>> -> memref<1x208xf32, #tpu.memory_space<hbm>>
        %dma_start3A_1424 = tpu.memref_squeeze %dma_start3A_1423 : memref<1x208xf32, #tpu.memory_space<hbm>> -> memref<208xf32, #tpu.memory_space<hbm>>
        tpu.enqueue_dma source(%dma_start3A_1424 : memref<208xf32, #tpu.memory_space<hbm>>) target(%arg6 : memref<208xf32, #tpu.memory_space<vmem>>) target_semaphore(%run_scoped3A : memref<!tpu.dma_semaphore, #tpu.memory_space<semaphore_mem>>)
        %dma_wait3A = arith.constant 0 : i32
        %dma_wait3A_1425 = tpu.memref_slice %arg2[%add3A_702, %dma_wait3A] : memref<40x208xf32, #tpu.memory_space<hbm>> -> memref<1x208xf32, #tpu.memory_space<hbm>>
        %dma_wait3A_1426 = tpu.memref_squeeze %dma_wait3A_1425 : memref<1x208xf32, #tpu.memory_space<hbm>> -> memref<208xf32, #tpu.memory_space<hbm>>
        %dma_wait3A_1427 = arith.constant 0 : i32
        %dma_wait3A_1428 = tpu.memref_slice %arg2[%add3A_702, %dma_wait3A_1427] : memref<40x208xf32, #tpu.memory_space<hbm>> -> memref<1x208xf32, #tpu.memory_space<hbm>>
        %dma_wait3A_1429 = tpu.memref_squeeze %dma_wait3A_1428 : memref<1x208xf32, #tpu.memory_space<hbm>> -> memref<208xf32, #tpu.memory_space<hbm>>
        tpu.wait_dma2 semaphore(%run_scoped3A : memref<!tpu.dma_semaphore, #tpu.memory_space<semaphore_mem>>) src(%dma_wait3A_1429 : memref<208xf32, #tpu.memory_space<hbm>>) dst(%arg6 : memref<208xf32, #tpu.memory_space<vmem>>)
        tpu.yield
      }) : () -> ()
      %iota3A_703 = tpu.iota {dimensions = array<i32: 0>} : vector<16xi32>
      %broadcast_in_dim3A_704 = arith.constant 1.000000e+00 : f32
      %broadcast_in_dim3A_705 = vector.broadcast %broadcast_in_dim3A_704 : f32 to vector<16xf32>
      %broadcast_in_dim3A_706 = arith.constant 0.000000e+00 : f32
      %broadcast_in_dim3A_707 = vector.broadcast %broadcast_in_dim3A_706 : f32 to vector<16xf32>
      %eq3A_708 = arith.constant 0 : i32
      %eq3A_709 = vector.broadcast %eq3A_708 : i32 to vector<16xi32>
      %eq3A_710 = arith.cmpi eq, %iota3A_703, %eq3A_709 : vector<16xi32>
      %broadcast_in_dim3A_711 = arith.constant -3.000000e+38 : f32
      %broadcast_in_dim3A_712 = vector.broadcast %broadcast_in_dim3A_711 : f32 to vector<16xf32>
      %swap3A_713 = arith.constant 0 : index
      %swap3A_714 = tpu.vector_load %arg7[%swap3A_713] {strides = array<i32>} : memref<208xf32, #tpu.memory_space<vmem>>, vector<16xf32>,
      tpu.vector_store %arg7[%swap3A_713], %broadcast_in_dim3A_707 {strides = array<i32>} : memref<208xf32, #tpu.memory_space<vmem>>, vector<16xf32>,
      %get3A_715 = arith.constant 0 : index
      %get3A_716 = tpu.vector_load %arg5[%get3A_715] {strides = array<i32>} : memref<208xf32, #tpu.memory_space<vmem>>, vector<16xf32>,
      %reduce_max3A_717 = arith.constant true
      %reduce_max3A_718 = vector.broadcast %reduce_max3A_717 : i1 to vector<16xi1>
      %reduce_max3A_719 = tpu.scan <max>, %get3A_716 masked %reduce_max3A_718 : vector<16xf32>, vector<16xi1> -> vector<16xf32>
      %reduce_max3A_720 = vector.extract %reduce_max3A_719[15] : f32 from vector<16xf32>
      %eq3A_721 = arith.constant 0 : i32
      %eq3A_722 = vector.broadcast %eq3A_721 : i32 to vector<16xi32>
      %eq3A_723 = arith.cmpi eq, %iota3A_703, %eq3A_722 : vector<16xi32>
      %broadcast_in_dim3A_724 = vector.broadcast %reduce_max3A_720 : f32 to vector<16xf32>
      %select_n3A_725 = arith.select %eq3A_723, %broadcast_in_dim3A_724, %broadcast_in_dim3A_712 : vector<16xi1>, vector<16xf32>
      %swap3A_726 = arith.constant 16 : index
      %swap3A_727 = tpu.vector_load %arg7[%swap3A_726] {strides = array<i32>} : memref<208xf32, #tpu.memory_space<vmem>>, vector<16xf32>,
      tpu.vector_store %arg7[%swap3A_726], %broadcast_in_dim3A_707 {strides = array<i32>} : memref<208xf32, #tpu.memory_space<vmem>>, vector<16xf32>,
      %get3A_728 = arith.constant 16 : index
      %get3A_729 = tpu.vector_load %arg5[%get3A_728] {strides = array<i32>} : memref<208xf32, #tpu.memory_space<vmem>>, vector<16xf32>,
      %reduce_max3A_730 = arith.constant true
      %reduce_max3A_731 = vector.broadcast %reduce_max3A_730 : i1 to vector<16xi1>
      %reduce_max3A_732 = tpu.scan <max>, %get3A_729 masked %reduce_max3A_731 : vector<16xf32>, vector<16xi1> -> vector<16xf32>
      %reduce_max3A_733 = vector.extract %reduce_max3A_732[15] : f32 from vector<16xf32>
      %eq3A_734 = arith.constant 1 : i32
      %eq3A_735 = vector.broadcast %eq3A_734 : i32 to vector<16xi32>
      %eq3A_736 = arith.cmpi eq, %iota3A_703, %eq3A_735 : vector<16xi32>
      %broadcast_in_dim3A_737 = vector.broadcast %reduce_max3A_733 : f32 to vector<16xf32>
      %select_n3A_738 = arith.select %eq3A_736, %broadcast_in_dim3A_737, %select_n3A_725 : vector<16xi1>, vector<16xf32>
      %swap3A_739 = arith.constant 32 : index
      %swap3A_740 = tpu.vector_load %arg7[%swap3A_739] {strides = array<i32>} : memref<208xf32, #tpu.memory_space<vmem>>, vector<16xf32>,
      tpu.vector_store %arg7[%swap3A_739], %broadcast_in_dim3A_707 {strides = array<i32>} : memref<208xf32, #tpu.memory_space<vmem>>, vector<16xf32>,
      %get3A_741 = arith.constant 32 : index
      %get3A_742 = tpu.vector_load %arg5[%get3A_741] {strides = array<i32>} : memref<208xf32, #tpu.memory_space<vmem>>, vector<16xf32>,
      %reduce_max3A_743 = arith.constant true
      %reduce_max3A_744 = vector.broadcast %reduce_max3A_743 : i1 to vector<16xi1>
      %reduce_max3A_745 = tpu.scan <max>, %get3A_742 masked %reduce_max3A_744 : vector<16xf32>, vector<16xi1> -> vector<16xf32>
      %reduce_max3A_746 = vector.extract %reduce_max3A_745[15] : f32 from vector<16xf32>
      %eq3A_747 = arith.constant 2 : i32
      %eq3A_748 = vector.broadcast %eq3A_747 : i32 to vector<16xi32>
      %eq3A_749 = arith.cmpi eq, %iota3A_703, %eq3A_748 : vector<16xi32>
      %broadcast_in_dim3A_750 = vector.broadcast %reduce_max3A_746 : f32 to vector<16xf32>
      %select_n3A_751 = arith.select %eq3A_749, %broadcast_in_dim3A_750, %select_n3A_738 : vector<16xi1>, vector<16xf32>
      %swap3A_752 = arith.constant 48 : index
      %swap3A_753 = tpu.vector_load %arg7[%swap3A_752] {strides = array<i32>} : memref<208xf32, #tpu.memory_space<vmem>>, vector<16xf32>,
      tpu.vector_store %arg7[%swap3A_752], %broadcast_in_dim3A_707 {strides = array<i32>} : memref<208xf32, #tpu.memory_space<vmem>>, vector<16xf32>,
      %get3A_754 = arith.constant 48 : index
      %get3A_755 = tpu.vector_load %arg5[%get3A_754] {strides = array<i32>} : memref<208xf32, #tpu.memory_space<vmem>>, vector<16xf32>,
      %reduce_max3A_756 = arith.constant true
      %reduce_max3A_757 = vector.broadcast %reduce_max3A_756 : i1 to vector<16xi1>
      %reduce_max3A_758 = tpu.scan <max>, %get3A_755 masked %reduce_max3A_757 : vector<16xf32>, vector<16xi1> -> vector<16xf32>
      %reduce_max3A_759 = vector.extract %reduce_max3A_758[15] : f32 from vector<16xf32>
      %eq3A_760 = arith.constant 3 : i32
      %eq3A_761 = vector.broadcast %eq3A_760 : i32 to vector<16xi32>
      %eq3A_762 = arith.cmpi eq, %iota3A_703, %eq3A_761 : vector<16xi32>
      %broadcast_in_dim3A_763 = vector.broadcast %reduce_max3A_759 : f32 to vector<16xf32>
      %select_n3A_764 = arith.select %eq3A_762, %broadcast_in_dim3A_763, %select_n3A_751 : vector<16xi1>, vector<16xf32>
      %swap3A_765 = arith.constant 64 : index
      %swap3A_766 = tpu.vector_load %arg7[%swap3A_765] {strides = array<i32>} : memref<208xf32, #tpu.memory_space<vmem>>, vector<16xf32>,
      tpu.vector_store %arg7[%swap3A_765], %broadcast_in_dim3A_707 {strides = array<i32>} : memref<208xf32, #tpu.memory_space<vmem>>, vector<16xf32>,
      %get3A_767 = arith.constant 64 : index
      %get3A_768 = tpu.vector_load %arg5[%get3A_767] {strides = array<i32>} : memref<208xf32, #tpu.memory_space<vmem>>, vector<16xf32>,
      %reduce_max3A_769 = arith.constant true
      %reduce_max3A_770 = vector.broadcast %reduce_max3A_769 : i1 to vector<16xi1>
      %reduce_max3A_771 = tpu.scan <max>, %get3A_768 masked %reduce_max3A_770 : vector<16xf32>, vector<16xi1> -> vector<16xf32>
      %reduce_max3A_772 = vector.extract %reduce_max3A_771[15] : f32 from vector<16xf32>
      %eq3A_773 = arith.constant 4 : i32
      %eq3A_774 = vector.broadcast %eq3A_773 : i32 to vector<16xi32>
      %eq3A_775 = arith.cmpi eq, %iota3A_703, %eq3A_774 : vector<16xi32>
      %broadcast_in_dim3A_776 = vector.broadcast %reduce_max3A_772 : f32 to vector<16xf32>
      %select_n3A_777 = arith.select %eq3A_775, %broadcast_in_dim3A_776, %select_n3A_764 : vector<16xi1>, vector<16xf32>
      %swap3A_778 = arith.constant 80 : index
      %swap3A_779 = tpu.vector_load %arg7[%swap3A_778] {strides = array<i32>} : memref<208xf32, #tpu.memory_space<vmem>>, vector<16xf32>,
      tpu.vector_store %arg7[%swap3A_778], %broadcast_in_dim3A_707 {strides = array<i32>} : memref<208xf32, #tpu.memory_space<vmem>>, vector<16xf32>,
      %get3A_780 = arith.constant 80 : index
      %get3A_781 = tpu.vector_load %arg5[%get3A_780] {strides = array<i32>} : memref<208xf32, #tpu.memory_space<vmem>>, vector<16xf32>,
      %reduce_max3A_782 = arith.constant true
      %reduce_max3A_783 = vector.broadcast %reduce_max3A_782 : i1 to vector<16xi1>
      %reduce_max3A_784 = tpu.scan <max>, %get3A_781 masked %reduce_max3A_783 : vector<16xf32>, vector<16xi1> -> vector<16xf32>
      %reduce_max3A_785 = vector.extract %reduce_max3A_784[15] : f32 from vector<16xf32>
      %eq3A_786 = arith.constant 5 : i32
      %eq3A_787 = vector.broadcast %eq3A_786 : i32 to vector<16xi32>
      %eq3A_788 = arith.cmpi eq, %iota3A_703, %eq3A_787 : vector<16xi32>
      %broadcast_in_dim3A_789 = vector.broadcast %reduce_max3A_785 : f32 to vector<16xf32>
      %select_n3A_790 = arith.select %eq3A_788, %broadcast_in_dim3A_789, %select_n3A_777 : vector<16xi1>, vector<16xf32>
      %swap3A_791 = arith.constant 96 : index
      %swap3A_792 = tpu.vector_load %arg7[%swap3A_791] {strides = array<i32>} : memref<208xf32, #tpu.memory_space<vmem>>, vector<16xf32>,
      tpu.vector_store %arg7[%swap3A_791], %broadcast_in_dim3A_707 {strides = array<i32>} : memref<208xf32, #tpu.memory_space<vmem>>, vector<16xf32>,
      %get3A_793 = arith.constant 96 : index
      %get3A_794 = tpu.vector_load %arg5[%get3A_793] {strides = array<i32>} : memref<208xf32, #tpu.memory_space<vmem>>, vector<16xf32>,
      %reduce_max3A_795 = arith.constant true
      %reduce_max3A_796 = vector.broadcast %reduce_max3A_795 : i1 to vector<16xi1>
      %reduce_max3A_797 = tpu.scan <max>, %get3A_794 masked %reduce_max3A_796 : vector<16xf32>, vector<16xi1> -> vector<16xf32>
      %reduce_max3A_798 = vector.extract %reduce_max3A_797[15] : f32 from vector<16xf32>
      %eq3A_799 = arith.constant 6 : i32
      %eq3A_800 = vector.broadcast %eq3A_799 : i32 to vector<16xi32>
      %eq3A_801 = arith.cmpi eq, %iota3A_703, %eq3A_800 : vector<16xi32>
      %broadcast_in_dim3A_802 = vector.broadcast %reduce_max3A_798 : f32 to vector<16xf32>
      %select_n3A_803 = arith.select %eq3A_801, %broadcast_in_dim3A_802, %select_n3A_790 : vector<16xi1>, vector<16xf32>
      %swap3A_804 = arith.constant 112 : index
      %swap3A_805 = tpu.vector_load %arg7[%swap3A_804] {strides = array<i32>} : memref<208xf32, #tpu.memory_space<vmem>>, vector<16xf32>,
      tpu.vector_store %arg7[%swap3A_804], %broadcast_in_dim3A_707 {strides = array<i32>} : memref<208xf32, #tpu.memory_space<vmem>>, vector<16xf32>,
      %get3A_806 = arith.constant 112 : index
      %get3A_807 = tpu.vector_load %arg5[%get3A_806] {strides = array<i32>} : memref<208xf32, #tpu.memory_space<vmem>>, vector<16xf32>,
      %reduce_max3A_808 = arith.constant true
      %reduce_max3A_809 = vector.broadcast %reduce_max3A_808 : i1 to vector<16xi1>
      %reduce_max3A_810 = tpu.scan <max>, %get3A_807 masked %reduce_max3A_809 : vector<16xf32>, vector<16xi1> -> vector<16xf32>
      %reduce_max3A_811 = vector.extract %reduce_max3A_810[15] : f32 from vector<16xf32>
      %eq3A_812 = arith.constant 7 : i32
      %eq3A_813 = vector.broadcast %eq3A_812 : i32 to vector<16xi32>
      %eq3A_814 = arith.cmpi eq, %iota3A_703, %eq3A_813 : vector<16xi32>
      %broadcast_in_dim3A_815 = vector.broadcast %reduce_max3A_811 : f32 to vector<16xf32>
      %select_n3A_816 = arith.select %eq3A_814, %broadcast_in_dim3A_815, %select_n3A_803 : vector<16xi1>, vector<16xf32>
      %swap3A_817 = arith.constant 128 : index
      %swap3A_818 = tpu.vector_load %arg7[%swap3A_817] {strides = array<i32>} : memref<208xf32, #tpu.memory_space<vmem>>, vector<16xf32>,
      tpu.vector_store %arg7[%swap3A_817], %broadcast_in_dim3A_707 {strides = array<i32>} : memref<208xf32, #tpu.memory_space<vmem>>, vector<16xf32>,
      %get3A_819 = arith.constant 128 : index
      %get3A_820 = tpu.vector_load %arg5[%get3A_819] {strides = array<i32>} : memref<208xf32, #tpu.memory_space<vmem>>, vector<16xf32>,
      %reduce_max3A_821 = arith.constant true
      %reduce_max3A_822 = vector.broadcast %reduce_max3A_821 : i1 to vector<16xi1>
      %reduce_max3A_823 = tpu.scan <max>, %get3A_820 masked %reduce_max3A_822 : vector<16xf32>, vector<16xi1> -> vector<16xf32>
      %reduce_max3A_824 = vector.extract %reduce_max3A_823[15] : f32 from vector<16xf32>
      %eq3A_825 = arith.constant 8 : i32
      %eq3A_826 = vector.broadcast %eq3A_825 : i32 to vector<16xi32>
      %eq3A_827 = arith.cmpi eq, %iota3A_703, %eq3A_826 : vector<16xi32>
      %broadcast_in_dim3A_828 = vector.broadcast %reduce_max3A_824 : f32 to vector<16xf32>
      %select_n3A_829 = arith.select %eq3A_827, %broadcast_in_dim3A_828, %select_n3A_816 : vector<16xi1>, vector<16xf32>
      %swap3A_830 = arith.constant 144 : index
      %swap3A_831 = tpu.vector_load %arg7[%swap3A_830] {strides = array<i32>} : memref<208xf32, #tpu.memory_space<vmem>>, vector<16xf32>,
      tpu.vector_store %arg7[%swap3A_830], %broadcast_in_dim3A_707 {strides = array<i32>} : memref<208xf32, #tpu.memory_space<vmem>>, vector<16xf32>,
      %get3A_832 = arith.constant 144 : index
      %get3A_833 = tpu.vector_load %arg5[%get3A_832] {strides = array<i32>} : memref<208xf32, #tpu.memory_space<vmem>>, vector<16xf32>,
      %reduce_max3A_834 = arith.constant true
      %reduce_max3A_835 = vector.broadcast %reduce_max3A_834 : i1 to vector<16xi1>
      %reduce_max3A_836 = tpu.scan <max>, %get3A_833 masked %reduce_max3A_835 : vector<16xf32>, vector<16xi1> -> vector<16xf32>
      %reduce_max3A_837 = vector.extract %reduce_max3A_836[15] : f32 from vector<16xf32>
      %eq3A_838 = arith.constant 9 : i32
      %eq3A_839 = vector.broadcast %eq3A_838 : i32 to vector<16xi32>
      %eq3A_840 = arith.cmpi eq, %iota3A_703, %eq3A_839 : vector<16xi32>
      %broadcast_in_dim3A_841 = vector.broadcast %reduce_max3A_837 : f32 to vector<16xf32>
      %select_n3A_842 = arith.select %eq3A_840, %broadcast_in_dim3A_841, %select_n3A_829 : vector<16xi1>, vector<16xf32>
      %swap3A_843 = arith.constant 160 : index
      %swap3A_844 = tpu.vector_load %arg7[%swap3A_843] {strides = array<i32>} : memref<208xf32, #tpu.memory_space<vmem>>, vector<16xf32>,
      tpu.vector_store %arg7[%swap3A_843], %broadcast_in_dim3A_707 {strides = array<i32>} : memref<208xf32, #tpu.memory_space<vmem>>, vector<16xf32>,
      %get3A_845 = arith.constant 160 : index
      %get3A_846 = tpu.vector_load %arg5[%get3A_845] {strides = array<i32>} : memref<208xf32, #tpu.memory_space<vmem>>, vector<16xf32>,
      %reduce_max3A_847 = arith.constant true
      %reduce_max3A_848 = vector.broadcast %reduce_max3A_847 : i1 to vector<16xi1>
      %reduce_max3A_849 = tpu.scan <max>, %get3A_846 masked %reduce_max3A_848 : vector<16xf32>, vector<16xi1> -> vector<16xf32>
      %reduce_max3A_850 = vector.extract %reduce_max3A_849[15] : f32 from vector<16xf32>
      %eq3A_851 = arith.constant 10 : i32
      %eq3A_852 = vector.broadcast %eq3A_851 : i32 to vector<16xi32>
      %eq3A_853 = arith.cmpi eq, %iota3A_703, %eq3A_852 : vector<16xi32>
      %broadcast_in_dim3A_854 = vector.broadcast %reduce_max3A_850 : f32 to vector<16xf32>
      %select_n3A_855 = arith.select %eq3A_853, %broadcast_in_dim3A_854, %select_n3A_842 : vector<16xi1>, vector<16xf32>
      %swap3A_856 = arith.constant 176 : index
      %swap3A_857 = tpu.vector_load %arg7[%swap3A_856] {strides = array<i32>} : memref<208xf32, #tpu.memory_space<vmem>>, vector<16xf32>,
      tpu.vector_store %arg7[%swap3A_856], %broadcast_in_dim3A_707 {strides = array<i32>} : memref<208xf32, #tpu.memory_space<vmem>>, vector<16xf32>,
      %get3A_858 = arith.constant 176 : index
      %get3A_859 = tpu.vector_load %arg5[%get3A_858] {strides = array<i32>} : memref<208xf32, #tpu.memory_space<vmem>>, vector<16xf32>,
      %reduce_max3A_860 = arith.constant true
      %reduce_max3A_861 = vector.broadcast %reduce_max3A_860 : i1 to vector<16xi1>
      %reduce_max3A_862 = tpu.scan <max>, %get3A_859 masked %reduce_max3A_861 : vector<16xf32>, vector<16xi1> -> vector<16xf32>
      %reduce_max3A_863 = vector.extract %reduce_max3A_862[15] : f32 from vector<16xf32>
      %eq3A_864 = arith.constant 11 : i32
      %eq3A_865 = vector.broadcast %eq3A_864 : i32 to vector<16xi32>
      %eq3A_866 = arith.cmpi eq, %iota3A_703, %eq3A_865 : vector<16xi32>
      %broadcast_in_dim3A_867 = vector.broadcast %reduce_max3A_863 : f32 to vector<16xf32>
      %select_n3A_868 = arith.select %eq3A_866, %broadcast_in_dim3A_867, %select_n3A_855 : vector<16xi1>, vector<16xf32>
      %swap3A_869 = arith.constant 192 : index
      %swap3A_870 = tpu.vector_load %arg7[%swap3A_869] {strides = array<i32>} : memref<208xf32, #tpu.memory_space<vmem>>, vector<16xf32>,
      tpu.vector_store %arg7[%swap3A_869], %broadcast_in_dim3A_707 {strides = array<i32>} : memref<208xf32, #tpu.memory_space<vmem>>, vector<16xf32>,
      %get3A_871 = arith.constant 192 : index
      %get3A_872 = tpu.vector_load %arg5[%get3A_871] {strides = array<i32>} : memref<208xf32, #tpu.memory_space<vmem>>, vector<16xf32>,
      %reduce_max3A_873 = arith.constant true
      %reduce_max3A_874 = vector.broadcast %reduce_max3A_873 : i1 to vector<16xi1>
      %reduce_max3A_875 = tpu.scan <max>, %get3A_872 masked %reduce_max3A_874 : vector<16xf32>, vector<16xi1> -> vector<16xf32>
      %reduce_max3A_876 = vector.extract %reduce_max3A_875[15] : f32 from vector<16xf32>
      %eq3A_877 = arith.constant 12 : i32
      %eq3A_878 = vector.broadcast %eq3A_877 : i32 to vector<16xi32>
      %eq3A_879 = arith.cmpi eq, %iota3A_703, %eq3A_878 : vector<16xi32>
      %broadcast_in_dim3A_880 = vector.broadcast %reduce_max3A_876 : f32 to vector<16xf32>
      %select_n3A_881 = arith.select %eq3A_879, %broadcast_in_dim3A_880, %select_n3A_868 : vector<16xi1>, vector<16xf32>
      %reduce_max3A_882 = arith.constant true
      %reduce_max3A_883 = vector.broadcast %reduce_max3A_882 : i1 to vector<16xi1>
      %reduce_max3A_884 = tpu.scan <max>, %select_n3A_881 masked %reduce_max3A_883 : vector<16xf32>, vector<16xi1> -> vector<16xf32>
      %reduce_max3A_885 = vector.extract %reduce_max3A_884[15] : f32 from vector<16xf32>
      %while3A_886:2 = scf.while (%while3A_1420 = %reduce_max3A_885, %while3A_1421 = %select_n3A_881) : (f32, vector<16xf32>) -> (f32, vector<16xf32>) {
        %gt3A_1422 = arith.constant -1.000000e+29 : f32
        %gt3A_1423 = arith.cmpf ogt, %while3A_1420, %gt3A_1422 : f32
        scf.condition(%gt3A_1423) %while3A_1420, %while3A_1421 : f32, vector<16xf32>
      } do {
      ^bb0(%while3A_1420: f32, %while3A_1421: vector<16xf32>):
        %broadcast_in_dim3A_1422 = vector.broadcast %while3A_1420 : f32 to vector<16xf32>
        %eq3A_1423 = arith.cmpf oeq, %while3A_1421, %broadcast_in_dim3A_1422 : vector<16xf32>
        %all_reduce_ffs3A = tpu.all_reduce %eq3A_1423 {dim = 0 : i64, kind = #tpu.reduction_kind<find_first_set>} : vector<16xi1> -> vector<16xi32>
        %mul3A_1424 = arith.constant 16 : i32
        %mul3A_1425 = vector.broadcast %mul3A_1424 : i32 to vector<16xi32>
        %mul3A_1426 = arith.muli %all_reduce_ffs3A, %mul3A_1425 : vector<16xi32>
        %add3A_1427 = arith.addi %mul3A_1426, %iota3A_703 : vector<16xi32>
        %gather3A = tpu.vector_load_idx %arg5[%add3A_1427] : memref<208xf32, #tpu.memory_space<vmem>>[vector<16xi32>], vector<16xf32>,
        %eq3A_1428 = arith.cmpf oeq, %gather3A, %broadcast_in_dim3A_1422 : vector<16xf32>
        %all_reduce_ffs3A_1429 = tpu.all_reduce %eq3A_1428 {dim = 0 : i64, kind = #tpu.reduction_kind<find_first_set>} : vector<16xi1> -> vector<16xi32>
        %mul3A_1430 = arith.constant 16 : i32
        %mul3A_1431 = vector.broadcast %mul3A_1430 : i32 to vector<16xi32>
        %mul3A_1432 = arith.muli %all_reduce_ffs3A, %mul3A_1431 : vector<16xi32>
        %add3A_1433 = arith.addi %mul3A_1432, %all_reduce_ffs3A_1429 : vector<16xi32>
        tpu.vector_store_idx %arg7[%add3A_1433], %broadcast_in_dim3A_705 masked %eq3A_710 : memref<208xf32, #tpu.memory_space<vmem>>[vector<16xi32>], vector<16xf32>, vector<16xi1>
        %add3A_1434 = arith.constant -1 : i32
        %add3A_1435 = vector.broadcast %add3A_1434 : i32 to vector<16xi32>
        %add3A_1436 = arith.addi %all_reduce_ffs3A, %add3A_1435 : vector<16xi32>
        %jit3A_1437 = arith.constant 0 : i32
        %jit3A_1438 = arith.constant 12 : i32
        %max3A = vector.broadcast %jit3A_1437 : i32 to vector<16xi32>
        %max3A_1439 = arith.maxsi %max3A, %add3A_1436 : vector<16xi32>
        %min3A = vector.broadcast %jit3A_1438 : i32 to vector<16xi32>
        %min3A_1440 = arith.minsi %min3A, %max3A_1439 : vector<16xi32>
        %mul3A_1441 = arith.constant 16 : i32
        %mul3A_1442 = vector.broadcast %mul3A_1441 : i32 to vector<16xi32>
        %mul3A_1443 = arith.muli %min3A_1440, %mul3A_1442 : vector<16xi32>
        %add3A_1444 = arith.addi %mul3A_1443, %iota3A_703 : vector<16xi32>
        %gather3A_1445 = tpu.vector_load_idx %arg5[%add3A_1444] : memref<208xf32, #tpu.memory_space<vmem>>[vector<16xi32>], vector<16xf32>,
        %sub3A_1446 = arith.constant 10 : i32
        %sub3A_1447 = vector.broadcast %sub3A_1446 : i32 to vector<16xi32>
        %sub3A_1448 = arith.subi %add3A_1433, %sub3A_1447 : vector<16xi32>
        %ge3A = arith.cmpi sge, %add3A_1444, %sub3A_1448 : vector<16xi32>
        %add3A_1449 = arith.constant 10 : i32
        %add3A_1450 = vector.broadcast %add3A_1449 : i32 to vector<16xi32>
        %add3A_1451 = arith.addi %add3A_1433, %add3A_1450 : vector<16xi32>
        %le3A = arith.cmpi sle, %add3A_1444, %add3A_1451 : vector<16xi32>
        %and3A_1452 = arith.andi %ge3A, %le3A : vector<16xi1>
        %eq3A_1453 = arith.cmpi eq, %add3A_1436, %min3A_1440 : vector<16xi32>
        %and3A_1454 = arith.andi %and3A_1452, %eq3A_1453 : vector<16xi1>
        %jit3A_1455 = arith.constant -3.000000e+38 : f32
        %broadcast_in_dim3A_1456 = vector.broadcast %jit3A_1455 : f32 to vector<16xf32>
        %select_n3A_1457 = arith.select %and3A_1454, %broadcast_in_dim3A_1456, %gather3A_1445 : vector<16xi1>, vector<16xf32>
        tpu.vector_store_idx %arg5[%add3A_1444], %select_n3A_1457 : memref<208xf32, #tpu.memory_space<vmem>>[vector<16xi32>], vector<16xf32>,
        %reduce_max3A_1458 = arith.constant true
        %reduce_max3A_1459 = vector.broadcast %reduce_max3A_1458 : i1 to vector<16xi1>
        %reduce_max3A_1460 = tpu.scan <max>, %select_n3A_1457 masked %reduce_max3A_1459 : vector<16xf32>, vector<16xi1> -> vector<16xf32>
        %reduce_max3A_1461 = vector.extract %reduce_max3A_1460[15] : f32 from vector<16xf32>
        %eq3A_1462 = arith.cmpi eq, %iota3A_703, %min3A_1440 : vector<16xi32>
        %broadcast_in_dim3A_1463 = vector.broadcast %reduce_max3A_1461 : f32 to vector<16xf32>
        %select_n3A_1464 = arith.select %eq3A_1462, %broadcast_in_dim3A_1463, %while3A_1421 : vector<16xi1>, vector<16xf32>
        %add3A_1465 = arith.constant 0 : i32
        %add3A_1466 = vector.broadcast %add3A_1465 : i32 to vector<16xi32>
        %add3A_1467 = arith.addi %all_reduce_ffs3A, %add3A_1466 : vector<16xi32>
        %jit3A_1468 = arith.constant 0 : i32
        %jit3A_1469 = arith.constant 12 : i32
        %max3A_1470 = vector.broadcast %jit3A_1468 : i32 to vector<16xi32>
        %max3A_1471 = arith.maxsi %max3A_1470, %add3A_1467 : vector<16xi32>
        %min3A_1472 = vector.broadcast %jit3A_1469 : i32 to vector<16xi32>
        %min3A_1473 = arith.minsi %min3A_1472, %max3A_1471 : vector<16xi32>
        %mul3A_1474 = arith.constant 16 : i32
        %mul3A_1475 = vector.broadcast %mul3A_1474 : i32 to vector<16xi32>
        %mul3A_1476 = arith.muli %min3A_1473, %mul3A_1475 : vector<16xi32>
        %add3A_1477 = arith.addi %mul3A_1476, %iota3A_703 : vector<16xi32>
        %sub3A_1478 = arith.constant 10 : i32
        %sub3A_1479 = vector.broadcast %sub3A_1478 : i32 to vector<16xi32>
        %sub3A_1480 = arith.subi %add3A_1433, %sub3A_1479 : vector<16xi32>
        %ge3A_1481 = arith.cmpi sge, %add3A_1477, %sub3A_1480 : vector<16xi32>
        %add3A_1482 = arith.constant 10 : i32
        %add3A_1483 = vector.broadcast %add3A_1482 : i32 to vector<16xi32>
        %add3A_1484 = arith.addi %add3A_1433, %add3A_1483 : vector<16xi32>
        %le3A_1485 = arith.cmpi sle, %add3A_1477, %add3A_1484 : vector<16xi32>
        %and3A_1486 = arith.andi %ge3A_1481, %le3A_1485 : vector<16xi1>
        %eq3A_1487 = arith.cmpi eq, %add3A_1467, %min3A_1473 : vector<16xi32>
        %and3A_1488 = arith.andi %and3A_1486, %eq3A_1487 : vector<16xi1>
        %jit3A_1489 = arith.constant -3.000000e+38 : f32
        %broadcast_in_dim3A_1490 = vector.broadcast %jit3A_1489 : f32 to vector<16xf32>
        %select_n3A_1491 = arith.select %and3A_1488, %broadcast_in_dim3A_1490, %gather3A : vector<16xi1>, vector<16xf32>
        tpu.vector_store_idx %arg5[%add3A_1477], %select_n3A_1491 : memref<208xf32, #tpu.memory_space<vmem>>[vector<16xi32>], vector<16xf32>,
        %reduce_max3A_1492 = arith.constant true
        %reduce_max3A_1493 = vector.broadcast %reduce_max3A_1492 : i1 to vector<16xi1>
        %reduce_max3A_1494 = tpu.scan <max>, %select_n3A_1491 masked %reduce_max3A_1493 : vector<16xf32>, vector<16xi1> -> vector<16xf32>
        %reduce_max3A_1495 = vector.extract %reduce_max3A_1494[15] : f32 from vector<16xf32>
        %eq3A_1496 = arith.cmpi eq, %iota3A_703, %min3A_1473 : vector<16xi32>
        %broadcast_in_dim3A_1497 = vector.broadcast %reduce_max3A_1495 : f32 to vector<16xf32>
        %select_n3A_1498 = arith.select %eq3A_1496, %broadcast_in_dim3A_1497, %select_n3A_1464 : vector<16xi1>, vector<16xf32>
        %add3A_1499 = arith.constant 1 : i32
        %add3A_1500 = vector.broadcast %add3A_1499 : i32 to vector<16xi32>
        %add3A_1501 = arith.addi %all_reduce_ffs3A, %add3A_1500 : vector<16xi32>
        %jit3A_1502 = arith.constant 0 : i32
        %jit3A_1503 = arith.constant 12 : i32
        %max3A_1504 = vector.broadcast %jit3A_1502 : i32 to vector<16xi32>
        %max3A_1505 = arith.maxsi %max3A_1504, %add3A_1501 : vector<16xi32>
        %min3A_1506 = vector.broadcast %jit3A_1503 : i32 to vector<16xi32>
        %min3A_1507 = arith.minsi %min3A_1506, %max3A_1505 : vector<16xi32>
        %mul3A_1508 = arith.constant 16 : i32
        %mul3A_1509 = vector.broadcast %mul3A_1508 : i32 to vector<16xi32>
        %mul3A_1510 = arith.muli %min3A_1507, %mul3A_1509 : vector<16xi32>
        %add3A_1511 = arith.addi %mul3A_1510, %iota3A_703 : vector<16xi32>
        %gather3A_1512 = tpu.vector_load_idx %arg5[%add3A_1511] : memref<208xf32, #tpu.memory_space<vmem>>[vector<16xi32>], vector<16xf32>,
        %sub3A_1513 = arith.constant 10 : i32
        %sub3A_1514 = vector.broadcast %sub3A_1513 : i32 to vector<16xi32>
        %sub3A_1515 = arith.subi %add3A_1433, %sub3A_1514 : vector<16xi32>
        %ge3A_1516 = arith.cmpi sge, %add3A_1511, %sub3A_1515 : vector<16xi32>
        %add3A_1517 = arith.constant 10 : i32
        %add3A_1518 = vector.broadcast %add3A_1517 : i32 to vector<16xi32>
        %add3A_1519 = arith.addi %add3A_1433, %add3A_1518 : vector<16xi32>
        %le3A_1520 = arith.cmpi sle, %add3A_1511, %add3A_1519 : vector<16xi32>
        %and3A_1521 = arith.andi %ge3A_1516, %le3A_1520 : vector<16xi1>
        %eq3A_1522 = arith.cmpi eq, %add3A_1501, %min3A_1507 : vector<16xi32>
        %and3A_1523 = arith.andi %and3A_1521, %eq3A_1522 : vector<16xi1>
        %jit3A_1524 = arith.constant -3.000000e+38 : f32
        %broadcast_in_dim3A_1525 = vector.broadcast %jit3A_1524 : f32 to vector<16xf32>
        %select_n3A_1526 = arith.select %and3A_1523, %broadcast_in_dim3A_1525, %gather3A_1512 : vector<16xi1>, vector<16xf32>
        tpu.vector_store_idx %arg5[%add3A_1511], %select_n3A_1526 : memref<208xf32, #tpu.memory_space<vmem>>[vector<16xi32>], vector<16xf32>,
        %reduce_max3A_1527 = arith.constant true
        %reduce_max3A_1528 = vector.broadcast %reduce_max3A_1527 : i1 to vector<16xi1>
        %reduce_max3A_1529 = tpu.scan <max>, %select_n3A_1526 masked %reduce_max3A_1528 : vector<16xf32>, vector<16xi1> -> vector<16xf32>
        %reduce_max3A_1530 = vector.extract %reduce_max3A_1529[15] : f32 from vector<16xf32>
        %eq3A_1531 = arith.cmpi eq, %iota3A_703, %min3A_1507 : vector<16xi32>
        %broadcast_in_dim3A_1532 = vector.broadcast %reduce_max3A_1530 : f32 to vector<16xf32>
        %select_n3A_1533 = arith.select %eq3A_1531, %broadcast_in_dim3A_1532, %select_n3A_1498 : vector<16xi1>, vector<16xf32>
        %reduce_max3A_1534 = arith.constant true
        %reduce_max3A_1535 = vector.broadcast %reduce_max3A_1534 : i1 to vector<16xi1>
        %reduce_max3A_1536 = tpu.scan <max>, %select_n3A_1533 masked %reduce_max3A_1535 : vector<16xf32>, vector<16xi1> -> vector<16xf32>
        %reduce_max3A_1537 = vector.extract %reduce_max3A_1536[15] : f32 from vector<16xf32>
        scf.yield %reduce_max3A_1537, %select_n3A_1533 : f32, vector<16xf32>
      }
      %swap3A_887 = arith.constant 0 : index
      %swap3A_888 = tpu.vector_load %arg8[%swap3A_887] {strides = array<i32>} : memref<32xf32, #tpu.memory_space<vmem>>, vector<16xf32>,
      tpu.vector_store %arg8[%swap3A_887], %broadcast_in_dim3A_707 {strides = array<i32>} : memref<32xf32, #tpu.memory_space<vmem>>, vector<16xf32>,
      %swap3A_889 = arith.constant 0 : index
      %swap3A_890 = tpu.vector_load %arg9[%swap3A_889] {strides = array<i32>} : memref<32xf32, #tpu.memory_space<vmem>>, vector<16xf32>,
      tpu.vector_store %arg9[%swap3A_889], %broadcast_in_dim3A_707 {strides = array<i32>} : memref<32xf32, #tpu.memory_space<vmem>>, vector<16xf32>,
      %swap3A_891 = arith.constant 16 : index
      %swap3A_892 = tpu.vector_load %arg8[%swap3A_891] {strides = array<i32>} : memref<32xf32, #tpu.memory_space<vmem>>, vector<16xf32>,
      tpu.vector_store %arg8[%swap3A_891], %broadcast_in_dim3A_707 {strides = array<i32>} : memref<32xf32, #tpu.memory_space<vmem>>, vector<16xf32>,
      %swap3A_893 = arith.constant 16 : index
      %swap3A_894 = tpu.vector_load %arg9[%swap3A_893] {strides = array<i32>} : memref<32xf32, #tpu.memory_space<vmem>>, vector<16xf32>,
      tpu.vector_store %arg9[%swap3A_893], %broadcast_in_dim3A_707 {strides = array<i32>} : memref<32xf32, #tpu.memory_space<vmem>>, vector<16xf32>,
      %jit3A_895 = arith.constant 10 : i32
      %eq3A_896 = arith.constant 0 : i32
      %eq3A_897 = arith.cmpi eq, %jit3A_895, %eq3A_896 : i32
      %jit3A_898 = arith.constant 1 : i32
      %select_n3A_899 = arith.select %eq3A_897, %jit3A_898, %jit3A_895 : i32
      %rem3A_900 = arith.remsi %add3A_702, %select_n3A_899 : i32
      %ne3A_901 = arith.constant 0 : i32
      %ne3A_902 = arith.cmpi ne, %rem3A_900, %ne3A_901 : i32
      %lt3A_903 = arith.constant 0 : i32
      %lt3A_904 = arith.cmpi slt, %rem3A_900, %lt3A_903 : i32
      %lt3A_905 = arith.constant 0 : i32
      %lt3A_906 = arith.cmpi slt, %select_n3A_899, %lt3A_905 : i32
      %ne3A_907 = arith.xori %lt3A_904, %lt3A_906 : i1
      %and3A_908 = arith.andi %ne3A_907, %ne3A_902 : i1
      %add3A_909 = arith.addi %rem3A_900, %select_n3A_899 : i32
      %select_n3A_910 = arith.select %and3A_908, %add3A_909, %rem3A_900 : i32
      %get3A_911 = arith.constant 0 : index
      %get3A_912 = tpu.vector_load %arg7[%get3A_911] {strides = array<i32>} : memref<208xf32, #tpu.memory_space<vmem>>, vector<16xf32>,
      %gt3A_913 = arith.constant 0.000000e+00 : f32
      %gt3A_914 = vector.broadcast %gt3A_913 : f32 to vector<16xf32>
      %gt3A_915 = arith.cmpf ogt, %get3A_912, %gt3A_914 : vector<16xf32>
      %convert_element_type3A_916 = arith.extui %gt3A_915 : vector<16xi1> to vector<16xi32>
      %broadcast_in_dim3A_917 = arith.constant true
      %broadcast_in_dim3A_918 = vector.broadcast %broadcast_in_dim3A_917 : i1 to vector<16xi1>
      %masked_cumsum3A_919 = tpu.scan <sum>, %convert_element_type3A_916 masked %broadcast_in_dim3A_918 : vector<16xi32>, vector<16xi1> -> vector<16xi32>
      %add3A_920 = arith.constant 0 : i32
      %add3A_921 = vector.broadcast %add3A_920 : i32 to vector<16xi32>
      %add3A_922 = arith.addi %add3A_921, %masked_cumsum3A_919 : vector<16xi32>
      %sub3A_923 = arith.constant 1 : i32
      %sub3A_924 = vector.broadcast %sub3A_923 : i32 to vector<16xi32>
      %sub3A_925 = arith.subi %add3A_922, %sub3A_924 : vector<16xi32>
      %get3A_926 = arith.constant 0 : index
      %get3A_927 = tpu.vector_load %arg6[%get3A_926] {strides = array<i32>} : memref<208xf32, #tpu.memory_space<vmem>>, vector<16xf32>,
      %neg3A_928 = arith.constant 0.000000e+00 : f32
      %neg3A_929 = vector.broadcast %neg3A_928 : f32 to vector<16xf32>
      %neg3A_930 = arith.subf %neg3A_929, %get3A_927 : vector<16xf32>
      %exp3A_931 = math.exp %neg3A_930 : vector<16xf32>
      %add3A_932 = arith.constant 1.000000e+00 : f32
      %add3A_933 = vector.broadcast %add3A_932 : f32 to vector<16xf32>
      %add3A_934 = arith.addf %add3A_933, %exp3A_931 : vector<16xf32>
      %div3A_935 = arith.constant 1.000000e+00 : f32
      %div3A_936 = vector.broadcast %div3A_935 : f32 to vector<16xf32>
      %div3A_937 = arith.divf %div3A_936, %add3A_934 : vector<16xf32>
      tpu.vector_store_idx %arg8[%sub3A_925], %div3A_937 masked %gt3A_915 : memref<32xf32, #tpu.memory_space<vmem>>[vector<16xi32>], vector<16xf32>, vector<16xi1>
      %mul3A_938 = arith.constant 200 : i32
      %mul3A_939 = arith.muli %select_n3A_910, %mul3A_938 : i32
      %add3A_940 = vector.broadcast %mul3A_939 : i32 to vector<16xi32>
      %add3A_941 = arith.addi %add3A_940, %iota3A_703 : vector<16xi32>
      %add3A_942 = arith.constant 0 : i32
      %add3A_943 = vector.broadcast %add3A_942 : i32 to vector<16xi32>
      %add3A_944 = arith.addi %add3A_941, %add3A_943 : vector<16xi32>
      %convert_element_type3A_945 = arith.sitofp %add3A_944 : vector<16xi32> to vector<16xf32>
      tpu.vector_store_idx %arg9[%sub3A_925], %convert_element_type3A_945 masked %gt3A_915 : memref<32xf32, #tpu.memory_space<vmem>>[vector<16xi32>], vector<16xf32>, vector<16xi1>
      %reduce_sum3A_946 = arith.constant true
      %reduce_sum3A_947 = vector.broadcast %reduce_sum3A_946 : i1 to vector<16xi1>
      %reduce_sum3A_948 = tpu.scan <sum>, %convert_element_type3A_916 masked %reduce_sum3A_947 : vector<16xi32>, vector<16xi1> -> vector<16xi32>
      %reduce_sum3A_949 = vector.extract %reduce_sum3A_948[15] : i32 from vector<16xi32>
      %add3A_950 = arith.constant 0 : i32
      %add3A_951 = arith.addi %add3A_950, %reduce_sum3A_949 : i32
      %get3A_952 = arith.constant 16 : index
      %get3A_953 = tpu.vector_load %arg7[%get3A_952] {strides = array<i32>} : memref<208xf32, #tpu.memory_space<vmem>>, vector<16xf32>,
      %gt3A_954 = arith.constant 0.000000e+00 : f32
      %gt3A_955 = vector.broadcast %gt3A_954 : f32 to vector<16xf32>
      %gt3A_956 = arith.cmpf ogt, %get3A_953, %gt3A_955 : vector<16xf32>
      %convert_element_type3A_957 = arith.extui %gt3A_956 : vector<16xi1> to vector<16xi32>
      %broadcast_in_dim3A_958 = arith.constant true
      %broadcast_in_dim3A_959 = vector.broadcast %broadcast_in_dim3A_958 : i1 to vector<16xi1>
      %masked_cumsum3A_960 = tpu.scan <sum>, %convert_element_type3A_957 masked %broadcast_in_dim3A_959 : vector<16xi32>, vector<16xi1> -> vector<16xi32>
      %add3A_961 = vector.broadcast %add3A_951 : i32 to vector<16xi32>
      %add3A_962 = arith.addi %add3A_961, %masked_cumsum3A_960 : vector<16xi32>
      %sub3A_963 = arith.constant 1 : i32
      %sub3A_964 = vector.broadcast %sub3A_963 : i32 to vector<16xi32>
      %sub3A_965 = arith.subi %add3A_962, %sub3A_964 : vector<16xi32>
      %get3A_966 = arith.constant 16 : index
      %get3A_967 = tpu.vector_load %arg6[%get3A_966] {strides = array<i32>} : memref<208xf32, #tpu.memory_space<vmem>>, vector<16xf32>,
      %neg3A_968 = arith.constant 0.000000e+00 : f32
      %neg3A_969 = vector.broadcast %neg3A_968 : f32 to vector<16xf32>
      %neg3A_970 = arith.subf %neg3A_969, %get3A_967 : vector<16xf32>
      %exp3A_971 = math.exp %neg3A_970 : vector<16xf32>
      %add3A_972 = arith.constant 1.000000e+00 : f32
      %add3A_973 = vector.broadcast %add3A_972 : f32 to vector<16xf32>
      %add3A_974 = arith.addf %add3A_973, %exp3A_971 : vector<16xf32>
      %div3A_975 = arith.constant 1.000000e+00 : f32
      %div3A_976 = vector.broadcast %div3A_975 : f32 to vector<16xf32>
      %div3A_977 = arith.divf %div3A_976, %add3A_974 : vector<16xf32>
      tpu.vector_store_idx %arg8[%sub3A_965], %div3A_977 masked %gt3A_956 : memref<32xf32, #tpu.memory_space<vmem>>[vector<16xi32>], vector<16xf32>, vector<16xi1>
      %mul3A_978 = arith.constant 200 : i32
      %mul3A_979 = arith.muli %select_n3A_910, %mul3A_978 : i32
      %add3A_980 = vector.broadcast %mul3A_979 : i32 to vector<16xi32>
      %add3A_981 = arith.addi %add3A_980, %iota3A_703 : vector<16xi32>
      %add3A_982 = arith.constant 16 : i32
      %add3A_983 = vector.broadcast %add3A_982 : i32 to vector<16xi32>
      %add3A_984 = arith.addi %add3A_981, %add3A_983 : vector<16xi32>
      %convert_element_type3A_985 = arith.sitofp %add3A_984 : vector<16xi32> to vector<16xf32>
      tpu.vector_store_idx %arg9[%sub3A_965], %convert_element_type3A_985 masked %gt3A_956 : memref<32xf32, #tpu.memory_space<vmem>>[vector<16xi32>], vector<16xf32>, vector<16xi1>
      %reduce_sum3A_986 = arith.constant true
      %reduce_sum3A_987 = vector.broadcast %reduce_sum3A_986 : i1 to vector<16xi1>
      %reduce_sum3A_988 = tpu.scan <sum>, %convert_element_type3A_957 masked %reduce_sum3A_987 : vector<16xi32>, vector<16xi1> -> vector<16xi32>
      %reduce_sum3A_989 = vector.extract %reduce_sum3A_988[15] : i32 from vector<16xi32>
      %add3A_990 = arith.addi %add3A_951, %reduce_sum3A_989 : i32
      %get3A_991 = arith.constant 32 : index
      %get3A_992 = tpu.vector_load %arg7[%get3A_991] {strides = array<i32>} : memref<208xf32, #tpu.memory_space<vmem>>, vector<16xf32>,
      %gt3A_993 = arith.constant 0.000000e+00 : f32
      %gt3A_994 = vector.broadcast %gt3A_993 : f32 to vector<16xf32>
      %gt3A_995 = arith.cmpf ogt, %get3A_992, %gt3A_994 : vector<16xf32>
      %convert_element_type3A_996 = arith.extui %gt3A_995 : vector<16xi1> to vector<16xi32>
      %broadcast_in_dim3A_997 = arith.constant true
      %broadcast_in_dim3A_998 = vector.broadcast %broadcast_in_dim3A_997 : i1 to vector<16xi1>
      %masked_cumsum3A_999 = tpu.scan <sum>, %convert_element_type3A_996 masked %broadcast_in_dim3A_998 : vector<16xi32>, vector<16xi1> -> vector<16xi32>
      %add3A_1000 = vector.broadcast %add3A_990 : i32 to vector<16xi32>
      %add3A_1001 = arith.addi %add3A_1000, %masked_cumsum3A_999 : vector<16xi32>
      %sub3A_1002 = arith.constant 1 : i32
      %sub3A_1003 = vector.broadcast %sub3A_1002 : i32 to vector<16xi32>
      %sub3A_1004 = arith.subi %add3A_1001, %sub3A_1003 : vector<16xi32>
      %get3A_1005 = arith.constant 32 : index
      %get3A_1006 = tpu.vector_load %arg6[%get3A_1005] {strides = array<i32>} : memref<208xf32, #tpu.memory_space<vmem>>, vector<16xf32>,
      %neg3A_1007 = arith.constant 0.000000e+00 : f32
      %neg3A_1008 = vector.broadcast %neg3A_1007 : f32 to vector<16xf32>
      %neg3A_1009 = arith.subf %neg3A_1008, %get3A_1006 : vector<16xf32>
      %exp3A_1010 = math.exp %neg3A_1009 : vector<16xf32>
      %add3A_1011 = arith.constant 1.000000e+00 : f32
      %add3A_1012 = vector.broadcast %add3A_1011 : f32 to vector<16xf32>
      %add3A_1013 = arith.addf %add3A_1012, %exp3A_1010 : vector<16xf32>
      %div3A_1014 = arith.constant 1.000000e+00 : f32
      %div3A_1015 = vector.broadcast %div3A_1014 : f32 to vector<16xf32>
      %div3A_1016 = arith.divf %div3A_1015, %add3A_1013 : vector<16xf32>
      tpu.vector_store_idx %arg8[%sub3A_1004], %div3A_1016 masked %gt3A_995 : memref<32xf32, #tpu.memory_space<vmem>>[vector<16xi32>], vector<16xf32>, vector<16xi1>
      %mul3A_1017 = arith.constant 200 : i32
      %mul3A_1018 = arith.muli %select_n3A_910, %mul3A_1017 : i32
      %add3A_1019 = vector.broadcast %mul3A_1018 : i32 to vector<16xi32>
      %add3A_1020 = arith.addi %add3A_1019, %iota3A_703 : vector<16xi32>
      %add3A_1021 = arith.constant 32 : i32
      %add3A_1022 = vector.broadcast %add3A_1021 : i32 to vector<16xi32>
      %add3A_1023 = arith.addi %add3A_1020, %add3A_1022 : vector<16xi32>
      %convert_element_type3A_1024 = arith.sitofp %add3A_1023 : vector<16xi32> to vector<16xf32>
      tpu.vector_store_idx %arg9[%sub3A_1004], %convert_element_type3A_1024 masked %gt3A_995 : memref<32xf32, #tpu.memory_space<vmem>>[vector<16xi32>], vector<16xf32>, vector<16xi1>
      %reduce_sum3A_1025 = arith.constant true
      %reduce_sum3A_1026 = vector.broadcast %reduce_sum3A_1025 : i1 to vector<16xi1>
      %reduce_sum3A_1027 = tpu.scan <sum>, %convert_element_type3A_996 masked %reduce_sum3A_1026 : vector<16xi32>, vector<16xi1> -> vector<16xi32>
      %reduce_sum3A_1028 = vector.extract %reduce_sum3A_1027[15] : i32 from vector<16xi32>
      %add3A_1029 = arith.addi %add3A_990, %reduce_sum3A_1028 : i32
      %get3A_1030 = arith.constant 48 : index
      %get3A_1031 = tpu.vector_load %arg7[%get3A_1030] {strides = array<i32>} : memref<208xf32, #tpu.memory_space<vmem>>, vector<16xf32>,
      %gt3A_1032 = arith.constant 0.000000e+00 : f32
      %gt3A_1033 = vector.broadcast %gt3A_1032 : f32 to vector<16xf32>
      %gt3A_1034 = arith.cmpf ogt, %get3A_1031, %gt3A_1033 : vector<16xf32>
      %convert_element_type3A_1035 = arith.extui %gt3A_1034 : vector<16xi1> to vector<16xi32>
      %broadcast_in_dim3A_1036 = arith.constant true
      %broadcast_in_dim3A_1037 = vector.broadcast %broadcast_in_dim3A_1036 : i1 to vector<16xi1>
      %masked_cumsum3A_1038 = tpu.scan <sum>, %convert_element_type3A_1035 masked %broadcast_in_dim3A_1037 : vector<16xi32>, vector<16xi1> -> vector<16xi32>
      %add3A_1039 = vector.broadcast %add3A_1029 : i32 to vector<16xi32>
      %add3A_1040 = arith.addi %add3A_1039, %masked_cumsum3A_1038 : vector<16xi32>
      %sub3A_1041 = arith.constant 1 : i32
      %sub3A_1042 = vector.broadcast %sub3A_1041 : i32 to vector<16xi32>
      %sub3A_1043 = arith.subi %add3A_1040, %sub3A_1042 : vector<16xi32>
      %get3A_1044 = arith.constant 48 : index
      %get3A_1045 = tpu.vector_load %arg6[%get3A_1044] {strides = array<i32>} : memref<208xf32, #tpu.memory_space<vmem>>, vector<16xf32>,
      %neg3A_1046 = arith.constant 0.000000e+00 : f32
      %neg3A_1047 = vector.broadcast %neg3A_1046 : f32 to vector<16xf32>
      %neg3A_1048 = arith.subf %neg3A_1047, %get3A_1045 : vector<16xf32>
      %exp3A_1049 = math.exp %neg3A_1048 : vector<16xf32>
      %add3A_1050 = arith.constant 1.000000e+00 : f32
      %add3A_1051 = vector.broadcast %add3A_1050 : f32 to vector<16xf32>
      %add3A_1052 = arith.addf %add3A_1051, %exp3A_1049 : vector<16xf32>
      %div3A_1053 = arith.constant 1.000000e+00 : f32
      %div3A_1054 = vector.broadcast %div3A_1053 : f32 to vector<16xf32>
      %div3A_1055 = arith.divf %div3A_1054, %add3A_1052 : vector<16xf32>
      tpu.vector_store_idx %arg8[%sub3A_1043], %div3A_1055 masked %gt3A_1034 : memref<32xf32, #tpu.memory_space<vmem>>[vector<16xi32>], vector<16xf32>, vector<16xi1>
      %mul3A_1056 = arith.constant 200 : i32
      %mul3A_1057 = arith.muli %select_n3A_910, %mul3A_1056 : i32
      %add3A_1058 = vector.broadcast %mul3A_1057 : i32 to vector<16xi32>
      %add3A_1059 = arith.addi %add3A_1058, %iota3A_703 : vector<16xi32>
      %add3A_1060 = arith.constant 48 : i32
      %add3A_1061 = vector.broadcast %add3A_1060 : i32 to vector<16xi32>
      %add3A_1062 = arith.addi %add3A_1059, %add3A_1061 : vector<16xi32>
      %convert_element_type3A_1063 = arith.sitofp %add3A_1062 : vector<16xi32> to vector<16xf32>
      tpu.vector_store_idx %arg9[%sub3A_1043], %convert_element_type3A_1063 masked %gt3A_1034 : memref<32xf32, #tpu.memory_space<vmem>>[vector<16xi32>], vector<16xf32>, vector<16xi1>
      %reduce_sum3A_1064 = arith.constant true
      %reduce_sum3A_1065 = vector.broadcast %reduce_sum3A_1064 : i1 to vector<16xi1>
      %reduce_sum3A_1066 = tpu.scan <sum>, %convert_element_type3A_1035 masked %reduce_sum3A_1065 : vector<16xi32>, vector<16xi1> -> vector<16xi32>
      %reduce_sum3A_1067 = vector.extract %reduce_sum3A_1066[15] : i32 from vector<16xi32>
      %add3A_1068 = arith.addi %add3A_1029, %reduce_sum3A_1067 : i32
      %get3A_1069 = arith.constant 64 : index
      %get3A_1070 = tpu.vector_load %arg7[%get3A_1069] {strides = array<i32>} : memref<208xf32, #tpu.memory_space<vmem>>, vector<16xf32>,
      %gt3A_1071 = arith.constant 0.000000e+00 : f32
      %gt3A_1072 = vector.broadcast %gt3A_1071 : f32 to vector<16xf32>
      %gt3A_1073 = arith.cmpf ogt, %get3A_1070, %gt3A_1072 : vector<16xf32>
      %convert_element_type3A_1074 = arith.extui %gt3A_1073 : vector<16xi1> to vector<16xi32>
      %broadcast_in_dim3A_1075 = arith.constant true
      %broadcast_in_dim3A_1076 = vector.broadcast %broadcast_in_dim3A_1075 : i1 to vector<16xi1>
      %masked_cumsum3A_1077 = tpu.scan <sum>, %convert_element_type3A_1074 masked %broadcast_in_dim3A_1076 : vector<16xi32>, vector<16xi1> -> vector<16xi32>
      %add3A_1078 = vector.broadcast %add3A_1068 : i32 to vector<16xi32>
      %add3A_1079 = arith.addi %add3A_1078, %masked_cumsum3A_1077 : vector<16xi32>
      %sub3A_1080 = arith.constant 1 : i32
      %sub3A_1081 = vector.broadcast %sub3A_1080 : i32 to vector<16xi32>
      %sub3A_1082 = arith.subi %add3A_1079, %sub3A_1081 : vector<16xi32>
      %get3A_1083 = arith.constant 64 : index
      %get3A_1084 = tpu.vector_load %arg6[%get3A_1083] {strides = array<i32>} : memref<208xf32, #tpu.memory_space<vmem>>, vector<16xf32>,
      %neg3A_1085 = arith.constant 0.000000e+00 : f32
      %neg3A_1086 = vector.broadcast %neg3A_1085 : f32 to vector<16xf32>
      %neg3A_1087 = arith.subf %neg3A_1086, %get3A_1084 : vector<16xf32>
      %exp3A_1088 = math.exp %neg3A_1087 : vector<16xf32>
      %add3A_1089 = arith.constant 1.000000e+00 : f32
      %add3A_1090 = vector.broadcast %add3A_1089 : f32 to vector<16xf32>
      %add3A_1091 = arith.addf %add3A_1090, %exp3A_1088 : vector<16xf32>
      %div3A_1092 = arith.constant 1.000000e+00 : f32
      %div3A_1093 = vector.broadcast %div3A_1092 : f32 to vector<16xf32>
      %div3A_1094 = arith.divf %div3A_1093, %add3A_1091 : vector<16xf32>
      tpu.vector_store_idx %arg8[%sub3A_1082], %div3A_1094 masked %gt3A_1073 : memref<32xf32, #tpu.memory_space<vmem>>[vector<16xi32>], vector<16xf32>, vector<16xi1>
      %mul3A_1095 = arith.constant 200 : i32
      %mul3A_1096 = arith.muli %select_n3A_910, %mul3A_1095 : i32
      %add3A_1097 = vector.broadcast %mul3A_1096 : i32 to vector<16xi32>
      %add3A_1098 = arith.addi %add3A_1097, %iota3A_703 : vector<16xi32>
      %add3A_1099 = arith.constant 64 : i32
      %add3A_1100 = vector.broadcast %add3A_1099 : i32 to vector<16xi32>
      %add3A_1101 = arith.addi %add3A_1098, %add3A_1100 : vector<16xi32>
      %convert_element_type3A_1102 = arith.sitofp %add3A_1101 : vector<16xi32> to vector<16xf32>
      tpu.vector_store_idx %arg9[%sub3A_1082], %convert_element_type3A_1102 masked %gt3A_1073 : memref<32xf32, #tpu.memory_space<vmem>>[vector<16xi32>], vector<16xf32>, vector<16xi1>
      %reduce_sum3A_1103 = arith.constant true
      %reduce_sum3A_1104 = vector.broadcast %reduce_sum3A_1103 : i1 to vector<16xi1>
      %reduce_sum3A_1105 = tpu.scan <sum>, %convert_element_type3A_1074 masked %reduce_sum3A_1104 : vector<16xi32>, vector<16xi1> -> vector<16xi32>
      %reduce_sum3A_1106 = vector.extract %reduce_sum3A_1105[15] : i32 from vector<16xi32>
      %add3A_1107 = arith.addi %add3A_1068, %reduce_sum3A_1106 : i32
      %get3A_1108 = arith.constant 80 : index
      %get3A_1109 = tpu.vector_load %arg7[%get3A_1108] {strides = array<i32>} : memref<208xf32, #tpu.memory_space<vmem>>, vector<16xf32>,
      %gt3A_1110 = arith.constant 0.000000e+00 : f32
      %gt3A_1111 = vector.broadcast %gt3A_1110 : f32 to vector<16xf32>
      %gt3A_1112 = arith.cmpf ogt, %get3A_1109, %gt3A_1111 : vector<16xf32>
      %convert_element_type3A_1113 = arith.extui %gt3A_1112 : vector<16xi1> to vector<16xi32>
      %broadcast_in_dim3A_1114 = arith.constant true
      %broadcast_in_dim3A_1115 = vector.broadcast %broadcast_in_dim3A_1114 : i1 to vector<16xi1>
      %masked_cumsum3A_1116 = tpu.scan <sum>, %convert_element_type3A_1113 masked %broadcast_in_dim3A_1115 : vector<16xi32>, vector<16xi1> -> vector<16xi32>
      %add3A_1117 = vector.broadcast %add3A_1107 : i32 to vector<16xi32>
      %add3A_1118 = arith.addi %add3A_1117, %masked_cumsum3A_1116 : vector<16xi32>
      %sub3A_1119 = arith.constant 1 : i32
      %sub3A_1120 = vector.broadcast %sub3A_1119 : i32 to vector<16xi32>
      %sub3A_1121 = arith.subi %add3A_1118, %sub3A_1120 : vector<16xi32>
      %get3A_1122 = arith.constant 80 : index
      %get3A_1123 = tpu.vector_load %arg6[%get3A_1122] {strides = array<i32>} : memref<208xf32, #tpu.memory_space<vmem>>, vector<16xf32>,
      %neg3A_1124 = arith.constant 0.000000e+00 : f32
      %neg3A_1125 = vector.broadcast %neg3A_1124 : f32 to vector<16xf32>
      %neg3A_1126 = arith.subf %neg3A_1125, %get3A_1123 : vector<16xf32>
      %exp3A_1127 = math.exp %neg3A_1126 : vector<16xf32>
      %add3A_1128 = arith.constant 1.000000e+00 : f32
      %add3A_1129 = vector.broadcast %add3A_1128 : f32 to vector<16xf32>
      %add3A_1130 = arith.addf %add3A_1129, %exp3A_1127 : vector<16xf32>
      %div3A_1131 = arith.constant 1.000000e+00 : f32
      %div3A_1132 = vector.broadcast %div3A_1131 : f32 to vector<16xf32>
      %div3A_1133 = arith.divf %div3A_1132, %add3A_1130 : vector<16xf32>
      tpu.vector_store_idx %arg8[%sub3A_1121], %div3A_1133 masked %gt3A_1112 : memref<32xf32, #tpu.memory_space<vmem>>[vector<16xi32>], vector<16xf32>, vector<16xi1>
      %mul3A_1134 = arith.constant 200 : i32
      %mul3A_1135 = arith.muli %select_n3A_910, %mul3A_1134 : i32
      %add3A_1136 = vector.broadcast %mul3A_1135 : i32 to vector<16xi32>
      %add3A_1137 = arith.addi %add3A_1136, %iota3A_703 : vector<16xi32>
      %add3A_1138 = arith.constant 80 : i32
      %add3A_1139 = vector.broadcast %add3A_1138 : i32 to vector<16xi32>
      %add3A_1140 = arith.addi %add3A_1137, %add3A_1139 : vector<16xi32>
      %convert_element_type3A_1141 = arith.sitofp %add3A_1140 : vector<16xi32> to vector<16xf32>
      tpu.vector_store_idx %arg9[%sub3A_1121], %convert_element_type3A_1141 masked %gt3A_1112 : memref<32xf32, #tpu.memory_space<vmem>>[vector<16xi32>], vector<16xf32>, vector<16xi1>
      %reduce_sum3A_1142 = arith.constant true
      %reduce_sum3A_1143 = vector.broadcast %reduce_sum3A_1142 : i1 to vector<16xi1>
      %reduce_sum3A_1144 = tpu.scan <sum>, %convert_element_type3A_1113 masked %reduce_sum3A_1143 : vector<16xi32>, vector<16xi1> -> vector<16xi32>
      %reduce_sum3A_1145 = vector.extract %reduce_sum3A_1144[15] : i32 from vector<16xi32>
      %add3A_1146 = arith.addi %add3A_1107, %reduce_sum3A_1145 : i32
      %get3A_1147 = arith.constant 96 : index
      %get3A_1148 = tpu.vector_load %arg7[%get3A_1147] {strides = array<i32>} : memref<208xf32, #tpu.memory_space<vmem>>, vector<16xf32>,
      %gt3A_1149 = arith.constant 0.000000e+00 : f32
      %gt3A_1150 = vector.broadcast %gt3A_1149 : f32 to vector<16xf32>
      %gt3A_1151 = arith.cmpf ogt, %get3A_1148, %gt3A_1150 : vector<16xf32>
      %convert_element_type3A_1152 = arith.extui %gt3A_1151 : vector<16xi1> to vector<16xi32>
      %broadcast_in_dim3A_1153 = arith.constant true
      %broadcast_in_dim3A_1154 = vector.broadcast %broadcast_in_dim3A_1153 : i1 to vector<16xi1>
      %masked_cumsum3A_1155 = tpu.scan <sum>, %convert_element_type3A_1152 masked %broadcast_in_dim3A_1154 : vector<16xi32>, vector<16xi1> -> vector<16xi32>
      %add3A_1156 = vector.broadcast %add3A_1146 : i32 to vector<16xi32>
      %add3A_1157 = arith.addi %add3A_1156, %masked_cumsum3A_1155 : vector<16xi32>
      %sub3A_1158 = arith.constant 1 : i32
      %sub3A_1159 = vector.broadcast %sub3A_1158 : i32 to vector<16xi32>
      %sub3A_1160 = arith.subi %add3A_1157, %sub3A_1159 : vector<16xi32>
      %get3A_1161 = arith.constant 96 : index
      %get3A_1162 = tpu.vector_load %arg6[%get3A_1161] {strides = array<i32>} : memref<208xf32, #tpu.memory_space<vmem>>, vector<16xf32>,
      %neg3A_1163 = arith.constant 0.000000e+00 : f32
      %neg3A_1164 = vector.broadcast %neg3A_1163 : f32 to vector<16xf32>
      %neg3A_1165 = arith.subf %neg3A_1164, %get3A_1162 : vector<16xf32>
      %exp3A_1166 = math.exp %neg3A_1165 : vector<16xf32>
      %add3A_1167 = arith.constant 1.000000e+00 : f32
      %add3A_1168 = vector.broadcast %add3A_1167 : f32 to vector<16xf32>
      %add3A_1169 = arith.addf %add3A_1168, %exp3A_1166 : vector<16xf32>
      %div3A_1170 = arith.constant 1.000000e+00 : f32
      %div3A_1171 = vector.broadcast %div3A_1170 : f32 to vector<16xf32>
      %div3A_1172 = arith.divf %div3A_1171, %add3A_1169 : vector<16xf32>
      tpu.vector_store_idx %arg8[%sub3A_1160], %div3A_1172 masked %gt3A_1151 : memref<32xf32, #tpu.memory_space<vmem>>[vector<16xi32>], vector<16xf32>, vector<16xi1>
      %mul3A_1173 = arith.constant 200 : i32
      %mul3A_1174 = arith.muli %select_n3A_910, %mul3A_1173 : i32
      %add3A_1175 = vector.broadcast %mul3A_1174 : i32 to vector<16xi32>
      %add3A_1176 = arith.addi %add3A_1175, %iota3A_703 : vector<16xi32>
      %add3A_1177 = arith.constant 96 : i32
      %add3A_1178 = vector.broadcast %add3A_1177 : i32 to vector<16xi32>
      %add3A_1179 = arith.addi %add3A_1176, %add3A_1178 : vector<16xi32>
      %convert_element_type3A_1180 = arith.sitofp %add3A_1179 : vector<16xi32> to vector<16xf32>
      tpu.vector_store_idx %arg9[%sub3A_1160], %convert_element_type3A_1180 masked %gt3A_1151 : memref<32xf32, #tpu.memory_space<vmem>>[vector<16xi32>], vector<16xf32>, vector<16xi1>
      %reduce_sum3A_1181 = arith.constant true
      %reduce_sum3A_1182 = vector.broadcast %reduce_sum3A_1181 : i1 to vector<16xi1>
      %reduce_sum3A_1183 = tpu.scan <sum>, %convert_element_type3A_1152 masked %reduce_sum3A_1182 : vector<16xi32>, vector<16xi1> -> vector<16xi32>
      %reduce_sum3A_1184 = vector.extract %reduce_sum3A_1183[15] : i32 from vector<16xi32>
      %add3A_1185 = arith.addi %add3A_1146, %reduce_sum3A_1184 : i32
      %get3A_1186 = arith.constant 112 : index
      %get3A_1187 = tpu.vector_load %arg7[%get3A_1186] {strides = array<i32>} : memref<208xf32, #tpu.memory_space<vmem>>, vector<16xf32>,
      %gt3A_1188 = arith.constant 0.000000e+00 : f32
      %gt3A_1189 = vector.broadcast %gt3A_1188 : f32 to vector<16xf32>
      %gt3A_1190 = arith.cmpf ogt, %get3A_1187, %gt3A_1189 : vector<16xf32>
      %convert_element_type3A_1191 = arith.extui %gt3A_1190 : vector<16xi1> to vector<16xi32>
      %broadcast_in_dim3A_1192 = arith.constant true
      %broadcast_in_dim3A_1193 = vector.broadcast %broadcast_in_dim3A_1192 : i1 to vector<16xi1>
      %masked_cumsum3A_1194 = tpu.scan <sum>, %convert_element_type3A_1191 masked %broadcast_in_dim3A_1193 : vector<16xi32>, vector<16xi1> -> vector<16xi32>
      %add3A_1195 = vector.broadcast %add3A_1185 : i32 to vector<16xi32>
      %add3A_1196 = arith.addi %add3A_1195, %masked_cumsum3A_1194 : vector<16xi32>
      %sub3A_1197 = arith.constant 1 : i32
      %sub3A_1198 = vector.broadcast %sub3A_1197 : i32 to vector<16xi32>
      %sub3A_1199 = arith.subi %add3A_1196, %sub3A_1198 : vector<16xi32>
      %get3A_1200 = arith.constant 112 : index
      %get3A_1201 = tpu.vector_load %arg6[%get3A_1200] {strides = array<i32>} : memref<208xf32, #tpu.memory_space<vmem>>, vector<16xf32>,
      %neg3A_1202 = arith.constant 0.000000e+00 : f32
      %neg3A_1203 = vector.broadcast %neg3A_1202 : f32 to vector<16xf32>
      %neg3A_1204 = arith.subf %neg3A_1203, %get3A_1201 : vector<16xf32>
      %exp3A_1205 = math.exp %neg3A_1204 : vector<16xf32>
      %add3A_1206 = arith.constant 1.000000e+00 : f32
      %add3A_1207 = vector.broadcast %add3A_1206 : f32 to vector<16xf32>
      %add3A_1208 = arith.addf %add3A_1207, %exp3A_1205 : vector<16xf32>
      %div3A_1209 = arith.constant 1.000000e+00 : f32
      %div3A_1210 = vector.broadcast %div3A_1209 : f32 to vector<16xf32>
      %div3A_1211 = arith.divf %div3A_1210, %add3A_1208 : vector<16xf32>
      tpu.vector_store_idx %arg8[%sub3A_1199], %div3A_1211 masked %gt3A_1190 : memref<32xf32, #tpu.memory_space<vmem>>[vector<16xi32>], vector<16xf32>, vector<16xi1>
      %mul3A_1212 = arith.constant 200 : i32
      %mul3A_1213 = arith.muli %select_n3A_910, %mul3A_1212 : i32
      %add3A_1214 = vector.broadcast %mul3A_1213 : i32 to vector<16xi32>
      %add3A_1215 = arith.addi %add3A_1214, %iota3A_703 : vector<16xi32>
      %add3A_1216 = arith.constant 112 : i32
      %add3A_1217 = vector.broadcast %add3A_1216 : i32 to vector<16xi32>
      %add3A_1218 = arith.addi %add3A_1215, %add3A_1217 : vector<16xi32>
      %convert_element_type3A_1219 = arith.sitofp %add3A_1218 : vector<16xi32> to vector<16xf32>
      tpu.vector_store_idx %arg9[%sub3A_1199], %convert_element_type3A_1219 masked %gt3A_1190 : memref<32xf32, #tpu.memory_space<vmem>>[vector<16xi32>], vector<16xf32>, vector<16xi1>
      %reduce_sum3A_1220 = arith.constant true
      %reduce_sum3A_1221 = vector.broadcast %reduce_sum3A_1220 : i1 to vector<16xi1>
      %reduce_sum3A_1222 = tpu.scan <sum>, %convert_element_type3A_1191 masked %reduce_sum3A_1221 : vector<16xi32>, vector<16xi1> -> vector<16xi32>
      %reduce_sum3A_1223 = vector.extract %reduce_sum3A_1222[15] : i32 from vector<16xi32>
      %add3A_1224 = arith.addi %add3A_1185, %reduce_sum3A_1223 : i32
      %get3A_1225 = arith.constant 128 : index
      %get3A_1226 = tpu.vector_load %arg7[%get3A_1225] {strides = array<i32>} : memref<208xf32, #tpu.memory_space<vmem>>, vector<16xf32>,
      %gt3A_1227 = arith.constant 0.000000e+00 : f32
      %gt3A_1228 = vector.broadcast %gt3A_1227 : f32 to vector<16xf32>
      %gt3A_1229 = arith.cmpf ogt, %get3A_1226, %gt3A_1228 : vector<16xf32>
      %convert_element_type3A_1230 = arith.extui %gt3A_1229 : vector<16xi1> to vector<16xi32>
      %broadcast_in_dim3A_1231 = arith.constant true
      %broadcast_in_dim3A_1232 = vector.broadcast %broadcast_in_dim3A_1231 : i1 to vector<16xi1>
      %masked_cumsum3A_1233 = tpu.scan <sum>, %convert_element_type3A_1230 masked %broadcast_in_dim3A_1232 : vector<16xi32>, vector<16xi1> -> vector<16xi32>
      %add3A_1234 = vector.broadcast %add3A_1224 : i32 to vector<16xi32>
      %add3A_1235 = arith.addi %add3A_1234, %masked_cumsum3A_1233 : vector<16xi32>
      %sub3A_1236 = arith.constant 1 : i32
      %sub3A_1237 = vector.broadcast %sub3A_1236 : i32 to vector<16xi32>
      %sub3A_1238 = arith.subi %add3A_1235, %sub3A_1237 : vector<16xi32>
      %get3A_1239 = arith.constant 128 : index
      %get3A_1240 = tpu.vector_load %arg6[%get3A_1239] {strides = array<i32>} : memref<208xf32, #tpu.memory_space<vmem>>, vector<16xf32>,
      %neg3A_1241 = arith.constant 0.000000e+00 : f32
      %neg3A_1242 = vector.broadcast %neg3A_1241 : f32 to vector<16xf32>
      %neg3A_1243 = arith.subf %neg3A_1242, %get3A_1240 : vector<16xf32>
      %exp3A_1244 = math.exp %neg3A_1243 : vector<16xf32>
      %add3A_1245 = arith.constant 1.000000e+00 : f32
      %add3A_1246 = vector.broadcast %add3A_1245 : f32 to vector<16xf32>
      %add3A_1247 = arith.addf %add3A_1246, %exp3A_1244 : vector<16xf32>
      %div3A_1248 = arith.constant 1.000000e+00 : f32
      %div3A_1249 = vector.broadcast %div3A_1248 : f32 to vector<16xf32>
      %div3A_1250 = arith.divf %div3A_1249, %add3A_1247 : vector<16xf32>
      tpu.vector_store_idx %arg8[%sub3A_1238], %div3A_1250 masked %gt3A_1229 : memref<32xf32, #tpu.memory_space<vmem>>[vector<16xi32>], vector<16xf32>, vector<16xi1>
      %mul3A_1251 = arith.constant 200 : i32
      %mul3A_1252 = arith.muli %select_n3A_910, %mul3A_1251 : i32
      %add3A_1253 = vector.broadcast %mul3A_1252 : i32 to vector<16xi32>
      %add3A_1254 = arith.addi %add3A_1253, %iota3A_703 : vector<16xi32>
      %add3A_1255 = arith.constant 128 : i32
      %add3A_1256 = vector.broadcast %add3A_1255 : i32 to vector<16xi32>
      %add3A_1257 = arith.addi %add3A_1254, %add3A_1256 : vector<16xi32>
      %convert_element_type3A_1258 = arith.sitofp %add3A_1257 : vector<16xi32> to vector<16xf32>
      tpu.vector_store_idx %arg9[%sub3A_1238], %convert_element_type3A_1258 masked %gt3A_1229 : memref<32xf32, #tpu.memory_space<vmem>>[vector<16xi32>], vector<16xf32>, vector<16xi1>
      %reduce_sum3A_1259 = arith.constant true
      %reduce_sum3A_1260 = vector.broadcast %reduce_sum3A_1259 : i1 to vector<16xi1>
      %reduce_sum3A_1261 = tpu.scan <sum>, %convert_element_type3A_1230 masked %reduce_sum3A_1260 : vector<16xi32>, vector<16xi1> -> vector<16xi32>
      %reduce_sum3A_1262 = vector.extract %reduce_sum3A_1261[15] : i32 from vector<16xi32>
      %add3A_1263 = arith.addi %add3A_1224, %reduce_sum3A_1262 : i32
      %get3A_1264 = arith.constant 144 : index
      %get3A_1265 = tpu.vector_load %arg7[%get3A_1264] {strides = array<i32>} : memref<208xf32, #tpu.memory_space<vmem>>, vector<16xf32>,
      %gt3A_1266 = arith.constant 0.000000e+00 : f32
      %gt3A_1267 = vector.broadcast %gt3A_1266 : f32 to vector<16xf32>
      %gt3A_1268 = arith.cmpf ogt, %get3A_1265, %gt3A_1267 : vector<16xf32>
      %convert_element_type3A_1269 = arith.extui %gt3A_1268 : vector<16xi1> to vector<16xi32>
      %broadcast_in_dim3A_1270 = arith.constant true
      %broadcast_in_dim3A_1271 = vector.broadcast %broadcast_in_dim3A_1270 : i1 to vector<16xi1>
      %masked_cumsum3A_1272 = tpu.scan <sum>, %convert_element_type3A_1269 masked %broadcast_in_dim3A_1271 : vector<16xi32>, vector<16xi1> -> vector<16xi32>
      %add3A_1273 = vector.broadcast %add3A_1263 : i32 to vector<16xi32>
      %add3A_1274 = arith.addi %add3A_1273, %masked_cumsum3A_1272 : vector<16xi32>
      %sub3A_1275 = arith.constant 1 : i32
      %sub3A_1276 = vector.broadcast %sub3A_1275 : i32 to vector<16xi32>
      %sub3A_1277 = arith.subi %add3A_1274, %sub3A_1276 : vector<16xi32>
      %get3A_1278 = arith.constant 144 : index
      %get3A_1279 = tpu.vector_load %arg6[%get3A_1278] {strides = array<i32>} : memref<208xf32, #tpu.memory_space<vmem>>, vector<16xf32>,
      %neg3A_1280 = arith.constant 0.000000e+00 : f32
      %neg3A_1281 = vector.broadcast %neg3A_1280 : f32 to vector<16xf32>
      %neg3A_1282 = arith.subf %neg3A_1281, %get3A_1279 : vector<16xf32>
      %exp3A_1283 = math.exp %neg3A_1282 : vector<16xf32>
      %add3A_1284 = arith.constant 1.000000e+00 : f32
      %add3A_1285 = vector.broadcast %add3A_1284 : f32 to vector<16xf32>
      %add3A_1286 = arith.addf %add3A_1285, %exp3A_1283 : vector<16xf32>
      %div3A_1287 = arith.constant 1.000000e+00 : f32
      %div3A_1288 = vector.broadcast %div3A_1287 : f32 to vector<16xf32>
      %div3A_1289 = arith.divf %div3A_1288, %add3A_1286 : vector<16xf32>
      tpu.vector_store_idx %arg8[%sub3A_1277], %div3A_1289 masked %gt3A_1268 : memref<32xf32, #tpu.memory_space<vmem>>[vector<16xi32>], vector<16xf32>, vector<16xi1>
      %mul3A_1290 = arith.constant 200 : i32
      %mul3A_1291 = arith.muli %select_n3A_910, %mul3A_1290 : i32
      %add3A_1292 = vector.broadcast %mul3A_1291 : i32 to vector<16xi32>
      %add3A_1293 = arith.addi %add3A_1292, %iota3A_703 : vector<16xi32>
      %add3A_1294 = arith.constant 144 : i32
      %add3A_1295 = vector.broadcast %add3A_1294 : i32 to vector<16xi32>
      %add3A_1296 = arith.addi %add3A_1293, %add3A_1295 : vector<16xi32>
      %convert_element_type3A_1297 = arith.sitofp %add3A_1296 : vector<16xi32> to vector<16xf32>
      tpu.vector_store_idx %arg9[%sub3A_1277], %convert_element_type3A_1297 masked %gt3A_1268 : memref<32xf32, #tpu.memory_space<vmem>>[vector<16xi32>], vector<16xf32>, vector<16xi1>
      %reduce_sum3A_1298 = arith.constant true
      %reduce_sum3A_1299 = vector.broadcast %reduce_sum3A_1298 : i1 to vector<16xi1>
      %reduce_sum3A_1300 = tpu.scan <sum>, %convert_element_type3A_1269 masked %reduce_sum3A_1299 : vector<16xi32>, vector<16xi1> -> vector<16xi32>
      %reduce_sum3A_1301 = vector.extract %reduce_sum3A_1300[15] : i32 from vector<16xi32>
      %add3A_1302 = arith.addi %add3A_1263, %reduce_sum3A_1301 : i32
      %get3A_1303 = arith.constant 160 : index
      %get3A_1304 = tpu.vector_load %arg7[%get3A_1303] {strides = array<i32>} : memref<208xf32, #tpu.memory_space<vmem>>, vector<16xf32>,
      %gt3A_1305 = arith.constant 0.000000e+00 : f32
      %gt3A_1306 = vector.broadcast %gt3A_1305 : f32 to vector<16xf32>
      %gt3A_1307 = arith.cmpf ogt, %get3A_1304, %gt3A_1306 : vector<16xf32>
      %convert_element_type3A_1308 = arith.extui %gt3A_1307 : vector<16xi1> to vector<16xi32>
      %broadcast_in_dim3A_1309 = arith.constant true
      %broadcast_in_dim3A_1310 = vector.broadcast %broadcast_in_dim3A_1309 : i1 to vector<16xi1>
      %masked_cumsum3A_1311 = tpu.scan <sum>, %convert_element_type3A_1308 masked %broadcast_in_dim3A_1310 : vector<16xi32>, vector<16xi1> -> vector<16xi32>
      %add3A_1312 = vector.broadcast %add3A_1302 : i32 to vector<16xi32>
      %add3A_1313 = arith.addi %add3A_1312, %masked_cumsum3A_1311 : vector<16xi32>
      %sub3A_1314 = arith.constant 1 : i32
      %sub3A_1315 = vector.broadcast %sub3A_1314 : i32 to vector<16xi32>
      %sub3A_1316 = arith.subi %add3A_1313, %sub3A_1315 : vector<16xi32>
      %get3A_1317 = arith.constant 160 : index
      %get3A_1318 = tpu.vector_load %arg6[%get3A_1317] {strides = array<i32>} : memref<208xf32, #tpu.memory_space<vmem>>, vector<16xf32>,
      %neg3A_1319 = arith.constant 0.000000e+00 : f32
      %neg3A_1320 = vector.broadcast %neg3A_1319 : f32 to vector<16xf32>
      %neg3A_1321 = arith.subf %neg3A_1320, %get3A_1318 : vector<16xf32>
      %exp3A_1322 = math.exp %neg3A_1321 : vector<16xf32>
      %add3A_1323 = arith.constant 1.000000e+00 : f32
      %add3A_1324 = vector.broadcast %add3A_1323 : f32 to vector<16xf32>
      %add3A_1325 = arith.addf %add3A_1324, %exp3A_1322 : vector<16xf32>
      %div3A_1326 = arith.constant 1.000000e+00 : f32
      %div3A_1327 = vector.broadcast %div3A_1326 : f32 to vector<16xf32>
      %div3A_1328 = arith.divf %div3A_1327, %add3A_1325 : vector<16xf32>
      tpu.vector_store_idx %arg8[%sub3A_1316], %div3A_1328 masked %gt3A_1307 : memref<32xf32, #tpu.memory_space<vmem>>[vector<16xi32>], vector<16xf32>, vector<16xi1>
      %mul3A_1329 = arith.constant 200 : i32
      %mul3A_1330 = arith.muli %select_n3A_910, %mul3A_1329 : i32
      %add3A_1331 = vector.broadcast %mul3A_1330 : i32 to vector<16xi32>
      %add3A_1332 = arith.addi %add3A_1331, %iota3A_703 : vector<16xi32>
      %add3A_1333 = arith.constant 160 : i32
      %add3A_1334 = vector.broadcast %add3A_1333 : i32 to vector<16xi32>
      %add3A_1335 = arith.addi %add3A_1332, %add3A_1334 : vector<16xi32>
      %convert_element_type3A_1336 = arith.sitofp %add3A_1335 : vector<16xi32> to vector<16xf32>
      tpu.vector_store_idx %arg9[%sub3A_1316], %convert_element_type3A_1336 masked %gt3A_1307 : memref<32xf32, #tpu.memory_space<vmem>>[vector<16xi32>], vector<16xf32>, vector<16xi1>
      %reduce_sum3A_1337 = arith.constant true
      %reduce_sum3A_1338 = vector.broadcast %reduce_sum3A_1337 : i1 to vector<16xi1>
      %reduce_sum3A_1339 = tpu.scan <sum>, %convert_element_type3A_1308 masked %reduce_sum3A_1338 : vector<16xi32>, vector<16xi1> -> vector<16xi32>
      %reduce_sum3A_1340 = vector.extract %reduce_sum3A_1339[15] : i32 from vector<16xi32>
      %add3A_1341 = arith.addi %add3A_1302, %reduce_sum3A_1340 : i32
      %get3A_1342 = arith.constant 176 : index
      %get3A_1343 = tpu.vector_load %arg7[%get3A_1342] {strides = array<i32>} : memref<208xf32, #tpu.memory_space<vmem>>, vector<16xf32>,
      %gt3A_1344 = arith.constant 0.000000e+00 : f32
      %gt3A_1345 = vector.broadcast %gt3A_1344 : f32 to vector<16xf32>
      %gt3A_1346 = arith.cmpf ogt, %get3A_1343, %gt3A_1345 : vector<16xf32>
      %convert_element_type3A_1347 = arith.extui %gt3A_1346 : vector<16xi1> to vector<16xi32>
      %broadcast_in_dim3A_1348 = arith.constant true
      %broadcast_in_dim3A_1349 = vector.broadcast %broadcast_in_dim3A_1348 : i1 to vector<16xi1>
      %masked_cumsum3A_1350 = tpu.scan <sum>, %convert_element_type3A_1347 masked %broadcast_in_dim3A_1349 : vector<16xi32>, vector<16xi1> -> vector<16xi32>
      %add3A_1351 = vector.broadcast %add3A_1341 : i32 to vector<16xi32>
      %add3A_1352 = arith.addi %add3A_1351, %masked_cumsum3A_1350 : vector<16xi32>
      %sub3A_1353 = arith.constant 1 : i32
      %sub3A_1354 = vector.broadcast %sub3A_1353 : i32 to vector<16xi32>
      %sub3A_1355 = arith.subi %add3A_1352, %sub3A_1354 : vector<16xi32>
      %get3A_1356 = arith.constant 176 : index
      %get3A_1357 = tpu.vector_load %arg6[%get3A_1356] {strides = array<i32>} : memref<208xf32, #tpu.memory_space<vmem>>, vector<16xf32>,
      %neg3A_1358 = arith.constant 0.000000e+00 : f32
      %neg3A_1359 = vector.broadcast %neg3A_1358 : f32 to vector<16xf32>
      %neg3A_1360 = arith.subf %neg3A_1359, %get3A_1357 : vector<16xf32>
      %exp3A_1361 = math.exp %neg3A_1360 : vector<16xf32>
      %add3A_1362 = arith.constant 1.000000e+00 : f32
      %add3A_1363 = vector.broadcast %add3A_1362 : f32 to vector<16xf32>
      %add3A_1364 = arith.addf %add3A_1363, %exp3A_1361 : vector<16xf32>
      %div3A_1365 = arith.constant 1.000000e+00 : f32
      %div3A_1366 = vector.broadcast %div3A_1365 : f32 to vector<16xf32>
      %div3A_1367 = arith.divf %div3A_1366, %add3A_1364 : vector<16xf32>
      tpu.vector_store_idx %arg8[%sub3A_1355], %div3A_1367 masked %gt3A_1346 : memref<32xf32, #tpu.memory_space<vmem>>[vector<16xi32>], vector<16xf32>, vector<16xi1>
      %mul3A_1368 = arith.constant 200 : i32
      %mul3A_1369 = arith.muli %select_n3A_910, %mul3A_1368 : i32
      %add3A_1370 = vector.broadcast %mul3A_1369 : i32 to vector<16xi32>
      %add3A_1371 = arith.addi %add3A_1370, %iota3A_703 : vector<16xi32>
      %add3A_1372 = arith.constant 176 : i32
      %add3A_1373 = vector.broadcast %add3A_1372 : i32 to vector<16xi32>
      %add3A_1374 = arith.addi %add3A_1371, %add3A_1373 : vector<16xi32>
      %convert_element_type3A_1375 = arith.sitofp %add3A_1374 : vector<16xi32> to vector<16xf32>
      tpu.vector_store_idx %arg9[%sub3A_1355], %convert_element_type3A_1375 masked %gt3A_1346 : memref<32xf32, #tpu.memory_space<vmem>>[vector<16xi32>], vector<16xf32>, vector<16xi1>
      %reduce_sum3A_1376 = arith.constant true
      %reduce_sum3A_1377 = vector.broadcast %reduce_sum3A_1376 : i1 to vector<16xi1>
      %reduce_sum3A_1378 = tpu.scan <sum>, %convert_element_type3A_1347 masked %reduce_sum3A_1377 : vector<16xi32>, vector<16xi1> -> vector<16xi32>
      %reduce_sum3A_1379 = vector.extract %reduce_sum3A_1378[15] : i32 from vector<16xi32>
      %add3A_1380 = arith.addi %add3A_1341, %reduce_sum3A_1379 : i32
      %get3A_1381 = arith.constant 192 : index
      %get3A_1382 = tpu.vector_load %arg7[%get3A_1381] {strides = array<i32>} : memref<208xf32, #tpu.memory_space<vmem>>, vector<16xf32>,
      %gt3A_1383 = arith.constant 0.000000e+00 : f32
      %gt3A_1384 = vector.broadcast %gt3A_1383 : f32 to vector<16xf32>
      %gt3A_1385 = arith.cmpf ogt, %get3A_1382, %gt3A_1384 : vector<16xf32>
      %convert_element_type3A_1386 = arith.extui %gt3A_1385 : vector<16xi1> to vector<16xi32>
      %broadcast_in_dim3A_1387 = arith.constant true
      %broadcast_in_dim3A_1388 = vector.broadcast %broadcast_in_dim3A_1387 : i1 to vector<16xi1>
      %masked_cumsum3A_1389 = tpu.scan <sum>, %convert_element_type3A_1386 masked %broadcast_in_dim3A_1388 : vector<16xi32>, vector<16xi1> -> vector<16xi32>
      %add3A_1390 = vector.broadcast %add3A_1380 : i32 to vector<16xi32>
      %add3A_1391 = arith.addi %add3A_1390, %masked_cumsum3A_1389 : vector<16xi32>
      %sub3A_1392 = arith.constant 1 : i32
      %sub3A_1393 = vector.broadcast %sub3A_1392 : i32 to vector<16xi32>
      %sub3A_1394 = arith.subi %add3A_1391, %sub3A_1393 : vector<16xi32>
      %get3A_1395 = arith.constant 192 : index
      %get3A_1396 = tpu.vector_load %arg6[%get3A_1395] {strides = array<i32>} : memref<208xf32, #tpu.memory_space<vmem>>, vector<16xf32>,
      %neg3A_1397 = arith.constant 0.000000e+00 : f32
      %neg3A_1398 = vector.broadcast %neg3A_1397 : f32 to vector<16xf32>
      %neg3A_1399 = arith.subf %neg3A_1398, %get3A_1396 : vector<16xf32>
      %exp3A_1400 = math.exp %neg3A_1399 : vector<16xf32>
      %add3A_1401 = arith.constant 1.000000e+00 : f32
      %add3A_1402 = vector.broadcast %add3A_1401 : f32 to vector<16xf32>
      %add3A_1403 = arith.addf %add3A_1402, %exp3A_1400 : vector<16xf32>
      %div3A_1404 = arith.constant 1.000000e+00 : f32
      %div3A_1405 = vector.broadcast %div3A_1404 : f32 to vector<16xf32>
      %div3A_1406 = arith.divf %div3A_1405, %add3A_1403 : vector<16xf32>
      tpu.vector_store_idx %arg8[%sub3A_1394], %div3A_1406 masked %gt3A_1385 : memref<32xf32, #tpu.memory_space<vmem>>[vector<16xi32>], vector<16xf32>, vector<16xi1>
      %mul3A_1407 = arith.constant 200 : i32
      %mul3A_1408 = arith.muli %select_n3A_910, %mul3A_1407 : i32
      %add3A_1409 = vector.broadcast %mul3A_1408 : i32 to vector<16xi32>
      %add3A_1410 = arith.addi %add3A_1409, %iota3A_703 : vector<16xi32>
      %add3A_1411 = arith.constant 192 : i32
      %add3A_1412 = vector.broadcast %add3A_1411 : i32 to vector<16xi32>
      %add3A_1413 = arith.addi %add3A_1410, %add3A_1412 : vector<16xi32>
      %convert_element_type3A_1414 = arith.sitofp %add3A_1413 : vector<16xi32> to vector<16xf32>
      tpu.vector_store_idx %arg9[%sub3A_1394], %convert_element_type3A_1414 masked %gt3A_1385 : memref<32xf32, #tpu.memory_space<vmem>>[vector<16xi32>], vector<16xf32>, vector<16xi1>
      %reduce_sum3A_1415 = arith.constant true
      %reduce_sum3A_1416 = vector.broadcast %reduce_sum3A_1415 : i1 to vector<16xi1>
      %reduce_sum3A_1417 = tpu.scan <sum>, %convert_element_type3A_1386 masked %reduce_sum3A_1416 : vector<16xi32>, vector<16xi1> -> vector<16xi32>
      %reduce_sum3A_1418 = vector.extract %reduce_sum3A_1417[15] : i32 from vector<16xi32>
      %add3A_1419 = arith.addi %add3A_1380, %reduce_sum3A_1418 : i32
      "tpu.region"() ({
        %run_scoped3A = tpu.sem_alloc : memref<!tpu.dma_semaphore, #tpu.memory_space<semaphore_mem>>
        %dma_start3A = arith.constant 0 : i32
        %dma_start3A_1420 = tpu.memref_slice %arg3[%add3A_702, %dma_start3A] : memref<40x32xf32, #tpu.memory_space<hbm>> -> memref<1x32xf32, #tpu.memory_space<hbm>>
        %dma_start3A_1421 = tpu.memref_squeeze %dma_start3A_1420 : memref<1x32xf32, #tpu.memory_space<hbm>> -> memref<32xf32, #tpu.memory_space<hbm>>
        %dma_start3A_1422 = arith.constant 0 : i32
        %dma_start3A_1423 = tpu.memref_slice %arg3[%add3A_702, %dma_start3A_1422] : memref<40x32xf32, #tpu.memory_space<hbm>> -> memref<1x32xf32, #tpu.memory_space<hbm>>
        %dma_start3A_1424 = tpu.memref_squeeze %dma_start3A_1423 : memref<1x32xf32, #tpu.memory_space<hbm>> -> memref<32xf32, #tpu.memory_space<hbm>>
        tpu.enqueue_dma source(%arg8 : memref<32xf32, #tpu.memory_space<vmem>>) target(%dma_start3A_1424 : memref<32xf32, #tpu.memory_space<hbm>>) target_semaphore(%run_scoped3A : memref<!tpu.dma_semaphore, #tpu.memory_space<semaphore_mem>>)
        %dma_wait3A = arith.constant 0 : i32
        %dma_wait3A_1425 = tpu.memref_slice %arg3[%add3A_702, %dma_wait3A] : memref<40x32xf32, #tpu.memory_space<hbm>> -> memref<1x32xf32, #tpu.memory_space<hbm>>
        %dma_wait3A_1426 = tpu.memref_squeeze %dma_wait3A_1425 : memref<1x32xf32, #tpu.memory_space<hbm>> -> memref<32xf32, #tpu.memory_space<hbm>>
        %dma_wait3A_1427 = arith.constant 0 : i32
        %dma_wait3A_1428 = tpu.memref_slice %arg3[%add3A_702, %dma_wait3A_1427] : memref<40x32xf32, #tpu.memory_space<hbm>> -> memref<1x32xf32, #tpu.memory_space<hbm>>
        %dma_wait3A_1429 = tpu.memref_squeeze %dma_wait3A_1428 : memref<1x32xf32, #tpu.memory_space<hbm>> -> memref<32xf32, #tpu.memory_space<hbm>>
        tpu.wait_dma2 semaphore(%run_scoped3A : memref<!tpu.dma_semaphore, #tpu.memory_space<semaphore_mem>>) src(%arg8 : memref<32xf32, #tpu.memory_space<vmem>>) dst(%dma_wait3A_1429 : memref<32xf32, #tpu.memory_space<hbm>>)
        tpu.yield
      }) : () -> ()
      "tpu.region"() ({
        %run_scoped3A = tpu.sem_alloc : memref<!tpu.dma_semaphore, #tpu.memory_space<semaphore_mem>>
        %dma_start3A = arith.constant 0 : i32
        %dma_start3A_1420 = tpu.memref_slice %arg4[%add3A_702, %dma_start3A] : memref<40x32xf32, #tpu.memory_space<hbm>> -> memref<1x32xf32, #tpu.memory_space<hbm>>
        %dma_start3A_1421 = tpu.memref_squeeze %dma_start3A_1420 : memref<1x32xf32, #tpu.memory_space<hbm>> -> memref<32xf32, #tpu.memory_space<hbm>>
        %dma_start3A_1422 = arith.constant 0 : i32
        %dma_start3A_1423 = tpu.memref_slice %arg4[%add3A_702, %dma_start3A_1422] : memref<40x32xf32, #tpu.memory_space<hbm>> -> memref<1x32xf32, #tpu.memory_space<hbm>>
        %dma_start3A_1424 = tpu.memref_squeeze %dma_start3A_1423 : memref<1x32xf32, #tpu.memory_space<hbm>> -> memref<32xf32, #tpu.memory_space<hbm>>
        tpu.enqueue_dma source(%arg9 : memref<32xf32, #tpu.memory_space<vmem>>) target(%dma_start3A_1424 : memref<32xf32, #tpu.memory_space<hbm>>) target_semaphore(%run_scoped3A : memref<!tpu.dma_semaphore, #tpu.memory_space<semaphore_mem>>)
        %dma_wait3A = arith.constant 0 : i32
        %dma_wait3A_1425 = tpu.memref_slice %arg4[%add3A_702, %dma_wait3A] : memref<40x32xf32, #tpu.memory_space<hbm>> -> memref<1x32xf32, #tpu.memory_space<hbm>>
        %dma_wait3A_1426 = tpu.memref_squeeze %dma_wait3A_1425 : memref<1x32xf32, #tpu.memory_space<hbm>> -> memref<32xf32, #tpu.memory_space<hbm>>
        %dma_wait3A_1427 = arith.constant 0 : i32
        %dma_wait3A_1428 = tpu.memref_slice %arg4[%add3A_702, %dma_wait3A_1427] : memref<40x32xf32, #tpu.memory_space<hbm>> -> memref<1x32xf32, #tpu.memory_space<hbm>>
        %dma_wait3A_1429 = tpu.memref_squeeze %dma_wait3A_1428 : memref<1x32xf32, #tpu.memory_space<hbm>> -> memref<32xf32, #tpu.memory_space<hbm>>
        tpu.wait_dma2 semaphore(%run_scoped3A : memref<!tpu.dma_semaphore, #tpu.memory_space<semaphore_mem>>) src(%arg9 : memref<32xf32, #tpu.memory_space<vmem>>) dst(%dma_wait3A_1429 : memref<32xf32, #tpu.memory_space<hbm>>)
        tpu.yield
      }) : () -> ()
    } else {
    }
    return
  }
}

#map = affine_map<(d0, d1) -> (0, 0)>
module attributes {stable_mosaic.version = 14 : i64} {
  func.func @_sc_topp_body(%arg0: i32, %arg1: i32, %arg2: memref<4x320xf32, #tpu.memory_space<hbm>>, %arg3: memref<4x320xf32, #tpu.memory_space<hbm>>, %arg4: memref<4x2000xf32, #tpu.memory_space<hbm>>, %arg5: memref<4x2000xf32, #tpu.memory_space<hbm>>, %arg6: memref<320xf32, #tpu.memory_space<vmem>>, %arg7: memref<320xf32, #tpu.memory_space<vmem>>, %arg8: memref<2000xf32, #tpu.memory_space<vmem>>, %arg9: memref<2000xf32, #tpu.memory_space<vmem>>) attributes {dimension_semantics = [#tpu.dimension_semantics<core_parallel>, #tpu.dimension_semantics<subcore_parallel>], iteration_bounds = array<i64: 2, 16>, scalar_prefetch = 0 : i64, scratch_operands = 4 : i64, tpu.core_type = #tpu.core_type<sc_vector_subcore>, window_params = [{transform_indices = #map}, {transform_indices = #map}, {transform_indices = #map}, {transform_indices = #map}]} {
    %mul3A = arith.constant 16 : i32
    %mul3A_0 = arith.muli %arg0, %mul3A : i32
    %add3A = arith.addi %mul3A_0, %arg1 : i32
    %lt3A = arith.constant 4 : i32
    %lt3A_1 = arith.cmpi slt, %add3A, %lt3A : i32
    %convert_element_type3A = arith.extui %lt3A_1 : i1 to i32
    %cond3A = arith.constant 0 : i32
    %cond3A_2 = arith.cmpi ne, %convert_element_type3A, %cond3A : i32
    scf.if %cond3A_2 {
      "tpu.region"() ({
        %run_scoped3A = tpu.sem_alloc : memref<!tpu.dma_semaphore, #tpu.memory_space<semaphore_mem>>
        %dma_start3A = arith.constant 0 : i32
        %dma_start3A_1177 = tpu.memref_slice %arg2[%add3A, %dma_start3A] : memref<4x320xf32, #tpu.memory_space<hbm>> -> memref<1x320xf32, #tpu.memory_space<hbm>>
        %dma_start3A_1178 = tpu.memref_squeeze %dma_start3A_1177 : memref<1x320xf32, #tpu.memory_space<hbm>> -> memref<320xf32, #tpu.memory_space<hbm>>
        %dma_start3A_1179 = arith.constant 0 : i32
        %dma_start3A_1180 = tpu.memref_slice %arg2[%add3A, %dma_start3A_1179] : memref<4x320xf32, #tpu.memory_space<hbm>> -> memref<1x320xf32, #tpu.memory_space<hbm>>
        %dma_start3A_1181 = tpu.memref_squeeze %dma_start3A_1180 : memref<1x320xf32, #tpu.memory_space<hbm>> -> memref<320xf32, #tpu.memory_space<hbm>>
        tpu.enqueue_dma source(%dma_start3A_1181 : memref<320xf32, #tpu.memory_space<hbm>>) target(%arg6 : memref<320xf32, #tpu.memory_space<vmem>>) target_semaphore(%run_scoped3A : memref<!tpu.dma_semaphore, #tpu.memory_space<semaphore_mem>>)
        %dma_wait3A = arith.constant 0 : i32
        %dma_wait3A_1182 = tpu.memref_slice %arg2[%add3A, %dma_wait3A] : memref<4x320xf32, #tpu.memory_space<hbm>> -> memref<1x320xf32, #tpu.memory_space<hbm>>
        %dma_wait3A_1183 = tpu.memref_squeeze %dma_wait3A_1182 : memref<1x320xf32, #tpu.memory_space<hbm>> -> memref<320xf32, #tpu.memory_space<hbm>>
        %dma_wait3A_1184 = arith.constant 0 : i32
        %dma_wait3A_1185 = tpu.memref_slice %arg2[%add3A, %dma_wait3A_1184] : memref<4x320xf32, #tpu.memory_space<hbm>> -> memref<1x320xf32, #tpu.memory_space<hbm>>
        %dma_wait3A_1186 = tpu.memref_squeeze %dma_wait3A_1185 : memref<1x320xf32, #tpu.memory_space<hbm>> -> memref<320xf32, #tpu.memory_space<hbm>>
        tpu.wait_dma2 semaphore(%run_scoped3A : memref<!tpu.dma_semaphore, #tpu.memory_space<semaphore_mem>>) src(%dma_wait3A_1186 : memref<320xf32, #tpu.memory_space<hbm>>) dst(%arg6 : memref<320xf32, #tpu.memory_space<vmem>>)
        tpu.yield
      }) : () -> ()
      "tpu.region"() ({
        %run_scoped3A = tpu.sem_alloc : memref<!tpu.dma_semaphore, #tpu.memory_space<semaphore_mem>>
        %dma_start3A = arith.constant 0 : i32
        %dma_start3A_1177 = tpu.memref_slice %arg3[%add3A, %dma_start3A] : memref<4x320xf32, #tpu.memory_space<hbm>> -> memref<1x320xf32, #tpu.memory_space<hbm>>
        %dma_start3A_1178 = tpu.memref_squeeze %dma_start3A_1177 : memref<1x320xf32, #tpu.memory_space<hbm>> -> memref<320xf32, #tpu.memory_space<hbm>>
        %dma_start3A_1179 = arith.constant 0 : i32
        %dma_start3A_1180 = tpu.memref_slice %arg3[%add3A, %dma_start3A_1179] : memref<4x320xf32, #tpu.memory_space<hbm>> -> memref<1x320xf32, #tpu.memory_space<hbm>>
        %dma_start3A_1181 = tpu.memref_squeeze %dma_start3A_1180 : memref<1x320xf32, #tpu.memory_space<hbm>> -> memref<320xf32, #tpu.memory_space<hbm>>
        tpu.enqueue_dma source(%dma_start3A_1181 : memref<320xf32, #tpu.memory_space<hbm>>) target(%arg7 : memref<320xf32, #tpu.memory_space<vmem>>) target_semaphore(%run_scoped3A : memref<!tpu.dma_semaphore, #tpu.memory_space<semaphore_mem>>)
        %dma_wait3A = arith.constant 0 : i32
        %dma_wait3A_1182 = tpu.memref_slice %arg3[%add3A, %dma_wait3A] : memref<4x320xf32, #tpu.memory_space<hbm>> -> memref<1x320xf32, #tpu.memory_space<hbm>>
        %dma_wait3A_1183 = tpu.memref_squeeze %dma_wait3A_1182 : memref<1x320xf32, #tpu.memory_space<hbm>> -> memref<320xf32, #tpu.memory_space<hbm>>
        %dma_wait3A_1184 = arith.constant 0 : i32
        %dma_wait3A_1185 = tpu.memref_slice %arg3[%add3A, %dma_wait3A_1184] : memref<4x320xf32, #tpu.memory_space<hbm>> -> memref<1x320xf32, #tpu.memory_space<hbm>>
        %dma_wait3A_1186 = tpu.memref_squeeze %dma_wait3A_1185 : memref<1x320xf32, #tpu.memory_space<hbm>> -> memref<320xf32, #tpu.memory_space<hbm>>
        tpu.wait_dma2 semaphore(%run_scoped3A : memref<!tpu.dma_semaphore, #tpu.memory_space<semaphore_mem>>) src(%dma_wait3A_1186 : memref<320xf32, #tpu.memory_space<hbm>>) dst(%arg7 : memref<320xf32, #tpu.memory_space<vmem>>)
        tpu.yield
      }) : () -> ()
      %iota3A = tpu.iota {dimensions = array<i32: 0>} : vector<16xi32>
      %eq3A = arith.constant 0 : i32
      %eq3A_3 = vector.broadcast %eq3A : i32 to vector<16xi32>
      %eq3A_4 = arith.cmpi eq, %iota3A, %eq3A_3 : vector<16xi32>
      %broadcast_in_dim3A = arith.constant 0.000000e+00 : f32
      %broadcast_in_dim3A_5 = vector.broadcast %broadcast_in_dim3A : f32 to vector<16xf32>
      %get3A = arith.constant 0 : index
      %get3A_6 = tpu.vector_load %arg6[%get3A] {strides = array<i32>} : memref<320xf32, #tpu.memory_space<vmem>>, vector<16xf32>,
      %add3A_7 = arith.addf %broadcast_in_dim3A_5, %get3A_6 : vector<16xf32>
      %get3A_8 = arith.constant 16 : index
      %get3A_9 = tpu.vector_load %arg6[%get3A_8] {strides = array<i32>} : memref<320xf32, #tpu.memory_space<vmem>>, vector<16xf32>,
      %add3A_10 = arith.addf %add3A_7, %get3A_9 : vector<16xf32>
      %get3A_11 = arith.constant 32 : index
      %get3A_12 = tpu.vector_load %arg6[%get3A_11] {strides = array<i32>} : memref<320xf32, #tpu.memory_space<vmem>>, vector<16xf32>,
      %add3A_13 = arith.addf %add3A_10, %get3A_12 : vector<16xf32>
      %get3A_14 = arith.constant 48 : index
      %get3A_15 = tpu.vector_load %arg6[%get3A_14] {strides = array<i32>} : memref<320xf32, #tpu.memory_space<vmem>>, vector<16xf32>,
      %add3A_16 = arith.addf %add3A_13, %get3A_15 : vector<16xf32>
      %get3A_17 = arith.constant 64 : index
      %get3A_18 = tpu.vector_load %arg6[%get3A_17] {strides = array<i32>} : memref<320xf32, #tpu.memory_space<vmem>>, vector<16xf32>,
      %add3A_19 = arith.addf %add3A_16, %get3A_18 : vector<16xf32>
      %get3A_20 = arith.constant 80 : index
      %get3A_21 = tpu.vector_load %arg6[%get3A_20] {strides = array<i32>} : memref<320xf32, #tpu.memory_space<vmem>>, vector<16xf32>,
      %add3A_22 = arith.addf %add3A_19, %get3A_21 : vector<16xf32>
      %get3A_23 = arith.constant 96 : index
      %get3A_24 = tpu.vector_load %arg6[%get3A_23] {strides = array<i32>} : memref<320xf32, #tpu.memory_space<vmem>>, vector<16xf32>,
      %add3A_25 = arith.addf %add3A_22, %get3A_24 : vector<16xf32>
      %get3A_26 = arith.constant 112 : index
      %get3A_27 = tpu.vector_load %arg6[%get3A_26] {strides = array<i32>} : memref<320xf32, #tpu.memory_space<vmem>>, vector<16xf32>,
      %add3A_28 = arith.addf %add3A_25, %get3A_27 : vector<16xf32>
      %get3A_29 = arith.constant 128 : index
      %get3A_30 = tpu.vector_load %arg6[%get3A_29] {strides = array<i32>} : memref<320xf32, #tpu.memory_space<vmem>>, vector<16xf32>,
      %add3A_31 = arith.addf %add3A_28, %get3A_30 : vector<16xf32>
      %get3A_32 = arith.constant 144 : index
      %get3A_33 = tpu.vector_load %arg6[%get3A_32] {strides = array<i32>} : memref<320xf32, #tpu.memory_space<vmem>>, vector<16xf32>,
      %add3A_34 = arith.addf %add3A_31, %get3A_33 : vector<16xf32>
      %get3A_35 = arith.constant 160 : index
      %get3A_36 = tpu.vector_load %arg6[%get3A_35] {strides = array<i32>} : memref<320xf32, #tpu.memory_space<vmem>>, vector<16xf32>,
      %add3A_37 = arith.addf %add3A_34, %get3A_36 : vector<16xf32>
      %get3A_38 = arith.constant 176 : index
      %get3A_39 = tpu.vector_load %arg6[%get3A_38] {strides = array<i32>} : memref<320xf32, #tpu.memory_space<vmem>>, vector<16xf32>,
      %add3A_40 = arith.addf %add3A_37, %get3A_39 : vector<16xf32>
      %get3A_41 = arith.constant 192 : index
      %get3A_42 = tpu.vector_load %arg6[%get3A_41] {strides = array<i32>} : memref<320xf32, #tpu.memory_space<vmem>>, vector<16xf32>,
      %add3A_43 = arith.addf %add3A_40, %get3A_42 : vector<16xf32>
      %get3A_44 = arith.constant 208 : index
      %get3A_45 = tpu.vector_load %arg6[%get3A_44] {strides = array<i32>} : memref<320xf32, #tpu.memory_space<vmem>>, vector<16xf32>,
      %add3A_46 = arith.addf %add3A_43, %get3A_45 : vector<16xf32>
      %get3A_47 = arith.constant 224 : index
      %get3A_48 = tpu.vector_load %arg6[%get3A_47] {strides = array<i32>} : memref<320xf32, #tpu.memory_space<vmem>>, vector<16xf32>,
      %add3A_49 = arith.addf %add3A_46, %get3A_48 : vector<16xf32>
      %get3A_50 = arith.constant 240 : index
      %get3A_51 = tpu.vector_load %arg6[%get3A_50] {strides = array<i32>} : memref<320xf32, #tpu.memory_space<vmem>>, vector<16xf32>,
      %add3A_52 = arith.addf %add3A_49, %get3A_51 : vector<16xf32>
      %get3A_53 = arith.constant 256 : index
      %get3A_54 = tpu.vector_load %arg6[%get3A_53] {strides = array<i32>} : memref<320xf32, #tpu.memory_space<vmem>>, vector<16xf32>,
      %add3A_55 = arith.addf %add3A_52, %get3A_54 : vector<16xf32>
      %get3A_56 = arith.constant 272 : index
      %get3A_57 = tpu.vector_load %arg6[%get3A_56] {strides = array<i32>} : memref<320xf32, #tpu.memory_space<vmem>>, vector<16xf32>,
      %add3A_58 = arith.addf %add3A_55, %get3A_57 : vector<16xf32>
      %get3A_59 = arith.constant 288 : index
      %get3A_60 = tpu.vector_load %arg6[%get3A_59] {strides = array<i32>} : memref<320xf32, #tpu.memory_space<vmem>>, vector<16xf32>,
      %add3A_61 = arith.addf %add3A_58, %get3A_60 : vector<16xf32>
      %get3A_62 = arith.constant 304 : index
      %get3A_63 = tpu.vector_load %arg6[%get3A_62] {strides = array<i32>} : memref<320xf32, #tpu.memory_space<vmem>>, vector<16xf32>,
      %add3A_64 = arith.addf %add3A_61, %get3A_63 : vector<16xf32>
      %reduce_sum3A = arith.constant true
      %reduce_sum3A_65 = vector.broadcast %reduce_sum3A : i1 to vector<16xi1>
      %reduce_sum3A_66 = tpu.scan <sum>, %add3A_64 masked %reduce_sum3A_65 : vector<16xf32>, vector<16xi1> -> vector<16xf32>
      %reduce_sum3A_67 = vector.extract %reduce_sum3A_66[15] : f32 from vector<16xf32>
      %broadcast_in_dim3A_68 = vector.broadcast %reduce_sum3A_67 : f32 to vector<16xf32>
      %add3A_69 = arith.constant 9.99999993E-9 : f32
      %add3A_70 = vector.broadcast %add3A_69 : f32 to vector<16xf32>
      %add3A_71 = arith.addf %broadcast_in_dim3A_68, %add3A_70 : vector<16xf32>
      %broadcast_in_dim3A_72 = arith.constant -3.000000e+38 : f32
      %broadcast_in_dim3A_73 = vector.broadcast %broadcast_in_dim3A_72 : f32 to vector<16xf32>
      %broadcast_in_dim3A_74 = arith.constant -3.000000e+38 : f32
      %broadcast_in_dim3A_75 = vector.broadcast %broadcast_in_dim3A_74 : f32 to vector<16xf32>
      %get3A_76 = arith.constant 0 : index
      %get3A_77 = tpu.vector_load %arg6[%get3A_76] {strides = array<i32>} : memref<320xf32, #tpu.memory_space<vmem>>, vector<16xf32>,
      %reduce_max3A = arith.constant true
      %reduce_max3A_78 = vector.broadcast %reduce_max3A : i1 to vector<16xi1>
      %reduce_max3A_79 = tpu.scan <max>, %get3A_77 masked %reduce_max3A_78 : vector<16xf32>, vector<16xi1> -> vector<16xf32>
      %reduce_max3A_80 = vector.extract %reduce_max3A_79[15] : f32 from vector<16xf32>
      %broadcast_in_dim3A_81 = vector.broadcast %reduce_max3A_80 : f32 to vector<16xf32>
      %eq3A_82 = arith.constant 0 : i32
      %eq3A_83 = vector.broadcast %eq3A_82 : i32 to vector<16xi32>
      %eq3A_84 = arith.cmpi eq, %iota3A, %eq3A_83 : vector<16xi32>
      %select_n3A = arith.select %eq3A_84, %broadcast_in_dim3A_81, %broadcast_in_dim3A_73 : vector<16xi1>, vector<16xf32>
      %get3A_85 = arith.constant 16 : index
      %get3A_86 = tpu.vector_load %arg6[%get3A_85] {strides = array<i32>} : memref<320xf32, #tpu.memory_space<vmem>>, vector<16xf32>,
      %reduce_max3A_87 = arith.constant true
      %reduce_max3A_88 = vector.broadcast %reduce_max3A_87 : i1 to vector<16xi1>
      %reduce_max3A_89 = tpu.scan <max>, %get3A_86 masked %reduce_max3A_88 : vector<16xf32>, vector<16xi1> -> vector<16xf32>
      %reduce_max3A_90 = vector.extract %reduce_max3A_89[15] : f32 from vector<16xf32>
      %broadcast_in_dim3A_91 = vector.broadcast %reduce_max3A_90 : f32 to vector<16xf32>
      %eq3A_92 = arith.constant 1 : i32
      %eq3A_93 = vector.broadcast %eq3A_92 : i32 to vector<16xi32>
      %eq3A_94 = arith.cmpi eq, %iota3A, %eq3A_93 : vector<16xi32>
      %select_n3A_95 = arith.select %eq3A_94, %broadcast_in_dim3A_91, %select_n3A : vector<16xi1>, vector<16xf32>
      %get3A_96 = arith.constant 32 : index
      %get3A_97 = tpu.vector_load %arg6[%get3A_96] {strides = array<i32>} : memref<320xf32, #tpu.memory_space<vmem>>, vector<16xf32>,
      %reduce_max3A_98 = arith.constant true
      %reduce_max3A_99 = vector.broadcast %reduce_max3A_98 : i1 to vector<16xi1>
      %reduce_max3A_100 = tpu.scan <max>, %get3A_97 masked %reduce_max3A_99 : vector<16xf32>, vector<16xi1> -> vector<16xf32>
      %reduce_max3A_101 = vector.extract %reduce_max3A_100[15] : f32 from vector<16xf32>
      %broadcast_in_dim3A_102 = vector.broadcast %reduce_max3A_101 : f32 to vector<16xf32>
      %eq3A_103 = arith.constant 2 : i32
      %eq3A_104 = vector.broadcast %eq3A_103 : i32 to vector<16xi32>
      %eq3A_105 = arith.cmpi eq, %iota3A, %eq3A_104 : vector<16xi32>
      %select_n3A_106 = arith.select %eq3A_105, %broadcast_in_dim3A_102, %select_n3A_95 : vector<16xi1>, vector<16xf32>
      %get3A_107 = arith.constant 48 : index
      %get3A_108 = tpu.vector_load %arg6[%get3A_107] {strides = array<i32>} : memref<320xf32, #tpu.memory_space<vmem>>, vector<16xf32>,
      %reduce_max3A_109 = arith.constant true
      %reduce_max3A_110 = vector.broadcast %reduce_max3A_109 : i1 to vector<16xi1>
      %reduce_max3A_111 = tpu.scan <max>, %get3A_108 masked %reduce_max3A_110 : vector<16xf32>, vector<16xi1> -> vector<16xf32>
      %reduce_max3A_112 = vector.extract %reduce_max3A_111[15] : f32 from vector<16xf32>
      %broadcast_in_dim3A_113 = vector.broadcast %reduce_max3A_112 : f32 to vector<16xf32>
      %eq3A_114 = arith.constant 3 : i32
      %eq3A_115 = vector.broadcast %eq3A_114 : i32 to vector<16xi32>
      %eq3A_116 = arith.cmpi eq, %iota3A, %eq3A_115 : vector<16xi32>
      %select_n3A_117 = arith.select %eq3A_116, %broadcast_in_dim3A_113, %select_n3A_106 : vector<16xi1>, vector<16xf32>
      %get3A_118 = arith.constant 64 : index
      %get3A_119 = tpu.vector_load %arg6[%get3A_118] {strides = array<i32>} : memref<320xf32, #tpu.memory_space<vmem>>, vector<16xf32>,
      %reduce_max3A_120 = arith.constant true
      %reduce_max3A_121 = vector.broadcast %reduce_max3A_120 : i1 to vector<16xi1>
      %reduce_max3A_122 = tpu.scan <max>, %get3A_119 masked %reduce_max3A_121 : vector<16xf32>, vector<16xi1> -> vector<16xf32>
      %reduce_max3A_123 = vector.extract %reduce_max3A_122[15] : f32 from vector<16xf32>
      %broadcast_in_dim3A_124 = vector.broadcast %reduce_max3A_123 : f32 to vector<16xf32>
      %eq3A_125 = arith.constant 4 : i32
      %eq3A_126 = vector.broadcast %eq3A_125 : i32 to vector<16xi32>
      %eq3A_127 = arith.cmpi eq, %iota3A, %eq3A_126 : vector<16xi32>
      %select_n3A_128 = arith.select %eq3A_127, %broadcast_in_dim3A_124, %select_n3A_117 : vector<16xi1>, vector<16xf32>
      %get3A_129 = arith.constant 80 : index
      %get3A_130 = tpu.vector_load %arg6[%get3A_129] {strides = array<i32>} : memref<320xf32, #tpu.memory_space<vmem>>, vector<16xf32>,
      %reduce_max3A_131 = arith.constant true
      %reduce_max3A_132 = vector.broadcast %reduce_max3A_131 : i1 to vector<16xi1>
      %reduce_max3A_133 = tpu.scan <max>, %get3A_130 masked %reduce_max3A_132 : vector<16xf32>, vector<16xi1> -> vector<16xf32>
      %reduce_max3A_134 = vector.extract %reduce_max3A_133[15] : f32 from vector<16xf32>
      %broadcast_in_dim3A_135 = vector.broadcast %reduce_max3A_134 : f32 to vector<16xf32>
      %eq3A_136 = arith.constant 5 : i32
      %eq3A_137 = vector.broadcast %eq3A_136 : i32 to vector<16xi32>
      %eq3A_138 = arith.cmpi eq, %iota3A, %eq3A_137 : vector<16xi32>
      %select_n3A_139 = arith.select %eq3A_138, %broadcast_in_dim3A_135, %select_n3A_128 : vector<16xi1>, vector<16xf32>
      %get3A_140 = arith.constant 96 : index
      %get3A_141 = tpu.vector_load %arg6[%get3A_140] {strides = array<i32>} : memref<320xf32, #tpu.memory_space<vmem>>, vector<16xf32>,
      %reduce_max3A_142 = arith.constant true
      %reduce_max3A_143 = vector.broadcast %reduce_max3A_142 : i1 to vector<16xi1>
      %reduce_max3A_144 = tpu.scan <max>, %get3A_141 masked %reduce_max3A_143 : vector<16xf32>, vector<16xi1> -> vector<16xf32>
      %reduce_max3A_145 = vector.extract %reduce_max3A_144[15] : f32 from vector<16xf32>
      %broadcast_in_dim3A_146 = vector.broadcast %reduce_max3A_145 : f32 to vector<16xf32>
      %eq3A_147 = arith.constant 6 : i32
      %eq3A_148 = vector.broadcast %eq3A_147 : i32 to vector<16xi32>
      %eq3A_149 = arith.cmpi eq, %iota3A, %eq3A_148 : vector<16xi32>
      %select_n3A_150 = arith.select %eq3A_149, %broadcast_in_dim3A_146, %select_n3A_139 : vector<16xi1>, vector<16xf32>
      %get3A_151 = arith.constant 112 : index
      %get3A_152 = tpu.vector_load %arg6[%get3A_151] {strides = array<i32>} : memref<320xf32, #tpu.memory_space<vmem>>, vector<16xf32>,
      %reduce_max3A_153 = arith.constant true
      %reduce_max3A_154 = vector.broadcast %reduce_max3A_153 : i1 to vector<16xi1>
      %reduce_max3A_155 = tpu.scan <max>, %get3A_152 masked %reduce_max3A_154 : vector<16xf32>, vector<16xi1> -> vector<16xf32>
      %reduce_max3A_156 = vector.extract %reduce_max3A_155[15] : f32 from vector<16xf32>
      %broadcast_in_dim3A_157 = vector.broadcast %reduce_max3A_156 : f32 to vector<16xf32>
      %eq3A_158 = arith.constant 7 : i32
      %eq3A_159 = vector.broadcast %eq3A_158 : i32 to vector<16xi32>
      %eq3A_160 = arith.cmpi eq, %iota3A, %eq3A_159 : vector<16xi32>
      %select_n3A_161 = arith.select %eq3A_160, %broadcast_in_dim3A_157, %select_n3A_150 : vector<16xi1>, vector<16xf32>
      %get3A_162 = arith.constant 128 : index
      %get3A_163 = tpu.vector_load %arg6[%get3A_162] {strides = array<i32>} : memref<320xf32, #tpu.memory_space<vmem>>, vector<16xf32>,
      %reduce_max3A_164 = arith.constant true
      %reduce_max3A_165 = vector.broadcast %reduce_max3A_164 : i1 to vector<16xi1>
      %reduce_max3A_166 = tpu.scan <max>, %get3A_163 masked %reduce_max3A_165 : vector<16xf32>, vector<16xi1> -> vector<16xf32>
      %reduce_max3A_167 = vector.extract %reduce_max3A_166[15] : f32 from vector<16xf32>
      %broadcast_in_dim3A_168 = vector.broadcast %reduce_max3A_167 : f32 to vector<16xf32>
      %eq3A_169 = arith.constant 8 : i32
      %eq3A_170 = vector.broadcast %eq3A_169 : i32 to vector<16xi32>
      %eq3A_171 = arith.cmpi eq, %iota3A, %eq3A_170 : vector<16xi32>
      %select_n3A_172 = arith.select %eq3A_171, %broadcast_in_dim3A_168, %select_n3A_161 : vector<16xi1>, vector<16xf32>
      %get3A_173 = arith.constant 144 : index
      %get3A_174 = tpu.vector_load %arg6[%get3A_173] {strides = array<i32>} : memref<320xf32, #tpu.memory_space<vmem>>, vector<16xf32>,
      %reduce_max3A_175 = arith.constant true
      %reduce_max3A_176 = vector.broadcast %reduce_max3A_175 : i1 to vector<16xi1>
      %reduce_max3A_177 = tpu.scan <max>, %get3A_174 masked %reduce_max3A_176 : vector<16xf32>, vector<16xi1> -> vector<16xf32>
      %reduce_max3A_178 = vector.extract %reduce_max3A_177[15] : f32 from vector<16xf32>
      %broadcast_in_dim3A_179 = vector.broadcast %reduce_max3A_178 : f32 to vector<16xf32>
      %eq3A_180 = arith.constant 9 : i32
      %eq3A_181 = vector.broadcast %eq3A_180 : i32 to vector<16xi32>
      %eq3A_182 = arith.cmpi eq, %iota3A, %eq3A_181 : vector<16xi32>
      %select_n3A_183 = arith.select %eq3A_182, %broadcast_in_dim3A_179, %select_n3A_172 : vector<16xi1>, vector<16xf32>
      %get3A_184 = arith.constant 160 : index
      %get3A_185 = tpu.vector_load %arg6[%get3A_184] {strides = array<i32>} : memref<320xf32, #tpu.memory_space<vmem>>, vector<16xf32>,
      %reduce_max3A_186 = arith.constant true
      %reduce_max3A_187 = vector.broadcast %reduce_max3A_186 : i1 to vector<16xi1>
      %reduce_max3A_188 = tpu.scan <max>, %get3A_185 masked %reduce_max3A_187 : vector<16xf32>, vector<16xi1> -> vector<16xf32>
      %reduce_max3A_189 = vector.extract %reduce_max3A_188[15] : f32 from vector<16xf32>
      %broadcast_in_dim3A_190 = vector.broadcast %reduce_max3A_189 : f32 to vector<16xf32>
      %eq3A_191 = arith.constant 10 : i32
      %eq3A_192 = vector.broadcast %eq3A_191 : i32 to vector<16xi32>
      %eq3A_193 = arith.cmpi eq, %iota3A, %eq3A_192 : vector<16xi32>
      %select_n3A_194 = arith.select %eq3A_193, %broadcast_in_dim3A_190, %select_n3A_183 : vector<16xi1>, vector<16xf32>
      %get3A_195 = arith.constant 176 : index
      %get3A_196 = tpu.vector_load %arg6[%get3A_195] {strides = array<i32>} : memref<320xf32, #tpu.memory_space<vmem>>, vector<16xf32>,
      %reduce_max3A_197 = arith.constant true
      %reduce_max3A_198 = vector.broadcast %reduce_max3A_197 : i1 to vector<16xi1>
      %reduce_max3A_199 = tpu.scan <max>, %get3A_196 masked %reduce_max3A_198 : vector<16xf32>, vector<16xi1> -> vector<16xf32>
      %reduce_max3A_200 = vector.extract %reduce_max3A_199[15] : f32 from vector<16xf32>
      %broadcast_in_dim3A_201 = vector.broadcast %reduce_max3A_200 : f32 to vector<16xf32>
      %eq3A_202 = arith.constant 11 : i32
      %eq3A_203 = vector.broadcast %eq3A_202 : i32 to vector<16xi32>
      %eq3A_204 = arith.cmpi eq, %iota3A, %eq3A_203 : vector<16xi32>
      %select_n3A_205 = arith.select %eq3A_204, %broadcast_in_dim3A_201, %select_n3A_194 : vector<16xi1>, vector<16xf32>
      %get3A_206 = arith.constant 192 : index
      %get3A_207 = tpu.vector_load %arg6[%get3A_206] {strides = array<i32>} : memref<320xf32, #tpu.memory_space<vmem>>, vector<16xf32>,
      %reduce_max3A_208 = arith.constant true
      %reduce_max3A_209 = vector.broadcast %reduce_max3A_208 : i1 to vector<16xi1>
      %reduce_max3A_210 = tpu.scan <max>, %get3A_207 masked %reduce_max3A_209 : vector<16xf32>, vector<16xi1> -> vector<16xf32>
      %reduce_max3A_211 = vector.extract %reduce_max3A_210[15] : f32 from vector<16xf32>
      %broadcast_in_dim3A_212 = vector.broadcast %reduce_max3A_211 : f32 to vector<16xf32>
      %eq3A_213 = arith.constant 12 : i32
      %eq3A_214 = vector.broadcast %eq3A_213 : i32 to vector<16xi32>
      %eq3A_215 = arith.cmpi eq, %iota3A, %eq3A_214 : vector<16xi32>
      %select_n3A_216 = arith.select %eq3A_215, %broadcast_in_dim3A_212, %select_n3A_205 : vector<16xi1>, vector<16xf32>
      %get3A_217 = arith.constant 208 : index
      %get3A_218 = tpu.vector_load %arg6[%get3A_217] {strides = array<i32>} : memref<320xf32, #tpu.memory_space<vmem>>, vector<16xf32>,
      %reduce_max3A_219 = arith.constant true
      %reduce_max3A_220 = vector.broadcast %reduce_max3A_219 : i1 to vector<16xi1>
      %reduce_max3A_221 = tpu.scan <max>, %get3A_218 masked %reduce_max3A_220 : vector<16xf32>, vector<16xi1> -> vector<16xf32>
      %reduce_max3A_222 = vector.extract %reduce_max3A_221[15] : f32 from vector<16xf32>
      %broadcast_in_dim3A_223 = vector.broadcast %reduce_max3A_222 : f32 to vector<16xf32>
      %eq3A_224 = arith.constant 13 : i32
      %eq3A_225 = vector.broadcast %eq3A_224 : i32 to vector<16xi32>
      %eq3A_226 = arith.cmpi eq, %iota3A, %eq3A_225 : vector<16xi32>
      %select_n3A_227 = arith.select %eq3A_226, %broadcast_in_dim3A_223, %select_n3A_216 : vector<16xi1>, vector<16xf32>
      %get3A_228 = arith.constant 224 : index
      %get3A_229 = tpu.vector_load %arg6[%get3A_228] {strides = array<i32>} : memref<320xf32, #tpu.memory_space<vmem>>, vector<16xf32>,
      %reduce_max3A_230 = arith.constant true
      %reduce_max3A_231 = vector.broadcast %reduce_max3A_230 : i1 to vector<16xi1>
      %reduce_max3A_232 = tpu.scan <max>, %get3A_229 masked %reduce_max3A_231 : vector<16xf32>, vector<16xi1> -> vector<16xf32>
      %reduce_max3A_233 = vector.extract %reduce_max3A_232[15] : f32 from vector<16xf32>
      %broadcast_in_dim3A_234 = vector.broadcast %reduce_max3A_233 : f32 to vector<16xf32>
      %eq3A_235 = arith.constant 14 : i32
      %eq3A_236 = vector.broadcast %eq3A_235 : i32 to vector<16xi32>
      %eq3A_237 = arith.cmpi eq, %iota3A, %eq3A_236 : vector<16xi32>
      %select_n3A_238 = arith.select %eq3A_237, %broadcast_in_dim3A_234, %select_n3A_227 : vector<16xi1>, vector<16xf32>
      %get3A_239 = arith.constant 240 : index
      %get3A_240 = tpu.vector_load %arg6[%get3A_239] {strides = array<i32>} : memref<320xf32, #tpu.memory_space<vmem>>, vector<16xf32>,
      %reduce_max3A_241 = arith.constant true
      %reduce_max3A_242 = vector.broadcast %reduce_max3A_241 : i1 to vector<16xi1>
      %reduce_max3A_243 = tpu.scan <max>, %get3A_240 masked %reduce_max3A_242 : vector<16xf32>, vector<16xi1> -> vector<16xf32>
      %reduce_max3A_244 = vector.extract %reduce_max3A_243[15] : f32 from vector<16xf32>
      %broadcast_in_dim3A_245 = vector.broadcast %reduce_max3A_244 : f32 to vector<16xf32>
      %eq3A_246 = arith.constant 15 : i32
      %eq3A_247 = vector.broadcast %eq3A_246 : i32 to vector<16xi32>
      %eq3A_248 = arith.cmpi eq, %iota3A, %eq3A_247 : vector<16xi32>
      %select_n3A_249 = arith.select %eq3A_248, %broadcast_in_dim3A_245, %select_n3A_238 : vector<16xi1>, vector<16xf32>
      %get3A_250 = arith.constant 256 : index
      %get3A_251 = tpu.vector_load %arg6[%get3A_250] {strides = array<i32>} : memref<320xf32, #tpu.memory_space<vmem>>, vector<16xf32>,
      %reduce_max3A_252 = arith.constant true
      %reduce_max3A_253 = vector.broadcast %reduce_max3A_252 : i1 to vector<16xi1>
      %reduce_max3A_254 = tpu.scan <max>, %get3A_251 masked %reduce_max3A_253 : vector<16xf32>, vector<16xi1> -> vector<16xf32>
      %reduce_max3A_255 = vector.extract %reduce_max3A_254[15] : f32 from vector<16xf32>
      %broadcast_in_dim3A_256 = vector.broadcast %reduce_max3A_255 : f32 to vector<16xf32>
      %eq3A_257 = arith.constant 0 : i32
      %eq3A_258 = vector.broadcast %eq3A_257 : i32 to vector<16xi32>
      %eq3A_259 = arith.cmpi eq, %iota3A, %eq3A_258 : vector<16xi32>
      %select_n3A_260 = arith.select %eq3A_259, %broadcast_in_dim3A_256, %broadcast_in_dim3A_75 : vector<16xi1>, vector<16xf32>
      %get3A_261 = arith.constant 272 : index
      %get3A_262 = tpu.vector_load %arg6[%get3A_261] {strides = array<i32>} : memref<320xf32, #tpu.memory_space<vmem>>, vector<16xf32>,
      %reduce_max3A_263 = arith.constant true
      %reduce_max3A_264 = vector.broadcast %reduce_max3A_263 : i1 to vector<16xi1>
      %reduce_max3A_265 = tpu.scan <max>, %get3A_262 masked %reduce_max3A_264 : vector<16xf32>, vector<16xi1> -> vector<16xf32>
      %reduce_max3A_266 = vector.extract %reduce_max3A_265[15] : f32 from vector<16xf32>
      %broadcast_in_dim3A_267 = vector.broadcast %reduce_max3A_266 : f32 to vector<16xf32>
      %eq3A_268 = arith.constant 1 : i32
      %eq3A_269 = vector.broadcast %eq3A_268 : i32 to vector<16xi32>
      %eq3A_270 = arith.cmpi eq, %iota3A, %eq3A_269 : vector<16xi32>
      %select_n3A_271 = arith.select %eq3A_270, %broadcast_in_dim3A_267, %select_n3A_260 : vector<16xi1>, vector<16xf32>
      %get3A_272 = arith.constant 288 : index
      %get3A_273 = tpu.vector_load %arg6[%get3A_272] {strides = array<i32>} : memref<320xf32, #tpu.memory_space<vmem>>, vector<16xf32>,
      %reduce_max3A_274 = arith.constant true
      %reduce_max3A_275 = vector.broadcast %reduce_max3A_274 : i1 to vector<16xi1>
      %reduce_max3A_276 = tpu.scan <max>, %get3A_273 masked %reduce_max3A_275 : vector<16xf32>, vector<16xi1> -> vector<16xf32>
      %reduce_max3A_277 = vector.extract %reduce_max3A_276[15] : f32 from vector<16xf32>
      %broadcast_in_dim3A_278 = vector.broadcast %reduce_max3A_277 : f32 to vector<16xf32>
      %eq3A_279 = arith.constant 2 : i32
      %eq3A_280 = vector.broadcast %eq3A_279 : i32 to vector<16xi32>
      %eq3A_281 = arith.cmpi eq, %iota3A, %eq3A_280 : vector<16xi32>
      %select_n3A_282 = arith.select %eq3A_281, %broadcast_in_dim3A_278, %select_n3A_271 : vector<16xi1>, vector<16xf32>
      %get3A_283 = arith.constant 304 : index
      %get3A_284 = tpu.vector_load %arg6[%get3A_283] {strides = array<i32>} : memref<320xf32, #tpu.memory_space<vmem>>, vector<16xf32>,
      %reduce_max3A_285 = arith.constant true
      %reduce_max3A_286 = vector.broadcast %reduce_max3A_285 : i1 to vector<16xi1>
      %reduce_max3A_287 = tpu.scan <max>, %get3A_284 masked %reduce_max3A_286 : vector<16xf32>, vector<16xi1> -> vector<16xf32>
      %reduce_max3A_288 = vector.extract %reduce_max3A_287[15] : f32 from vector<16xf32>
      %broadcast_in_dim3A_289 = vector.broadcast %reduce_max3A_288 : f32 to vector<16xf32>
      %eq3A_290 = arith.constant 3 : i32
      %eq3A_291 = vector.broadcast %eq3A_290 : i32 to vector<16xi32>
      %eq3A_292 = arith.cmpi eq, %iota3A, %eq3A_291 : vector<16xi32>
      %select_n3A_293 = arith.select %eq3A_292, %broadcast_in_dim3A_289, %select_n3A_282 : vector<16xi1>, vector<16xf32>
      %swap3A = arith.constant 0 : index
      %swap3A_294 = tpu.vector_load %arg8[%swap3A] {strides = array<i32>} : memref<2000xf32, #tpu.memory_space<vmem>>, vector<16xf32>,
      tpu.vector_store %arg8[%swap3A], %broadcast_in_dim3A_5 {strides = array<i32>} : memref<2000xf32, #tpu.memory_space<vmem>>, vector<16xf32>,
      %swap3A_295 = arith.constant 16 : index
      %swap3A_296 = tpu.vector_load %arg8[%swap3A_295] {strides = array<i32>} : memref<2000xf32, #tpu.memory_space<vmem>>, vector<16xf32>,
      tpu.vector_store %arg8[%swap3A_295], %broadcast_in_dim3A_5 {strides = array<i32>} : memref<2000xf32, #tpu.memory_space<vmem>>, vector<16xf32>,
      %swap3A_297 = arith.constant 32 : index
      %swap3A_298 = tpu.vector_load %arg8[%swap3A_297] {strides = array<i32>} : memref<2000xf32, #tpu.memory_space<vmem>>, vector<16xf32>,
      tpu.vector_store %arg8[%swap3A_297], %broadcast_in_dim3A_5 {strides = array<i32>} : memref<2000xf32, #tpu.memory_space<vmem>>, vector<16xf32>,
      %swap3A_299 = arith.constant 48 : index
      %swap3A_300 = tpu.vector_load %arg8[%swap3A_299] {strides = array<i32>} : memref<2000xf32, #tpu.memory_space<vmem>>, vector<16xf32>,
      tpu.vector_store %arg8[%swap3A_299], %broadcast_in_dim3A_5 {strides = array<i32>} : memref<2000xf32, #tpu.memory_space<vmem>>, vector<16xf32>,
      %swap3A_301 = arith.constant 64 : index
      %swap3A_302 = tpu.vector_load %arg8[%swap3A_301] {strides = array<i32>} : memref<2000xf32, #tpu.memory_space<vmem>>, vector<16xf32>,
      tpu.vector_store %arg8[%swap3A_301], %broadcast_in_dim3A_5 {strides = array<i32>} : memref<2000xf32, #tpu.memory_space<vmem>>, vector<16xf32>,
      %swap3A_303 = arith.constant 80 : index
      %swap3A_304 = tpu.vector_load %arg8[%swap3A_303] {strides = array<i32>} : memref<2000xf32, #tpu.memory_space<vmem>>, vector<16xf32>,
      tpu.vector_store %arg8[%swap3A_303], %broadcast_in_dim3A_5 {strides = array<i32>} : memref<2000xf32, #tpu.memory_space<vmem>>, vector<16xf32>,
      %swap3A_305 = arith.constant 96 : index
      %swap3A_306 = tpu.vector_load %arg8[%swap3A_305] {strides = array<i32>} : memref<2000xf32, #tpu.memory_space<vmem>>, vector<16xf32>,
      tpu.vector_store %arg8[%swap3A_305], %broadcast_in_dim3A_5 {strides = array<i32>} : memref<2000xf32, #tpu.memory_space<vmem>>, vector<16xf32>,
      %swap3A_307 = arith.constant 112 : index
      %swap3A_308 = tpu.vector_load %arg8[%swap3A_307] {strides = array<i32>} : memref<2000xf32, #tpu.memory_space<vmem>>, vector<16xf32>,
      tpu.vector_store %arg8[%swap3A_307], %broadcast_in_dim3A_5 {strides = array<i32>} : memref<2000xf32, #tpu.memory_space<vmem>>, vector<16xf32>,
      %swap3A_309 = arith.constant 128 : index
      %swap3A_310 = tpu.vector_load %arg8[%swap3A_309] {strides = array<i32>} : memref<2000xf32, #tpu.memory_space<vmem>>, vector<16xf32>,
      tpu.vector_store %arg8[%swap3A_309], %broadcast_in_dim3A_5 {strides = array<i32>} : memref<2000xf32, #tpu.memory_space<vmem>>, vector<16xf32>,
      %swap3A_311 = arith.constant 144 : index
      %swap3A_312 = tpu.vector_load %arg8[%swap3A_311] {strides = array<i32>} : memref<2000xf32, #tpu.memory_space<vmem>>, vector<16xf32>,
      tpu.vector_store %arg8[%swap3A_311], %broadcast_in_dim3A_5 {strides = array<i32>} : memref<2000xf32, #tpu.memory_space<vmem>>, vector<16xf32>,
      %swap3A_313 = arith.constant 160 : index
      %swap3A_314 = tpu.vector_load %arg8[%swap3A_313] {strides = array<i32>} : memref<2000xf32, #tpu.memory_space<vmem>>, vector<16xf32>,
      tpu.vector_store %arg8[%swap3A_313], %broadcast_in_dim3A_5 {strides = array<i32>} : memref<2000xf32, #tpu.memory_space<vmem>>, vector<16xf32>,
      %swap3A_315 = arith.constant 176 : index
      %swap3A_316 = tpu.vector_load %arg8[%swap3A_315] {strides = array<i32>} : memref<2000xf32, #tpu.memory_space<vmem>>, vector<16xf32>,
      tpu.vector_store %arg8[%swap3A_315], %broadcast_in_dim3A_5 {strides = array<i32>} : memref<2000xf32, #tpu.memory_space<vmem>>, vector<16xf32>,
      %swap3A_317 = arith.constant 192 : index
      %swap3A_318 = tpu.vector_load %arg8[%swap3A_317] {strides = array<i32>} : memref<2000xf32, #tpu.memory_space<vmem>>, vector<16xf32>,
      tpu.vector_store %arg8[%swap3A_317], %broadcast_in_dim3A_5 {strides = array<i32>} : memref<2000xf32, #tpu.memory_space<vmem>>, vector<16xf32>,
      %swap3A_319 = arith.constant 208 : index
      %swap3A_320 = tpu.vector_load %arg8[%swap3A_319] {strides = array<i32>} : memref<2000xf32, #tpu.memory_space<vmem>>, vector<16xf32>,
      tpu.vector_store %arg8[%swap3A_319], %broadcast_in_dim3A_5 {strides = array<i32>} : memref<2000xf32, #tpu.memory_space<vmem>>, vector<16xf32>,
      %swap3A_321 = arith.constant 224 : index
      %swap3A_322 = tpu.vector_load %arg8[%swap3A_321] {strides = array<i32>} : memref<2000xf32, #tpu.memory_space<vmem>>, vector<16xf32>,
      tpu.vector_store %arg8[%swap3A_321], %broadcast_in_dim3A_5 {strides = array<i32>} : memref<2000xf32, #tpu.memory_space<vmem>>, vector<16xf32>,
      %swap3A_323 = arith.constant 240 : index
      %swap3A_324 = tpu.vector_load %arg8[%swap3A_323] {strides = array<i32>} : memref<2000xf32, #tpu.memory_space<vmem>>, vector<16xf32>,
      tpu.vector_store %arg8[%swap3A_323], %broadcast_in_dim3A_5 {strides = array<i32>} : memref<2000xf32, #tpu.memory_space<vmem>>, vector<16xf32>,
      %swap3A_325 = arith.constant 256 : index
      %swap3A_326 = tpu.vector_load %arg8[%swap3A_325] {strides = array<i32>} : memref<2000xf32, #tpu.memory_space<vmem>>, vector<16xf32>,
      tpu.vector_store %arg8[%swap3A_325], %broadcast_in_dim3A_5 {strides = array<i32>} : memref<2000xf32, #tpu.memory_space<vmem>>, vector<16xf32>,
      %swap3A_327 = arith.constant 272 : index
      %swap3A_328 = tpu.vector_load %arg8[%swap3A_327] {strides = array<i32>} : memref<2000xf32, #tpu.memory_space<vmem>>, vector<16xf32>,
      tpu.vector_store %arg8[%swap3A_327], %broadcast_in_dim3A_5 {strides = array<i32>} : memref<2000xf32, #tpu.memory_space<vmem>>, vector<16xf32>,
      %swap3A_329 = arith.constant 288 : index
      %swap3A_330 = tpu.vector_load %arg8[%swap3A_329] {strides = array<i32>} : memref<2000xf32, #tpu.memory_space<vmem>>, vector<16xf32>,
      tpu.vector_store %arg8[%swap3A_329], %broadcast_in_dim3A_5 {strides = array<i32>} : memref<2000xf32, #tpu.memory_space<vmem>>, vector<16xf32>,
      %swap3A_331 = arith.constant 304 : index
      %swap3A_332 = tpu.vector_load %arg8[%swap3A_331] {strides = array<i32>} : memref<2000xf32, #tpu.memory_space<vmem>>, vector<16xf32>,
      tpu.vector_store %arg8[%swap3A_331], %broadcast_in_dim3A_5 {strides = array<i32>} : memref<2000xf32, #tpu.memory_space<vmem>>, vector<16xf32>,
      %swap3A_333 = arith.constant 320 : index
      %swap3A_334 = tpu.vector_load %arg8[%swap3A_333] {strides = array<i32>} : memref<2000xf32, #tpu.memory_space<vmem>>, vector<16xf32>,
      tpu.vector_store %arg8[%swap3A_333], %broadcast_in_dim3A_5 {strides = array<i32>} : memref<2000xf32, #tpu.memory_space<vmem>>, vector<16xf32>,
      %swap3A_335 = arith.constant 336 : index
      %swap3A_336 = tpu.vector_load %arg8[%swap3A_335] {strides = array<i32>} : memref<2000xf32, #tpu.memory_space<vmem>>, vector<16xf32>,
      tpu.vector_store %arg8[%swap3A_335], %broadcast_in_dim3A_5 {strides = array<i32>} : memref<2000xf32, #tpu.memory_space<vmem>>, vector<16xf32>,
      %swap3A_337 = arith.constant 352 : index
      %swap3A_338 = tpu.vector_load %arg8[%swap3A_337] {strides = array<i32>} : memref<2000xf32, #tpu.memory_space<vmem>>, vector<16xf32>,
      tpu.vector_store %arg8[%swap3A_337], %broadcast_in_dim3A_5 {strides = array<i32>} : memref<2000xf32, #tpu.memory_space<vmem>>, vector<16xf32>,
      %swap3A_339 = arith.constant 368 : index
      %swap3A_340 = tpu.vector_load %arg8[%swap3A_339] {strides = array<i32>} : memref<2000xf32, #tpu.memory_space<vmem>>, vector<16xf32>,
      tpu.vector_store %arg8[%swap3A_339], %broadcast_in_dim3A_5 {strides = array<i32>} : memref<2000xf32, #tpu.memory_space<vmem>>, vector<16xf32>,
      %swap3A_341 = arith.constant 384 : index
      %swap3A_342 = tpu.vector_load %arg8[%swap3A_341] {strides = array<i32>} : memref<2000xf32, #tpu.memory_space<vmem>>, vector<16xf32>,
      tpu.vector_store %arg8[%swap3A_341], %broadcast_in_dim3A_5 {strides = array<i32>} : memref<2000xf32, #tpu.memory_space<vmem>>, vector<16xf32>,
      %swap3A_343 = arith.constant 400 : index
      %swap3A_344 = tpu.vector_load %arg8[%swap3A_343] {strides = array<i32>} : memref<2000xf32, #tpu.memory_space<vmem>>, vector<16xf32>,
      tpu.vector_store %arg8[%swap3A_343], %broadcast_in_dim3A_5 {strides = array<i32>} : memref<2000xf32, #tpu.memory_space<vmem>>, vector<16xf32>,
      %swap3A_345 = arith.constant 416 : index
      %swap3A_346 = tpu.vector_load %arg8[%swap3A_345] {strides = array<i32>} : memref<2000xf32, #tpu.memory_space<vmem>>, vector<16xf32>,
      tpu.vector_store %arg8[%swap3A_345], %broadcast_in_dim3A_5 {strides = array<i32>} : memref<2000xf32, #tpu.memory_space<vmem>>, vector<16xf32>,
      %swap3A_347 = arith.constant 432 : index
      %swap3A_348 = tpu.vector_load %arg8[%swap3A_347] {strides = array<i32>} : memref<2000xf32, #tpu.memory_space<vmem>>, vector<16xf32>,
      tpu.vector_store %arg8[%swap3A_347], %broadcast_in_dim3A_5 {strides = array<i32>} : memref<2000xf32, #tpu.memory_space<vmem>>, vector<16xf32>,
      %swap3A_349 = arith.constant 448 : index
      %swap3A_350 = tpu.vector_load %arg8[%swap3A_349] {strides = array<i32>} : memref<2000xf32, #tpu.memory_space<vmem>>, vector<16xf32>,
      tpu.vector_store %arg8[%swap3A_349], %broadcast_in_dim3A_5 {strides = array<i32>} : memref<2000xf32, #tpu.memory_space<vmem>>, vector<16xf32>,
      %swap3A_351 = arith.constant 464 : index
      %swap3A_352 = tpu.vector_load %arg8[%swap3A_351] {strides = array<i32>} : memref<2000xf32, #tpu.memory_space<vmem>>, vector<16xf32>,
      tpu.vector_store %arg8[%swap3A_351], %broadcast_in_dim3A_5 {strides = array<i32>} : memref<2000xf32, #tpu.memory_space<vmem>>, vector<16xf32>,
      %swap3A_353 = arith.constant 480 : index
      %swap3A_354 = tpu.vector_load %arg8[%swap3A_353] {strides = array<i32>} : memref<2000xf32, #tpu.memory_space<vmem>>, vector<16xf32>,
      tpu.vector_store %arg8[%swap3A_353], %broadcast_in_dim3A_5 {strides = array<i32>} : memref<2000xf32, #tpu.memory_space<vmem>>, vector<16xf32>,
      %swap3A_355 = arith.constant 496 : index
      %swap3A_356 = tpu.vector_load %arg8[%swap3A_355] {strides = array<i32>} : memref<2000xf32, #tpu.memory_space<vmem>>, vector<16xf32>,
      tpu.vector_store %arg8[%swap3A_355], %broadcast_in_dim3A_5 {strides = array<i32>} : memref<2000xf32, #tpu.memory_space<vmem>>, vector<16xf32>,
      %swap3A_357 = arith.constant 512 : index
      %swap3A_358 = tpu.vector_load %arg8[%swap3A_357] {strides = array<i32>} : memref<2000xf32, #tpu.memory_space<vmem>>, vector<16xf32>,
      tpu.vector_store %arg8[%swap3A_357], %broadcast_in_dim3A_5 {strides = array<i32>} : memref<2000xf32, #tpu.memory_space<vmem>>, vector<16xf32>,
      %swap3A_359 = arith.constant 528 : index
      %swap3A_360 = tpu.vector_load %arg8[%swap3A_359] {strides = array<i32>} : memref<2000xf32, #tpu.memory_space<vmem>>, vector<16xf32>,
      tpu.vector_store %arg8[%swap3A_359], %broadcast_in_dim3A_5 {strides = array<i32>} : memref<2000xf32, #tpu.memory_space<vmem>>, vector<16xf32>,
      %swap3A_361 = arith.constant 544 : index
      %swap3A_362 = tpu.vector_load %arg8[%swap3A_361] {strides = array<i32>} : memref<2000xf32, #tpu.memory_space<vmem>>, vector<16xf32>,
      tpu.vector_store %arg8[%swap3A_361], %broadcast_in_dim3A_5 {strides = array<i32>} : memref<2000xf32, #tpu.memory_space<vmem>>, vector<16xf32>,
      %swap3A_363 = arith.constant 560 : index
      %swap3A_364 = tpu.vector_load %arg8[%swap3A_363] {strides = array<i32>} : memref<2000xf32, #tpu.memory_space<vmem>>, vector<16xf32>,
      tpu.vector_store %arg8[%swap3A_363], %broadcast_in_dim3A_5 {strides = array<i32>} : memref<2000xf32, #tpu.memory_space<vmem>>, vector<16xf32>,
      %swap3A_365 = arith.constant 576 : index
      %swap3A_366 = tpu.vector_load %arg8[%swap3A_365] {strides = array<i32>} : memref<2000xf32, #tpu.memory_space<vmem>>, vector<16xf32>,
      tpu.vector_store %arg8[%swap3A_365], %broadcast_in_dim3A_5 {strides = array<i32>} : memref<2000xf32, #tpu.memory_space<vmem>>, vector<16xf32>,
      %swap3A_367 = arith.constant 592 : index
      %swap3A_368 = tpu.vector_load %arg8[%swap3A_367] {strides = array<i32>} : memref<2000xf32, #tpu.memory_space<vmem>>, vector<16xf32>,
      tpu.vector_store %arg8[%swap3A_367], %broadcast_in_dim3A_5 {strides = array<i32>} : memref<2000xf32, #tpu.memory_space<vmem>>, vector<16xf32>,
      %swap3A_369 = arith.constant 608 : index
      %swap3A_370 = tpu.vector_load %arg8[%swap3A_369] {strides = array<i32>} : memref<2000xf32, #tpu.memory_space<vmem>>, vector<16xf32>,
      tpu.vector_store %arg8[%swap3A_369], %broadcast_in_dim3A_5 {strides = array<i32>} : memref<2000xf32, #tpu.memory_space<vmem>>, vector<16xf32>,
      %swap3A_371 = arith.constant 624 : index
      %swap3A_372 = tpu.vector_load %arg8[%swap3A_371] {strides = array<i32>} : memref<2000xf32, #tpu.memory_space<vmem>>, vector<16xf32>,
      tpu.vector_store %arg8[%swap3A_371], %broadcast_in_dim3A_5 {strides = array<i32>} : memref<2000xf32, #tpu.memory_space<vmem>>, vector<16xf32>,
      %swap3A_373 = arith.constant 640 : index
      %swap3A_374 = tpu.vector_load %arg8[%swap3A_373] {strides = array<i32>} : memref<2000xf32, #tpu.memory_space<vmem>>, vector<16xf32>,
      tpu.vector_store %arg8[%swap3A_373], %broadcast_in_dim3A_5 {strides = array<i32>} : memref<2000xf32, #tpu.memory_space<vmem>>, vector<16xf32>,
      %swap3A_375 = arith.constant 656 : index
      %swap3A_376 = tpu.vector_load %arg8[%swap3A_375] {strides = array<i32>} : memref<2000xf32, #tpu.memory_space<vmem>>, vector<16xf32>,
      tpu.vector_store %arg8[%swap3A_375], %broadcast_in_dim3A_5 {strides = array<i32>} : memref<2000xf32, #tpu.memory_space<vmem>>, vector<16xf32>,
      %swap3A_377 = arith.constant 672 : index
      %swap3A_378 = tpu.vector_load %arg8[%swap3A_377] {strides = array<i32>} : memref<2000xf32, #tpu.memory_space<vmem>>, vector<16xf32>,
      tpu.vector_store %arg8[%swap3A_377], %broadcast_in_dim3A_5 {strides = array<i32>} : memref<2000xf32, #tpu.memory_space<vmem>>, vector<16xf32>,
      %swap3A_379 = arith.constant 688 : index
      %swap3A_380 = tpu.vector_load %arg8[%swap3A_379] {strides = array<i32>} : memref<2000xf32, #tpu.memory_space<vmem>>, vector<16xf32>,
      tpu.vector_store %arg8[%swap3A_379], %broadcast_in_dim3A_5 {strides = array<i32>} : memref<2000xf32, #tpu.memory_space<vmem>>, vector<16xf32>,
      %swap3A_381 = arith.constant 704 : index
      %swap3A_382 = tpu.vector_load %arg8[%swap3A_381] {strides = array<i32>} : memref<2000xf32, #tpu.memory_space<vmem>>, vector<16xf32>,
      tpu.vector_store %arg8[%swap3A_381], %broadcast_in_dim3A_5 {strides = array<i32>} : memref<2000xf32, #tpu.memory_space<vmem>>, vector<16xf32>,
      %swap3A_383 = arith.constant 720 : index
      %swap3A_384 = tpu.vector_load %arg8[%swap3A_383] {strides = array<i32>} : memref<2000xf32, #tpu.memory_space<vmem>>, vector<16xf32>,
      tpu.vector_store %arg8[%swap3A_383], %broadcast_in_dim3A_5 {strides = array<i32>} : memref<2000xf32, #tpu.memory_space<vmem>>, vector<16xf32>,
      %swap3A_385 = arith.constant 736 : index
      %swap3A_386 = tpu.vector_load %arg8[%swap3A_385] {strides = array<i32>} : memref<2000xf32, #tpu.memory_space<vmem>>, vector<16xf32>,
      tpu.vector_store %arg8[%swap3A_385], %broadcast_in_dim3A_5 {strides = array<i32>} : memref<2000xf32, #tpu.memory_space<vmem>>, vector<16xf32>,
      %swap3A_387 = arith.constant 752 : index
      %swap3A_388 = tpu.vector_load %arg8[%swap3A_387] {strides = array<i32>} : memref<2000xf32, #tpu.memory_space<vmem>>, vector<16xf32>,
      tpu.vector_store %arg8[%swap3A_387], %broadcast_in_dim3A_5 {strides = array<i32>} : memref<2000xf32, #tpu.memory_space<vmem>>, vector<16xf32>,
      %swap3A_389 = arith.constant 768 : index
      %swap3A_390 = tpu.vector_load %arg8[%swap3A_389] {strides = array<i32>} : memref<2000xf32, #tpu.memory_space<vmem>>, vector<16xf32>,
      tpu.vector_store %arg8[%swap3A_389], %broadcast_in_dim3A_5 {strides = array<i32>} : memref<2000xf32, #tpu.memory_space<vmem>>, vector<16xf32>,
      %swap3A_391 = arith.constant 784 : index
      %swap3A_392 = tpu.vector_load %arg8[%swap3A_391] {strides = array<i32>} : memref<2000xf32, #tpu.memory_space<vmem>>, vector<16xf32>,
      tpu.vector_store %arg8[%swap3A_391], %broadcast_in_dim3A_5 {strides = array<i32>} : memref<2000xf32, #tpu.memory_space<vmem>>, vector<16xf32>,
      %swap3A_393 = arith.constant 800 : index
      %swap3A_394 = tpu.vector_load %arg8[%swap3A_393] {strides = array<i32>} : memref<2000xf32, #tpu.memory_space<vmem>>, vector<16xf32>,
      tpu.vector_store %arg8[%swap3A_393], %broadcast_in_dim3A_5 {strides = array<i32>} : memref<2000xf32, #tpu.memory_space<vmem>>, vector<16xf32>,
      %swap3A_395 = arith.constant 816 : index
      %swap3A_396 = tpu.vector_load %arg8[%swap3A_395] {strides = array<i32>} : memref<2000xf32, #tpu.memory_space<vmem>>, vector<16xf32>,
      tpu.vector_store %arg8[%swap3A_395], %broadcast_in_dim3A_5 {strides = array<i32>} : memref<2000xf32, #tpu.memory_space<vmem>>, vector<16xf32>,
      %swap3A_397 = arith.constant 832 : index
      %swap3A_398 = tpu.vector_load %arg8[%swap3A_397] {strides = array<i32>} : memref<2000xf32, #tpu.memory_space<vmem>>, vector<16xf32>,
      tpu.vector_store %arg8[%swap3A_397], %broadcast_in_dim3A_5 {strides = array<i32>} : memref<2000xf32, #tpu.memory_space<vmem>>, vector<16xf32>,
      %swap3A_399 = arith.constant 848 : index
      %swap3A_400 = tpu.vector_load %arg8[%swap3A_399] {strides = array<i32>} : memref<2000xf32, #tpu.memory_space<vmem>>, vector<16xf32>,
      tpu.vector_store %arg8[%swap3A_399], %broadcast_in_dim3A_5 {strides = array<i32>} : memref<2000xf32, #tpu.memory_space<vmem>>, vector<16xf32>,
      %swap3A_401 = arith.constant 864 : index
      %swap3A_402 = tpu.vector_load %arg8[%swap3A_401] {strides = array<i32>} : memref<2000xf32, #tpu.memory_space<vmem>>, vector<16xf32>,
      tpu.vector_store %arg8[%swap3A_401], %broadcast_in_dim3A_5 {strides = array<i32>} : memref<2000xf32, #tpu.memory_space<vmem>>, vector<16xf32>,
      %swap3A_403 = arith.constant 880 : index
      %swap3A_404 = tpu.vector_load %arg8[%swap3A_403] {strides = array<i32>} : memref<2000xf32, #tpu.memory_space<vmem>>, vector<16xf32>,
      tpu.vector_store %arg8[%swap3A_403], %broadcast_in_dim3A_5 {strides = array<i32>} : memref<2000xf32, #tpu.memory_space<vmem>>, vector<16xf32>,
      %swap3A_405 = arith.constant 896 : index
      %swap3A_406 = tpu.vector_load %arg8[%swap3A_405] {strides = array<i32>} : memref<2000xf32, #tpu.memory_space<vmem>>, vector<16xf32>,
      tpu.vector_store %arg8[%swap3A_405], %broadcast_in_dim3A_5 {strides = array<i32>} : memref<2000xf32, #tpu.memory_space<vmem>>, vector<16xf32>,
      %swap3A_407 = arith.constant 912 : index
      %swap3A_408 = tpu.vector_load %arg8[%swap3A_407] {strides = array<i32>} : memref<2000xf32, #tpu.memory_space<vmem>>, vector<16xf32>,
      tpu.vector_store %arg8[%swap3A_407], %broadcast_in_dim3A_5 {strides = array<i32>} : memref<2000xf32, #tpu.memory_space<vmem>>, vector<16xf32>,
      %swap3A_409 = arith.constant 928 : index
      %swap3A_410 = tpu.vector_load %arg8[%swap3A_409] {strides = array<i32>} : memref<2000xf32, #tpu.memory_space<vmem>>, vector<16xf32>,
      tpu.vector_store %arg8[%swap3A_409], %broadcast_in_dim3A_5 {strides = array<i32>} : memref<2000xf32, #tpu.memory_space<vmem>>, vector<16xf32>,
      %swap3A_411 = arith.constant 944 : index
      %swap3A_412 = tpu.vector_load %arg8[%swap3A_411] {strides = array<i32>} : memref<2000xf32, #tpu.memory_space<vmem>>, vector<16xf32>,
      tpu.vector_store %arg8[%swap3A_411], %broadcast_in_dim3A_5 {strides = array<i32>} : memref<2000xf32, #tpu.memory_space<vmem>>, vector<16xf32>,
      %swap3A_413 = arith.constant 960 : index
      %swap3A_414 = tpu.vector_load %arg8[%swap3A_413] {strides = array<i32>} : memref<2000xf32, #tpu.memory_space<vmem>>, vector<16xf32>,
      tpu.vector_store %arg8[%swap3A_413], %broadcast_in_dim3A_5 {strides = array<i32>} : memref<2000xf32, #tpu.memory_space<vmem>>, vector<16xf32>,
      %swap3A_415 = arith.constant 976 : index
      %swap3A_416 = tpu.vector_load %arg8[%swap3A_415] {strides = array<i32>} : memref<2000xf32, #tpu.memory_space<vmem>>, vector<16xf32>,
      tpu.vector_store %arg8[%swap3A_415], %broadcast_in_dim3A_5 {strides = array<i32>} : memref<2000xf32, #tpu.memory_space<vmem>>, vector<16xf32>,
      %swap3A_417 = arith.constant 992 : index
      %swap3A_418 = tpu.vector_load %arg8[%swap3A_417] {strides = array<i32>} : memref<2000xf32, #tpu.memory_space<vmem>>, vector<16xf32>,
      tpu.vector_store %arg8[%swap3A_417], %broadcast_in_dim3A_5 {strides = array<i32>} : memref<2000xf32, #tpu.memory_space<vmem>>, vector<16xf32>,
      %swap3A_419 = arith.constant 1008 : index
      %swap3A_420 = tpu.vector_load %arg8[%swap3A_419] {strides = array<i32>} : memref<2000xf32, #tpu.memory_space<vmem>>, vector<16xf32>,
      tpu.vector_store %arg8[%swap3A_419], %broadcast_in_dim3A_5 {strides = array<i32>} : memref<2000xf32, #tpu.memory_space<vmem>>, vector<16xf32>,
      %swap3A_421 = arith.constant 1024 : index
      %swap3A_422 = tpu.vector_load %arg8[%swap3A_421] {strides = array<i32>} : memref<2000xf32, #tpu.memory_space<vmem>>, vector<16xf32>,
      tpu.vector_store %arg8[%swap3A_421], %broadcast_in_dim3A_5 {strides = array<i32>} : memref<2000xf32, #tpu.memory_space<vmem>>, vector<16xf32>,
      %swap3A_423 = arith.constant 1040 : index
      %swap3A_424 = tpu.vector_load %arg8[%swap3A_423] {strides = array<i32>} : memref<2000xf32, #tpu.memory_space<vmem>>, vector<16xf32>,
      tpu.vector_store %arg8[%swap3A_423], %broadcast_in_dim3A_5 {strides = array<i32>} : memref<2000xf32, #tpu.memory_space<vmem>>, vector<16xf32>,
      %swap3A_425 = arith.constant 1056 : index
      %swap3A_426 = tpu.vector_load %arg8[%swap3A_425] {strides = array<i32>} : memref<2000xf32, #tpu.memory_space<vmem>>, vector<16xf32>,
      tpu.vector_store %arg8[%swap3A_425], %broadcast_in_dim3A_5 {strides = array<i32>} : memref<2000xf32, #tpu.memory_space<vmem>>, vector<16xf32>,
      %swap3A_427 = arith.constant 1072 : index
      %swap3A_428 = tpu.vector_load %arg8[%swap3A_427] {strides = array<i32>} : memref<2000xf32, #tpu.memory_space<vmem>>, vector<16xf32>,
      tpu.vector_store %arg8[%swap3A_427], %broadcast_in_dim3A_5 {strides = array<i32>} : memref<2000xf32, #tpu.memory_space<vmem>>, vector<16xf32>,
      %swap3A_429 = arith.constant 1088 : index
      %swap3A_430 = tpu.vector_load %arg8[%swap3A_429] {strides = array<i32>} : memref<2000xf32, #tpu.memory_space<vmem>>, vector<16xf32>,
      tpu.vector_store %arg8[%swap3A_429], %broadcast_in_dim3A_5 {strides = array<i32>} : memref<2000xf32, #tpu.memory_space<vmem>>, vector<16xf32>,
      %swap3A_431 = arith.constant 1104 : index
      %swap3A_432 = tpu.vector_load %arg8[%swap3A_431] {strides = array<i32>} : memref<2000xf32, #tpu.memory_space<vmem>>, vector<16xf32>,
      tpu.vector_store %arg8[%swap3A_431], %broadcast_in_dim3A_5 {strides = array<i32>} : memref<2000xf32, #tpu.memory_space<vmem>>, vector<16xf32>,
      %swap3A_433 = arith.constant 1120 : index
      %swap3A_434 = tpu.vector_load %arg8[%swap3A_433] {strides = array<i32>} : memref<2000xf32, #tpu.memory_space<vmem>>, vector<16xf32>,
      tpu.vector_store %arg8[%swap3A_433], %broadcast_in_dim3A_5 {strides = array<i32>} : memref<2000xf32, #tpu.memory_space<vmem>>, vector<16xf32>,
      %swap3A_435 = arith.constant 1136 : index
      %swap3A_436 = tpu.vector_load %arg8[%swap3A_435] {strides = array<i32>} : memref<2000xf32, #tpu.memory_space<vmem>>, vector<16xf32>,
      tpu.vector_store %arg8[%swap3A_435], %broadcast_in_dim3A_5 {strides = array<i32>} : memref<2000xf32, #tpu.memory_space<vmem>>, vector<16xf32>,
      %swap3A_437 = arith.constant 1152 : index
      %swap3A_438 = tpu.vector_load %arg8[%swap3A_437] {strides = array<i32>} : memref<2000xf32, #tpu.memory_space<vmem>>, vector<16xf32>,
      tpu.vector_store %arg8[%swap3A_437], %broadcast_in_dim3A_5 {strides = array<i32>} : memref<2000xf32, #tpu.memory_space<vmem>>, vector<16xf32>,
      %swap3A_439 = arith.constant 1168 : index
      %swap3A_440 = tpu.vector_load %arg8[%swap3A_439] {strides = array<i32>} : memref<2000xf32, #tpu.memory_space<vmem>>, vector<16xf32>,
      tpu.vector_store %arg8[%swap3A_439], %broadcast_in_dim3A_5 {strides = array<i32>} : memref<2000xf32, #tpu.memory_space<vmem>>, vector<16xf32>,
      %swap3A_441 = arith.constant 1184 : index
      %swap3A_442 = tpu.vector_load %arg8[%swap3A_441] {strides = array<i32>} : memref<2000xf32, #tpu.memory_space<vmem>>, vector<16xf32>,
      tpu.vector_store %arg8[%swap3A_441], %broadcast_in_dim3A_5 {strides = array<i32>} : memref<2000xf32, #tpu.memory_space<vmem>>, vector<16xf32>,
      %swap3A_443 = arith.constant 1200 : index
      %swap3A_444 = tpu.vector_load %arg8[%swap3A_443] {strides = array<i32>} : memref<2000xf32, #tpu.memory_space<vmem>>, vector<16xf32>,
      tpu.vector_store %arg8[%swap3A_443], %broadcast_in_dim3A_5 {strides = array<i32>} : memref<2000xf32, #tpu.memory_space<vmem>>, vector<16xf32>,
      %swap3A_445 = arith.constant 1216 : index
      %swap3A_446 = tpu.vector_load %arg8[%swap3A_445] {strides = array<i32>} : memref<2000xf32, #tpu.memory_space<vmem>>, vector<16xf32>,
      tpu.vector_store %arg8[%swap3A_445], %broadcast_in_dim3A_5 {strides = array<i32>} : memref<2000xf32, #tpu.memory_space<vmem>>, vector<16xf32>,
      %swap3A_447 = arith.constant 1232 : index
      %swap3A_448 = tpu.vector_load %arg8[%swap3A_447] {strides = array<i32>} : memref<2000xf32, #tpu.memory_space<vmem>>, vector<16xf32>,
      tpu.vector_store %arg8[%swap3A_447], %broadcast_in_dim3A_5 {strides = array<i32>} : memref<2000xf32, #tpu.memory_space<vmem>>, vector<16xf32>,
      %swap3A_449 = arith.constant 1248 : index
      %swap3A_450 = tpu.vector_load %arg8[%swap3A_449] {strides = array<i32>} : memref<2000xf32, #tpu.memory_space<vmem>>, vector<16xf32>,
      tpu.vector_store %arg8[%swap3A_449], %broadcast_in_dim3A_5 {strides = array<i32>} : memref<2000xf32, #tpu.memory_space<vmem>>, vector<16xf32>,
      %swap3A_451 = arith.constant 1264 : index
      %swap3A_452 = tpu.vector_load %arg8[%swap3A_451] {strides = array<i32>} : memref<2000xf32, #tpu.memory_space<vmem>>, vector<16xf32>,
      tpu.vector_store %arg8[%swap3A_451], %broadcast_in_dim3A_5 {strides = array<i32>} : memref<2000xf32, #tpu.memory_space<vmem>>, vector<16xf32>,
      %swap3A_453 = arith.constant 1280 : index
      %swap3A_454 = tpu.vector_load %arg8[%swap3A_453] {strides = array<i32>} : memref<2000xf32, #tpu.memory_space<vmem>>, vector<16xf32>,
      tpu.vector_store %arg8[%swap3A_453], %broadcast_in_dim3A_5 {strides = array<i32>} : memref<2000xf32, #tpu.memory_space<vmem>>, vector<16xf32>,
      %swap3A_455 = arith.constant 1296 : index
      %swap3A_456 = tpu.vector_load %arg8[%swap3A_455] {strides = array<i32>} : memref<2000xf32, #tpu.memory_space<vmem>>, vector<16xf32>,
      tpu.vector_store %arg8[%swap3A_455], %broadcast_in_dim3A_5 {strides = array<i32>} : memref<2000xf32, #tpu.memory_space<vmem>>, vector<16xf32>,
      %swap3A_457 = arith.constant 1312 : index
      %swap3A_458 = tpu.vector_load %arg8[%swap3A_457] {strides = array<i32>} : memref<2000xf32, #tpu.memory_space<vmem>>, vector<16xf32>,
      tpu.vector_store %arg8[%swap3A_457], %broadcast_in_dim3A_5 {strides = array<i32>} : memref<2000xf32, #tpu.memory_space<vmem>>, vector<16xf32>,
      %swap3A_459 = arith.constant 1328 : index
      %swap3A_460 = tpu.vector_load %arg8[%swap3A_459] {strides = array<i32>} : memref<2000xf32, #tpu.memory_space<vmem>>, vector<16xf32>,
      tpu.vector_store %arg8[%swap3A_459], %broadcast_in_dim3A_5 {strides = array<i32>} : memref<2000xf32, #tpu.memory_space<vmem>>, vector<16xf32>,
      %swap3A_461 = arith.constant 1344 : index
      %swap3A_462 = tpu.vector_load %arg8[%swap3A_461] {strides = array<i32>} : memref<2000xf32, #tpu.memory_space<vmem>>, vector<16xf32>,
      tpu.vector_store %arg8[%swap3A_461], %broadcast_in_dim3A_5 {strides = array<i32>} : memref<2000xf32, #tpu.memory_space<vmem>>, vector<16xf32>,
      %swap3A_463 = arith.constant 1360 : index
      %swap3A_464 = tpu.vector_load %arg8[%swap3A_463] {strides = array<i32>} : memref<2000xf32, #tpu.memory_space<vmem>>, vector<16xf32>,
      tpu.vector_store %arg8[%swap3A_463], %broadcast_in_dim3A_5 {strides = array<i32>} : memref<2000xf32, #tpu.memory_space<vmem>>, vector<16xf32>,
      %swap3A_465 = arith.constant 1376 : index
      %swap3A_466 = tpu.vector_load %arg8[%swap3A_465] {strides = array<i32>} : memref<2000xf32, #tpu.memory_space<vmem>>, vector<16xf32>,
      tpu.vector_store %arg8[%swap3A_465], %broadcast_in_dim3A_5 {strides = array<i32>} : memref<2000xf32, #tpu.memory_space<vmem>>, vector<16xf32>,
      %swap3A_467 = arith.constant 1392 : index
      %swap3A_468 = tpu.vector_load %arg8[%swap3A_467] {strides = array<i32>} : memref<2000xf32, #tpu.memory_space<vmem>>, vector<16xf32>,
      tpu.vector_store %arg8[%swap3A_467], %broadcast_in_dim3A_5 {strides = array<i32>} : memref<2000xf32, #tpu.memory_space<vmem>>, vector<16xf32>,
      %swap3A_469 = arith.constant 1408 : index
      %swap3A_470 = tpu.vector_load %arg8[%swap3A_469] {strides = array<i32>} : memref<2000xf32, #tpu.memory_space<vmem>>, vector<16xf32>,
      tpu.vector_store %arg8[%swap3A_469], %broadcast_in_dim3A_5 {strides = array<i32>} : memref<2000xf32, #tpu.memory_space<vmem>>, vector<16xf32>,
      %swap3A_471 = arith.constant 1424 : index
      %swap3A_472 = tpu.vector_load %arg8[%swap3A_471] {strides = array<i32>} : memref<2000xf32, #tpu.memory_space<vmem>>, vector<16xf32>,
      tpu.vector_store %arg8[%swap3A_471], %broadcast_in_dim3A_5 {strides = array<i32>} : memref<2000xf32, #tpu.memory_space<vmem>>, vector<16xf32>,
      %swap3A_473 = arith.constant 1440 : index
      %swap3A_474 = tpu.vector_load %arg8[%swap3A_473] {strides = array<i32>} : memref<2000xf32, #tpu.memory_space<vmem>>, vector<16xf32>,
      tpu.vector_store %arg8[%swap3A_473], %broadcast_in_dim3A_5 {strides = array<i32>} : memref<2000xf32, #tpu.memory_space<vmem>>, vector<16xf32>,
      %swap3A_475 = arith.constant 1456 : index
      %swap3A_476 = tpu.vector_load %arg8[%swap3A_475] {strides = array<i32>} : memref<2000xf32, #tpu.memory_space<vmem>>, vector<16xf32>,
      tpu.vector_store %arg8[%swap3A_475], %broadcast_in_dim3A_5 {strides = array<i32>} : memref<2000xf32, #tpu.memory_space<vmem>>, vector<16xf32>,
      %swap3A_477 = arith.constant 1472 : index
      %swap3A_478 = tpu.vector_load %arg8[%swap3A_477] {strides = array<i32>} : memref<2000xf32, #tpu.memory_space<vmem>>, vector<16xf32>,
      tpu.vector_store %arg8[%swap3A_477], %broadcast_in_dim3A_5 {strides = array<i32>} : memref<2000xf32, #tpu.memory_space<vmem>>, vector<16xf32>,
      %swap3A_479 = arith.constant 1488 : index
      %swap3A_480 = tpu.vector_load %arg8[%swap3A_479] {strides = array<i32>} : memref<2000xf32, #tpu.memory_space<vmem>>, vector<16xf32>,
      tpu.vector_store %arg8[%swap3A_479], %broadcast_in_dim3A_5 {strides = array<i32>} : memref<2000xf32, #tpu.memory_space<vmem>>, vector<16xf32>,
      %swap3A_481 = arith.constant 1504 : index
      %swap3A_482 = tpu.vector_load %arg8[%swap3A_481] {strides = array<i32>} : memref<2000xf32, #tpu.memory_space<vmem>>, vector<16xf32>,
      tpu.vector_store %arg8[%swap3A_481], %broadcast_in_dim3A_5 {strides = array<i32>} : memref<2000xf32, #tpu.memory_space<vmem>>, vector<16xf32>,
      %swap3A_483 = arith.constant 1520 : index
      %swap3A_484 = tpu.vector_load %arg8[%swap3A_483] {strides = array<i32>} : memref<2000xf32, #tpu.memory_space<vmem>>, vector<16xf32>,
      tpu.vector_store %arg8[%swap3A_483], %broadcast_in_dim3A_5 {strides = array<i32>} : memref<2000xf32, #tpu.memory_space<vmem>>, vector<16xf32>,
      %swap3A_485 = arith.constant 1536 : index
      %swap3A_486 = tpu.vector_load %arg8[%swap3A_485] {strides = array<i32>} : memref<2000xf32, #tpu.memory_space<vmem>>, vector<16xf32>,
      tpu.vector_store %arg8[%swap3A_485], %broadcast_in_dim3A_5 {strides = array<i32>} : memref<2000xf32, #tpu.memory_space<vmem>>, vector<16xf32>,
      %swap3A_487 = arith.constant 1552 : index
      %swap3A_488 = tpu.vector_load %arg8[%swap3A_487] {strides = array<i32>} : memref<2000xf32, #tpu.memory_space<vmem>>, vector<16xf32>,
      tpu.vector_store %arg8[%swap3A_487], %broadcast_in_dim3A_5 {strides = array<i32>} : memref<2000xf32, #tpu.memory_space<vmem>>, vector<16xf32>,
      %swap3A_489 = arith.constant 1568 : index
      %swap3A_490 = tpu.vector_load %arg8[%swap3A_489] {strides = array<i32>} : memref<2000xf32, #tpu.memory_space<vmem>>, vector<16xf32>,
      tpu.vector_store %arg8[%swap3A_489], %broadcast_in_dim3A_5 {strides = array<i32>} : memref<2000xf32, #tpu.memory_space<vmem>>, vector<16xf32>,
      %swap3A_491 = arith.constant 1584 : index
      %swap3A_492 = tpu.vector_load %arg8[%swap3A_491] {strides = array<i32>} : memref<2000xf32, #tpu.memory_space<vmem>>, vector<16xf32>,
      tpu.vector_store %arg8[%swap3A_491], %broadcast_in_dim3A_5 {strides = array<i32>} : memref<2000xf32, #tpu.memory_space<vmem>>, vector<16xf32>,
      %swap3A_493 = arith.constant 1600 : index
      %swap3A_494 = tpu.vector_load %arg8[%swap3A_493] {strides = array<i32>} : memref<2000xf32, #tpu.memory_space<vmem>>, vector<16xf32>,
      tpu.vector_store %arg8[%swap3A_493], %broadcast_in_dim3A_5 {strides = array<i32>} : memref<2000xf32, #tpu.memory_space<vmem>>, vector<16xf32>,
      %swap3A_495 = arith.constant 1616 : index
      %swap3A_496 = tpu.vector_load %arg8[%swap3A_495] {strides = array<i32>} : memref<2000xf32, #tpu.memory_space<vmem>>, vector<16xf32>,
      tpu.vector_store %arg8[%swap3A_495], %broadcast_in_dim3A_5 {strides = array<i32>} : memref<2000xf32, #tpu.memory_space<vmem>>, vector<16xf32>,
      %swap3A_497 = arith.constant 1632 : index
      %swap3A_498 = tpu.vector_load %arg8[%swap3A_497] {strides = array<i32>} : memref<2000xf32, #tpu.memory_space<vmem>>, vector<16xf32>,
      tpu.vector_store %arg8[%swap3A_497], %broadcast_in_dim3A_5 {strides = array<i32>} : memref<2000xf32, #tpu.memory_space<vmem>>, vector<16xf32>,
      %swap3A_499 = arith.constant 1648 : index
      %swap3A_500 = tpu.vector_load %arg8[%swap3A_499] {strides = array<i32>} : memref<2000xf32, #tpu.memory_space<vmem>>, vector<16xf32>,
      tpu.vector_store %arg8[%swap3A_499], %broadcast_in_dim3A_5 {strides = array<i32>} : memref<2000xf32, #tpu.memory_space<vmem>>, vector<16xf32>,
      %swap3A_501 = arith.constant 1664 : index
      %swap3A_502 = tpu.vector_load %arg8[%swap3A_501] {strides = array<i32>} : memref<2000xf32, #tpu.memory_space<vmem>>, vector<16xf32>,
      tpu.vector_store %arg8[%swap3A_501], %broadcast_in_dim3A_5 {strides = array<i32>} : memref<2000xf32, #tpu.memory_space<vmem>>, vector<16xf32>,
      %swap3A_503 = arith.constant 1680 : index
      %swap3A_504 = tpu.vector_load %arg8[%swap3A_503] {strides = array<i32>} : memref<2000xf32, #tpu.memory_space<vmem>>, vector<16xf32>,
      tpu.vector_store %arg8[%swap3A_503], %broadcast_in_dim3A_5 {strides = array<i32>} : memref<2000xf32, #tpu.memory_space<vmem>>, vector<16xf32>,
      %swap3A_505 = arith.constant 1696 : index
      %swap3A_506 = tpu.vector_load %arg8[%swap3A_505] {strides = array<i32>} : memref<2000xf32, #tpu.memory_space<vmem>>, vector<16xf32>,
      tpu.vector_store %arg8[%swap3A_505], %broadcast_in_dim3A_5 {strides = array<i32>} : memref<2000xf32, #tpu.memory_space<vmem>>, vector<16xf32>,
      %swap3A_507 = arith.constant 1712 : index
      %swap3A_508 = tpu.vector_load %arg8[%swap3A_507] {strides = array<i32>} : memref<2000xf32, #tpu.memory_space<vmem>>, vector<16xf32>,
      tpu.vector_store %arg8[%swap3A_507], %broadcast_in_dim3A_5 {strides = array<i32>} : memref<2000xf32, #tpu.memory_space<vmem>>, vector<16xf32>,
      %swap3A_509 = arith.constant 1728 : index
      %swap3A_510 = tpu.vector_load %arg8[%swap3A_509] {strides = array<i32>} : memref<2000xf32, #tpu.memory_space<vmem>>, vector<16xf32>,
      tpu.vector_store %arg8[%swap3A_509], %broadcast_in_dim3A_5 {strides = array<i32>} : memref<2000xf32, #tpu.memory_space<vmem>>, vector<16xf32>,
      %swap3A_511 = arith.constant 1744 : index
      %swap3A_512 = tpu.vector_load %arg8[%swap3A_511] {strides = array<i32>} : memref<2000xf32, #tpu.memory_space<vmem>>, vector<16xf32>,
      tpu.vector_store %arg8[%swap3A_511], %broadcast_in_dim3A_5 {strides = array<i32>} : memref<2000xf32, #tpu.memory_space<vmem>>, vector<16xf32>,
      %swap3A_513 = arith.constant 1760 : index
      %swap3A_514 = tpu.vector_load %arg8[%swap3A_513] {strides = array<i32>} : memref<2000xf32, #tpu.memory_space<vmem>>, vector<16xf32>,
      tpu.vector_store %arg8[%swap3A_513], %broadcast_in_dim3A_5 {strides = array<i32>} : memref<2000xf32, #tpu.memory_space<vmem>>, vector<16xf32>,
      %swap3A_515 = arith.constant 1776 : index
      %swap3A_516 = tpu.vector_load %arg8[%swap3A_515] {strides = array<i32>} : memref<2000xf32, #tpu.memory_space<vmem>>, vector<16xf32>,
      tpu.vector_store %arg8[%swap3A_515], %broadcast_in_dim3A_5 {strides = array<i32>} : memref<2000xf32, #tpu.memory_space<vmem>>, vector<16xf32>,
      %swap3A_517 = arith.constant 1792 : index
      %swap3A_518 = tpu.vector_load %arg8[%swap3A_517] {strides = array<i32>} : memref<2000xf32, #tpu.memory_space<vmem>>, vector<16xf32>,
      tpu.vector_store %arg8[%swap3A_517], %broadcast_in_dim3A_5 {strides = array<i32>} : memref<2000xf32, #tpu.memory_space<vmem>>, vector<16xf32>,
      %swap3A_519 = arith.constant 1808 : index
      %swap3A_520 = tpu.vector_load %arg8[%swap3A_519] {strides = array<i32>} : memref<2000xf32, #tpu.memory_space<vmem>>, vector<16xf32>,
      tpu.vector_store %arg8[%swap3A_519], %broadcast_in_dim3A_5 {strides = array<i32>} : memref<2000xf32, #tpu.memory_space<vmem>>, vector<16xf32>,
      %swap3A_521 = arith.constant 1824 : index
      %swap3A_522 = tpu.vector_load %arg8[%swap3A_521] {strides = array<i32>} : memref<2000xf32, #tpu.memory_space<vmem>>, vector<16xf32>,
      tpu.vector_store %arg8[%swap3A_521], %broadcast_in_dim3A_5 {strides = array<i32>} : memref<2000xf32, #tpu.memory_space<vmem>>, vector<16xf32>,
      %swap3A_523 = arith.constant 1840 : index
      %swap3A_524 = tpu.vector_load %arg8[%swap3A_523] {strides = array<i32>} : memref<2000xf32, #tpu.memory_space<vmem>>, vector<16xf32>,
      tpu.vector_store %arg8[%swap3A_523], %broadcast_in_dim3A_5 {strides = array<i32>} : memref<2000xf32, #tpu.memory_space<vmem>>, vector<16xf32>,
      %swap3A_525 = arith.constant 1856 : index
      %swap3A_526 = tpu.vector_load %arg8[%swap3A_525] {strides = array<i32>} : memref<2000xf32, #tpu.memory_space<vmem>>, vector<16xf32>,
      tpu.vector_store %arg8[%swap3A_525], %broadcast_in_dim3A_5 {strides = array<i32>} : memref<2000xf32, #tpu.memory_space<vmem>>, vector<16xf32>,
      %swap3A_527 = arith.constant 1872 : index
      %swap3A_528 = tpu.vector_load %arg8[%swap3A_527] {strides = array<i32>} : memref<2000xf32, #tpu.memory_space<vmem>>, vector<16xf32>,
      tpu.vector_store %arg8[%swap3A_527], %broadcast_in_dim3A_5 {strides = array<i32>} : memref<2000xf32, #tpu.memory_space<vmem>>, vector<16xf32>,
      %swap3A_529 = arith.constant 1888 : index
      %swap3A_530 = tpu.vector_load %arg8[%swap3A_529] {strides = array<i32>} : memref<2000xf32, #tpu.memory_space<vmem>>, vector<16xf32>,
      tpu.vector_store %arg8[%swap3A_529], %broadcast_in_dim3A_5 {strides = array<i32>} : memref<2000xf32, #tpu.memory_space<vmem>>, vector<16xf32>,
      %swap3A_531 = arith.constant 1904 : index
      %swap3A_532 = tpu.vector_load %arg8[%swap3A_531] {strides = array<i32>} : memref<2000xf32, #tpu.memory_space<vmem>>, vector<16xf32>,
      tpu.vector_store %arg8[%swap3A_531], %broadcast_in_dim3A_5 {strides = array<i32>} : memref<2000xf32, #tpu.memory_space<vmem>>, vector<16xf32>,
      %swap3A_533 = arith.constant 1920 : index
      %swap3A_534 = tpu.vector_load %arg8[%swap3A_533] {strides = array<i32>} : memref<2000xf32, #tpu.memory_space<vmem>>, vector<16xf32>,
      tpu.vector_store %arg8[%swap3A_533], %broadcast_in_dim3A_5 {strides = array<i32>} : memref<2000xf32, #tpu.memory_space<vmem>>, vector<16xf32>,
      %swap3A_535 = arith.constant 1936 : index
      %swap3A_536 = tpu.vector_load %arg8[%swap3A_535] {strides = array<i32>} : memref<2000xf32, #tpu.memory_space<vmem>>, vector<16xf32>,
      tpu.vector_store %arg8[%swap3A_535], %broadcast_in_dim3A_5 {strides = array<i32>} : memref<2000xf32, #tpu.memory_space<vmem>>, vector<16xf32>,
      %swap3A_537 = arith.constant 1952 : index
      %swap3A_538 = tpu.vector_load %arg8[%swap3A_537] {strides = array<i32>} : memref<2000xf32, #tpu.memory_space<vmem>>, vector<16xf32>,
      tpu.vector_store %arg8[%swap3A_537], %broadcast_in_dim3A_5 {strides = array<i32>} : memref<2000xf32, #tpu.memory_space<vmem>>, vector<16xf32>,
      %swap3A_539 = arith.constant 1968 : index
      %swap3A_540 = tpu.vector_load %arg8[%swap3A_539] {strides = array<i32>} : memref<2000xf32, #tpu.memory_space<vmem>>, vector<16xf32>,
      tpu.vector_store %arg8[%swap3A_539], %broadcast_in_dim3A_5 {strides = array<i32>} : memref<2000xf32, #tpu.memory_space<vmem>>, vector<16xf32>,
      %swap3A_541 = arith.constant 1984 : index
      %swap3A_542 = tpu.vector_load %arg8[%swap3A_541] {strides = array<i32>} : memref<2000xf32, #tpu.memory_space<vmem>>, vector<16xf32>,
      tpu.vector_store %arg8[%swap3A_541], %broadcast_in_dim3A_5 {strides = array<i32>} : memref<2000xf32, #tpu.memory_space<vmem>>, vector<16xf32>,
      %broadcast_in_dim3A_543 = arith.constant 0 : i32
      %broadcast_in_dim3A_544 = vector.broadcast %broadcast_in_dim3A_543 : i32 to vector<16xi32>
      %broadcast_in_dim3A_545 = arith.constant 0.000000e+00 : f32
      %broadcast_in_dim3A_546 = vector.broadcast %broadcast_in_dim3A_545 : f32 to vector<16xf32>
      %broadcast_in_dim3A_547 = arith.constant 0.000000e+00 : f32
      %broadcast_in_dim3A_548 = vector.broadcast %broadcast_in_dim3A_547 : f32 to vector<16xf32>
      %while3A = arith.constant false
      %while3A_549:6 = scf.while (%while3A_1177 = %while3A, %while3A_1178 = %broadcast_in_dim3A_544, %while3A_1179 = %broadcast_in_dim3A_546, %while3A_1180 = %broadcast_in_dim3A_548, %while3A_1181 = %select_n3A_249, %while3A_1182 = %select_n3A_293) : (i1, vector<16xi32>, vector<16xf32>, vector<16xf32>, vector<16xf32>, vector<16xf32>) -> (i1, vector<16xi32>, vector<16xf32>, vector<16xf32>, vector<16xf32>, vector<16xf32>) {
        %not3A = arith.constant true
        %not3A_1183 = arith.xori %while3A_1177, %not3A : i1
        scf.condition(%not3A_1183) %while3A_1177, %while3A_1178, %while3A_1179, %while3A_1180, %while3A_1181, %while3A_1182 : i1, vector<16xi32>, vector<16xf32>, vector<16xf32>, vector<16xf32>, vector<16xf32>
      } do {
      ^bb0(%while3A_1177: i1, %while3A_1178: vector<16xi32>, %while3A_1179: vector<16xf32>, %while3A_1180: vector<16xf32>, %while3A_1181: vector<16xf32>, %while3A_1182: vector<16xf32>):
        %max3A = arith.maximumf %while3A_1181, %while3A_1182 : vector<16xf32>
        %reduce_max3A_1183 = arith.constant true
        %reduce_max3A_1184 = vector.broadcast %reduce_max3A_1183 : i1 to vector<16xi1>
        %reduce_max3A_1185 = tpu.scan <max>, %max3A masked %reduce_max3A_1184 : vector<16xf32>, vector<16xi1> -> vector<16xf32>
        %reduce_max3A_1186 = vector.extract %reduce_max3A_1185[15] : f32 from vector<16xf32>
        %broadcast_in_dim3A_1187 = vector.broadcast %reduce_max3A_1186 : f32 to vector<16xf32>
        %eq3A_1188 = arith.cmpf oeq, %while3A_1181, %broadcast_in_dim3A_1187 : vector<16xf32>
        %all_reduce_population_count3A = tpu.all_reduce %eq3A_1188 {dim = 0 : i64, kind = #tpu.reduction_kind<sum>} : vector<16xi1> -> vector<16xi32>
        %all_reduce_ffs3A = tpu.all_reduce %eq3A_1188 {dim = 0 : i64, kind = #tpu.reduction_kind<find_first_set>} : vector<16xi1> -> vector<16xi32>
        %eq3A_1189 = arith.cmpf oeq, %while3A_1182, %broadcast_in_dim3A_1187 : vector<16xf32>
        %all_reduce_ffs3A_1190 = tpu.all_reduce %eq3A_1189 {dim = 0 : i64, kind = #tpu.reduction_kind<find_first_set>} : vector<16xi1> -> vector<16xi32>
        %gt3A = arith.constant 0 : i32
        %gt3A_1191 = vector.broadcast %gt3A : i32 to vector<16xi32>
        %gt3A_1192 = arith.cmpi sgt, %all_reduce_population_count3A, %gt3A_1191 : vector<16xi32>
        %add3A_1193 = arith.constant 16 : i32
        %add3A_1194 = vector.broadcast %add3A_1193 : i32 to vector<16xi32>
        %add3A_1195 = arith.addi %all_reduce_ffs3A_1190, %add3A_1194 : vector<16xi32>
        %select_n3A_1196 = arith.select %gt3A_1192, %all_reduce_ffs3A, %add3A_1195 : vector<16xi1>, vector<16xi32>
        %mul3A_1197 = arith.constant 16 : i32
        %mul3A_1198 = vector.broadcast %mul3A_1197 : i32 to vector<16xi32>
        %mul3A_1199 = arith.muli %select_n3A_1196, %mul3A_1198 : vector<16xi32>
        %add3A_1200 = arith.addi %mul3A_1199, %iota3A : vector<16xi32>
        %gather3A = tpu.vector_load_idx %arg6[%add3A_1200] : memref<320xf32, #tpu.memory_space<vmem>>[vector<16xi32>], vector<16xf32>,
        %eq3A_1201 = arith.cmpf oeq, %gather3A, %broadcast_in_dim3A_1187 : vector<16xf32>
        %all_reduce_ffs3A_1202 = tpu.all_reduce %eq3A_1201 {dim = 0 : i64, kind = #tpu.reduction_kind<find_first_set>} : vector<16xi1> -> vector<16xi32>
        %mul3A_1203 = arith.constant 16 : i32
        %mul3A_1204 = vector.broadcast %mul3A_1203 : i32 to vector<16xi32>
        %mul3A_1205 = arith.muli %select_n3A_1196, %mul3A_1204 : vector<16xi32>
        %add3A_1206 = arith.addi %mul3A_1205, %all_reduce_ffs3A_1202 : vector<16xi32>
        %gather3A_1207 = tpu.vector_load_idx %arg7[%add3A_1206] : memref<320xf32, #tpu.memory_space<vmem>>[vector<16xi32>], vector<16xf32>,
        %div3A_1208 = arith.divf %broadcast_in_dim3A_1187, %add3A_71 : vector<16xf32>
        %add3A_1209 = arith.addf %while3A_1179, %div3A_1208 : vector<16xf32>
        %le3A = arith.constant 0.699999988 : f32
        %le3A_1210 = vector.broadcast %le3A : f32 to vector<16xf32>
        %le3A_1211 = arith.cmpf ole, %add3A_1209, %le3A_1210 : vector<16xf32>
        %lt3A_1212 = arith.constant 3 : i32
        %lt3A_1213 = vector.broadcast %lt3A_1212 : i32 to vector<16xi32>
        %lt3A_1214 = arith.cmpi slt, %while3A_1178, %lt3A_1213 : vector<16xi32>
        %or3A = arith.ori %le3A_1211, %lt3A_1214 : vector<16xi1>
        %gt3A_1215 = arith.constant -1.000000e+29 : f32
        %gt3A_1216 = vector.broadcast %gt3A_1215 : f32 to vector<16xf32>
        %gt3A_1217 = arith.cmpf ogt, %broadcast_in_dim3A_1187, %gt3A_1216 : vector<16xf32>
        %and3A = arith.andi %or3A, %gt3A_1217 : vector<16xi1>
        %convert_element_type3A_1218 = arith.extui %and3A : vector<16xi1> to vector<16xi32>
        %reduce_min3A = arith.constant true
        %reduce_min3A_1219 = vector.broadcast %reduce_min3A : i1 to vector<16xi1>
        %reduce_min3A_1220 = arith.constant -2147483648 : i32
        %reduce_min3A_1221 = vector.broadcast %reduce_min3A_1220 : i32 to vector<16xi32>
        %reduce_min3A_1222 = arith.xori %convert_element_type3A_1218, %reduce_min3A_1221 : vector<16xi32>
        %reduce_min3A_1223 = tpu.scan <min>, %reduce_min3A_1222 masked %reduce_min3A_1219 : vector<16xi32>, vector<16xi1> -> vector<16xi32>
        %reduce_min3A_1224 = arith.xori %reduce_min3A_1223, %reduce_min3A_1221 : vector<16xi32>
        %reduce_min3A_1225 = vector.extract %reduce_min3A_1224[15] : i32 from vector<16xi32>
        %gt3A_1226 = arith.constant 0 : i32
        %gt3A_1227 = arith.cmpi sgt, %reduce_min3A_1225, %gt3A_1226 : i32
        %eq3A_1228 = arith.cmpi eq, %iota3A, %all_reduce_ffs3A_1202 : vector<16xi32>
        %jit3A = arith.constant -3.000000e+38 : f32
        %broadcast_in_dim3A_1229 = vector.broadcast %jit3A : f32 to vector<16xf32>
        %select_n3A_1230 = arith.select %eq3A_1228, %broadcast_in_dim3A_1229, %gather3A : vector<16xi1>, vector<16xf32>
        %reduce_max3A_1231 = arith.constant true
        %reduce_max3A_1232 = vector.broadcast %reduce_max3A_1231 : i1 to vector<16xi1>
        %reduce_max3A_1233 = tpu.scan <max>, %select_n3A_1230 masked %reduce_max3A_1232 : vector<16xf32>, vector<16xi1> -> vector<16xf32>
        %reduce_max3A_1234 = vector.extract %reduce_max3A_1233[15] : f32 from vector<16xf32>
        %broadcast_in_dim3A_1235 = vector.broadcast %reduce_max3A_1234 : f32 to vector<16xf32>
        %lt3A_1236 = arith.constant 16 : i32
        %lt3A_1237 = vector.broadcast %lt3A_1236 : i32 to vector<16xi32>
        %lt3A_1238 = arith.cmpi slt, %select_n3A_1196, %lt3A_1237 : vector<16xi32>
        %and3A_1239 = arith.andi %and3A, %lt3A_1238 : vector<16xi1>
        %eq3A_1240 = arith.cmpi eq, %iota3A, %select_n3A_1196 : vector<16xi32>
        %and3A_1241 = arith.andi %and3A_1239, %eq3A_1240 : vector<16xi1>
        %select_n3A_1242 = arith.select %and3A_1241, %broadcast_in_dim3A_1235, %while3A_1181 : vector<16xi1>, vector<16xf32>
        %ge3A = arith.constant 16 : i32
        %ge3A_1243 = vector.broadcast %ge3A : i32 to vector<16xi32>
        %ge3A_1244 = arith.cmpi sge, %select_n3A_1196, %ge3A_1243 : vector<16xi32>
        %and3A_1245 = arith.andi %and3A, %ge3A_1244 : vector<16xi1>
        %sub3A = arith.constant 16 : i32
        %sub3A_1246 = vector.broadcast %sub3A : i32 to vector<16xi32>
        %sub3A_1247 = arith.subi %select_n3A_1196, %sub3A_1246 : vector<16xi32>
        %eq3A_1248 = arith.cmpi eq, %iota3A, %sub3A_1247 : vector<16xi32>
        %and3A_1249 = arith.andi %and3A_1245, %eq3A_1248 : vector<16xi1>
        %select_n3A_1250 = arith.select %and3A_1249, %broadcast_in_dim3A_1235, %while3A_1182 : vector<16xi1>, vector<16xf32>
        %convert_element_type3A_1251 = arith.extui %gt3A_1227 : i1 to i32
        %cond3A_1252 = arith.constant 0 : i32
        %cond3A_1253 = arith.cmpi ne, %convert_element_type3A_1251, %cond3A_1252 : i32
        scf.if %cond3A_1253 {
          %convert_element_type3A_1261 = arith.fptosi %gather3A_1207 : vector<16xf32> to vector<16xi32>
          tpu.vector_store_idx %arg8[%convert_element_type3A_1261], %broadcast_in_dim3A_1187 masked %eq3A_4 : memref<2000xf32, #tpu.memory_space<vmem>>[vector<16xi32>], vector<16xf32>, vector<16xi1>
          tpu.vector_store_idx %arg6[%add3A_1200], %select_n3A_1230 : memref<320xf32, #tpu.memory_space<vmem>>[vector<16xi32>], vector<16xf32>,
        } else {
        }
        %not3A = arith.constant true
        %not3A_1254 = arith.xori %gt3A_1227, %not3A : i1
        %add3A_1255 = arith.constant 1 : i32
        %add3A_1256 = vector.broadcast %add3A_1255 : i32 to vector<16xi32>
        %add3A_1257 = arith.addi %while3A_1178, %add3A_1256 : vector<16xi32>
        %select_n3A_1258 = arith.select %and3A, %add3A_1209, %while3A_1179 : vector<16xi1>, vector<16xf32>
        %add3A_1259 = arith.addf %while3A_1180, %broadcast_in_dim3A_1187 : vector<16xf32>
        %select_n3A_1260 = arith.select %and3A, %add3A_1259, %while3A_1180 : vector<16xi1>, vector<16xf32>
        scf.yield %not3A_1254, %add3A_1257, %select_n3A_1258, %select_n3A_1260, %select_n3A_1242, %select_n3A_1250 : i1, vector<16xi32>, vector<16xf32>, vector<16xf32>, vector<16xf32>, vector<16xf32>
      }
      %add3A_550 = arith.constant 9.99999993E-9 : f32
      %add3A_551 = vector.broadcast %add3A_550 : f32 to vector<16xf32>
      %add3A_552 = arith.addf %while3A_549#3, %add3A_551 : vector<16xf32>
      %get3A_553 = arith.constant 0 : index
      %get3A_554 = tpu.vector_load %arg8[%get3A_553] {strides = array<i32>} : memref<2000xf32, #tpu.memory_space<vmem>>, vector<16xf32>,
      %div3A = arith.divf %get3A_554, %add3A_552 : vector<16xf32>
      %swap3A_555 = arith.constant 0 : index
      %swap3A_556 = tpu.vector_load %arg9[%swap3A_555] {strides = array<i32>} : memref<2000xf32, #tpu.memory_space<vmem>>, vector<16xf32>,
      tpu.vector_store %arg9[%swap3A_555], %div3A {strides = array<i32>} : memref<2000xf32, #tpu.memory_space<vmem>>, vector<16xf32>,
      %get3A_557 = arith.constant 16 : index
      %get3A_558 = tpu.vector_load %arg8[%get3A_557] {strides = array<i32>} : memref<2000xf32, #tpu.memory_space<vmem>>, vector<16xf32>,
      %div3A_559 = arith.divf %get3A_558, %add3A_552 : vector<16xf32>
      %swap3A_560 = arith.constant 16 : index
      %swap3A_561 = tpu.vector_load %arg9[%swap3A_560] {strides = array<i32>} : memref<2000xf32, #tpu.memory_space<vmem>>, vector<16xf32>,
      tpu.vector_store %arg9[%swap3A_560], %div3A_559 {strides = array<i32>} : memref<2000xf32, #tpu.memory_space<vmem>>, vector<16xf32>,
      %get3A_562 = arith.constant 32 : index
      %get3A_563 = tpu.vector_load %arg8[%get3A_562] {strides = array<i32>} : memref<2000xf32, #tpu.memory_space<vmem>>, vector<16xf32>,
      %div3A_564 = arith.divf %get3A_563, %add3A_552 : vector<16xf32>
      %swap3A_565 = arith.constant 32 : index
      %swap3A_566 = tpu.vector_load %arg9[%swap3A_565] {strides = array<i32>} : memref<2000xf32, #tpu.memory_space<vmem>>, vector<16xf32>,
      tpu.vector_store %arg9[%swap3A_565], %div3A_564 {strides = array<i32>} : memref<2000xf32, #tpu.memory_space<vmem>>, vector<16xf32>,
      %get3A_567 = arith.constant 48 : index
      %get3A_568 = tpu.vector_load %arg8[%get3A_567] {strides = array<i32>} : memref<2000xf32, #tpu.memory_space<vmem>>, vector<16xf32>,
      %div3A_569 = arith.divf %get3A_568, %add3A_552 : vector<16xf32>
      %swap3A_570 = arith.constant 48 : index
      %swap3A_571 = tpu.vector_load %arg9[%swap3A_570] {strides = array<i32>} : memref<2000xf32, #tpu.memory_space<vmem>>, vector<16xf32>,
      tpu.vector_store %arg9[%swap3A_570], %div3A_569 {strides = array<i32>} : memref<2000xf32, #tpu.memory_space<vmem>>, vector<16xf32>,
      %get3A_572 = arith.constant 64 : index
      %get3A_573 = tpu.vector_load %arg8[%get3A_572] {strides = array<i32>} : memref<2000xf32, #tpu.memory_space<vmem>>, vector<16xf32>,
      %div3A_574 = arith.divf %get3A_573, %add3A_552 : vector<16xf32>
      %swap3A_575 = arith.constant 64 : index
      %swap3A_576 = tpu.vector_load %arg9[%swap3A_575] {strides = array<i32>} : memref<2000xf32, #tpu.memory_space<vmem>>, vector<16xf32>,
      tpu.vector_store %arg9[%swap3A_575], %div3A_574 {strides = array<i32>} : memref<2000xf32, #tpu.memory_space<vmem>>, vector<16xf32>,
      %get3A_577 = arith.constant 80 : index
      %get3A_578 = tpu.vector_load %arg8[%get3A_577] {strides = array<i32>} : memref<2000xf32, #tpu.memory_space<vmem>>, vector<16xf32>,
      %div3A_579 = arith.divf %get3A_578, %add3A_552 : vector<16xf32>
      %swap3A_580 = arith.constant 80 : index
      %swap3A_581 = tpu.vector_load %arg9[%swap3A_580] {strides = array<i32>} : memref<2000xf32, #tpu.memory_space<vmem>>, vector<16xf32>,
      tpu.vector_store %arg9[%swap3A_580], %div3A_579 {strides = array<i32>} : memref<2000xf32, #tpu.memory_space<vmem>>, vector<16xf32>,
      %get3A_582 = arith.constant 96 : index
      %get3A_583 = tpu.vector_load %arg8[%get3A_582] {strides = array<i32>} : memref<2000xf32, #tpu.memory_space<vmem>>, vector<16xf32>,
      %div3A_584 = arith.divf %get3A_583, %add3A_552 : vector<16xf32>
      %swap3A_585 = arith.constant 96 : index
      %swap3A_586 = tpu.vector_load %arg9[%swap3A_585] {strides = array<i32>} : memref<2000xf32, #tpu.memory_space<vmem>>, vector<16xf32>,
      tpu.vector_store %arg9[%swap3A_585], %div3A_584 {strides = array<i32>} : memref<2000xf32, #tpu.memory_space<vmem>>, vector<16xf32>,
      %get3A_587 = arith.constant 112 : index
      %get3A_588 = tpu.vector_load %arg8[%get3A_587] {strides = array<i32>} : memref<2000xf32, #tpu.memory_space<vmem>>, vector<16xf32>,
      %div3A_589 = arith.divf %get3A_588, %add3A_552 : vector<16xf32>
      %swap3A_590 = arith.constant 112 : index
      %swap3A_591 = tpu.vector_load %arg9[%swap3A_590] {strides = array<i32>} : memref<2000xf32, #tpu.memory_space<vmem>>, vector<16xf32>,
      tpu.vector_store %arg9[%swap3A_590], %div3A_589 {strides = array<i32>} : memref<2000xf32, #tpu.memory_space<vmem>>, vector<16xf32>,
      %get3A_592 = arith.constant 128 : index
      %get3A_593 = tpu.vector_load %arg8[%get3A_592] {strides = array<i32>} : memref<2000xf32, #tpu.memory_space<vmem>>, vector<16xf32>,
      %div3A_594 = arith.divf %get3A_593, %add3A_552 : vector<16xf32>
      %swap3A_595 = arith.constant 128 : index
      %swap3A_596 = tpu.vector_load %arg9[%swap3A_595] {strides = array<i32>} : memref<2000xf32, #tpu.memory_space<vmem>>, vector<16xf32>,
      tpu.vector_store %arg9[%swap3A_595], %div3A_594 {strides = array<i32>} : memref<2000xf32, #tpu.memory_space<vmem>>, vector<16xf32>,
      %get3A_597 = arith.constant 144 : index
      %get3A_598 = tpu.vector_load %arg8[%get3A_597] {strides = array<i32>} : memref<2000xf32, #tpu.memory_space<vmem>>, vector<16xf32>,
      %div3A_599 = arith.divf %get3A_598, %add3A_552 : vector<16xf32>
      %swap3A_600 = arith.constant 144 : index
      %swap3A_601 = tpu.vector_load %arg9[%swap3A_600] {strides = array<i32>} : memref<2000xf32, #tpu.memory_space<vmem>>, vector<16xf32>,
      tpu.vector_store %arg9[%swap3A_600], %div3A_599 {strides = array<i32>} : memref<2000xf32, #tpu.memory_space<vmem>>, vector<16xf32>,
      %get3A_602 = arith.constant 160 : index
      %get3A_603 = tpu.vector_load %arg8[%get3A_602] {strides = array<i32>} : memref<2000xf32, #tpu.memory_space<vmem>>, vector<16xf32>,
      %div3A_604 = arith.divf %get3A_603, %add3A_552 : vector<16xf32>
      %swap3A_605 = arith.constant 160 : index
      %swap3A_606 = tpu.vector_load %arg9[%swap3A_605] {strides = array<i32>} : memref<2000xf32, #tpu.memory_space<vmem>>, vector<16xf32>,
      tpu.vector_store %arg9[%swap3A_605], %div3A_604 {strides = array<i32>} : memref<2000xf32, #tpu.memory_space<vmem>>, vector<16xf32>,
      %get3A_607 = arith.constant 176 : index
      %get3A_608 = tpu.vector_load %arg8[%get3A_607] {strides = array<i32>} : memref<2000xf32, #tpu.memory_space<vmem>>, vector<16xf32>,
      %div3A_609 = arith.divf %get3A_608, %add3A_552 : vector<16xf32>
      %swap3A_610 = arith.constant 176 : index
      %swap3A_611 = tpu.vector_load %arg9[%swap3A_610] {strides = array<i32>} : memref<2000xf32, #tpu.memory_space<vmem>>, vector<16xf32>,
      tpu.vector_store %arg9[%swap3A_610], %div3A_609 {strides = array<i32>} : memref<2000xf32, #tpu.memory_space<vmem>>, vector<16xf32>,
      %get3A_612 = arith.constant 192 : index
      %get3A_613 = tpu.vector_load %arg8[%get3A_612] {strides = array<i32>} : memref<2000xf32, #tpu.memory_space<vmem>>, vector<16xf32>,
      %div3A_614 = arith.divf %get3A_613, %add3A_552 : vector<16xf32>
      %swap3A_615 = arith.constant 192 : index
      %swap3A_616 = tpu.vector_load %arg9[%swap3A_615] {strides = array<i32>} : memref<2000xf32, #tpu.memory_space<vmem>>, vector<16xf32>,
      tpu.vector_store %arg9[%swap3A_615], %div3A_614 {strides = array<i32>} : memref<2000xf32, #tpu.memory_space<vmem>>, vector<16xf32>,
      %get3A_617 = arith.constant 208 : index
      %get3A_618 = tpu.vector_load %arg8[%get3A_617] {strides = array<i32>} : memref<2000xf32, #tpu.memory_space<vmem>>, vector<16xf32>,
      %div3A_619 = arith.divf %get3A_618, %add3A_552 : vector<16xf32>
      %swap3A_620 = arith.constant 208 : index
      %swap3A_621 = tpu.vector_load %arg9[%swap3A_620] {strides = array<i32>} : memref<2000xf32, #tpu.memory_space<vmem>>, vector<16xf32>,
      tpu.vector_store %arg9[%swap3A_620], %div3A_619 {strides = array<i32>} : memref<2000xf32, #tpu.memory_space<vmem>>, vector<16xf32>,
      %get3A_622 = arith.constant 224 : index
      %get3A_623 = tpu.vector_load %arg8[%get3A_622] {strides = array<i32>} : memref<2000xf32, #tpu.memory_space<vmem>>, vector<16xf32>,
      %div3A_624 = arith.divf %get3A_623, %add3A_552 : vector<16xf32>
      %swap3A_625 = arith.constant 224 : index
      %swap3A_626 = tpu.vector_load %arg9[%swap3A_625] {strides = array<i32>} : memref<2000xf32, #tpu.memory_space<vmem>>, vector<16xf32>,
      tpu.vector_store %arg9[%swap3A_625], %div3A_624 {strides = array<i32>} : memref<2000xf32, #tpu.memory_space<vmem>>, vector<16xf32>,
      %get3A_627 = arith.constant 240 : index
      %get3A_628 = tpu.vector_load %arg8[%get3A_627] {strides = array<i32>} : memref<2000xf32, #tpu.memory_space<vmem>>, vector<16xf32>,
      %div3A_629 = arith.divf %get3A_628, %add3A_552 : vector<16xf32>
      %swap3A_630 = arith.constant 240 : index
      %swap3A_631 = tpu.vector_load %arg9[%swap3A_630] {strides = array<i32>} : memref<2000xf32, #tpu.memory_space<vmem>>, vector<16xf32>,
      tpu.vector_store %arg9[%swap3A_630], %div3A_629 {strides = array<i32>} : memref<2000xf32, #tpu.memory_space<vmem>>, vector<16xf32>,
      %get3A_632 = arith.constant 256 : index
      %get3A_633 = tpu.vector_load %arg8[%get3A_632] {strides = array<i32>} : memref<2000xf32, #tpu.memory_space<vmem>>, vector<16xf32>,
      %div3A_634 = arith.divf %get3A_633, %add3A_552 : vector<16xf32>
      %swap3A_635 = arith.constant 256 : index
      %swap3A_636 = tpu.vector_load %arg9[%swap3A_635] {strides = array<i32>} : memref<2000xf32, #tpu.memory_space<vmem>>, vector<16xf32>,
      tpu.vector_store %arg9[%swap3A_635], %div3A_634 {strides = array<i32>} : memref<2000xf32, #tpu.memory_space<vmem>>, vector<16xf32>,
      %get3A_637 = arith.constant 272 : index
      %get3A_638 = tpu.vector_load %arg8[%get3A_637] {strides = array<i32>} : memref<2000xf32, #tpu.memory_space<vmem>>, vector<16xf32>,
      %div3A_639 = arith.divf %get3A_638, %add3A_552 : vector<16xf32>
      %swap3A_640 = arith.constant 272 : index
      %swap3A_641 = tpu.vector_load %arg9[%swap3A_640] {strides = array<i32>} : memref<2000xf32, #tpu.memory_space<vmem>>, vector<16xf32>,
      tpu.vector_store %arg9[%swap3A_640], %div3A_639 {strides = array<i32>} : memref<2000xf32, #tpu.memory_space<vmem>>, vector<16xf32>,
      %get3A_642 = arith.constant 288 : index
      %get3A_643 = tpu.vector_load %arg8[%get3A_642] {strides = array<i32>} : memref<2000xf32, #tpu.memory_space<vmem>>, vector<16xf32>,
      %div3A_644 = arith.divf %get3A_643, %add3A_552 : vector<16xf32>
      %swap3A_645 = arith.constant 288 : index
      %swap3A_646 = tpu.vector_load %arg9[%swap3A_645] {strides = array<i32>} : memref<2000xf32, #tpu.memory_space<vmem>>, vector<16xf32>,
      tpu.vector_store %arg9[%swap3A_645], %div3A_644 {strides = array<i32>} : memref<2000xf32, #tpu.memory_space<vmem>>, vector<16xf32>,
      %get3A_647 = arith.constant 304 : index
      %get3A_648 = tpu.vector_load %arg8[%get3A_647] {strides = array<i32>} : memref<2000xf32, #tpu.memory_space<vmem>>, vector<16xf32>,
      %div3A_649 = arith.divf %get3A_648, %add3A_552 : vector<16xf32>
      %swap3A_650 = arith.constant 304 : index
      %swap3A_651 = tpu.vector_load %arg9[%swap3A_650] {strides = array<i32>} : memref<2000xf32, #tpu.memory_space<vmem>>, vector<16xf32>,
      tpu.vector_store %arg9[%swap3A_650], %div3A_649 {strides = array<i32>} : memref<2000xf32, #tpu.memory_space<vmem>>, vector<16xf32>,
      %get3A_652 = arith.constant 320 : index
      %get3A_653 = tpu.vector_load %arg8[%get3A_652] {strides = array<i32>} : memref<2000xf32, #tpu.memory_space<vmem>>, vector<16xf32>,
      %div3A_654 = arith.divf %get3A_653, %add3A_552 : vector<16xf32>
      %swap3A_655 = arith.constant 320 : index
      %swap3A_656 = tpu.vector_load %arg9[%swap3A_655] {strides = array<i32>} : memref<2000xf32, #tpu.memory_space<vmem>>, vector<16xf32>,
      tpu.vector_store %arg9[%swap3A_655], %div3A_654 {strides = array<i32>} : memref<2000xf32, #tpu.memory_space<vmem>>, vector<16xf32>,
      %get3A_657 = arith.constant 336 : index
      %get3A_658 = tpu.vector_load %arg8[%get3A_657] {strides = array<i32>} : memref<2000xf32, #tpu.memory_space<vmem>>, vector<16xf32>,
      %div3A_659 = arith.divf %get3A_658, %add3A_552 : vector<16xf32>
      %swap3A_660 = arith.constant 336 : index
      %swap3A_661 = tpu.vector_load %arg9[%swap3A_660] {strides = array<i32>} : memref<2000xf32, #tpu.memory_space<vmem>>, vector<16xf32>,
      tpu.vector_store %arg9[%swap3A_660], %div3A_659 {strides = array<i32>} : memref<2000xf32, #tpu.memory_space<vmem>>, vector<16xf32>,
      %get3A_662 = arith.constant 352 : index
      %get3A_663 = tpu.vector_load %arg8[%get3A_662] {strides = array<i32>} : memref<2000xf32, #tpu.memory_space<vmem>>, vector<16xf32>,
      %div3A_664 = arith.divf %get3A_663, %add3A_552 : vector<16xf32>
      %swap3A_665 = arith.constant 352 : index
      %swap3A_666 = tpu.vector_load %arg9[%swap3A_665] {strides = array<i32>} : memref<2000xf32, #tpu.memory_space<vmem>>, vector<16xf32>,
      tpu.vector_store %arg9[%swap3A_665], %div3A_664 {strides = array<i32>} : memref<2000xf32, #tpu.memory_space<vmem>>, vector<16xf32>,
      %get3A_667 = arith.constant 368 : index
      %get3A_668 = tpu.vector_load %arg8[%get3A_667] {strides = array<i32>} : memref<2000xf32, #tpu.memory_space<vmem>>, vector<16xf32>,
      %div3A_669 = arith.divf %get3A_668, %add3A_552 : vector<16xf32>
      %swap3A_670 = arith.constant 368 : index
      %swap3A_671 = tpu.vector_load %arg9[%swap3A_670] {strides = array<i32>} : memref<2000xf32, #tpu.memory_space<vmem>>, vector<16xf32>,
      tpu.vector_store %arg9[%swap3A_670], %div3A_669 {strides = array<i32>} : memref<2000xf32, #tpu.memory_space<vmem>>, vector<16xf32>,
      %get3A_672 = arith.constant 384 : index
      %get3A_673 = tpu.vector_load %arg8[%get3A_672] {strides = array<i32>} : memref<2000xf32, #tpu.memory_space<vmem>>, vector<16xf32>,
      %div3A_674 = arith.divf %get3A_673, %add3A_552 : vector<16xf32>
      %swap3A_675 = arith.constant 384 : index
      %swap3A_676 = tpu.vector_load %arg9[%swap3A_675] {strides = array<i32>} : memref<2000xf32, #tpu.memory_space<vmem>>, vector<16xf32>,
      tpu.vector_store %arg9[%swap3A_675], %div3A_674 {strides = array<i32>} : memref<2000xf32, #tpu.memory_space<vmem>>, vector<16xf32>,
      %get3A_677 = arith.constant 400 : index
      %get3A_678 = tpu.vector_load %arg8[%get3A_677] {strides = array<i32>} : memref<2000xf32, #tpu.memory_space<vmem>>, vector<16xf32>,
      %div3A_679 = arith.divf %get3A_678, %add3A_552 : vector<16xf32>
      %swap3A_680 = arith.constant 400 : index
      %swap3A_681 = tpu.vector_load %arg9[%swap3A_680] {strides = array<i32>} : memref<2000xf32, #tpu.memory_space<vmem>>, vector<16xf32>,
      tpu.vector_store %arg9[%swap3A_680], %div3A_679 {strides = array<i32>} : memref<2000xf32, #tpu.memory_space<vmem>>, vector<16xf32>,
      %get3A_682 = arith.constant 416 : index
      %get3A_683 = tpu.vector_load %arg8[%get3A_682] {strides = array<i32>} : memref<2000xf32, #tpu.memory_space<vmem>>, vector<16xf32>,
      %div3A_684 = arith.divf %get3A_683, %add3A_552 : vector<16xf32>
      %swap3A_685 = arith.constant 416 : index
      %swap3A_686 = tpu.vector_load %arg9[%swap3A_685] {strides = array<i32>} : memref<2000xf32, #tpu.memory_space<vmem>>, vector<16xf32>,
      tpu.vector_store %arg9[%swap3A_685], %div3A_684 {strides = array<i32>} : memref<2000xf32, #tpu.memory_space<vmem>>, vector<16xf32>,
      %get3A_687 = arith.constant 432 : index
      %get3A_688 = tpu.vector_load %arg8[%get3A_687] {strides = array<i32>} : memref<2000xf32, #tpu.memory_space<vmem>>, vector<16xf32>,
      %div3A_689 = arith.divf %get3A_688, %add3A_552 : vector<16xf32>
      %swap3A_690 = arith.constant 432 : index
      %swap3A_691 = tpu.vector_load %arg9[%swap3A_690] {strides = array<i32>} : memref<2000xf32, #tpu.memory_space<vmem>>, vector<16xf32>,
      tpu.vector_store %arg9[%swap3A_690], %div3A_689 {strides = array<i32>} : memref<2000xf32, #tpu.memory_space<vmem>>, vector<16xf32>,
      %get3A_692 = arith.constant 448 : index
      %get3A_693 = tpu.vector_load %arg8[%get3A_692] {strides = array<i32>} : memref<2000xf32, #tpu.memory_space<vmem>>, vector<16xf32>,
      %div3A_694 = arith.divf %get3A_693, %add3A_552 : vector<16xf32>
      %swap3A_695 = arith.constant 448 : index
      %swap3A_696 = tpu.vector_load %arg9[%swap3A_695] {strides = array<i32>} : memref<2000xf32, #tpu.memory_space<vmem>>, vector<16xf32>,
      tpu.vector_store %arg9[%swap3A_695], %div3A_694 {strides = array<i32>} : memref<2000xf32, #tpu.memory_space<vmem>>, vector<16xf32>,
      %get3A_697 = arith.constant 464 : index
      %get3A_698 = tpu.vector_load %arg8[%get3A_697] {strides = array<i32>} : memref<2000xf32, #tpu.memory_space<vmem>>, vector<16xf32>,
      %div3A_699 = arith.divf %get3A_698, %add3A_552 : vector<16xf32>
      %swap3A_700 = arith.constant 464 : index
      %swap3A_701 = tpu.vector_load %arg9[%swap3A_700] {strides = array<i32>} : memref<2000xf32, #tpu.memory_space<vmem>>, vector<16xf32>,
      tpu.vector_store %arg9[%swap3A_700], %div3A_699 {strides = array<i32>} : memref<2000xf32, #tpu.memory_space<vmem>>, vector<16xf32>,
      %get3A_702 = arith.constant 480 : index
      %get3A_703 = tpu.vector_load %arg8[%get3A_702] {strides = array<i32>} : memref<2000xf32, #tpu.memory_space<vmem>>, vector<16xf32>,
      %div3A_704 = arith.divf %get3A_703, %add3A_552 : vector<16xf32>
      %swap3A_705 = arith.constant 480 : index
      %swap3A_706 = tpu.vector_load %arg9[%swap3A_705] {strides = array<i32>} : memref<2000xf32, #tpu.memory_space<vmem>>, vector<16xf32>,
      tpu.vector_store %arg9[%swap3A_705], %div3A_704 {strides = array<i32>} : memref<2000xf32, #tpu.memory_space<vmem>>, vector<16xf32>,
      %get3A_707 = arith.constant 496 : index
      %get3A_708 = tpu.vector_load %arg8[%get3A_707] {strides = array<i32>} : memref<2000xf32, #tpu.memory_space<vmem>>, vector<16xf32>,
      %div3A_709 = arith.divf %get3A_708, %add3A_552 : vector<16xf32>
      %swap3A_710 = arith.constant 496 : index
      %swap3A_711 = tpu.vector_load %arg9[%swap3A_710] {strides = array<i32>} : memref<2000xf32, #tpu.memory_space<vmem>>, vector<16xf32>,
      tpu.vector_store %arg9[%swap3A_710], %div3A_709 {strides = array<i32>} : memref<2000xf32, #tpu.memory_space<vmem>>, vector<16xf32>,
      %get3A_712 = arith.constant 512 : index
      %get3A_713 = tpu.vector_load %arg8[%get3A_712] {strides = array<i32>} : memref<2000xf32, #tpu.memory_space<vmem>>, vector<16xf32>,
      %div3A_714 = arith.divf %get3A_713, %add3A_552 : vector<16xf32>
      %swap3A_715 = arith.constant 512 : index
      %swap3A_716 = tpu.vector_load %arg9[%swap3A_715] {strides = array<i32>} : memref<2000xf32, #tpu.memory_space<vmem>>, vector<16xf32>,
      tpu.vector_store %arg9[%swap3A_715], %div3A_714 {strides = array<i32>} : memref<2000xf32, #tpu.memory_space<vmem>>, vector<16xf32>,
      %get3A_717 = arith.constant 528 : index
      %get3A_718 = tpu.vector_load %arg8[%get3A_717] {strides = array<i32>} : memref<2000xf32, #tpu.memory_space<vmem>>, vector<16xf32>,
      %div3A_719 = arith.divf %get3A_718, %add3A_552 : vector<16xf32>
      %swap3A_720 = arith.constant 528 : index
      %swap3A_721 = tpu.vector_load %arg9[%swap3A_720] {strides = array<i32>} : memref<2000xf32, #tpu.memory_space<vmem>>, vector<16xf32>,
      tpu.vector_store %arg9[%swap3A_720], %div3A_719 {strides = array<i32>} : memref<2000xf32, #tpu.memory_space<vmem>>, vector<16xf32>,
      %get3A_722 = arith.constant 544 : index
      %get3A_723 = tpu.vector_load %arg8[%get3A_722] {strides = array<i32>} : memref<2000xf32, #tpu.memory_space<vmem>>, vector<16xf32>,
      %div3A_724 = arith.divf %get3A_723, %add3A_552 : vector<16xf32>
      %swap3A_725 = arith.constant 544 : index
      %swap3A_726 = tpu.vector_load %arg9[%swap3A_725] {strides = array<i32>} : memref<2000xf32, #tpu.memory_space<vmem>>, vector<16xf32>,
      tpu.vector_store %arg9[%swap3A_725], %div3A_724 {strides = array<i32>} : memref<2000xf32, #tpu.memory_space<vmem>>, vector<16xf32>,
      %get3A_727 = arith.constant 560 : index
      %get3A_728 = tpu.vector_load %arg8[%get3A_727] {strides = array<i32>} : memref<2000xf32, #tpu.memory_space<vmem>>, vector<16xf32>,
      %div3A_729 = arith.divf %get3A_728, %add3A_552 : vector<16xf32>
      %swap3A_730 = arith.constant 560 : index
      %swap3A_731 = tpu.vector_load %arg9[%swap3A_730] {strides = array<i32>} : memref<2000xf32, #tpu.memory_space<vmem>>, vector<16xf32>,
      tpu.vector_store %arg9[%swap3A_730], %div3A_729 {strides = array<i32>} : memref<2000xf32, #tpu.memory_space<vmem>>, vector<16xf32>,
      %get3A_732 = arith.constant 576 : index
      %get3A_733 = tpu.vector_load %arg8[%get3A_732] {strides = array<i32>} : memref<2000xf32, #tpu.memory_space<vmem>>, vector<16xf32>,
      %div3A_734 = arith.divf %get3A_733, %add3A_552 : vector<16xf32>
      %swap3A_735 = arith.constant 576 : index
      %swap3A_736 = tpu.vector_load %arg9[%swap3A_735] {strides = array<i32>} : memref<2000xf32, #tpu.memory_space<vmem>>, vector<16xf32>,
      tpu.vector_store %arg9[%swap3A_735], %div3A_734 {strides = array<i32>} : memref<2000xf32, #tpu.memory_space<vmem>>, vector<16xf32>,
      %get3A_737 = arith.constant 592 : index
      %get3A_738 = tpu.vector_load %arg8[%get3A_737] {strides = array<i32>} : memref<2000xf32, #tpu.memory_space<vmem>>, vector<16xf32>,
      %div3A_739 = arith.divf %get3A_738, %add3A_552 : vector<16xf32>
      %swap3A_740 = arith.constant 592 : index
      %swap3A_741 = tpu.vector_load %arg9[%swap3A_740] {strides = array<i32>} : memref<2000xf32, #tpu.memory_space<vmem>>, vector<16xf32>,
      tpu.vector_store %arg9[%swap3A_740], %div3A_739 {strides = array<i32>} : memref<2000xf32, #tpu.memory_space<vmem>>, vector<16xf32>,
      %get3A_742 = arith.constant 608 : index
      %get3A_743 = tpu.vector_load %arg8[%get3A_742] {strides = array<i32>} : memref<2000xf32, #tpu.memory_space<vmem>>, vector<16xf32>,
      %div3A_744 = arith.divf %get3A_743, %add3A_552 : vector<16xf32>
      %swap3A_745 = arith.constant 608 : index
      %swap3A_746 = tpu.vector_load %arg9[%swap3A_745] {strides = array<i32>} : memref<2000xf32, #tpu.memory_space<vmem>>, vector<16xf32>,
      tpu.vector_store %arg9[%swap3A_745], %div3A_744 {strides = array<i32>} : memref<2000xf32, #tpu.memory_space<vmem>>, vector<16xf32>,
      %get3A_747 = arith.constant 624 : index
      %get3A_748 = tpu.vector_load %arg8[%get3A_747] {strides = array<i32>} : memref<2000xf32, #tpu.memory_space<vmem>>, vector<16xf32>,
      %div3A_749 = arith.divf %get3A_748, %add3A_552 : vector<16xf32>
      %swap3A_750 = arith.constant 624 : index
      %swap3A_751 = tpu.vector_load %arg9[%swap3A_750] {strides = array<i32>} : memref<2000xf32, #tpu.memory_space<vmem>>, vector<16xf32>,
      tpu.vector_store %arg9[%swap3A_750], %div3A_749 {strides = array<i32>} : memref<2000xf32, #tpu.memory_space<vmem>>, vector<16xf32>,
      %get3A_752 = arith.constant 640 : index
      %get3A_753 = tpu.vector_load %arg8[%get3A_752] {strides = array<i32>} : memref<2000xf32, #tpu.memory_space<vmem>>, vector<16xf32>,
      %div3A_754 = arith.divf %get3A_753, %add3A_552 : vector<16xf32>
      %swap3A_755 = arith.constant 640 : index
      %swap3A_756 = tpu.vector_load %arg9[%swap3A_755] {strides = array<i32>} : memref<2000xf32, #tpu.memory_space<vmem>>, vector<16xf32>,
      tpu.vector_store %arg9[%swap3A_755], %div3A_754 {strides = array<i32>} : memref<2000xf32, #tpu.memory_space<vmem>>, vector<16xf32>,
      %get3A_757 = arith.constant 656 : index
      %get3A_758 = tpu.vector_load %arg8[%get3A_757] {strides = array<i32>} : memref<2000xf32, #tpu.memory_space<vmem>>, vector<16xf32>,
      %div3A_759 = arith.divf %get3A_758, %add3A_552 : vector<16xf32>
      %swap3A_760 = arith.constant 656 : index
      %swap3A_761 = tpu.vector_load %arg9[%swap3A_760] {strides = array<i32>} : memref<2000xf32, #tpu.memory_space<vmem>>, vector<16xf32>,
      tpu.vector_store %arg9[%swap3A_760], %div3A_759 {strides = array<i32>} : memref<2000xf32, #tpu.memory_space<vmem>>, vector<16xf32>,
      %get3A_762 = arith.constant 672 : index
      %get3A_763 = tpu.vector_load %arg8[%get3A_762] {strides = array<i32>} : memref<2000xf32, #tpu.memory_space<vmem>>, vector<16xf32>,
      %div3A_764 = arith.divf %get3A_763, %add3A_552 : vector<16xf32>
      %swap3A_765 = arith.constant 672 : index
      %swap3A_766 = tpu.vector_load %arg9[%swap3A_765] {strides = array<i32>} : memref<2000xf32, #tpu.memory_space<vmem>>, vector<16xf32>,
      tpu.vector_store %arg9[%swap3A_765], %div3A_764 {strides = array<i32>} : memref<2000xf32, #tpu.memory_space<vmem>>, vector<16xf32>,
      %get3A_767 = arith.constant 688 : index
      %get3A_768 = tpu.vector_load %arg8[%get3A_767] {strides = array<i32>} : memref<2000xf32, #tpu.memory_space<vmem>>, vector<16xf32>,
      %div3A_769 = arith.divf %get3A_768, %add3A_552 : vector<16xf32>
      %swap3A_770 = arith.constant 688 : index
      %swap3A_771 = tpu.vector_load %arg9[%swap3A_770] {strides = array<i32>} : memref<2000xf32, #tpu.memory_space<vmem>>, vector<16xf32>,
      tpu.vector_store %arg9[%swap3A_770], %div3A_769 {strides = array<i32>} : memref<2000xf32, #tpu.memory_space<vmem>>, vector<16xf32>,
      %get3A_772 = arith.constant 704 : index
      %get3A_773 = tpu.vector_load %arg8[%get3A_772] {strides = array<i32>} : memref<2000xf32, #tpu.memory_space<vmem>>, vector<16xf32>,
      %div3A_774 = arith.divf %get3A_773, %add3A_552 : vector<16xf32>
      %swap3A_775 = arith.constant 704 : index
      %swap3A_776 = tpu.vector_load %arg9[%swap3A_775] {strides = array<i32>} : memref<2000xf32, #tpu.memory_space<vmem>>, vector<16xf32>,
      tpu.vector_store %arg9[%swap3A_775], %div3A_774 {strides = array<i32>} : memref<2000xf32, #tpu.memory_space<vmem>>, vector<16xf32>,
      %get3A_777 = arith.constant 720 : index
      %get3A_778 = tpu.vector_load %arg8[%get3A_777] {strides = array<i32>} : memref<2000xf32, #tpu.memory_space<vmem>>, vector<16xf32>,
      %div3A_779 = arith.divf %get3A_778, %add3A_552 : vector<16xf32>
      %swap3A_780 = arith.constant 720 : index
      %swap3A_781 = tpu.vector_load %arg9[%swap3A_780] {strides = array<i32>} : memref<2000xf32, #tpu.memory_space<vmem>>, vector<16xf32>,
      tpu.vector_store %arg9[%swap3A_780], %div3A_779 {strides = array<i32>} : memref<2000xf32, #tpu.memory_space<vmem>>, vector<16xf32>,
      %get3A_782 = arith.constant 736 : index
      %get3A_783 = tpu.vector_load %arg8[%get3A_782] {strides = array<i32>} : memref<2000xf32, #tpu.memory_space<vmem>>, vector<16xf32>,
      %div3A_784 = arith.divf %get3A_783, %add3A_552 : vector<16xf32>
      %swap3A_785 = arith.constant 736 : index
      %swap3A_786 = tpu.vector_load %arg9[%swap3A_785] {strides = array<i32>} : memref<2000xf32, #tpu.memory_space<vmem>>, vector<16xf32>,
      tpu.vector_store %arg9[%swap3A_785], %div3A_784 {strides = array<i32>} : memref<2000xf32, #tpu.memory_space<vmem>>, vector<16xf32>,
      %get3A_787 = arith.constant 752 : index
      %get3A_788 = tpu.vector_load %arg8[%get3A_787] {strides = array<i32>} : memref<2000xf32, #tpu.memory_space<vmem>>, vector<16xf32>,
      %div3A_789 = arith.divf %get3A_788, %add3A_552 : vector<16xf32>
      %swap3A_790 = arith.constant 752 : index
      %swap3A_791 = tpu.vector_load %arg9[%swap3A_790] {strides = array<i32>} : memref<2000xf32, #tpu.memory_space<vmem>>, vector<16xf32>,
      tpu.vector_store %arg9[%swap3A_790], %div3A_789 {strides = array<i32>} : memref<2000xf32, #tpu.memory_space<vmem>>, vector<16xf32>,
      %get3A_792 = arith.constant 768 : index
      %get3A_793 = tpu.vector_load %arg8[%get3A_792] {strides = array<i32>} : memref<2000xf32, #tpu.memory_space<vmem>>, vector<16xf32>,
      %div3A_794 = arith.divf %get3A_793, %add3A_552 : vector<16xf32>
      %swap3A_795 = arith.constant 768 : index
      %swap3A_796 = tpu.vector_load %arg9[%swap3A_795] {strides = array<i32>} : memref<2000xf32, #tpu.memory_space<vmem>>, vector<16xf32>,
      tpu.vector_store %arg9[%swap3A_795], %div3A_794 {strides = array<i32>} : memref<2000xf32, #tpu.memory_space<vmem>>, vector<16xf32>,
      %get3A_797 = arith.constant 784 : index
      %get3A_798 = tpu.vector_load %arg8[%get3A_797] {strides = array<i32>} : memref<2000xf32, #tpu.memory_space<vmem>>, vector<16xf32>,
      %div3A_799 = arith.divf %get3A_798, %add3A_552 : vector<16xf32>
      %swap3A_800 = arith.constant 784 : index
      %swap3A_801 = tpu.vector_load %arg9[%swap3A_800] {strides = array<i32>} : memref<2000xf32, #tpu.memory_space<vmem>>, vector<16xf32>,
      tpu.vector_store %arg9[%swap3A_800], %div3A_799 {strides = array<i32>} : memref<2000xf32, #tpu.memory_space<vmem>>, vector<16xf32>,
      %get3A_802 = arith.constant 800 : index
      %get3A_803 = tpu.vector_load %arg8[%get3A_802] {strides = array<i32>} : memref<2000xf32, #tpu.memory_space<vmem>>, vector<16xf32>,
      %div3A_804 = arith.divf %get3A_803, %add3A_552 : vector<16xf32>
      %swap3A_805 = arith.constant 800 : index
      %swap3A_806 = tpu.vector_load %arg9[%swap3A_805] {strides = array<i32>} : memref<2000xf32, #tpu.memory_space<vmem>>, vector<16xf32>,
      tpu.vector_store %arg9[%swap3A_805], %div3A_804 {strides = array<i32>} : memref<2000xf32, #tpu.memory_space<vmem>>, vector<16xf32>,
      %get3A_807 = arith.constant 816 : index
      %get3A_808 = tpu.vector_load %arg8[%get3A_807] {strides = array<i32>} : memref<2000xf32, #tpu.memory_space<vmem>>, vector<16xf32>,
      %div3A_809 = arith.divf %get3A_808, %add3A_552 : vector<16xf32>
      %swap3A_810 = arith.constant 816 : index
      %swap3A_811 = tpu.vector_load %arg9[%swap3A_810] {strides = array<i32>} : memref<2000xf32, #tpu.memory_space<vmem>>, vector<16xf32>,
      tpu.vector_store %arg9[%swap3A_810], %div3A_809 {strides = array<i32>} : memref<2000xf32, #tpu.memory_space<vmem>>, vector<16xf32>,
      %get3A_812 = arith.constant 832 : index
      %get3A_813 = tpu.vector_load %arg8[%get3A_812] {strides = array<i32>} : memref<2000xf32, #tpu.memory_space<vmem>>, vector<16xf32>,
      %div3A_814 = arith.divf %get3A_813, %add3A_552 : vector<16xf32>
      %swap3A_815 = arith.constant 832 : index
      %swap3A_816 = tpu.vector_load %arg9[%swap3A_815] {strides = array<i32>} : memref<2000xf32, #tpu.memory_space<vmem>>, vector<16xf32>,
      tpu.vector_store %arg9[%swap3A_815], %div3A_814 {strides = array<i32>} : memref<2000xf32, #tpu.memory_space<vmem>>, vector<16xf32>,
      %get3A_817 = arith.constant 848 : index
      %get3A_818 = tpu.vector_load %arg8[%get3A_817] {strides = array<i32>} : memref<2000xf32, #tpu.memory_space<vmem>>, vector<16xf32>,
      %div3A_819 = arith.divf %get3A_818, %add3A_552 : vector<16xf32>
      %swap3A_820 = arith.constant 848 : index
      %swap3A_821 = tpu.vector_load %arg9[%swap3A_820] {strides = array<i32>} : memref<2000xf32, #tpu.memory_space<vmem>>, vector<16xf32>,
      tpu.vector_store %arg9[%swap3A_820], %div3A_819 {strides = array<i32>} : memref<2000xf32, #tpu.memory_space<vmem>>, vector<16xf32>,
      %get3A_822 = arith.constant 864 : index
      %get3A_823 = tpu.vector_load %arg8[%get3A_822] {strides = array<i32>} : memref<2000xf32, #tpu.memory_space<vmem>>, vector<16xf32>,
      %div3A_824 = arith.divf %get3A_823, %add3A_552 : vector<16xf32>
      %swap3A_825 = arith.constant 864 : index
      %swap3A_826 = tpu.vector_load %arg9[%swap3A_825] {strides = array<i32>} : memref<2000xf32, #tpu.memory_space<vmem>>, vector<16xf32>,
      tpu.vector_store %arg9[%swap3A_825], %div3A_824 {strides = array<i32>} : memref<2000xf32, #tpu.memory_space<vmem>>, vector<16xf32>,
      %get3A_827 = arith.constant 880 : index
      %get3A_828 = tpu.vector_load %arg8[%get3A_827] {strides = array<i32>} : memref<2000xf32, #tpu.memory_space<vmem>>, vector<16xf32>,
      %div3A_829 = arith.divf %get3A_828, %add3A_552 : vector<16xf32>
      %swap3A_830 = arith.constant 880 : index
      %swap3A_831 = tpu.vector_load %arg9[%swap3A_830] {strides = array<i32>} : memref<2000xf32, #tpu.memory_space<vmem>>, vector<16xf32>,
      tpu.vector_store %arg9[%swap3A_830], %div3A_829 {strides = array<i32>} : memref<2000xf32, #tpu.memory_space<vmem>>, vector<16xf32>,
      %get3A_832 = arith.constant 896 : index
      %get3A_833 = tpu.vector_load %arg8[%get3A_832] {strides = array<i32>} : memref<2000xf32, #tpu.memory_space<vmem>>, vector<16xf32>,
      %div3A_834 = arith.divf %get3A_833, %add3A_552 : vector<16xf32>
      %swap3A_835 = arith.constant 896 : index
      %swap3A_836 = tpu.vector_load %arg9[%swap3A_835] {strides = array<i32>} : memref<2000xf32, #tpu.memory_space<vmem>>, vector<16xf32>,
      tpu.vector_store %arg9[%swap3A_835], %div3A_834 {strides = array<i32>} : memref<2000xf32, #tpu.memory_space<vmem>>, vector<16xf32>,
      %get3A_837 = arith.constant 912 : index
      %get3A_838 = tpu.vector_load %arg8[%get3A_837] {strides = array<i32>} : memref<2000xf32, #tpu.memory_space<vmem>>, vector<16xf32>,
      %div3A_839 = arith.divf %get3A_838, %add3A_552 : vector<16xf32>
      %swap3A_840 = arith.constant 912 : index
      %swap3A_841 = tpu.vector_load %arg9[%swap3A_840] {strides = array<i32>} : memref<2000xf32, #tpu.memory_space<vmem>>, vector<16xf32>,
      tpu.vector_store %arg9[%swap3A_840], %div3A_839 {strides = array<i32>} : memref<2000xf32, #tpu.memory_space<vmem>>, vector<16xf32>,
      %get3A_842 = arith.constant 928 : index
      %get3A_843 = tpu.vector_load %arg8[%get3A_842] {strides = array<i32>} : memref<2000xf32, #tpu.memory_space<vmem>>, vector<16xf32>,
      %div3A_844 = arith.divf %get3A_843, %add3A_552 : vector<16xf32>
      %swap3A_845 = arith.constant 928 : index
      %swap3A_846 = tpu.vector_load %arg9[%swap3A_845] {strides = array<i32>} : memref<2000xf32, #tpu.memory_space<vmem>>, vector<16xf32>,
      tpu.vector_store %arg9[%swap3A_845], %div3A_844 {strides = array<i32>} : memref<2000xf32, #tpu.memory_space<vmem>>, vector<16xf32>,
      %get3A_847 = arith.constant 944 : index
      %get3A_848 = tpu.vector_load %arg8[%get3A_847] {strides = array<i32>} : memref<2000xf32, #tpu.memory_space<vmem>>, vector<16xf32>,
      %div3A_849 = arith.divf %get3A_848, %add3A_552 : vector<16xf32>
      %swap3A_850 = arith.constant 944 : index
      %swap3A_851 = tpu.vector_load %arg9[%swap3A_850] {strides = array<i32>} : memref<2000xf32, #tpu.memory_space<vmem>>, vector<16xf32>,
      tpu.vector_store %arg9[%swap3A_850], %div3A_849 {strides = array<i32>} : memref<2000xf32, #tpu.memory_space<vmem>>, vector<16xf32>,
      %get3A_852 = arith.constant 960 : index
      %get3A_853 = tpu.vector_load %arg8[%get3A_852] {strides = array<i32>} : memref<2000xf32, #tpu.memory_space<vmem>>, vector<16xf32>,
      %div3A_854 = arith.divf %get3A_853, %add3A_552 : vector<16xf32>
      %swap3A_855 = arith.constant 960 : index
      %swap3A_856 = tpu.vector_load %arg9[%swap3A_855] {strides = array<i32>} : memref<2000xf32, #tpu.memory_space<vmem>>, vector<16xf32>,
      tpu.vector_store %arg9[%swap3A_855], %div3A_854 {strides = array<i32>} : memref<2000xf32, #tpu.memory_space<vmem>>, vector<16xf32>,
      %get3A_857 = arith.constant 976 : index
      %get3A_858 = tpu.vector_load %arg8[%get3A_857] {strides = array<i32>} : memref<2000xf32, #tpu.memory_space<vmem>>, vector<16xf32>,
      %div3A_859 = arith.divf %get3A_858, %add3A_552 : vector<16xf32>
      %swap3A_860 = arith.constant 976 : index
      %swap3A_861 = tpu.vector_load %arg9[%swap3A_860] {strides = array<i32>} : memref<2000xf32, #tpu.memory_space<vmem>>, vector<16xf32>,
      tpu.vector_store %arg9[%swap3A_860], %div3A_859 {strides = array<i32>} : memref<2000xf32, #tpu.memory_space<vmem>>, vector<16xf32>,
      %get3A_862 = arith.constant 992 : index
      %get3A_863 = tpu.vector_load %arg8[%get3A_862] {strides = array<i32>} : memref<2000xf32, #tpu.memory_space<vmem>>, vector<16xf32>,
      %div3A_864 = arith.divf %get3A_863, %add3A_552 : vector<16xf32>
      %swap3A_865 = arith.constant 992 : index
      %swap3A_866 = tpu.vector_load %arg9[%swap3A_865] {strides = array<i32>} : memref<2000xf32, #tpu.memory_space<vmem>>, vector<16xf32>,
      tpu.vector_store %arg9[%swap3A_865], %div3A_864 {strides = array<i32>} : memref<2000xf32, #tpu.memory_space<vmem>>, vector<16xf32>,
      %get3A_867 = arith.constant 1008 : index
      %get3A_868 = tpu.vector_load %arg8[%get3A_867] {strides = array<i32>} : memref<2000xf32, #tpu.memory_space<vmem>>, vector<16xf32>,
      %div3A_869 = arith.divf %get3A_868, %add3A_552 : vector<16xf32>
      %swap3A_870 = arith.constant 1008 : index
      %swap3A_871 = tpu.vector_load %arg9[%swap3A_870] {strides = array<i32>} : memref<2000xf32, #tpu.memory_space<vmem>>, vector<16xf32>,
      tpu.vector_store %arg9[%swap3A_870], %div3A_869 {strides = array<i32>} : memref<2000xf32, #tpu.memory_space<vmem>>, vector<16xf32>,
      %get3A_872 = arith.constant 1024 : index
      %get3A_873 = tpu.vector_load %arg8[%get3A_872] {strides = array<i32>} : memref<2000xf32, #tpu.memory_space<vmem>>, vector<16xf32>,
      %div3A_874 = arith.divf %get3A_873, %add3A_552 : vector<16xf32>
      %swap3A_875 = arith.constant 1024 : index
      %swap3A_876 = tpu.vector_load %arg9[%swap3A_875] {strides = array<i32>} : memref<2000xf32, #tpu.memory_space<vmem>>, vector<16xf32>,
      tpu.vector_store %arg9[%swap3A_875], %div3A_874 {strides = array<i32>} : memref<2000xf32, #tpu.memory_space<vmem>>, vector<16xf32>,
      %get3A_877 = arith.constant 1040 : index
      %get3A_878 = tpu.vector_load %arg8[%get3A_877] {strides = array<i32>} : memref<2000xf32, #tpu.memory_space<vmem>>, vector<16xf32>,
      %div3A_879 = arith.divf %get3A_878, %add3A_552 : vector<16xf32>
      %swap3A_880 = arith.constant 1040 : index
      %swap3A_881 = tpu.vector_load %arg9[%swap3A_880] {strides = array<i32>} : memref<2000xf32, #tpu.memory_space<vmem>>, vector<16xf32>,
      tpu.vector_store %arg9[%swap3A_880], %div3A_879 {strides = array<i32>} : memref<2000xf32, #tpu.memory_space<vmem>>, vector<16xf32>,
      %get3A_882 = arith.constant 1056 : index
      %get3A_883 = tpu.vector_load %arg8[%get3A_882] {strides = array<i32>} : memref<2000xf32, #tpu.memory_space<vmem>>, vector<16xf32>,
      %div3A_884 = arith.divf %get3A_883, %add3A_552 : vector<16xf32>
      %swap3A_885 = arith.constant 1056 : index
      %swap3A_886 = tpu.vector_load %arg9[%swap3A_885] {strides = array<i32>} : memref<2000xf32, #tpu.memory_space<vmem>>, vector<16xf32>,
      tpu.vector_store %arg9[%swap3A_885], %div3A_884 {strides = array<i32>} : memref<2000xf32, #tpu.memory_space<vmem>>, vector<16xf32>,
      %get3A_887 = arith.constant 1072 : index
      %get3A_888 = tpu.vector_load %arg8[%get3A_887] {strides = array<i32>} : memref<2000xf32, #tpu.memory_space<vmem>>, vector<16xf32>,
      %div3A_889 = arith.divf %get3A_888, %add3A_552 : vector<16xf32>
      %swap3A_890 = arith.constant 1072 : index
      %swap3A_891 = tpu.vector_load %arg9[%swap3A_890] {strides = array<i32>} : memref<2000xf32, #tpu.memory_space<vmem>>, vector<16xf32>,
      tpu.vector_store %arg9[%swap3A_890], %div3A_889 {strides = array<i32>} : memref<2000xf32, #tpu.memory_space<vmem>>, vector<16xf32>,
      %get3A_892 = arith.constant 1088 : index
      %get3A_893 = tpu.vector_load %arg8[%get3A_892] {strides = array<i32>} : memref<2000xf32, #tpu.memory_space<vmem>>, vector<16xf32>,
      %div3A_894 = arith.divf %get3A_893, %add3A_552 : vector<16xf32>
      %swap3A_895 = arith.constant 1088 : index
      %swap3A_896 = tpu.vector_load %arg9[%swap3A_895] {strides = array<i32>} : memref<2000xf32, #tpu.memory_space<vmem>>, vector<16xf32>,
      tpu.vector_store %arg9[%swap3A_895], %div3A_894 {strides = array<i32>} : memref<2000xf32, #tpu.memory_space<vmem>>, vector<16xf32>,
      %get3A_897 = arith.constant 1104 : index
      %get3A_898 = tpu.vector_load %arg8[%get3A_897] {strides = array<i32>} : memref<2000xf32, #tpu.memory_space<vmem>>, vector<16xf32>,
      %div3A_899 = arith.divf %get3A_898, %add3A_552 : vector<16xf32>
      %swap3A_900 = arith.constant 1104 : index
      %swap3A_901 = tpu.vector_load %arg9[%swap3A_900] {strides = array<i32>} : memref<2000xf32, #tpu.memory_space<vmem>>, vector<16xf32>,
      tpu.vector_store %arg9[%swap3A_900], %div3A_899 {strides = array<i32>} : memref<2000xf32, #tpu.memory_space<vmem>>, vector<16xf32>,
      %get3A_902 = arith.constant 1120 : index
      %get3A_903 = tpu.vector_load %arg8[%get3A_902] {strides = array<i32>} : memref<2000xf32, #tpu.memory_space<vmem>>, vector<16xf32>,
      %div3A_904 = arith.divf %get3A_903, %add3A_552 : vector<16xf32>
      %swap3A_905 = arith.constant 1120 : index
      %swap3A_906 = tpu.vector_load %arg9[%swap3A_905] {strides = array<i32>} : memref<2000xf32, #tpu.memory_space<vmem>>, vector<16xf32>,
      tpu.vector_store %arg9[%swap3A_905], %div3A_904 {strides = array<i32>} : memref<2000xf32, #tpu.memory_space<vmem>>, vector<16xf32>,
      %get3A_907 = arith.constant 1136 : index
      %get3A_908 = tpu.vector_load %arg8[%get3A_907] {strides = array<i32>} : memref<2000xf32, #tpu.memory_space<vmem>>, vector<16xf32>,
      %div3A_909 = arith.divf %get3A_908, %add3A_552 : vector<16xf32>
      %swap3A_910 = arith.constant 1136 : index
      %swap3A_911 = tpu.vector_load %arg9[%swap3A_910] {strides = array<i32>} : memref<2000xf32, #tpu.memory_space<vmem>>, vector<16xf32>,
      tpu.vector_store %arg9[%swap3A_910], %div3A_909 {strides = array<i32>} : memref<2000xf32, #tpu.memory_space<vmem>>, vector<16xf32>,
      %get3A_912 = arith.constant 1152 : index
      %get3A_913 = tpu.vector_load %arg8[%get3A_912] {strides = array<i32>} : memref<2000xf32, #tpu.memory_space<vmem>>, vector<16xf32>,
      %div3A_914 = arith.divf %get3A_913, %add3A_552 : vector<16xf32>
      %swap3A_915 = arith.constant 1152 : index
      %swap3A_916 = tpu.vector_load %arg9[%swap3A_915] {strides = array<i32>} : memref<2000xf32, #tpu.memory_space<vmem>>, vector<16xf32>,
      tpu.vector_store %arg9[%swap3A_915], %div3A_914 {strides = array<i32>} : memref<2000xf32, #tpu.memory_space<vmem>>, vector<16xf32>,
      %get3A_917 = arith.constant 1168 : index
      %get3A_918 = tpu.vector_load %arg8[%get3A_917] {strides = array<i32>} : memref<2000xf32, #tpu.memory_space<vmem>>, vector<16xf32>,
      %div3A_919 = arith.divf %get3A_918, %add3A_552 : vector<16xf32>
      %swap3A_920 = arith.constant 1168 : index
      %swap3A_921 = tpu.vector_load %arg9[%swap3A_920] {strides = array<i32>} : memref<2000xf32, #tpu.memory_space<vmem>>, vector<16xf32>,
      tpu.vector_store %arg9[%swap3A_920], %div3A_919 {strides = array<i32>} : memref<2000xf32, #tpu.memory_space<vmem>>, vector<16xf32>,
      %get3A_922 = arith.constant 1184 : index
      %get3A_923 = tpu.vector_load %arg8[%get3A_922] {strides = array<i32>} : memref<2000xf32, #tpu.memory_space<vmem>>, vector<16xf32>,
      %div3A_924 = arith.divf %get3A_923, %add3A_552 : vector<16xf32>
      %swap3A_925 = arith.constant 1184 : index
      %swap3A_926 = tpu.vector_load %arg9[%swap3A_925] {strides = array<i32>} : memref<2000xf32, #tpu.memory_space<vmem>>, vector<16xf32>,
      tpu.vector_store %arg9[%swap3A_925], %div3A_924 {strides = array<i32>} : memref<2000xf32, #tpu.memory_space<vmem>>, vector<16xf32>,
      %get3A_927 = arith.constant 1200 : index
      %get3A_928 = tpu.vector_load %arg8[%get3A_927] {strides = array<i32>} : memref<2000xf32, #tpu.memory_space<vmem>>, vector<16xf32>,
      %div3A_929 = arith.divf %get3A_928, %add3A_552 : vector<16xf32>
      %swap3A_930 = arith.constant 1200 : index
      %swap3A_931 = tpu.vector_load %arg9[%swap3A_930] {strides = array<i32>} : memref<2000xf32, #tpu.memory_space<vmem>>, vector<16xf32>,
      tpu.vector_store %arg9[%swap3A_930], %div3A_929 {strides = array<i32>} : memref<2000xf32, #tpu.memory_space<vmem>>, vector<16xf32>,
      %get3A_932 = arith.constant 1216 : index
      %get3A_933 = tpu.vector_load %arg8[%get3A_932] {strides = array<i32>} : memref<2000xf32, #tpu.memory_space<vmem>>, vector<16xf32>,
      %div3A_934 = arith.divf %get3A_933, %add3A_552 : vector<16xf32>
      %swap3A_935 = arith.constant 1216 : index
      %swap3A_936 = tpu.vector_load %arg9[%swap3A_935] {strides = array<i32>} : memref<2000xf32, #tpu.memory_space<vmem>>, vector<16xf32>,
      tpu.vector_store %arg9[%swap3A_935], %div3A_934 {strides = array<i32>} : memref<2000xf32, #tpu.memory_space<vmem>>, vector<16xf32>,
      %get3A_937 = arith.constant 1232 : index
      %get3A_938 = tpu.vector_load %arg8[%get3A_937] {strides = array<i32>} : memref<2000xf32, #tpu.memory_space<vmem>>, vector<16xf32>,
      %div3A_939 = arith.divf %get3A_938, %add3A_552 : vector<16xf32>
      %swap3A_940 = arith.constant 1232 : index
      %swap3A_941 = tpu.vector_load %arg9[%swap3A_940] {strides = array<i32>} : memref<2000xf32, #tpu.memory_space<vmem>>, vector<16xf32>,
      tpu.vector_store %arg9[%swap3A_940], %div3A_939 {strides = array<i32>} : memref<2000xf32, #tpu.memory_space<vmem>>, vector<16xf32>,
      %get3A_942 = arith.constant 1248 : index
      %get3A_943 = tpu.vector_load %arg8[%get3A_942] {strides = array<i32>} : memref<2000xf32, #tpu.memory_space<vmem>>, vector<16xf32>,
      %div3A_944 = arith.divf %get3A_943, %add3A_552 : vector<16xf32>
      %swap3A_945 = arith.constant 1248 : index
      %swap3A_946 = tpu.vector_load %arg9[%swap3A_945] {strides = array<i32>} : memref<2000xf32, #tpu.memory_space<vmem>>, vector<16xf32>,
      tpu.vector_store %arg9[%swap3A_945], %div3A_944 {strides = array<i32>} : memref<2000xf32, #tpu.memory_space<vmem>>, vector<16xf32>,
      %get3A_947 = arith.constant 1264 : index
      %get3A_948 = tpu.vector_load %arg8[%get3A_947] {strides = array<i32>} : memref<2000xf32, #tpu.memory_space<vmem>>, vector<16xf32>,
      %div3A_949 = arith.divf %get3A_948, %add3A_552 : vector<16xf32>
      %swap3A_950 = arith.constant 1264 : index
      %swap3A_951 = tpu.vector_load %arg9[%swap3A_950] {strides = array<i32>} : memref<2000xf32, #tpu.memory_space<vmem>>, vector<16xf32>,
      tpu.vector_store %arg9[%swap3A_950], %div3A_949 {strides = array<i32>} : memref<2000xf32, #tpu.memory_space<vmem>>, vector<16xf32>,
      %get3A_952 = arith.constant 1280 : index
      %get3A_953 = tpu.vector_load %arg8[%get3A_952] {strides = array<i32>} : memref<2000xf32, #tpu.memory_space<vmem>>, vector<16xf32>,
      %div3A_954 = arith.divf %get3A_953, %add3A_552 : vector<16xf32>
      %swap3A_955 = arith.constant 1280 : index
      %swap3A_956 = tpu.vector_load %arg9[%swap3A_955] {strides = array<i32>} : memref<2000xf32, #tpu.memory_space<vmem>>, vector<16xf32>,
      tpu.vector_store %arg9[%swap3A_955], %div3A_954 {strides = array<i32>} : memref<2000xf32, #tpu.memory_space<vmem>>, vector<16xf32>,
      %get3A_957 = arith.constant 1296 : index
      %get3A_958 = tpu.vector_load %arg8[%get3A_957] {strides = array<i32>} : memref<2000xf32, #tpu.memory_space<vmem>>, vector<16xf32>,
      %div3A_959 = arith.divf %get3A_958, %add3A_552 : vector<16xf32>
      %swap3A_960 = arith.constant 1296 : index
      %swap3A_961 = tpu.vector_load %arg9[%swap3A_960] {strides = array<i32>} : memref<2000xf32, #tpu.memory_space<vmem>>, vector<16xf32>,
      tpu.vector_store %arg9[%swap3A_960], %div3A_959 {strides = array<i32>} : memref<2000xf32, #tpu.memory_space<vmem>>, vector<16xf32>,
      %get3A_962 = arith.constant 1312 : index
      %get3A_963 = tpu.vector_load %arg8[%get3A_962] {strides = array<i32>} : memref<2000xf32, #tpu.memory_space<vmem>>, vector<16xf32>,
      %div3A_964 = arith.divf %get3A_963, %add3A_552 : vector<16xf32>
      %swap3A_965 = arith.constant 1312 : index
      %swap3A_966 = tpu.vector_load %arg9[%swap3A_965] {strides = array<i32>} : memref<2000xf32, #tpu.memory_space<vmem>>, vector<16xf32>,
      tpu.vector_store %arg9[%swap3A_965], %div3A_964 {strides = array<i32>} : memref<2000xf32, #tpu.memory_space<vmem>>, vector<16xf32>,
      %get3A_967 = arith.constant 1328 : index
      %get3A_968 = tpu.vector_load %arg8[%get3A_967] {strides = array<i32>} : memref<2000xf32, #tpu.memory_space<vmem>>, vector<16xf32>,
      %div3A_969 = arith.divf %get3A_968, %add3A_552 : vector<16xf32>
      %swap3A_970 = arith.constant 1328 : index
      %swap3A_971 = tpu.vector_load %arg9[%swap3A_970] {strides = array<i32>} : memref<2000xf32, #tpu.memory_space<vmem>>, vector<16xf32>,
      tpu.vector_store %arg9[%swap3A_970], %div3A_969 {strides = array<i32>} : memref<2000xf32, #tpu.memory_space<vmem>>, vector<16xf32>,
      %get3A_972 = arith.constant 1344 : index
      %get3A_973 = tpu.vector_load %arg8[%get3A_972] {strides = array<i32>} : memref<2000xf32, #tpu.memory_space<vmem>>, vector<16xf32>,
      %div3A_974 = arith.divf %get3A_973, %add3A_552 : vector<16xf32>
      %swap3A_975 = arith.constant 1344 : index
      %swap3A_976 = tpu.vector_load %arg9[%swap3A_975] {strides = array<i32>} : memref<2000xf32, #tpu.memory_space<vmem>>, vector<16xf32>,
      tpu.vector_store %arg9[%swap3A_975], %div3A_974 {strides = array<i32>} : memref<2000xf32, #tpu.memory_space<vmem>>, vector<16xf32>,
      %get3A_977 = arith.constant 1360 : index
      %get3A_978 = tpu.vector_load %arg8[%get3A_977] {strides = array<i32>} : memref<2000xf32, #tpu.memory_space<vmem>>, vector<16xf32>,
      %div3A_979 = arith.divf %get3A_978, %add3A_552 : vector<16xf32>
      %swap3A_980 = arith.constant 1360 : index
      %swap3A_981 = tpu.vector_load %arg9[%swap3A_980] {strides = array<i32>} : memref<2000xf32, #tpu.memory_space<vmem>>, vector<16xf32>,
      tpu.vector_store %arg9[%swap3A_980], %div3A_979 {strides = array<i32>} : memref<2000xf32, #tpu.memory_space<vmem>>, vector<16xf32>,
      %get3A_982 = arith.constant 1376 : index
      %get3A_983 = tpu.vector_load %arg8[%get3A_982] {strides = array<i32>} : memref<2000xf32, #tpu.memory_space<vmem>>, vector<16xf32>,
      %div3A_984 = arith.divf %get3A_983, %add3A_552 : vector<16xf32>
      %swap3A_985 = arith.constant 1376 : index
      %swap3A_986 = tpu.vector_load %arg9[%swap3A_985] {strides = array<i32>} : memref<2000xf32, #tpu.memory_space<vmem>>, vector<16xf32>,
      tpu.vector_store %arg9[%swap3A_985], %div3A_984 {strides = array<i32>} : memref<2000xf32, #tpu.memory_space<vmem>>, vector<16xf32>,
      %get3A_987 = arith.constant 1392 : index
      %get3A_988 = tpu.vector_load %arg8[%get3A_987] {strides = array<i32>} : memref<2000xf32, #tpu.memory_space<vmem>>, vector<16xf32>,
      %div3A_989 = arith.divf %get3A_988, %add3A_552 : vector<16xf32>
      %swap3A_990 = arith.constant 1392 : index
      %swap3A_991 = tpu.vector_load %arg9[%swap3A_990] {strides = array<i32>} : memref<2000xf32, #tpu.memory_space<vmem>>, vector<16xf32>,
      tpu.vector_store %arg9[%swap3A_990], %div3A_989 {strides = array<i32>} : memref<2000xf32, #tpu.memory_space<vmem>>, vector<16xf32>,
      %get3A_992 = arith.constant 1408 : index
      %get3A_993 = tpu.vector_load %arg8[%get3A_992] {strides = array<i32>} : memref<2000xf32, #tpu.memory_space<vmem>>, vector<16xf32>,
      %div3A_994 = arith.divf %get3A_993, %add3A_552 : vector<16xf32>
      %swap3A_995 = arith.constant 1408 : index
      %swap3A_996 = tpu.vector_load %arg9[%swap3A_995] {strides = array<i32>} : memref<2000xf32, #tpu.memory_space<vmem>>, vector<16xf32>,
      tpu.vector_store %arg9[%swap3A_995], %div3A_994 {strides = array<i32>} : memref<2000xf32, #tpu.memory_space<vmem>>, vector<16xf32>,
      %get3A_997 = arith.constant 1424 : index
      %get3A_998 = tpu.vector_load %arg8[%get3A_997] {strides = array<i32>} : memref<2000xf32, #tpu.memory_space<vmem>>, vector<16xf32>,
      %div3A_999 = arith.divf %get3A_998, %add3A_552 : vector<16xf32>
      %swap3A_1000 = arith.constant 1424 : index
      %swap3A_1001 = tpu.vector_load %arg9[%swap3A_1000] {strides = array<i32>} : memref<2000xf32, #tpu.memory_space<vmem>>, vector<16xf32>,
      tpu.vector_store %arg9[%swap3A_1000], %div3A_999 {strides = array<i32>} : memref<2000xf32, #tpu.memory_space<vmem>>, vector<16xf32>,
      %get3A_1002 = arith.constant 1440 : index
      %get3A_1003 = tpu.vector_load %arg8[%get3A_1002] {strides = array<i32>} : memref<2000xf32, #tpu.memory_space<vmem>>, vector<16xf32>,
      %div3A_1004 = arith.divf %get3A_1003, %add3A_552 : vector<16xf32>
      %swap3A_1005 = arith.constant 1440 : index
      %swap3A_1006 = tpu.vector_load %arg9[%swap3A_1005] {strides = array<i32>} : memref<2000xf32, #tpu.memory_space<vmem>>, vector<16xf32>,
      tpu.vector_store %arg9[%swap3A_1005], %div3A_1004 {strides = array<i32>} : memref<2000xf32, #tpu.memory_space<vmem>>, vector<16xf32>,
      %get3A_1007 = arith.constant 1456 : index
      %get3A_1008 = tpu.vector_load %arg8[%get3A_1007] {strides = array<i32>} : memref<2000xf32, #tpu.memory_space<vmem>>, vector<16xf32>,
      %div3A_1009 = arith.divf %get3A_1008, %add3A_552 : vector<16xf32>
      %swap3A_1010 = arith.constant 1456 : index
      %swap3A_1011 = tpu.vector_load %arg9[%swap3A_1010] {strides = array<i32>} : memref<2000xf32, #tpu.memory_space<vmem>>, vector<16xf32>,
      tpu.vector_store %arg9[%swap3A_1010], %div3A_1009 {strides = array<i32>} : memref<2000xf32, #tpu.memory_space<vmem>>, vector<16xf32>,
      %get3A_1012 = arith.constant 1472 : index
      %get3A_1013 = tpu.vector_load %arg8[%get3A_1012] {strides = array<i32>} : memref<2000xf32, #tpu.memory_space<vmem>>, vector<16xf32>,
      %div3A_1014 = arith.divf %get3A_1013, %add3A_552 : vector<16xf32>
      %swap3A_1015 = arith.constant 1472 : index
      %swap3A_1016 = tpu.vector_load %arg9[%swap3A_1015] {strides = array<i32>} : memref<2000xf32, #tpu.memory_space<vmem>>, vector<16xf32>,
      tpu.vector_store %arg9[%swap3A_1015], %div3A_1014 {strides = array<i32>} : memref<2000xf32, #tpu.memory_space<vmem>>, vector<16xf32>,
      %get3A_1017 = arith.constant 1488 : index
      %get3A_1018 = tpu.vector_load %arg8[%get3A_1017] {strides = array<i32>} : memref<2000xf32, #tpu.memory_space<vmem>>, vector<16xf32>,
      %div3A_1019 = arith.divf %get3A_1018, %add3A_552 : vector<16xf32>
      %swap3A_1020 = arith.constant 1488 : index
      %swap3A_1021 = tpu.vector_load %arg9[%swap3A_1020] {strides = array<i32>} : memref<2000xf32, #tpu.memory_space<vmem>>, vector<16xf32>,
      tpu.vector_store %arg9[%swap3A_1020], %div3A_1019 {strides = array<i32>} : memref<2000xf32, #tpu.memory_space<vmem>>, vector<16xf32>,
      %get3A_1022 = arith.constant 1504 : index
      %get3A_1023 = tpu.vector_load %arg8[%get3A_1022] {strides = array<i32>} : memref<2000xf32, #tpu.memory_space<vmem>>, vector<16xf32>,
      %div3A_1024 = arith.divf %get3A_1023, %add3A_552 : vector<16xf32>
      %swap3A_1025 = arith.constant 1504 : index
      %swap3A_1026 = tpu.vector_load %arg9[%swap3A_1025] {strides = array<i32>} : memref<2000xf32, #tpu.memory_space<vmem>>, vector<16xf32>,
      tpu.vector_store %arg9[%swap3A_1025], %div3A_1024 {strides = array<i32>} : memref<2000xf32, #tpu.memory_space<vmem>>, vector<16xf32>,
      %get3A_1027 = arith.constant 1520 : index
      %get3A_1028 = tpu.vector_load %arg8[%get3A_1027] {strides = array<i32>} : memref<2000xf32, #tpu.memory_space<vmem>>, vector<16xf32>,
      %div3A_1029 = arith.divf %get3A_1028, %add3A_552 : vector<16xf32>
      %swap3A_1030 = arith.constant 1520 : index
      %swap3A_1031 = tpu.vector_load %arg9[%swap3A_1030] {strides = array<i32>} : memref<2000xf32, #tpu.memory_space<vmem>>, vector<16xf32>,
      tpu.vector_store %arg9[%swap3A_1030], %div3A_1029 {strides = array<i32>} : memref<2000xf32, #tpu.memory_space<vmem>>, vector<16xf32>,
      %get3A_1032 = arith.constant 1536 : index
      %get3A_1033 = tpu.vector_load %arg8[%get3A_1032] {strides = array<i32>} : memref<2000xf32, #tpu.memory_space<vmem>>, vector<16xf32>,
      %div3A_1034 = arith.divf %get3A_1033, %add3A_552 : vector<16xf32>
      %swap3A_1035 = arith.constant 1536 : index
      %swap3A_1036 = tpu.vector_load %arg9[%swap3A_1035] {strides = array<i32>} : memref<2000xf32, #tpu.memory_space<vmem>>, vector<16xf32>,
      tpu.vector_store %arg9[%swap3A_1035], %div3A_1034 {strides = array<i32>} : memref<2000xf32, #tpu.memory_space<vmem>>, vector<16xf32>,
      %get3A_1037 = arith.constant 1552 : index
      %get3A_1038 = tpu.vector_load %arg8[%get3A_1037] {strides = array<i32>} : memref<2000xf32, #tpu.memory_space<vmem>>, vector<16xf32>,
      %div3A_1039 = arith.divf %get3A_1038, %add3A_552 : vector<16xf32>
      %swap3A_1040 = arith.constant 1552 : index
      %swap3A_1041 = tpu.vector_load %arg9[%swap3A_1040] {strides = array<i32>} : memref<2000xf32, #tpu.memory_space<vmem>>, vector<16xf32>,
      tpu.vector_store %arg9[%swap3A_1040], %div3A_1039 {strides = array<i32>} : memref<2000xf32, #tpu.memory_space<vmem>>, vector<16xf32>,
      %get3A_1042 = arith.constant 1568 : index
      %get3A_1043 = tpu.vector_load %arg8[%get3A_1042] {strides = array<i32>} : memref<2000xf32, #tpu.memory_space<vmem>>, vector<16xf32>,
      %div3A_1044 = arith.divf %get3A_1043, %add3A_552 : vector<16xf32>
      %swap3A_1045 = arith.constant 1568 : index
      %swap3A_1046 = tpu.vector_load %arg9[%swap3A_1045] {strides = array<i32>} : memref<2000xf32, #tpu.memory_space<vmem>>, vector<16xf32>,
      tpu.vector_store %arg9[%swap3A_1045], %div3A_1044 {strides = array<i32>} : memref<2000xf32, #tpu.memory_space<vmem>>, vector<16xf32>,
      %get3A_1047 = arith.constant 1584 : index
      %get3A_1048 = tpu.vector_load %arg8[%get3A_1047] {strides = array<i32>} : memref<2000xf32, #tpu.memory_space<vmem>>, vector<16xf32>,
      %div3A_1049 = arith.divf %get3A_1048, %add3A_552 : vector<16xf32>
      %swap3A_1050 = arith.constant 1584 : index
      %swap3A_1051 = tpu.vector_load %arg9[%swap3A_1050] {strides = array<i32>} : memref<2000xf32, #tpu.memory_space<vmem>>, vector<16xf32>,
      tpu.vector_store %arg9[%swap3A_1050], %div3A_1049 {strides = array<i32>} : memref<2000xf32, #tpu.memory_space<vmem>>, vector<16xf32>,
      %get3A_1052 = arith.constant 1600 : index
      %get3A_1053 = tpu.vector_load %arg8[%get3A_1052] {strides = array<i32>} : memref<2000xf32, #tpu.memory_space<vmem>>, vector<16xf32>,
      %div3A_1054 = arith.divf %get3A_1053, %add3A_552 : vector<16xf32>
      %swap3A_1055 = arith.constant 1600 : index
      %swap3A_1056 = tpu.vector_load %arg9[%swap3A_1055] {strides = array<i32>} : memref<2000xf32, #tpu.memory_space<vmem>>, vector<16xf32>,
      tpu.vector_store %arg9[%swap3A_1055], %div3A_1054 {strides = array<i32>} : memref<2000xf32, #tpu.memory_space<vmem>>, vector<16xf32>,
      %get3A_1057 = arith.constant 1616 : index
      %get3A_1058 = tpu.vector_load %arg8[%get3A_1057] {strides = array<i32>} : memref<2000xf32, #tpu.memory_space<vmem>>, vector<16xf32>,
      %div3A_1059 = arith.divf %get3A_1058, %add3A_552 : vector<16xf32>
      %swap3A_1060 = arith.constant 1616 : index
      %swap3A_1061 = tpu.vector_load %arg9[%swap3A_1060] {strides = array<i32>} : memref<2000xf32, #tpu.memory_space<vmem>>, vector<16xf32>,
      tpu.vector_store %arg9[%swap3A_1060], %div3A_1059 {strides = array<i32>} : memref<2000xf32, #tpu.memory_space<vmem>>, vector<16xf32>,
      %get3A_1062 = arith.constant 1632 : index
      %get3A_1063 = tpu.vector_load %arg8[%get3A_1062] {strides = array<i32>} : memref<2000xf32, #tpu.memory_space<vmem>>, vector<16xf32>,
      %div3A_1064 = arith.divf %get3A_1063, %add3A_552 : vector<16xf32>
      %swap3A_1065 = arith.constant 1632 : index
      %swap3A_1066 = tpu.vector_load %arg9[%swap3A_1065] {strides = array<i32>} : memref<2000xf32, #tpu.memory_space<vmem>>, vector<16xf32>,
      tpu.vector_store %arg9[%swap3A_1065], %div3A_1064 {strides = array<i32>} : memref<2000xf32, #tpu.memory_space<vmem>>, vector<16xf32>,
      %get3A_1067 = arith.constant 1648 : index
      %get3A_1068 = tpu.vector_load %arg8[%get3A_1067] {strides = array<i32>} : memref<2000xf32, #tpu.memory_space<vmem>>, vector<16xf32>,
      %div3A_1069 = arith.divf %get3A_1068, %add3A_552 : vector<16xf32>
      %swap3A_1070 = arith.constant 1648 : index
      %swap3A_1071 = tpu.vector_load %arg9[%swap3A_1070] {strides = array<i32>} : memref<2000xf32, #tpu.memory_space<vmem>>, vector<16xf32>,
      tpu.vector_store %arg9[%swap3A_1070], %div3A_1069 {strides = array<i32>} : memref<2000xf32, #tpu.memory_space<vmem>>, vector<16xf32>,
      %get3A_1072 = arith.constant 1664 : index
      %get3A_1073 = tpu.vector_load %arg8[%get3A_1072] {strides = array<i32>} : memref<2000xf32, #tpu.memory_space<vmem>>, vector<16xf32>,
      %div3A_1074 = arith.divf %get3A_1073, %add3A_552 : vector<16xf32>
      %swap3A_1075 = arith.constant 1664 : index
      %swap3A_1076 = tpu.vector_load %arg9[%swap3A_1075] {strides = array<i32>} : memref<2000xf32, #tpu.memory_space<vmem>>, vector<16xf32>,
      tpu.vector_store %arg9[%swap3A_1075], %div3A_1074 {strides = array<i32>} : memref<2000xf32, #tpu.memory_space<vmem>>, vector<16xf32>,
      %get3A_1077 = arith.constant 1680 : index
      %get3A_1078 = tpu.vector_load %arg8[%get3A_1077] {strides = array<i32>} : memref<2000xf32, #tpu.memory_space<vmem>>, vector<16xf32>,
      %div3A_1079 = arith.divf %get3A_1078, %add3A_552 : vector<16xf32>
      %swap3A_1080 = arith.constant 1680 : index
      %swap3A_1081 = tpu.vector_load %arg9[%swap3A_1080] {strides = array<i32>} : memref<2000xf32, #tpu.memory_space<vmem>>, vector<16xf32>,
      tpu.vector_store %arg9[%swap3A_1080], %div3A_1079 {strides = array<i32>} : memref<2000xf32, #tpu.memory_space<vmem>>, vector<16xf32>,
      %get3A_1082 = arith.constant 1696 : index
      %get3A_1083 = tpu.vector_load %arg8[%get3A_1082] {strides = array<i32>} : memref<2000xf32, #tpu.memory_space<vmem>>, vector<16xf32>,
      %div3A_1084 = arith.divf %get3A_1083, %add3A_552 : vector<16xf32>
      %swap3A_1085 = arith.constant 1696 : index
      %swap3A_1086 = tpu.vector_load %arg9[%swap3A_1085] {strides = array<i32>} : memref<2000xf32, #tpu.memory_space<vmem>>, vector<16xf32>,
      tpu.vector_store %arg9[%swap3A_1085], %div3A_1084 {strides = array<i32>} : memref<2000xf32, #tpu.memory_space<vmem>>, vector<16xf32>,
      %get3A_1087 = arith.constant 1712 : index
      %get3A_1088 = tpu.vector_load %arg8[%get3A_1087] {strides = array<i32>} : memref<2000xf32, #tpu.memory_space<vmem>>, vector<16xf32>,
      %div3A_1089 = arith.divf %get3A_1088, %add3A_552 : vector<16xf32>
      %swap3A_1090 = arith.constant 1712 : index
      %swap3A_1091 = tpu.vector_load %arg9[%swap3A_1090] {strides = array<i32>} : memref<2000xf32, #tpu.memory_space<vmem>>, vector<16xf32>,
      tpu.vector_store %arg9[%swap3A_1090], %div3A_1089 {strides = array<i32>} : memref<2000xf32, #tpu.memory_space<vmem>>, vector<16xf32>,
      %get3A_1092 = arith.constant 1728 : index
      %get3A_1093 = tpu.vector_load %arg8[%get3A_1092] {strides = array<i32>} : memref<2000xf32, #tpu.memory_space<vmem>>, vector<16xf32>,
      %div3A_1094 = arith.divf %get3A_1093, %add3A_552 : vector<16xf32>
      %swap3A_1095 = arith.constant 1728 : index
      %swap3A_1096 = tpu.vector_load %arg9[%swap3A_1095] {strides = array<i32>} : memref<2000xf32, #tpu.memory_space<vmem>>, vector<16xf32>,
      tpu.vector_store %arg9[%swap3A_1095], %div3A_1094 {strides = array<i32>} : memref<2000xf32, #tpu.memory_space<vmem>>, vector<16xf32>,
      %get3A_1097 = arith.constant 1744 : index
      %get3A_1098 = tpu.vector_load %arg8[%get3A_1097] {strides = array<i32>} : memref<2000xf32, #tpu.memory_space<vmem>>, vector<16xf32>,
      %div3A_1099 = arith.divf %get3A_1098, %add3A_552 : vector<16xf32>
      %swap3A_1100 = arith.constant 1744 : index
      %swap3A_1101 = tpu.vector_load %arg9[%swap3A_1100] {strides = array<i32>} : memref<2000xf32, #tpu.memory_space<vmem>>, vector<16xf32>,
      tpu.vector_store %arg9[%swap3A_1100], %div3A_1099 {strides = array<i32>} : memref<2000xf32, #tpu.memory_space<vmem>>, vector<16xf32>,
      %get3A_1102 = arith.constant 1760 : index
      %get3A_1103 = tpu.vector_load %arg8[%get3A_1102] {strides = array<i32>} : memref<2000xf32, #tpu.memory_space<vmem>>, vector<16xf32>,
      %div3A_1104 = arith.divf %get3A_1103, %add3A_552 : vector<16xf32>
      %swap3A_1105 = arith.constant 1760 : index
      %swap3A_1106 = tpu.vector_load %arg9[%swap3A_1105] {strides = array<i32>} : memref<2000xf32, #tpu.memory_space<vmem>>, vector<16xf32>,
      tpu.vector_store %arg9[%swap3A_1105], %div3A_1104 {strides = array<i32>} : memref<2000xf32, #tpu.memory_space<vmem>>, vector<16xf32>,
      %get3A_1107 = arith.constant 1776 : index
      %get3A_1108 = tpu.vector_load %arg8[%get3A_1107] {strides = array<i32>} : memref<2000xf32, #tpu.memory_space<vmem>>, vector<16xf32>,
      %div3A_1109 = arith.divf %get3A_1108, %add3A_552 : vector<16xf32>
      %swap3A_1110 = arith.constant 1776 : index
      %swap3A_1111 = tpu.vector_load %arg9[%swap3A_1110] {strides = array<i32>} : memref<2000xf32, #tpu.memory_space<vmem>>, vector<16xf32>,
      tpu.vector_store %arg9[%swap3A_1110], %div3A_1109 {strides = array<i32>} : memref<2000xf32, #tpu.memory_space<vmem>>, vector<16xf32>,
      %get3A_1112 = arith.constant 1792 : index
      %get3A_1113 = tpu.vector_load %arg8[%get3A_1112] {strides = array<i32>} : memref<2000xf32, #tpu.memory_space<vmem>>, vector<16xf32>,
      %div3A_1114 = arith.divf %get3A_1113, %add3A_552 : vector<16xf32>
      %swap3A_1115 = arith.constant 1792 : index
      %swap3A_1116 = tpu.vector_load %arg9[%swap3A_1115] {strides = array<i32>} : memref<2000xf32, #tpu.memory_space<vmem>>, vector<16xf32>,
      tpu.vector_store %arg9[%swap3A_1115], %div3A_1114 {strides = array<i32>} : memref<2000xf32, #tpu.memory_space<vmem>>, vector<16xf32>,
      %get3A_1117 = arith.constant 1808 : index
      %get3A_1118 = tpu.vector_load %arg8[%get3A_1117] {strides = array<i32>} : memref<2000xf32, #tpu.memory_space<vmem>>, vector<16xf32>,
      %div3A_1119 = arith.divf %get3A_1118, %add3A_552 : vector<16xf32>
      %swap3A_1120 = arith.constant 1808 : index
      %swap3A_1121 = tpu.vector_load %arg9[%swap3A_1120] {strides = array<i32>} : memref<2000xf32, #tpu.memory_space<vmem>>, vector<16xf32>,
      tpu.vector_store %arg9[%swap3A_1120], %div3A_1119 {strides = array<i32>} : memref<2000xf32, #tpu.memory_space<vmem>>, vector<16xf32>,
      %get3A_1122 = arith.constant 1824 : index
      %get3A_1123 = tpu.vector_load %arg8[%get3A_1122] {strides = array<i32>} : memref<2000xf32, #tpu.memory_space<vmem>>, vector<16xf32>,
      %div3A_1124 = arith.divf %get3A_1123, %add3A_552 : vector<16xf32>
      %swap3A_1125 = arith.constant 1824 : index
      %swap3A_1126 = tpu.vector_load %arg9[%swap3A_1125] {strides = array<i32>} : memref<2000xf32, #tpu.memory_space<vmem>>, vector<16xf32>,
      tpu.vector_store %arg9[%swap3A_1125], %div3A_1124 {strides = array<i32>} : memref<2000xf32, #tpu.memory_space<vmem>>, vector<16xf32>,
      %get3A_1127 = arith.constant 1840 : index
      %get3A_1128 = tpu.vector_load %arg8[%get3A_1127] {strides = array<i32>} : memref<2000xf32, #tpu.memory_space<vmem>>, vector<16xf32>,
      %div3A_1129 = arith.divf %get3A_1128, %add3A_552 : vector<16xf32>
      %swap3A_1130 = arith.constant 1840 : index
      %swap3A_1131 = tpu.vector_load %arg9[%swap3A_1130] {strides = array<i32>} : memref<2000xf32, #tpu.memory_space<vmem>>, vector<16xf32>,
      tpu.vector_store %arg9[%swap3A_1130], %div3A_1129 {strides = array<i32>} : memref<2000xf32, #tpu.memory_space<vmem>>, vector<16xf32>,
      %get3A_1132 = arith.constant 1856 : index
      %get3A_1133 = tpu.vector_load %arg8[%get3A_1132] {strides = array<i32>} : memref<2000xf32, #tpu.memory_space<vmem>>, vector<16xf32>,
      %div3A_1134 = arith.divf %get3A_1133, %add3A_552 : vector<16xf32>
      %swap3A_1135 = arith.constant 1856 : index
      %swap3A_1136 = tpu.vector_load %arg9[%swap3A_1135] {strides = array<i32>} : memref<2000xf32, #tpu.memory_space<vmem>>, vector<16xf32>,
      tpu.vector_store %arg9[%swap3A_1135], %div3A_1134 {strides = array<i32>} : memref<2000xf32, #tpu.memory_space<vmem>>, vector<16xf32>,
      %get3A_1137 = arith.constant 1872 : index
      %get3A_1138 = tpu.vector_load %arg8[%get3A_1137] {strides = array<i32>} : memref<2000xf32, #tpu.memory_space<vmem>>, vector<16xf32>,
      %div3A_1139 = arith.divf %get3A_1138, %add3A_552 : vector<16xf32>
      %swap3A_1140 = arith.constant 1872 : index
      %swap3A_1141 = tpu.vector_load %arg9[%swap3A_1140] {strides = array<i32>} : memref<2000xf32, #tpu.memory_space<vmem>>, vector<16xf32>,
      tpu.vector_store %arg9[%swap3A_1140], %div3A_1139 {strides = array<i32>} : memref<2000xf32, #tpu.memory_space<vmem>>, vector<16xf32>,
      %get3A_1142 = arith.constant 1888 : index
      %get3A_1143 = tpu.vector_load %arg8[%get3A_1142] {strides = array<i32>} : memref<2000xf32, #tpu.memory_space<vmem>>, vector<16xf32>,
      %div3A_1144 = arith.divf %get3A_1143, %add3A_552 : vector<16xf32>
      %swap3A_1145 = arith.constant 1888 : index
      %swap3A_1146 = tpu.vector_load %arg9[%swap3A_1145] {strides = array<i32>} : memref<2000xf32, #tpu.memory_space<vmem>>, vector<16xf32>,
      tpu.vector_store %arg9[%swap3A_1145], %div3A_1144 {strides = array<i32>} : memref<2000xf32, #tpu.memory_space<vmem>>, vector<16xf32>,
      %get3A_1147 = arith.constant 1904 : index
      %get3A_1148 = tpu.vector_load %arg8[%get3A_1147] {strides = array<i32>} : memref<2000xf32, #tpu.memory_space<vmem>>, vector<16xf32>,
      %div3A_1149 = arith.divf %get3A_1148, %add3A_552 : vector<16xf32>
      %swap3A_1150 = arith.constant 1904 : index
      %swap3A_1151 = tpu.vector_load %arg9[%swap3A_1150] {strides = array<i32>} : memref<2000xf32, #tpu.memory_space<vmem>>, vector<16xf32>,
      tpu.vector_store %arg9[%swap3A_1150], %div3A_1149 {strides = array<i32>} : memref<2000xf32, #tpu.memory_space<vmem>>, vector<16xf32>,
      %get3A_1152 = arith.constant 1920 : index
      %get3A_1153 = tpu.vector_load %arg8[%get3A_1152] {strides = array<i32>} : memref<2000xf32, #tpu.memory_space<vmem>>, vector<16xf32>,
      %div3A_1154 = arith.divf %get3A_1153, %add3A_552 : vector<16xf32>
      %swap3A_1155 = arith.constant 1920 : index
      %swap3A_1156 = tpu.vector_load %arg9[%swap3A_1155] {strides = array<i32>} : memref<2000xf32, #tpu.memory_space<vmem>>, vector<16xf32>,
      tpu.vector_store %arg9[%swap3A_1155], %div3A_1154 {strides = array<i32>} : memref<2000xf32, #tpu.memory_space<vmem>>, vector<16xf32>,
      %get3A_1157 = arith.constant 1936 : index
      %get3A_1158 = tpu.vector_load %arg8[%get3A_1157] {strides = array<i32>} : memref<2000xf32, #tpu.memory_space<vmem>>, vector<16xf32>,
      %div3A_1159 = arith.divf %get3A_1158, %add3A_552 : vector<16xf32>
      %swap3A_1160 = arith.constant 1936 : index
      %swap3A_1161 = tpu.vector_load %arg9[%swap3A_1160] {strides = array<i32>} : memref<2000xf32, #tpu.memory_space<vmem>>, vector<16xf32>,
      tpu.vector_store %arg9[%swap3A_1160], %div3A_1159 {strides = array<i32>} : memref<2000xf32, #tpu.memory_space<vmem>>, vector<16xf32>,
      %get3A_1162 = arith.constant 1952 : index
      %get3A_1163 = tpu.vector_load %arg8[%get3A_1162] {strides = array<i32>} : memref<2000xf32, #tpu.memory_space<vmem>>, vector<16xf32>,
      %div3A_1164 = arith.divf %get3A_1163, %add3A_552 : vector<16xf32>
      %swap3A_1165 = arith.constant 1952 : index
      %swap3A_1166 = tpu.vector_load %arg9[%swap3A_1165] {strides = array<i32>} : memref<2000xf32, #tpu.memory_space<vmem>>, vector<16xf32>,
      tpu.vector_store %arg9[%swap3A_1165], %div3A_1164 {strides = array<i32>} : memref<2000xf32, #tpu.memory_space<vmem>>, vector<16xf32>,
      %get3A_1167 = arith.constant 1968 : index
      %get3A_1168 = tpu.vector_load %arg8[%get3A_1167] {strides = array<i32>} : memref<2000xf32, #tpu.memory_space<vmem>>, vector<16xf32>,
      %div3A_1169 = arith.divf %get3A_1168, %add3A_552 : vector<16xf32>
      %swap3A_1170 = arith.constant 1968 : index
      %swap3A_1171 = tpu.vector_load %arg9[%swap3A_1170] {strides = array<i32>} : memref<2000xf32, #tpu.memory_space<vmem>>, vector<16xf32>,
      tpu.vector_store %arg9[%swap3A_1170], %div3A_1169 {strides = array<i32>} : memref<2000xf32, #tpu.memory_space<vmem>>, vector<16xf32>,
      %get3A_1172 = arith.constant 1984 : index
      %get3A_1173 = tpu.vector_load %arg8[%get3A_1172] {strides = array<i32>} : memref<2000xf32, #tpu.memory_space<vmem>>, vector<16xf32>,
      %div3A_1174 = arith.divf %get3A_1173, %add3A_552 : vector<16xf32>
      %swap3A_1175 = arith.constant 1984 : index
      %swap3A_1176 = tpu.vector_load %arg9[%swap3A_1175] {strides = array<i32>} : memref<2000xf32, #tpu.memory_space<vmem>>, vector<16xf32>,
      tpu.vector_store %arg9[%swap3A_1175], %div3A_1174 {strides = array<i32>} : memref<2000xf32, #tpu.memory_space<vmem>>, vector<16xf32>,
      "tpu.region"() ({
        %run_scoped3A = tpu.sem_alloc : memref<!tpu.dma_semaphore, #tpu.memory_space<semaphore_mem>>
        %dma_start3A = arith.constant 0 : i32
        %dma_start3A_1177 = tpu.memref_slice %arg4[%add3A, %dma_start3A] : memref<4x2000xf32, #tpu.memory_space<hbm>> -> memref<1x2000xf32, #tpu.memory_space<hbm>>
        %dma_start3A_1178 = tpu.memref_squeeze %dma_start3A_1177 : memref<1x2000xf32, #tpu.memory_space<hbm>> -> memref<2000xf32, #tpu.memory_space<hbm>>
        %dma_start3A_1179 = arith.constant 0 : i32
        %dma_start3A_1180 = tpu.memref_slice %arg4[%add3A, %dma_start3A_1179] : memref<4x2000xf32, #tpu.memory_space<hbm>> -> memref<1x2000xf32, #tpu.memory_space<hbm>>
        %dma_start3A_1181 = tpu.memref_squeeze %dma_start3A_1180 : memref<1x2000xf32, #tpu.memory_space<hbm>> -> memref<2000xf32, #tpu.memory_space<hbm>>
        tpu.enqueue_dma source(%arg8 : memref<2000xf32, #tpu.memory_space<vmem>>) target(%dma_start3A_1181 : memref<2000xf32, #tpu.memory_space<hbm>>) target_semaphore(%run_scoped3A : memref<!tpu.dma_semaphore, #tpu.memory_space<semaphore_mem>>)
        %dma_wait3A = arith.constant 0 : i32
        %dma_wait3A_1182 = tpu.memref_slice %arg4[%add3A, %dma_wait3A] : memref<4x2000xf32, #tpu.memory_space<hbm>> -> memref<1x2000xf32, #tpu.memory_space<hbm>>
        %dma_wait3A_1183 = tpu.memref_squeeze %dma_wait3A_1182 : memref<1x2000xf32, #tpu.memory_space<hbm>> -> memref<2000xf32, #tpu.memory_space<hbm>>
        %dma_wait3A_1184 = arith.constant 0 : i32
        %dma_wait3A_1185 = tpu.memref_slice %arg4[%add3A, %dma_wait3A_1184] : memref<4x2000xf32, #tpu.memory_space<hbm>> -> memref<1x2000xf32, #tpu.memory_space<hbm>>
        %dma_wait3A_1186 = tpu.memref_squeeze %dma_wait3A_1185 : memref<1x2000xf32, #tpu.memory_space<hbm>> -> memref<2000xf32, #tpu.memory_space<hbm>>
        tpu.wait_dma2 semaphore(%run_scoped3A : memref<!tpu.dma_semaphore, #tpu.memory_space<semaphore_mem>>) src(%arg8 : memref<2000xf32, #tpu.memory_space<vmem>>) dst(%dma_wait3A_1186 : memref<2000xf32, #tpu.memory_space<hbm>>)
        tpu.yield
      }) : () -> ()
      "tpu.region"() ({
        %run_scoped3A = tpu.sem_alloc : memref<!tpu.dma_semaphore, #tpu.memory_space<semaphore_mem>>
        %dma_start3A = arith.constant 0 : i32
        %dma_start3A_1177 = tpu.memref_slice %arg5[%add3A, %dma_start3A] : memref<4x2000xf32, #tpu.memory_space<hbm>> -> memref<1x2000xf32, #tpu.memory_space<hbm>>
        %dma_start3A_1178 = tpu.memref_squeeze %dma_start3A_1177 : memref<1x2000xf32, #tpu.memory_space<hbm>> -> memref<2000xf32, #tpu.memory_space<hbm>>
        %dma_start3A_1179 = arith.constant 0 : i32
        %dma_start3A_1180 = tpu.memref_slice %arg5[%add3A, %dma_start3A_1179] : memref<4x2000xf32, #tpu.memory_space<hbm>> -> memref<1x2000xf32, #tpu.memory_space<hbm>>
        %dma_start3A_1181 = tpu.memref_squeeze %dma_start3A_1180 : memref<1x2000xf32, #tpu.memory_space<hbm>> -> memref<2000xf32, #tpu.memory_space<hbm>>
        tpu.enqueue_dma source(%arg9 : memref<2000xf32, #tpu.memory_space<vmem>>) target(%dma_start3A_1181 : memref<2000xf32, #tpu.memory_space<hbm>>) target_semaphore(%run_scoped3A : memref<!tpu.dma_semaphore, #tpu.memory_space<semaphore_mem>>)
        %dma_wait3A = arith.constant 0 : i32
        %dma_wait3A_1182 = tpu.memref_slice %arg5[%add3A, %dma_wait3A] : memref<4x2000xf32, #tpu.memory_space<hbm>> -> memref<1x2000xf32, #tpu.memory_space<hbm>>
        %dma_wait3A_1183 = tpu.memref_squeeze %dma_wait3A_1182 : memref<1x2000xf32, #tpu.memory_space<hbm>> -> memref<2000xf32, #tpu.memory_space<hbm>>
        %dma_wait3A_1184 = arith.constant 0 : i32
        %dma_wait3A_1185 = tpu.memref_slice %arg5[%add3A, %dma_wait3A_1184] : memref<4x2000xf32, #tpu.memory_space<hbm>> -> memref<1x2000xf32, #tpu.memory_space<hbm>>
        %dma_wait3A_1186 = tpu.memref_squeeze %dma_wait3A_1185 : memref<1x2000xf32, #tpu.memory_space<hbm>> -> memref<2000xf32, #tpu.memory_space<hbm>>
        tpu.wait_dma2 semaphore(%run_scoped3A : memref<!tpu.dma_semaphore, #tpu.memory_space<semaphore_mem>>) src(%arg9 : memref<2000xf32, #tpu.memory_space<vmem>>) dst(%dma_wait3A_1186 : memref<2000xf32, #tpu.memory_space<hbm>>)
        tpu.yield
      }) : () -> ()
    } else {
    }
    return
  }
}

module attributes {stable_mosaic.version = 14 : i64} {
  func.func @_scores_body(%arg0: i32, %arg1: memref<8x200x512xf32, #tpu.memory_space<vmem>>, %arg2: memref<512x256xf32, #tpu.memory_space<vmem>>, %arg3: memref<1x256xf32, #tpu.memory_space<vmem>>, %arg4: memref<1x256xf32, #tpu.memory_space<vmem>>, %arg5: memref<1x1xf32, #tpu.memory_space<vmem>>, %arg6: memref<8x208xf32, #tpu.memory_space<vmem>>) attributes {dimension_semantics = [#tpu.dimension_semantics<arbitrary>], iteration_bounds = array<i64: 5>, scalar_prefetch = 0 : i64, scratch_operands = 0 : i64, tpu.core_type = #tpu.core_type<tc>, window_params = [{transform_indices = @transform_0, window_bounds = array<i64: 8, 200, 512>}, {pipeline_mode = #tpu.pipeline_mode<synchronous>, transform_indices = @transform_1, window_bounds = array<i64: 512, 256>}, {pipeline_mode = #tpu.pipeline_mode<synchronous>, transform_indices = @transform_2, window_bounds = array<i64: 1, 256>}, {pipeline_mode = #tpu.pipeline_mode<synchronous>, transform_indices = @transform_3, window_bounds = array<i64: 1, 256>}, {pipeline_mode = #tpu.pipeline_mode<synchronous>, transform_indices = @transform_4, window_bounds = array<i64: 1, 1>}, {transform_indices = @transform_5, window_bounds = array<i64: 8, 208>}]} {
    %get3A = arith.constant 0 : index
    %get3A_0 = arith.constant 0 : index
    %get3A_1 = arith.constant 0 : index
    %get3A_2 = vector.load %arg1[%get3A, %get3A_0, %get3A_1] : memref<8x200x512xf32, #tpu.memory_space<vmem>>, vector<1x200x512xf32>
    %get3A_3 = vector.shape_cast %get3A_2 : vector<1x200x512xf32> to vector<200x512xf32>
    %get3A_4 = arith.constant 0 : index
    %get3A_5 = arith.constant 0 : index
    %get3A_6 = vector.load %arg2[%get3A_4, %get3A_5] : memref<512x256xf32, #tpu.memory_space<vmem>>, vector<512x256xf32>
    %dot_general3A = arith.constant dense<0.000000e+00> : vector<200x256xf32>
    %dot_general3A_7 = tpu.matmul %get3A_3, %get3A_6, %dot_general3A {dimension_numbers = #tpu.dot_dimension_numbers<[1], [0], [0], [1], [0, 0, 1, 1], [], []>, transpose_lhs_hint = false} : vector<200x512xf32>, vector<512x256xf32>, vector<200x256xf32> -> vector<200x256xf32>
    %get3A_8 = arith.constant 0 : index
    %get3A_9 = arith.constant 0 : index
    %get3A_10 = vector.load %arg3[%get3A_8, %get3A_9] : memref<1x256xf32, #tpu.memory_space<vmem>>, vector<1x256xf32>
    %get3A_11 = vector.shape_cast %get3A_10 : vector<1x256xf32> to vector<256xf32>
    %broadcast_in_dim3A = vector.shape_cast %get3A_11 : vector<256xf32> to vector<1x256xf32>
    %add3A = vector.broadcast %broadcast_in_dim3A : vector<1x256xf32> to vector<200x256xf32>
    %add3A_12 = arith.addf %dot_general3A_7, %add3A : vector<200x256xf32>
    %tanh3A = math.tanh %add3A_12 : vector<200x256xf32>
    %get3A_13 = arith.constant 0 : index
    %get3A_14 = arith.constant 0 : index
    %get3A_15 = vector.load %arg4[%get3A_13, %get3A_14] : memref<1x256xf32, #tpu.memory_space<vmem>>, vector<1x256xf32>
    %dot_general3A_16 = arith.constant dense<0.000000e+00> : vector<1x200xf32>
    %dot_general3A_17 = tpu.matmul %get3A_15, %tanh3A, %dot_general3A_16 {dimension_numbers = #tpu.dot_dimension_numbers<[1], [1], [0], [0], [0, 0, 1, 0], [], []>, transpose_lhs_hint = false} : vector<1x256xf32>, vector<200x256xf32>, vector<1x200xf32> -> vector<1x200xf32>
    %squeeze3A = vector.shape_cast %dot_general3A_17 : vector<1x200xf32> to vector<200xf32>
    %get3A_18 = arith.constant 0 : index
    %get3A_19 = arith.constant 0 : index
    %get3A_20 = vector.load %arg5[%get3A_18, %get3A_19] : memref<1x1xf32, #tpu.memory_space<vmem>>, vector<1x1xf32>
    %get3A_21 = vector.extract %get3A_20[0, 0] : f32 from vector<1x1xf32>
    %add3A_22 = vector.broadcast %get3A_21 : f32 to vector<200xf32>
    %add3A_23 = arith.addf %squeeze3A, %add3A_22 : vector<200xf32>
    %broadcast_in_dim3A_24 = arith.constant -3.000000e+38 : f32
    %broadcast_in_dim3A_25 = vector.broadcast %broadcast_in_dim3A_24 : f32 to vector<8xf32>
    %concatenate3A = tpu.concatenate %add3A_23, %broadcast_in_dim3A_25 in 0 : vector<200xf32>, vector<8xf32> -> vector<208xf32>
    %swap3A = arith.constant 0 : index
    %swap3A_26 = arith.constant 0 : index
    %swap3A_27 = vector.load %arg6[%swap3A, %swap3A_26] : memref<8x208xf32, #tpu.memory_space<vmem>>, vector<1x208xf32>
    %swap3A_28 = vector.shape_cast %swap3A_27 : vector<1x208xf32> to vector<208xf32>
    %swap3A_29 = vector.shape_cast %concatenate3A : vector<208xf32> to vector<1x208xf32>
    tpu.vector_store %arg6[%swap3A, %swap3A_26], %swap3A_29 {strides = array<i32>} : memref<8x208xf32, #tpu.memory_space<vmem>>, vector<1x208xf32>,
    %get3A_30 = arith.constant 1 : index
    %get3A_31 = arith.constant 0 : index
    %get3A_32 = arith.constant 0 : index
    %get3A_33 = vector.load %arg1[%get3A_30, %get3A_31, %get3A_32] : memref<8x200x512xf32, #tpu.memory_space<vmem>>, vector<1x200x512xf32>
    %get3A_34 = vector.shape_cast %get3A_33 : vector<1x200x512xf32> to vector<200x512xf32>
    %get3A_35 = arith.constant 0 : index
    %get3A_36 = arith.constant 0 : index
    %get3A_37 = vector.load %arg2[%get3A_35, %get3A_36] : memref<512x256xf32, #tpu.memory_space<vmem>>, vector<512x256xf32>
    %dot_general3A_38 = arith.constant dense<0.000000e+00> : vector<200x256xf32>
    %dot_general3A_39 = tpu.matmul %get3A_34, %get3A_37, %dot_general3A_38 {dimension_numbers = #tpu.dot_dimension_numbers<[1], [0], [0], [1], [0, 0, 1, 1], [], []>, transpose_lhs_hint = false} : vector<200x512xf32>, vector<512x256xf32>, vector<200x256xf32> -> vector<200x256xf32>
    %get3A_40 = arith.constant 0 : index
    %get3A_41 = arith.constant 0 : index
    %get3A_42 = vector.load %arg3[%get3A_40, %get3A_41] : memref<1x256xf32, #tpu.memory_space<vmem>>, vector<1x256xf32>
    %get3A_43 = vector.shape_cast %get3A_42 : vector<1x256xf32> to vector<256xf32>
    %broadcast_in_dim3A_44 = vector.shape_cast %get3A_43 : vector<256xf32> to vector<1x256xf32>
    %add3A_45 = vector.broadcast %broadcast_in_dim3A_44 : vector<1x256xf32> to vector<200x256xf32>
    %add3A_46 = arith.addf %dot_general3A_39, %add3A_45 : vector<200x256xf32>
    %tanh3A_47 = math.tanh %add3A_46 : vector<200x256xf32>
    %get3A_48 = arith.constant 0 : index
    %get3A_49 = arith.constant 0 : index
    %get3A_50 = vector.load %arg4[%get3A_48, %get3A_49] : memref<1x256xf32, #tpu.memory_space<vmem>>, vector<1x256xf32>
    %dot_general3A_51 = arith.constant dense<0.000000e+00> : vector<1x200xf32>
    %dot_general3A_52 = tpu.matmul %get3A_50, %tanh3A_47, %dot_general3A_51 {dimension_numbers = #tpu.dot_dimension_numbers<[1], [1], [0], [0], [0, 0, 1, 0], [], []>, transpose_lhs_hint = false} : vector<1x256xf32>, vector<200x256xf32>, vector<1x200xf32> -> vector<1x200xf32>
    %squeeze3A_53 = vector.shape_cast %dot_general3A_52 : vector<1x200xf32> to vector<200xf32>
    %get3A_54 = arith.constant 0 : index
    %get3A_55 = arith.constant 0 : index
    %get3A_56 = vector.load %arg5[%get3A_54, %get3A_55] : memref<1x1xf32, #tpu.memory_space<vmem>>, vector<1x1xf32>
    %get3A_57 = vector.extract %get3A_56[0, 0] : f32 from vector<1x1xf32>
    %add3A_58 = vector.broadcast %get3A_57 : f32 to vector<200xf32>
    %add3A_59 = arith.addf %squeeze3A_53, %add3A_58 : vector<200xf32>
    %broadcast_in_dim3A_60 = arith.constant -3.000000e+38 : f32
    %broadcast_in_dim3A_61 = vector.broadcast %broadcast_in_dim3A_60 : f32 to vector<8xf32>
    %concatenate3A_62 = tpu.concatenate %add3A_59, %broadcast_in_dim3A_61 in 0 : vector<200xf32>, vector<8xf32> -> vector<208xf32>
    %swap3A_63 = arith.constant 1 : index
    %swap3A_64 = arith.constant 0 : index
    %swap3A_65 = vector.load %arg6[%swap3A_63, %swap3A_64] : memref<8x208xf32, #tpu.memory_space<vmem>>, vector<1x208xf32>
    %swap3A_66 = vector.shape_cast %swap3A_65 : vector<1x208xf32> to vector<208xf32>
    %swap3A_67 = vector.shape_cast %concatenate3A_62 : vector<208xf32> to vector<1x208xf32>
    tpu.vector_store %arg6[%swap3A_63, %swap3A_64], %swap3A_67 {strides = array<i32>} : memref<8x208xf32, #tpu.memory_space<vmem>>, vector<1x208xf32>,
    %get3A_68 = arith.constant 2 : index
    %get3A_69 = arith.constant 0 : index
    %get3A_70 = arith.constant 0 : index
    %get3A_71 = vector.load %arg1[%get3A_68, %get3A_69, %get3A_70] : memref<8x200x512xf32, #tpu.memory_space<vmem>>, vector<1x200x512xf32>
    %get3A_72 = vector.shape_cast %get3A_71 : vector<1x200x512xf32> to vector<200x512xf32>
    %get3A_73 = arith.constant 0 : index
    %get3A_74 = arith.constant 0 : index
    %get3A_75 = vector.load %arg2[%get3A_73, %get3A_74] : memref<512x256xf32, #tpu.memory_space<vmem>>, vector<512x256xf32>
    %dot_general3A_76 = arith.constant dense<0.000000e+00> : vector<200x256xf32>
    %dot_general3A_77 = tpu.matmul %get3A_72, %get3A_75, %dot_general3A_76 {dimension_numbers = #tpu.dot_dimension_numbers<[1], [0], [0], [1], [0, 0, 1, 1], [], []>, transpose_lhs_hint = false} : vector<200x512xf32>, vector<512x256xf32>, vector<200x256xf32> -> vector<200x256xf32>
    %get3A_78 = arith.constant 0 : index
    %get3A_79 = arith.constant 0 : index
    %get3A_80 = vector.load %arg3[%get3A_78, %get3A_79] : memref<1x256xf32, #tpu.memory_space<vmem>>, vector<1x256xf32>
    %get3A_81 = vector.shape_cast %get3A_80 : vector<1x256xf32> to vector<256xf32>
    %broadcast_in_dim3A_82 = vector.shape_cast %get3A_81 : vector<256xf32> to vector<1x256xf32>
    %add3A_83 = vector.broadcast %broadcast_in_dim3A_82 : vector<1x256xf32> to vector<200x256xf32>
    %add3A_84 = arith.addf %dot_general3A_77, %add3A_83 : vector<200x256xf32>
    %tanh3A_85 = math.tanh %add3A_84 : vector<200x256xf32>
    %get3A_86 = arith.constant 0 : index
    %get3A_87 = arith.constant 0 : index
    %get3A_88 = vector.load %arg4[%get3A_86, %get3A_87] : memref<1x256xf32, #tpu.memory_space<vmem>>, vector<1x256xf32>
    %dot_general3A_89 = arith.constant dense<0.000000e+00> : vector<1x200xf32>
    %dot_general3A_90 = tpu.matmul %get3A_88, %tanh3A_85, %dot_general3A_89 {dimension_numbers = #tpu.dot_dimension_numbers<[1], [1], [0], [0], [0, 0, 1, 0], [], []>, transpose_lhs_hint = false} : vector<1x256xf32>, vector<200x256xf32>, vector<1x200xf32> -> vector<1x200xf32>
    %squeeze3A_91 = vector.shape_cast %dot_general3A_90 : vector<1x200xf32> to vector<200xf32>
    %get3A_92 = arith.constant 0 : index
    %get3A_93 = arith.constant 0 : index
    %get3A_94 = vector.load %arg5[%get3A_92, %get3A_93] : memref<1x1xf32, #tpu.memory_space<vmem>>, vector<1x1xf32>
    %get3A_95 = vector.extract %get3A_94[0, 0] : f32 from vector<1x1xf32>
    %add3A_96 = vector.broadcast %get3A_95 : f32 to vector<200xf32>
    %add3A_97 = arith.addf %squeeze3A_91, %add3A_96 : vector<200xf32>
    %broadcast_in_dim3A_98 = arith.constant -3.000000e+38 : f32
    %broadcast_in_dim3A_99 = vector.broadcast %broadcast_in_dim3A_98 : f32 to vector<8xf32>
    %concatenate3A_100 = tpu.concatenate %add3A_97, %broadcast_in_dim3A_99 in 0 : vector<200xf32>, vector<8xf32> -> vector<208xf32>
    %swap3A_101 = arith.constant 2 : index
    %swap3A_102 = arith.constant 0 : index
    %swap3A_103 = vector.load %arg6[%swap3A_101, %swap3A_102] : memref<8x208xf32, #tpu.memory_space<vmem>>, vector<1x208xf32>
    %swap3A_104 = vector.shape_cast %swap3A_103 : vector<1x208xf32> to vector<208xf32>
    %swap3A_105 = vector.shape_cast %concatenate3A_100 : vector<208xf32> to vector<1x208xf32>
    tpu.vector_store %arg6[%swap3A_101, %swap3A_102], %swap3A_105 {strides = array<i32>} : memref<8x208xf32, #tpu.memory_space<vmem>>, vector<1x208xf32>,
    %get3A_106 = arith.constant 3 : index
    %get3A_107 = arith.constant 0 : index
    %get3A_108 = arith.constant 0 : index
    %get3A_109 = vector.load %arg1[%get3A_106, %get3A_107, %get3A_108] : memref<8x200x512xf32, #tpu.memory_space<vmem>>, vector<1x200x512xf32>
    %get3A_110 = vector.shape_cast %get3A_109 : vector<1x200x512xf32> to vector<200x512xf32>
    %get3A_111 = arith.constant 0 : index
    %get3A_112 = arith.constant 0 : index
    %get3A_113 = vector.load %arg2[%get3A_111, %get3A_112] : memref<512x256xf32, #tpu.memory_space<vmem>>, vector<512x256xf32>
    %dot_general3A_114 = arith.constant dense<0.000000e+00> : vector<200x256xf32>
    %dot_general3A_115 = tpu.matmul %get3A_110, %get3A_113, %dot_general3A_114 {dimension_numbers = #tpu.dot_dimension_numbers<[1], [0], [0], [1], [0, 0, 1, 1], [], []>, transpose_lhs_hint = false} : vector<200x512xf32>, vector<512x256xf32>, vector<200x256xf32> -> vector<200x256xf32>
    %get3A_116 = arith.constant 0 : index
    %get3A_117 = arith.constant 0 : index
    %get3A_118 = vector.load %arg3[%get3A_116, %get3A_117] : memref<1x256xf32, #tpu.memory_space<vmem>>, vector<1x256xf32>
    %get3A_119 = vector.shape_cast %get3A_118 : vector<1x256xf32> to vector<256xf32>
    %broadcast_in_dim3A_120 = vector.shape_cast %get3A_119 : vector<256xf32> to vector<1x256xf32>
    %add3A_121 = vector.broadcast %broadcast_in_dim3A_120 : vector<1x256xf32> to vector<200x256xf32>
    %add3A_122 = arith.addf %dot_general3A_115, %add3A_121 : vector<200x256xf32>
    %tanh3A_123 = math.tanh %add3A_122 : vector<200x256xf32>
    %get3A_124 = arith.constant 0 : index
    %get3A_125 = arith.constant 0 : index
    %get3A_126 = vector.load %arg4[%get3A_124, %get3A_125] : memref<1x256xf32, #tpu.memory_space<vmem>>, vector<1x256xf32>
    %dot_general3A_127 = arith.constant dense<0.000000e+00> : vector<1x200xf32>
    %dot_general3A_128 = tpu.matmul %get3A_126, %tanh3A_123, %dot_general3A_127 {dimension_numbers = #tpu.dot_dimension_numbers<[1], [1], [0], [0], [0, 0, 1, 0], [], []>, transpose_lhs_hint = false} : vector<1x256xf32>, vector<200x256xf32>, vector<1x200xf32> -> vector<1x200xf32>
    %squeeze3A_129 = vector.shape_cast %dot_general3A_128 : vector<1x200xf32> to vector<200xf32>
    %get3A_130 = arith.constant 0 : index
    %get3A_131 = arith.constant 0 : index
    %get3A_132 = vector.load %arg5[%get3A_130, %get3A_131] : memref<1x1xf32, #tpu.memory_space<vmem>>, vector<1x1xf32>
    %get3A_133 = vector.extract %get3A_132[0, 0] : f32 from vector<1x1xf32>
    %add3A_134 = vector.broadcast %get3A_133 : f32 to vector<200xf32>
    %add3A_135 = arith.addf %squeeze3A_129, %add3A_134 : vector<200xf32>
    %broadcast_in_dim3A_136 = arith.constant -3.000000e+38 : f32
    %broadcast_in_dim3A_137 = vector.broadcast %broadcast_in_dim3A_136 : f32 to vector<8xf32>
    %concatenate3A_138 = tpu.concatenate %add3A_135, %broadcast_in_dim3A_137 in 0 : vector<200xf32>, vector<8xf32> -> vector<208xf32>
    %swap3A_139 = arith.constant 3 : index
    %swap3A_140 = arith.constant 0 : index
    %swap3A_141 = vector.load %arg6[%swap3A_139, %swap3A_140] : memref<8x208xf32, #tpu.memory_space<vmem>>, vector<1x208xf32>
    %swap3A_142 = vector.shape_cast %swap3A_141 : vector<1x208xf32> to vector<208xf32>
    %swap3A_143 = vector.shape_cast %concatenate3A_138 : vector<208xf32> to vector<1x208xf32>
    tpu.vector_store %arg6[%swap3A_139, %swap3A_140], %swap3A_143 {strides = array<i32>} : memref<8x208xf32, #tpu.memory_space<vmem>>, vector<1x208xf32>,
    %get3A_144 = arith.constant 4 : index
    %get3A_145 = arith.constant 0 : index
    %get3A_146 = arith.constant 0 : index
    %get3A_147 = vector.load %arg1[%get3A_144, %get3A_145, %get3A_146] : memref<8x200x512xf32, #tpu.memory_space<vmem>>, vector<1x200x512xf32>
    %get3A_148 = vector.shape_cast %get3A_147 : vector<1x200x512xf32> to vector<200x512xf32>
    %get3A_149 = arith.constant 0 : index
    %get3A_150 = arith.constant 0 : index
    %get3A_151 = vector.load %arg2[%get3A_149, %get3A_150] : memref<512x256xf32, #tpu.memory_space<vmem>>, vector<512x256xf32>
    %dot_general3A_152 = arith.constant dense<0.000000e+00> : vector<200x256xf32>
    %dot_general3A_153 = tpu.matmul %get3A_148, %get3A_151, %dot_general3A_152 {dimension_numbers = #tpu.dot_dimension_numbers<[1], [0], [0], [1], [0, 0, 1, 1], [], []>, transpose_lhs_hint = false} : vector<200x512xf32>, vector<512x256xf32>, vector<200x256xf32> -> vector<200x256xf32>
    %get3A_154 = arith.constant 0 : index
    %get3A_155 = arith.constant 0 : index
    %get3A_156 = vector.load %arg3[%get3A_154, %get3A_155] : memref<1x256xf32, #tpu.memory_space<vmem>>, vector<1x256xf32>
    %get3A_157 = vector.shape_cast %get3A_156 : vector<1x256xf32> to vector<256xf32>
    %broadcast_in_dim3A_158 = vector.shape_cast %get3A_157 : vector<256xf32> to vector<1x256xf32>
    %add3A_159 = vector.broadcast %broadcast_in_dim3A_158 : vector<1x256xf32> to vector<200x256xf32>
    %add3A_160 = arith.addf %dot_general3A_153, %add3A_159 : vector<200x256xf32>
    %tanh3A_161 = math.tanh %add3A_160 : vector<200x256xf32>
    %get3A_162 = arith.constant 0 : index
    %get3A_163 = arith.constant 0 : index
    %get3A_164 = vector.load %arg4[%get3A_162, %get3A_163] : memref<1x256xf32, #tpu.memory_space<vmem>>, vector<1x256xf32>
    %dot_general3A_165 = arith.constant dense<0.000000e+00> : vector<1x200xf32>
    %dot_general3A_166 = tpu.matmul %get3A_164, %tanh3A_161, %dot_general3A_165 {dimension_numbers = #tpu.dot_dimension_numbers<[1], [1], [0], [0], [0, 0, 1, 0], [], []>, transpose_lhs_hint = false} : vector<1x256xf32>, vector<200x256xf32>, vector<1x200xf32> -> vector<1x200xf32>
    %squeeze3A_167 = vector.shape_cast %dot_general3A_166 : vector<1x200xf32> to vector<200xf32>
    %get3A_168 = arith.constant 0 : index
    %get3A_169 = arith.constant 0 : index
    %get3A_170 = vector.load %arg5[%get3A_168, %get3A_169] : memref<1x1xf32, #tpu.memory_space<vmem>>, vector<1x1xf32>
    %get3A_171 = vector.extract %get3A_170[0, 0] : f32 from vector<1x1xf32>
    %add3A_172 = vector.broadcast %get3A_171 : f32 to vector<200xf32>
    %add3A_173 = arith.addf %squeeze3A_167, %add3A_172 : vector<200xf32>
    %broadcast_in_dim3A_174 = arith.constant -3.000000e+38 : f32
    %broadcast_in_dim3A_175 = vector.broadcast %broadcast_in_dim3A_174 : f32 to vector<8xf32>
    %concatenate3A_176 = tpu.concatenate %add3A_173, %broadcast_in_dim3A_175 in 0 : vector<200xf32>, vector<8xf32> -> vector<208xf32>
    %swap3A_177 = arith.constant 4 : index
    %swap3A_178 = arith.constant 0 : index
    %swap3A_179 = vector.load %arg6[%swap3A_177, %swap3A_178] : memref<8x208xf32, #tpu.memory_space<vmem>>, vector<1x208xf32>
    %swap3A_180 = vector.shape_cast %swap3A_179 : vector<1x208xf32> to vector<208xf32>
    %swap3A_181 = vector.shape_cast %concatenate3A_176 : vector<208xf32> to vector<1x208xf32>
    tpu.vector_store %arg6[%swap3A_177, %swap3A_178], %swap3A_181 {strides = array<i32>} : memref<8x208xf32, #tpu.memory_space<vmem>>, vector<1x208xf32>,
    %get3A_182 = arith.constant 5 : index
    %get3A_183 = arith.constant 0 : index
    %get3A_184 = arith.constant 0 : index
    %get3A_185 = vector.load %arg1[%get3A_182, %get3A_183, %get3A_184] : memref<8x200x512xf32, #tpu.memory_space<vmem>>, vector<1x200x512xf32>
    %get3A_186 = vector.shape_cast %get3A_185 : vector<1x200x512xf32> to vector<200x512xf32>
    %get3A_187 = arith.constant 0 : index
    %get3A_188 = arith.constant 0 : index
    %get3A_189 = vector.load %arg2[%get3A_187, %get3A_188] : memref<512x256xf32, #tpu.memory_space<vmem>>, vector<512x256xf32>
    %dot_general3A_190 = arith.constant dense<0.000000e+00> : vector<200x256xf32>
    %dot_general3A_191 = tpu.matmul %get3A_186, %get3A_189, %dot_general3A_190 {dimension_numbers = #tpu.dot_dimension_numbers<[1], [0], [0], [1], [0, 0, 1, 1], [], []>, transpose_lhs_hint = false} : vector<200x512xf32>, vector<512x256xf32>, vector<200x256xf32> -> vector<200x256xf32>
    %get3A_192 = arith.constant 0 : index
    %get3A_193 = arith.constant 0 : index
    %get3A_194 = vector.load %arg3[%get3A_192, %get3A_193] : memref<1x256xf32, #tpu.memory_space<vmem>>, vector<1x256xf32>
    %get3A_195 = vector.shape_cast %get3A_194 : vector<1x256xf32> to vector<256xf32>
    %broadcast_in_dim3A_196 = vector.shape_cast %get3A_195 : vector<256xf32> to vector<1x256xf32>
    %add3A_197 = vector.broadcast %broadcast_in_dim3A_196 : vector<1x256xf32> to vector<200x256xf32>
    %add3A_198 = arith.addf %dot_general3A_191, %add3A_197 : vector<200x256xf32>
    %tanh3A_199 = math.tanh %add3A_198 : vector<200x256xf32>
    %get3A_200 = arith.constant 0 : index
    %get3A_201 = arith.constant 0 : index
    %get3A_202 = vector.load %arg4[%get3A_200, %get3A_201] : memref<1x256xf32, #tpu.memory_space<vmem>>, vector<1x256xf32>
    %dot_general3A_203 = arith.constant dense<0.000000e+00> : vector<1x200xf32>
    %dot_general3A_204 = tpu.matmul %get3A_202, %tanh3A_199, %dot_general3A_203 {dimension_numbers = #tpu.dot_dimension_numbers<[1], [1], [0], [0], [0, 0, 1, 0], [], []>, transpose_lhs_hint = false} : vector<1x256xf32>, vector<200x256xf32>, vector<1x200xf32> -> vector<1x200xf32>
    %squeeze3A_205 = vector.shape_cast %dot_general3A_204 : vector<1x200xf32> to vector<200xf32>
    %get3A_206 = arith.constant 0 : index
    %get3A_207 = arith.constant 0 : index
    %get3A_208 = vector.load %arg5[%get3A_206, %get3A_207] : memref<1x1xf32, #tpu.memory_space<vmem>>, vector<1x1xf32>
    %get3A_209 = vector.extract %get3A_208[0, 0] : f32 from vector<1x1xf32>
    %add3A_210 = vector.broadcast %get3A_209 : f32 to vector<200xf32>
    %add3A_211 = arith.addf %squeeze3A_205, %add3A_210 : vector<200xf32>
    %broadcast_in_dim3A_212 = arith.constant -3.000000e+38 : f32
    %broadcast_in_dim3A_213 = vector.broadcast %broadcast_in_dim3A_212 : f32 to vector<8xf32>
    %concatenate3A_214 = tpu.concatenate %add3A_211, %broadcast_in_dim3A_213 in 0 : vector<200xf32>, vector<8xf32> -> vector<208xf32>
    %swap3A_215 = arith.constant 5 : index
    %swap3A_216 = arith.constant 0 : index
    %swap3A_217 = vector.load %arg6[%swap3A_215, %swap3A_216] : memref<8x208xf32, #tpu.memory_space<vmem>>, vector<1x208xf32>
    %swap3A_218 = vector.shape_cast %swap3A_217 : vector<1x208xf32> to vector<208xf32>
    %swap3A_219 = vector.shape_cast %concatenate3A_214 : vector<208xf32> to vector<1x208xf32>
    tpu.vector_store %arg6[%swap3A_215, %swap3A_216], %swap3A_219 {strides = array<i32>} : memref<8x208xf32, #tpu.memory_space<vmem>>, vector<1x208xf32>,
    %get3A_220 = arith.constant 6 : index
    %get3A_221 = arith.constant 0 : index
    %get3A_222 = arith.constant 0 : index
    %get3A_223 = vector.load %arg1[%get3A_220, %get3A_221, %get3A_222] : memref<8x200x512xf32, #tpu.memory_space<vmem>>, vector<1x200x512xf32>
    %get3A_224 = vector.shape_cast %get3A_223 : vector<1x200x512xf32> to vector<200x512xf32>
    %get3A_225 = arith.constant 0 : index
    %get3A_226 = arith.constant 0 : index
    %get3A_227 = vector.load %arg2[%get3A_225, %get3A_226] : memref<512x256xf32, #tpu.memory_space<vmem>>, vector<512x256xf32>
    %dot_general3A_228 = arith.constant dense<0.000000e+00> : vector<200x256xf32>
    %dot_general3A_229 = tpu.matmul %get3A_224, %get3A_227, %dot_general3A_228 {dimension_numbers = #tpu.dot_dimension_numbers<[1], [0], [0], [1], [0, 0, 1, 1], [], []>, transpose_lhs_hint = false} : vector<200x512xf32>, vector<512x256xf32>, vector<200x256xf32> -> vector<200x256xf32>
    %get3A_230 = arith.constant 0 : index
    %get3A_231 = arith.constant 0 : index
    %get3A_232 = vector.load %arg3[%get3A_230, %get3A_231] : memref<1x256xf32, #tpu.memory_space<vmem>>, vector<1x256xf32>
    %get3A_233 = vector.shape_cast %get3A_232 : vector<1x256xf32> to vector<256xf32>
    %broadcast_in_dim3A_234 = vector.shape_cast %get3A_233 : vector<256xf32> to vector<1x256xf32>
    %add3A_235 = vector.broadcast %broadcast_in_dim3A_234 : vector<1x256xf32> to vector<200x256xf32>
    %add3A_236 = arith.addf %dot_general3A_229, %add3A_235 : vector<200x256xf32>
    %tanh3A_237 = math.tanh %add3A_236 : vector<200x256xf32>
    %get3A_238 = arith.constant 0 : index
    %get3A_239 = arith.constant 0 : index
    %get3A_240 = vector.load %arg4[%get3A_238, %get3A_239] : memref<1x256xf32, #tpu.memory_space<vmem>>, vector<1x256xf32>
    %dot_general3A_241 = arith.constant dense<0.000000e+00> : vector<1x200xf32>
    %dot_general3A_242 = tpu.matmul %get3A_240, %tanh3A_237, %dot_general3A_241 {dimension_numbers = #tpu.dot_dimension_numbers<[1], [1], [0], [0], [0, 0, 1, 0], [], []>, transpose_lhs_hint = false} : vector<1x256xf32>, vector<200x256xf32>, vector<1x200xf32> -> vector<1x200xf32>
    %squeeze3A_243 = vector.shape_cast %dot_general3A_242 : vector<1x200xf32> to vector<200xf32>
    %get3A_244 = arith.constant 0 : index
    %get3A_245 = arith.constant 0 : index
    %get3A_246 = vector.load %arg5[%get3A_244, %get3A_245] : memref<1x1xf32, #tpu.memory_space<vmem>>, vector<1x1xf32>
    %get3A_247 = vector.extract %get3A_246[0, 0] : f32 from vector<1x1xf32>
    %add3A_248 = vector.broadcast %get3A_247 : f32 to vector<200xf32>
    %add3A_249 = arith.addf %squeeze3A_243, %add3A_248 : vector<200xf32>
    %broadcast_in_dim3A_250 = arith.constant -3.000000e+38 : f32
    %broadcast_in_dim3A_251 = vector.broadcast %broadcast_in_dim3A_250 : f32 to vector<8xf32>
    %concatenate3A_252 = tpu.concatenate %add3A_249, %broadcast_in_dim3A_251 in 0 : vector<200xf32>, vector<8xf32> -> vector<208xf32>
    %swap3A_253 = arith.constant 6 : index
    %swap3A_254 = arith.constant 0 : index
    %swap3A_255 = vector.load %arg6[%swap3A_253, %swap3A_254] : memref<8x208xf32, #tpu.memory_space<vmem>>, vector<1x208xf32>
    %swap3A_256 = vector.shape_cast %swap3A_255 : vector<1x208xf32> to vector<208xf32>
    %swap3A_257 = vector.shape_cast %concatenate3A_252 : vector<208xf32> to vector<1x208xf32>
    tpu.vector_store %arg6[%swap3A_253, %swap3A_254], %swap3A_257 {strides = array<i32>} : memref<8x208xf32, #tpu.memory_space<vmem>>, vector<1x208xf32>,
    %get3A_258 = arith.constant 7 : index
    %get3A_259 = arith.constant 0 : index
    %get3A_260 = arith.constant 0 : index
    %get3A_261 = vector.load %arg1[%get3A_258, %get3A_259, %get3A_260] : memref<8x200x512xf32, #tpu.memory_space<vmem>>, vector<1x200x512xf32>
    %get3A_262 = vector.shape_cast %get3A_261 : vector<1x200x512xf32> to vector<200x512xf32>
    %get3A_263 = arith.constant 0 : index
    %get3A_264 = arith.constant 0 : index
    %get3A_265 = vector.load %arg2[%get3A_263, %get3A_264] : memref<512x256xf32, #tpu.memory_space<vmem>>, vector<512x256xf32>
    %dot_general3A_266 = arith.constant dense<0.000000e+00> : vector<200x256xf32>
    %dot_general3A_267 = tpu.matmul %get3A_262, %get3A_265, %dot_general3A_266 {dimension_numbers = #tpu.dot_dimension_numbers<[1], [0], [0], [1], [0, 0, 1, 1], [], []>, transpose_lhs_hint = false} : vector<200x512xf32>, vector<512x256xf32>, vector<200x256xf32> -> vector<200x256xf32>
    %get3A_268 = arith.constant 0 : index
    %get3A_269 = arith.constant 0 : index
    %get3A_270 = vector.load %arg3[%get3A_268, %get3A_269] : memref<1x256xf32, #tpu.memory_space<vmem>>, vector<1x256xf32>
    %get3A_271 = vector.shape_cast %get3A_270 : vector<1x256xf32> to vector<256xf32>
    %broadcast_in_dim3A_272 = vector.shape_cast %get3A_271 : vector<256xf32> to vector<1x256xf32>
    %add3A_273 = vector.broadcast %broadcast_in_dim3A_272 : vector<1x256xf32> to vector<200x256xf32>
    %add3A_274 = arith.addf %dot_general3A_267, %add3A_273 : vector<200x256xf32>
    %tanh3A_275 = math.tanh %add3A_274 : vector<200x256xf32>
    %get3A_276 = arith.constant 0 : index
    %get3A_277 = arith.constant 0 : index
    %get3A_278 = vector.load %arg4[%get3A_276, %get3A_277] : memref<1x256xf32, #tpu.memory_space<vmem>>, vector<1x256xf32>
    %dot_general3A_279 = arith.constant dense<0.000000e+00> : vector<1x200xf32>
    %dot_general3A_280 = tpu.matmul %get3A_278, %tanh3A_275, %dot_general3A_279 {dimension_numbers = #tpu.dot_dimension_numbers<[1], [1], [0], [0], [0, 0, 1, 0], [], []>, transpose_lhs_hint = false} : vector<1x256xf32>, vector<200x256xf32>, vector<1x200xf32> -> vector<1x200xf32>
    %squeeze3A_281 = vector.shape_cast %dot_general3A_280 : vector<1x200xf32> to vector<200xf32>
    %get3A_282 = arith.constant 0 : index
    %get3A_283 = arith.constant 0 : index
    %get3A_284 = vector.load %arg5[%get3A_282, %get3A_283] : memref<1x1xf32, #tpu.memory_space<vmem>>, vector<1x1xf32>
    %get3A_285 = vector.extract %get3A_284[0, 0] : f32 from vector<1x1xf32>
    %add3A_286 = vector.broadcast %get3A_285 : f32 to vector<200xf32>
    %add3A_287 = arith.addf %squeeze3A_281, %add3A_286 : vector<200xf32>
    %broadcast_in_dim3A_288 = arith.constant -3.000000e+38 : f32
    %broadcast_in_dim3A_289 = vector.broadcast %broadcast_in_dim3A_288 : f32 to vector<8xf32>
    %concatenate3A_290 = tpu.concatenate %add3A_287, %broadcast_in_dim3A_289 in 0 : vector<200xf32>, vector<8xf32> -> vector<208xf32>
    %swap3A_291 = arith.constant 7 : index
    %swap3A_292 = arith.constant 0 : index
    %swap3A_293 = vector.load %arg6[%swap3A_291, %swap3A_292] : memref<8x208xf32, #tpu.memory_space<vmem>>, vector<1x208xf32>
    %swap3A_294 = vector.shape_cast %swap3A_293 : vector<1x208xf32> to vector<208xf32>
    %swap3A_295 = vector.shape_cast %concatenate3A_290 : vector<208xf32> to vector<1x208xf32>
    tpu.vector_store %arg6[%swap3A_291, %swap3A_292], %swap3A_295 {strides = array<i32>} : memref<8x208xf32, #tpu.memory_space<vmem>>, vector<1x208xf32>,
    return
  }
  func.func @transform_0(%arg0: i32) -> (i32, i32, i32) {
    %c0_i32 = arith.constant 0 : i32
    %c0_i32_0 = arith.constant 0 : i32
    %c0_i32_1 = arith.constant 0 : i32
    return %arg0, %c0_i32, %c0_i32_0 : i32, i32, i32
  }
  func.func @transform_1(%arg0: i32) -> (i32, i32) {
    %c0_i32 = arith.constant 0 : i32
    %c0_i32_0 = arith.constant 0 : i32
    %c0_i32_1 = arith.constant 0 : i32
    return %c0_i32, %c0_i32_0 : i32, i32
  }
  func.func @transform_2(%arg0: i32) -> (i32, i32) {
    %c0_i32 = arith.constant 0 : i32
    %c0_i32_0 = arith.constant 0 : i32
    %c0_i32_1 = arith.constant 0 : i32
    return %c0_i32, %c0_i32_0 : i32, i32
  }
  func.func @transform_3(%arg0: i32) -> (i32, i32) {
    %c0_i32 = arith.constant 0 : i32
    %c0_i32_0 = arith.constant 0 : i32
    %c0_i32_1 = arith.constant 0 : i32
    return %c0_i32, %c0_i32_0 : i32, i32
  }
  func.func @transform_4(%arg0: i32) -> (i32, i32) {
    %c0_i32 = arith.constant 0 : i32
    %c0_i32_0 = arith.constant 0 : i32
    %c0_i32_1 = arith.constant 0 : i32
    return %c0_i32, %c0_i32_0 : i32, i32
  }
  func.func @transform_5(%arg0: i32) -> (i32, i32) {
    %c0_i32 = arith.constant 0 : i32
    %c0_i32_0 = arith.constant 0 : i32
    return %arg0, %c0_i32 : i32, i32
  }
}

module attributes {stable_mosaic.version = 14 : i64} {
  func.func @_context_body(%arg0: i32, %arg1: memref<1x1x2000xf32, #tpu.memory_space<vmem>>, %arg2: memref<1x2000x512xf32, #tpu.memory_space<vmem>>, %arg3: memref<1x1x512xf32, #tpu.memory_space<vmem>>) attributes {dimension_semantics = [#tpu.dimension_semantics<arbitrary>], iteration_bounds = array<i64: 4>, scalar_prefetch = 0 : i64, scratch_operands = 0 : i64, tpu.core_type = #tpu.core_type<tc>, window_params = [{transform_indices = @transform_0, window_bounds = array<i64: 1, 1, 2000>}, {transform_indices = @transform_1, window_bounds = array<i64: 1, 2000, 512>}, {transform_indices = @transform_2, window_bounds = array<i64: 1, 1, 512>}]} {
    %get3A = arith.constant 0 : index
    %get3A_0 = arith.constant 0 : index
    %get3A_1 = arith.constant 0 : index
    %get3A_2 = vector.load %arg1[%get3A, %get3A_0, %get3A_1] : memref<1x1x2000xf32, #tpu.memory_space<vmem>>, vector<1x1x2000xf32>
    %get3A_3 = vector.shape_cast %get3A_2 : vector<1x1x2000xf32> to vector<1x2000xf32>
    %get3A_4 = arith.constant 0 : index
    %get3A_5 = arith.constant 0 : index
    %get3A_6 = arith.constant 0 : index
    %get3A_7 = vector.load %arg2[%get3A_4, %get3A_5, %get3A_6] : memref<1x2000x512xf32, #tpu.memory_space<vmem>>, vector<1x2000x512xf32>
    %get3A_8 = vector.shape_cast %get3A_7 : vector<1x2000x512xf32> to vector<2000x512xf32>
    %dot_general3A = arith.constant dense<0.000000e+00> : vector<1x512xf32>
    %dot_general3A_9 = tpu.matmul %get3A_3, %get3A_8, %dot_general3A {dimension_numbers = #tpu.dot_dimension_numbers<[1], [0], [0], [1], [0, 0, 1, 1], [], []>, precision = #tpu.contract_precision<fp32>, transpose_lhs_hint = false} : vector<1x2000xf32>, vector<2000x512xf32>, vector<1x512xf32> -> vector<1x512xf32>
    %swap3A = arith.constant 0 : index
    %swap3A_10 = arith.constant 0 : index
    %swap3A_11 = arith.constant 0 : index
    %swap3A_12 = vector.load %arg3[%swap3A, %swap3A_10, %swap3A_11] : memref<1x1x512xf32, #tpu.memory_space<vmem>>, vector<1x1x512xf32>
    %swap3A_13 = vector.shape_cast %swap3A_12 : vector<1x1x512xf32> to vector<1x512xf32>
    %swap3A_14 = vector.shape_cast %dot_general3A_9 : vector<1x512xf32> to vector<1x1x512xf32>
    tpu.vector_store %arg3[%swap3A, %swap3A_10, %swap3A_11], %swap3A_14 {strides = array<i32>} : memref<1x1x512xf32, #tpu.memory_space<vmem>>, vector<1x1x512xf32>,
    return
  }
  func.func @transform_0(%arg0: i32) -> (i32, i32, i32) {
    %c0_i32 = arith.constant 0 : i32
    %c0_i32_0 = arith.constant 0 : i32
    %c0_i32_1 = arith.constant 0 : i32
    return %arg0, %c0_i32, %c0_i32_0 : i32, i32, i32
  }
  func.func @transform_1(%arg0: i32) -> (i32, i32, i32) {
    %c0_i32 = arith.constant 0 : i32
    %c0_i32_0 = arith.constant 0 : i32
    %c0_i32_1 = arith.constant 0 : i32
    return %arg0, %c0_i32, %c0_i32_0 : i32, i32, i32
  }
  func.func @transform_2(%arg0: i32) -> (i32, i32, i32) {
    %c0_i32 = arith.constant 0 : i32
    %c0_i32_0 = arith.constant 0 : i32
    %c0_i32_1 = arith.constant 0 : i32
    return %arg0, %c0_i32, %c0_i32_0 : i32, i32, i32
  }
}

</mosaic_0001>

<sc_bundles>
// kernel: kernel.6.cloned.1.call-start
scs
__scs_entry_jumppad:
0x0: {  	(pc) =	sbr.rel $0x88, $3  }
0x1: {  	(tag) =	ssettag $0x0;
	lr =	simm.s32 $0x1  }
0x2: {  	[smem:$0x3F9B] =	sst lr;
	_ =	strace $0xD0000000  }
0x3: {  	_ = 	snop  }
0x4: {  	_ = 	snop  }
0x5: {  	_ = 	snop  }
0x6: {  	_ = 	snop  }
0x7: {  	_ = 	snop  }
__scs_overlays_trampoline_lowered:
0x8: {  	[smem:$0x3FAA] =	sst s0  }
0x9: {  	[smem:$0x3FAB] =	sst s1  }
0xa: {  	[smem:$0x3FAC] =	sst s2  }
0xb: {  	[smem:$0x3FAD] =	sst s3  }
0xc: {  	[smem:$0x3FAE] =	sst s4  }
0xd: {  	[smem:$0x3FAF] =	sst s5  }
0xe: {  	[smem:$0x3FB0] =	sst s6  }
0xf: {  	[smem:$0x3FB1] =	sst s7  }
0x10: {  	[smem:$0x3FB2] =	sst s8  }
0x11: {  	[smem:$0x3FB3] =	sst s9;
	s0 =	simm.s32 @!p0 $0x0  }
0x12: {  	s1 =	sld [smem:$0x3F99];
	s0 =	simm.s32 @p0 $0x1  }
0x13: {  	[smem:$0x3FB4] =	sst s0;
	s0 =	simm.s32 @!p1 $0x0  }
0x14: {  	s2 =	sld [smem:$0x3F98];
	s0 =	simm.s32 @p1 $0x1  }
0x15: {  	[smem:$0x3FB5] =	sst s0;
	s0 =	simm.s32 @!p2 $0x0  }
0x16: {  	s3 =	sld [smem:$0x3FDB];
	s0 =	simm.s32 @p2 $0x1  }
0x17: {  	s4 =	simm.s32 $0x1BF5;
	[smem:$0x3FB7] =	sst s0  }
0x18: {  	s0 =	sld [smem:$0x3F9A];
	_ =	swait.ge [sflag:s4], $0x0  }
0x19: {  	s7 =	sld [smem:$0x3F9B]  }
0x1a: {  	s8 =	sadd.s32 $0xFFFFE003, lr  }
0x1b: {  	s9 =	sadd.s32 $0xFFFFFEF7, lr;
	s5 =	simm.s32 $0xFFFFFFFF;
	p2 =	slt.u32 s8, $0xFFFFF086  }
0x1c: {  	p1 =	slt.u32 s9, $0xF7A;
	s5 =	simm.s32 @!p2 $0x0  }
0x1d: {  	s5 =	simm.s32 @p1 $0x1;
	p0 =	seq.s32 s7, s2  }
0x1e: {  	s7 =	smul.u32 @!p0 $0xF7A, s2;
	p2 =	seq.s32 @!p0 s5, $0x0  }
0x1f: {  	s9 =	smul.u32 $0xF7A, s1;
	s8 =	simm.s32 @!p0 $0x1BF5;
	p2 =	por !p2, p0  }
0x20: {  	[sflag:s8] =	ssyncset.s32 @!p0 $0xFFFFF086;
	s6 =	sadd.s32 @!p0 s3, s7;
	s7 =	simm.s32 @!p0 $0x108  }
0x21: {  	s3 =	sadd.s32 s3, s9;
	s6 =	sadd.s32 @!p0 $0x88, s6;
	s7 =	simm.s32 @p2 $0x1082  }
0x22: {  	[simem:s7], [sflag:s8] =	dma.local @!p0 [hbm:s6], $0xF7A  }
0x23: {  	s9 =	sor.u32 $0xD0000000, s2;
	s6 =	simm.s32 $0x108;
	_ =	swait.ge @!p0 [sflag:s8], $0x0  }
0x24: {  	s3 =	sadd.s32 $0x88, s3;
	s6 =	simm.s32 @!p1 $0x1082;
	[sflag:s4] =	ssyncset.s32 $0xFFFFF086  }
0x25: {  	[simem:s6], [sflag:s4] =	dma.local [hbm:s3], $0xF7A  }
0x26: {  	[smem:$0x3F9B] =	sst s1;
	(tag) =	ssettag s2;
	_ =	strace s9  }
0x27: {  	s1 =	sld [smem:$0x3FAB]  }
0x28: {  	s2 =	sld [smem:$0x3FAC]  }
0x29: {  	s4 =	sld [smem:$0x3FAE]  }
0x2a: {  	p0 =	seq.s32 s5, $0x0;
	s5 =	sld [smem:$0x3FAF]  }
0x2b: {  	s6 =	sld [smem:$0x3FB0]  }
0x2c: {  	s7 =	sld [smem:$0x3FB1]  }
0x2d: {  	s3 =	simm.s32 $0x108;
	s8 =	sld [smem:$0x3FB2]  }
0x2e: {  	s3 =	simm.s32 @!p0 $0x1082;
	s9 =	sld [smem:$0x3FB3]  }
0x2f: {  	lr =	sadd.s32 s0, s3;
	s0 =	sld [smem:$0x3FAA]  }
0x30: {  	s3 =	sld [smem:$0x3FAD]  }
0x31: {  	[smem:$0x3FB6] =	sst s10  }
0x32: {  	s10 =	sld [smem:$0x3FB4];
	_ =	sdelay $0x3  }
0x33: {  	p0 =	seq.s32 s10, $0x1;
	s10 =	sld [smem:$0x3FB6];
	_ =	sdelay $0x3  }
0x34: {  	[smem:$0x3FB6] =	sst s10  }
0x35: {  	s10 =	sld [smem:$0x3FB5];
	_ =	sdelay $0x3  }
0x36: {  	p1 =	seq.s32 s10, $0x1;
	s10 =	sld [smem:$0x3FB6];
	_ =	sdelay $0x3  }
0x37: {  	[smem:$0x3FB6] =	sst s10  }
0x38: {  	s10 =	sld [smem:$0x3FB7]  }
0x39: {  	_ = 	snop;
	(pc) =	sbr.ind lr, $3  }
0x3a: {  	_ = 	snop  }
0x3b: {  	_ = 	snop  }
0x3c: {  	p2 =	seq.s32 s10, $0x1;
	s10 =	sld [smem:$0x3FB6]  }
0x3d: {  	_ =	shalt  }
0x3e: {  	_ =	shalt  }
0x3f: {  	_ =	shalt  }
0x40: {  	_ =	shalt  }
0x41: {  	_ =	shalt  }
0x42: {  	_ =	shalt  }
0x43: {  	_ =	shalt  }
0x44: {  	_ =	shalt  }
0x45: {  	_ =	shalt  }
0x46: {  	_ =	shalt  }
0x47: {  	_ =	shalt  }
0x48: {  	_ =	shalt  }
0x49: {  	_ =	shalt  }
0x4a: {  	_ =	shalt  }
0x4b: {  	_ =	shalt  }
0x4c: {  	_ =	shalt  }
0x4d: {  	_ =	shalt  }
0x4e: {  	_ =	shalt  }
0x4f: {  	_ =	shalt  }
0x50: {  	_ =	shalt  }
0x51: {  	_ =	shalt  }
0x52: {  	_ =	shalt  }
0x53: {  	_ =	shalt  }
0x54: {  	_ =	shalt  }
0x55: {  	_ =	shalt  }
0x56: {  	_ =	shalt  }
0x57: {  	_ =	shalt  }
0x58: {  	_ =	shalt  }
0x59: {  	_ =	shalt  }
0x5a: {  	_ =	shalt  }
0x5b: {  	_ =	shalt  }
0x5c: {  	_ =	shalt  }
0x5d: {  	_ =	shalt  }
0x5e: {  	_ =	shalt  }
0x5f: {  	_ =	shalt  }
0x60: {  	_ =	shalt  }
0x61: {  	_ =	shalt  }
0x62: {  	_ =	shalt  }
0x63: {  	_ =	shalt  }
0x64: {  	_ =	shalt  }
0x65: {  	_ =	shalt  }
0x66: {  	_ =	shalt  }
0x67: {  	_ =	shalt  }
0x68: {  	_ =	shalt  }
0x69: {  	_ =	shalt  }
0x6a: {  	_ =	shalt  }
0x6b: {  	_ =	shalt  }
0x6c: {  	_ =	shalt  }
0x6d: {  	_ =	shalt  }
0x6e: {  	_ =	shalt  }
0x6f: {  	_ =	shalt  }
0x70: {  	_ =	shalt  }
0x71: {  	_ =	shalt  }
0x72: {  	_ =	shalt  }
0x73: {  	_ =	shalt  }
0x74: {  	_ =	shalt  }
0x75: {  	_ =	shalt  }
0x76: {  	_ =	shalt  }
0x77: {  	_ =	shalt  }
0x78: {  	_ =	shalt  }
0x79: {  	_ =	shalt  }
0x7a: {  	_ =	shalt  }
0x7b: {  	_ =	shalt  }
0x7c: {  	_ =	shalt  }
0x7d: {  	_ =	shalt  }
0x7e: {  	_ =	shalt  }
0x7f: {  	_ =	shalt  }
0x80: {  	_ =	shalt  }
0x81: {  	_ =	shalt  }
0x82: {  	_ =	shalt  }
0x83: {  	_ =	shalt  }
0x84: {  	_ =	shalt  }
0x85: {  	_ =	shalt  }
0x86: {  	_ =	shalt  }
0x87: {  	_ =	shalt  }
.Lfunc_end0:
.L_simem_size_0:
called_computation_lowered:
.L_overlay_start_0:
0x88: {  	s2 =	sld [smem:$0x3FD9]  }
0x89: {  	s3 =	sld [smem:$0x3FFE];
	_ =	sdelay $0x1  }
0x8a: {  	s1 =	srdreg.scid  }
0x8b: {  	s0 =	sand.u32 $0x1, s1  }
0x8c: {  	s14 =	sshll.u32 s0, $0xA;
	s2 =	sadd.s32 s3, s2  }
0x8d: {  	s2 =	sadd.s32 s2, s14  }
0x8e: {  	[smem:$0x3FC2] =	sst s2  }
0x8f: {  	_ = 	snop  }
0x90: {  	s2 =	sld [smem:$0x3FD0];
	_ =	sdelay $0x2  }
0x91: {  	s15 =	simm.s32 $0xA;
	s4 =	simm.s32 $0x10  }
0x92: {  	[smem:s4], [sflag:s15] =	dma.local [hbm:s2], $0x1  }
0x93: {  	_ =	swait.eq [sflag:s15], $0x1  }
0x94: {  	[sflag:s15] =	ssyncset.done $0x0  }
0x95: {  	s16 =	sld [smem:$0x11];
	[sflag:s15] =	ssyncadd.s32 $0xFFFFFFFF  }
0x96: {  	s17 =	sld [smem:$0x12];
	(tm) =	ssettm $0x1  }
0x97: {  	s18 =	sld [smem:$0x3FFB];
	_ =	sdelay $0x3  }
0x98: {  	_ =	strace s18  }
0x99: {  	s4 =	sld [smem:$0x3FFC];
	_ =	sdelay $0x3  }
0x9a: {  	_ =	strace s4  }
0x9b: {  	s4 =	sld [smem:$0x3FFD];
	_ =	sdelay $0x3  }
0x9c: {  	_ =	strace s4  }
0x9d: {  	_ =	strace $0x8FFFFFFF  }
0x9e: {  	s19 =	sld [smem:$0x3FDB];
	_ =	sdelay $0x1  }
0x9f: {  	s5 =	simm.s32 $_scs_section_size  }
0xa0: {  	s6 =	simm.s32 $_size__tile_overlayer_lowered;
	s7 =	simm.s32 $_tile_overlayer_lowered  }
0xa1: {  	s22 =	simm.s32 $0x1BFF;
	s21 =	sshll.u32 s7, $0x1;
	s4 =	sadd.s32 s5, s19  }
0xa2: {  	s8 =	simm.s32 $0x0;
	s20 =	sshll.u32 s6, $0x1;
	s6 =	sadd.s32 s21, s4  }
0xa3: {  	[timem:s8], [sflag:s22] =	dma.local [hbm:s6], s20  }
0xa4: {  	_ =	swait.ge [sflag:s22], s20  }
0xa5: {  	s5 =	ssub.s32 $0x0, s20;
	[sflag:s22] =	ssyncset.done $0x0  }
0xa6: {  	[sflag:s22] =	ssyncadd.s32 s5;
	_ =	sdelay $0x1  }
0xa7: {  	s23 =	simm.s32 $0x1B8B  }
0xa8: {  	_ =	swait.ge [sflag:s23], $0x1  }
0xa9: {  	[sflag:s23] =	ssyncset.done $0x0  }
0xaa: {  	s25 =	simm.s32 $0x1B8E;
	s24 =	sld [smem:$0x3FFE];
	[sflag:s23] =	ssyncadd.s32 $0xFFFFFFFF  }
0xab: {  	s26 =	simm.s32 $execute0_lowered;
	[smem:$0x3FD2] =	sst s25  }
0xac: {  	s6 =	sshll.u32 s26, $0x1;
	_ =	strace $0x80000046;
	[dreg:$0x1] =	wrdreg $0xFFFFFFFF  }
0xad: {  	s28 =	simm.s32 $_size_execute0_lowered;
	s4 =	sadd.s32 s4, s6;
	[dreg:$0x0] =	wrdreg $0x0  }
0xae: {  	s6 =	sshll.u32 s28, $0x1;
	[dreg:$0x2] =	wrdreg s4  }
0xaf: {  	[dreg:$0x3] =	wrdreg s6  }
0xb0: {  	[dreg:$0x4] =	wrdreg $0xC0  }
0xb1: {  	_ =	task [dreg:s8], $0x5FFFF  }
0xb2: {  	[dreg:$0x1] =	wrdreg $0xFFFFFFFF  }
0xb3: {  	[dreg:$0x0] =	wrdreg $0x60  }
0xb4: {  	[dreg:$0x2] =	wrdreg s17  }
0xb5: {  	[dreg:$0x3] =	wrdreg s16  }
0xb6: {  	[dreg:$0x4] =	wrdreg s24  }
0xb7: {  	[dreg:$0x5] =	wrdreg $0x9  }
0xb8: {  	_ =	task.clear_ibuf [dreg:s8], $0x6FFFF;
	_ =	strace $0x90000046  }
0xb9: {  	s29 =	simm.s32 $0x9;
	_ =	strace $0x80000048  }
0xba: {  	_ =	swait.ge [sflag:s29], $0x1  }
0xbb: {  	[sflag:s29] =	ssyncadd.s32 $0xFFFFFFFF  }
0xbc: {  	_ =	strace $0x90000048  }
0xbd: {  	_ =	sfence  }
0xbe: {  	s30 =	sld [smem:$0x0];
	_ =	sdelay $0x2  }
0xbf: {  	s31 =	sshll.u32 s1, $0xD;
	s1 =	sshrl.u32 s1, $0x2  }
0xc0: {  	s3 =	sand.u32 $0x4000, s31;
	s1 =	sadd.s32 s1, s30  }
0xc1: {  	s0 =	sor.u32 s3, s0;
	s1 =	sshll.u32 s1, $0x11  }
0xc2: {  	s0 =	sor.u32 s1, s0  }
0xc3: {  	s0 =	sadd.s32 $0x8F2B, s0  }
0xc4: {  	[sflag:s0] =	ssyncadd.remote.s32 $0x1  }
0xc5: {  	_ =	sfence.sel $0xFFFF  }
0xc6: {  	[dreg:$0x0] =	wrdreg $0xFFFFFFFF;
	(pc) =	sbr.abs _section_cstart, $3  }
0xc7: {  	[dreg:$0x1] =	wrdreg $0xFFFFFFFF  }
0xc8: {  	_ =	task.clear_ibuf [dreg:s8], $0x2FFFF;
	_ =	strace $0x9FFFFFFF  }
0xc9: {  	(tm) =	ssettm $0x7FFFFFFF  }
tec
execute0_lowered:
.L_overlay_start_1:
0x0: {  	(tag) =	ssettag $0x1  }
0x1: {  	s0 =	srdreg.scid  }
0x2: {  	s3 =	sand.u32 $0x1, s0;
	s0 =	stileid.u32  }
0x3: {  	s1 =	sshll.u32 s3, $0x4;
	s2 =	sor.u32 $0x20, s0  }
0x4: {  	s15 =	sor.u32 s0, s1;
	s4 =	smul.u32 $0x1A, s2  }
0x5: {  	v0 =	vlaneseq.u32;
	v27 =	vimm.f32 $0.0e+00;
	s1 =	smul.u32 $0x1A, s15  }
0x6: {  	vm0 =	vmmov $0x1;
	vm2 =	vcmask $0x734;
	vm3 =	vcmask $0xB34;
	s4 =	sshrl.u32 s4, $0x8  }
0x7: {  	vm4 =	vcmask $0xF34;
	vm5 =	vcmask $0x1334;
	vm6 =	vcmask $0x1734;
	s1 =	sshrl.u32 s1, $0x8;
	s4 =	smul.u32 $0xA, s4  }
0x8: {  	vm7 =	vcmask $0x1B34;
	vm8 =	vcmask $0x1F34;
	vm9 =	vcmask $0x2334;
	s1 =	smul.u32 $0xA, s1  }
0x9: {  	vm10 =	vcmask $0x2734;
	vm11 =	vcmask $0x2B34;
	vm12 =	vcmask $0x2F34;
	s2 =	ssub.s32 s2, s4  }
0xa: {  	v28 =	vimm.f32 $1.000000000e+00;
	v15 =	vor.u32 $0x10, v0;
	v16 =	vor.u32 $0x20, v0;
	s1 =	ssub.s32 s15, s1;
	s2 =	sand.u32 $0xFF, s2  }
0xb: {  	v17 =	vor.u32 $0x30, v0;
	v18 =	vor.u32 $0x40, v0;
	v19 =	vor.u32 $0x50, v0;
	s1 =	sand.u32 $0xFF, s1;
	s25 =	smul.u32 $0xC8, s2  }
0xc: {  	v20 =	vor.u32 $0x60, v0;
	v21 =	vor.u32 $0x70, v0;
	v22 =	vor.u32 $0x80, v0;
	s1 =	smul.u32 $0xC8, s1  }
0xd: {  	v23 =	vor.u32 $0x90, v0;
	v24 =	vor.u32 $0xA0, v0;
	v25 =	vor.u32 $0xB0, v0  }
0xe: {  	v26 =	vor.u32 $0xC0, v0;
	v14 =	vadd.s32 s25, v0;
	v1 =	vadd.s32 s1, v0  }
0xf: {  	v2 =	vadd.s32 s1, v15;
	v3 =	vadd.s32 s1, v16;
	v4 =	vadd.s32 s1, v17  }
0x10: {  	v5 =	vadd.s32 s1, v18;
	v6 =	vadd.s32 s1, v19;
	v7 =	vadd.s32 s1, v20  }
0x11: {  	s5 =	rddreg [dreg:$0x0];
	v8 =	vadd.s32 s1, v21;
	v9 =	vadd.s32 s1, v22;
	v10 =	vadd.s32 s1, v23  }
0x12: {  	s7 =	rddreg [dreg:$0x1];
	v11 =	vadd.s32 s1, v24;
	v12 =	vadd.s32 s1, v25;
	v13 =	vadd.s32 s1, v26  }
0x13: {  	s6 =	rddreg [dreg:$0x2];
	s13 =	simm.s32 $0x100;
	v14 =	vcvt.s32.f32 v14;
	v15 =	vadd.s32 s25, v15;
	v1 =	vcvt.s32.f32 v1  }
0x14: {  	s14 =	simm.s32 $0x200;
	s16 =	simm.s32 $0x380;
	s17 =	simm.s32 $0x0;
	v16 =	vadd.s32 s25, v16;
	v2 =	vcvt.s32.f32 v2;
	v3 =	vcvt.s32.f32 v3  }
0x15: {  	s8 =	sadd.s32 $0x1C00, s6;
	s3 =	ssub.s32 $0x2, s3;
	s10 =	sshll.u32 s0, $0x7;
	v17 =	vadd.s32 s25, v17;
	v4 =	vcvt.s32.f32 v4;
	v5 =	vcvt.s32.f32 v5  }
0x16: {  	s30 =	sshll.u32 s0, $0x4;
	s26 =	sshrl.u32 s3, $0x1;
	s10 =	sand.u32 $0x380, s10;
	v18 =	vadd.s32 s25, v18;
	v6 =	vcvt.s32.f32 v6;
	v7 =	vcvt.s32.f32 v7  }
0x17: {  	s31 =	sadd.s32 s30, s5;
	s9 =	sshrl.u32 s15, $0x3;
	s12 =	ssub.s32 s3, s26;
	v19 =	vadd.s32 s25, v19;
	v8 =	vcvt.s32.f32 v8;
	v9 =	vcvt.s32.f32 v9  }
0x18: {  	p0 =	sgt.u32 s15, $0x7;
	s11 =	sshll.u32 s9, $0xB;
	s9 =	sshll.u32 s9, $0xA;
	v20 =	vadd.s32 s25, v20;
	v10 =	vcvt.s32.f32 v10;
	v11 =	vcvt.s32.f32 v11  }
0x19: {  	s28 =	sor.u32 s10, s11;
	s29 =	sor.u32 s10, s9;
	s9 =	sor.u32 $0x200, s30;
	v21 =	vadd.s32 s25, v21;
	v12 =	vcvt.s32.f32 v12;
	v13 =	vcvt.s32.f32 v13  }
0x1a: {  	s10 =	simm.s32 $0x80;
	s11 =	simm.s32 $0x400;
	s3 =	sshrl.u32 s28, $0x3;
	v22 =	vadd.s32 s25, v22;
	v15 =	vcvt.s32.f32 v15;
	v16 =	vcvt.s32.f32 v16  }
.Ltmp0:
0x1b: {  	s6 =	sshrl.u32 s29, $0x3;
	s3 =	sadd.s32 s5, s3;
	v23 =	vadd.s32 s25, v23;
	v17 =	vcvt.s32.f32 v17;
	v18 =	vcvt.s32.f32 v18;
	(pc) =	sbr.rel .LBB2_1-.Ltmp0, $4  }
0x1c: {  	s4 =	sadd.s32 s7, s6;
	s5 =	sadd.s32 s8, s6;
	s6 =	sadd.s32 $0x400, s31;
	v24 =	vadd.s32 s25, v24;
	v19 =	vcvt.s32.f32 v19;
	v20 =	vcvt.s32.f32 v20  }
0x1d: {  	s7 =	sadd.s32 s7, s9;
	s8 =	sadd.s32 s8, s9;
	s2 =	simm.s32 $0x0;
	v25 =	vadd.s32 s25, v25;
	v21 =	vcvt.s32.f32 v21;
	v22 =	vcvt.s32.f32 v22  }
0x1e: {  	s9 =	smax.u32 s12, $0x1;
	s12 =	simm.s32 $0x1;
	[smem:$0x7FF] =	sst s2;
	v26 =	vadd.s32 s25, v26;
	v23 =	vcvt.s32.f32 v23;
	v24 =	vcvt.s32.f32 v24  }
0x1f: {  	v29 =	vimm.s32 $0x0;
	s15 =	simm.s32 $0x300;
	s1 =	rddreg [dreg:$0x3];
	_ =	strace $0x80000047;
	v25 =	vcvt.s32.f32 v25;
	v26 =	vcvt.s32.f32 v26  }
.LBB2_6:
0x20: {  	v30 =	vld [tilespmem:$0x100];
	_ =	sdelay $0x4  }
0x21: {  	v30 =	vsub.f32 $0.0e+00, v30;
	_ =	sdelay $0x1  }
0x22: {  	v30 =	vmul.f32 $1.442695020e+00, v30;
	_ =	sdelay $0x1  }
0x23: {  	(erf) = vpow2.f32 v30;
	_ =	sdelay $0x2  }
0x24: {  	v30 =	vld [tilespmem:$0x200];
	_ =	sdelay $0x4  }
0x25: {  	vm1 =	vgt.f32 v30, $0.0e+00  }
0x26: {  	v30 =	vsel vm1, $0x1, v29;
	v31 =	vpop (erf)  }
0x27: {  	(xrf0) =	vadd.scan.msk.s32 $0xffff, v30;
	v30 =	vadd.f32 $1.000000000e+00, v31;
	_ =	sdelay $0x1  }
0x28: {  	(erf) = vrcp.f32 v30;
	_ =	sdelay $0x3  }
0x29: {  	v30, _, _ =	vpop (xrf0)  }
0x2a: {  	v31 =	vadd.s32 $0xFFFFFFFF, v30  }
0x2b: {  	[tilespmem:$0x300] =	vst v27  }
0x2c: {  	[tilespmem:$0x380] =	vst v27  }
0x2d: {  	[tilespmem:$0x310] =	vst v27  }
0x2e: {  	[tilespmem:$0x390] =	vst v27;
	v32 =	vpop (erf)  }
0x2f: {  	[tilespmem:v31+s15+$0x0] =	vst.idx.msk vm1, v32  }
0x30: {  	[tilespmem:v31+s16+$0x0] =	vst.idx.msk vm1, v14  }
0x31: {  	v32 =	vld [tilespmem:$0x110];
	_ =	sdelay $0x4  }
0x32: {  	v32 =	vsub.f32 $0.0e+00, v32;
	_ =	sdelay $0x1  }
0x33: {  	v32 =	vmul.f32 $1.442695020e+00, v32;
	_ =	sdelay $0x1  }
0x34: {  	(erf) = vpow2.f32 v32;
	_ =	sdelay $0x2  }
0x35: {  	v50 =	vld [tilespmem:$0x210];
	_ =	sdelay $0x4  }
0x36: {  	vm1 =	vgt.f32 v50, $0.0e+00  }
0x37: {  	v32 =	vsel vm1, $0x1, v29;
	v33 =	vpop (erf)  }
0x38: {  	(xrf0) =	vadd.scan.msk.s32 $0xffff, v32;
	v51 =	vadd.f32 $1.000000000e+00, v33;
	_ =	sdelay $0x1  }
0x39: {  	(erf) = vrcp.f32 v51;
	_ =	sdelay $0x2  }
0x3a: {  	v31 =	vbroadcast v31, $0xF  }
0x3b: {  	v52, _, _ =	vpop (xrf0)  }
0x3c: {  	v31 =	vadd.s32 v52, v31;
	_ =	sdelay $0x3  }
0x3d: {  	v53 =	vpop (erf)  }
0x3e: {  	[tilespmem:v31+s15+$0x0] =	vst.idx.msk vm1, v53  }
0x3f: {  	[tilespmem:v31+s16+$0x0] =	vst.idx.msk vm1, v15  }
0x40: {  	v31 =	vld [tilespmem:$0x120];
	_ =	sdelay $0x3  }
0x41: {  	(v2sf) =	vpush v30, $0xF  }
0x42: {  	(v2sf) =	vpush v52, $0xF;
	v30 =	vsub.f32 $0.0e+00, v31;
	_ =	sdelay $0x1  }
0x43: {  	v30 =	vmul.f32 $1.442695020e+00, v30;
	_ =	sdelay $0x1  }
0x44: {  	(erf) = vpow2.f32 v30;
	_ =	sdelay $0x2  }
0x45: {  	v30 =	vld [tilespmem:$0x220];
	_ =	sdelay $0x4  }
0x46: {  	vm1 =	vgt.f32 v30, $0.0e+00  }
0x47: {  	v30 =	vsel vm1, $0x1, v29;
	v31 =	vpop (erf)  }
0x48: {  	s18 =	spop (v2sf);
	(xrf0) =	vadd.scan.msk.s32 $0xffff, v30;
	v30 =	vadd.f32 $1.000000000e+00, v31  }
0x49: {  	s19 =	spop (v2sf)  }
0x4a: {  	s18 =	sadd.s32 s18, s19;
	(erf) = vrcp.f32 v30  }
0x4b: {  	v30 =	vmov s18  }
0x4c: {  	v30 =	vadd.s32 $0xFFFFFFFF, v30  }
0x4d: {  	v30 =	vbroadcast v30, $0x0  }
0x4e: {  	v31, _, _ =	vpop (xrf0)  }
0x4f: {  	v30 =	vadd.s32 v31, v30;
	_ =	sdelay $0x3  }
0x50: {  	v54 =	vpop (erf)  }
0x51: {  	[tilespmem:v30+s15+$0x0] =	vst.idx.msk vm1, v54  }
0x52: {  	[tilespmem:v30+s16+$0x0] =	vst.idx.msk vm1, v16  }
0x53: {  	v30 =	vld [tilespmem:$0x130];
	_ =	sdelay $0x4  }
0x54: {  	(v2sf) =	vpush v31, $0xF;
	v30 =	vsub.f32 $0.0e+00, v30;
	_ =	sdelay $0x1  }
0x55: {  	v30 =	vmul.f32 $1.442695020e+00, v30;
	_ =	sdelay $0x1  }
0x56: {  	(erf) = vpow2.f32 v30;
	_ =	sdelay $0x2  }
0x57: {  	v30 =	vld [tilespmem:$0x230];
	_ =	sdelay $0x4  }
0x58: {  	vm1 =	vgt.f32 v30, $0.0e+00  }
0x59: {  	v30 =	vsel vm1, $0x1, v29;
	v31 =	vpop (erf)  }
0x5a: {  	(xrf0) =	vadd.scan.msk.s32 $0xffff, v30;
	v30 =	vadd.f32 $1.000000000e+00, v31  }
0x5b: {  	s21 =	spop (v2sf)  }
0x5c: {  	s18 =	sadd.s32 s18, s21;
	(erf) = vrcp.f32 v30  }
0x5d: {  	v30 =	vmov s18  }
0x5e: {  	v30 =	vadd.s32 $0xFFFFFFFF, v30  }
0x5f: {  	v30 =	vbroadcast v30, $0x0  }
0x60: {  	v31, _, _ =	vpop (xrf0)  }
0x61: {  	v30 =	vadd.s32 v31, v30;
	_ =	sdelay $0x3  }
0x62: {  	v55 =	vpop (erf)  }
0x63: {  	[tilespmem:v30+s15+$0x0] =	vst.idx.msk vm1, v55  }
0x64: {  	[tilespmem:v30+s16+$0x0] =	vst.idx.msk vm1, v17  }
0x65: {  	v30 =	vld [tilespmem:$0x140];
	_ =	sdelay $0x4  }
0x66: {  	(v2sf) =	vpush v31, $0xF;
	v30 =	vsub.f32 $0.0e+00, v30;
	_ =	sdelay $0x1  }
0x67: {  	v30 =	vmul.f32 $1.442695020e+00, v30;
	_ =	sdelay $0x1  }
0x68: {  	(erf) = vpow2.f32 v30;
	_ =	sdelay $0x2  }
0x69: {  	v30 =	vld [tilespmem:$0x240];
	_ =	sdelay $0x4  }
0x6a: {  	vm1 =	vgt.f32 v30, $0.0e+00  }
0x6b: {  	v30 =	vsel vm1, $0x1, v29;
	v31 =	vpop (erf)  }
0x6c: {  	(xrf0) =	vadd.scan.msk.s32 $0xffff, v30;
	v30 =	vadd.f32 $1.000000000e+00, v31  }
0x6d: {  	s22 =	spop (v2sf)  }
0x6e: {  	s18 =	sadd.s32 s18, s22;
	(erf) = vrcp.f32 v30  }
0x6f: {  	v30 =	vmov s18  }
0x70: {  	v30 =	vadd.s32 $0xFFFFFFFF, v30  }
0x71: {  	v30 =	vbroadcast v30, $0x0  }
0x72: {  	v31, _, _ =	vpop (xrf0)  }
0x73: {  	v30 =	vadd.s32 v31, v30;
	_ =	sdelay $0x3  }
0x74: {  	v56 =	vpop (erf)  }
0x75: {  	[tilespmem:v30+s15+$0x0] =	vst.idx.msk vm1, v56  }
0x76: {  	[tilespmem:v30+s16+$0x0] =	vst.idx.msk vm1, v18  }
0x77: {  	v30 =	vld [tilespmem:$0x150];
	_ =	sdelay $0x4  }
0x78: {  	(v2sf) =	vpush v31, $0xF;
	v30 =	vsub.f32 $0.0e+00, v30;
	_ =	sdelay $0x1  }
0x79: {  	v30 =	vmul.f32 $1.442695020e+00, v30;
	_ =	sdelay $0x1  }
0x7a: {  	(erf) = vpow2.f32 v30;
	_ =	sdelay $0x2  }
0x7b: {  	v30 =	vld [tilespmem:$0x250];
	_ =	sdelay $0x4  }
0x7c: {  	vm1 =	vgt.f32 v30, $0.0e+00  }
0x7d: {  	v30 =	vsel vm1, $0x1, v29;
	v31 =	vpop (erf)  }
0x7e: {  	(xrf0) =	vadd.scan.msk.s32 $0xffff, v30;
	v30 =	vadd.f32 $1.000000000e+00, v31  }
0x7f: {  	s23 =	spop (v2sf)  }
0x80: {  	s18 =	sadd.s32 s18, s23;
	(erf) = vrcp.f32 v30  }
0x81: {  	v30 =	vmov s18  }
0x82: {  	v30 =	vadd.s32 $0xFFFFFFFF, v30  }
0x83: {  	v30 =	vbroadcast v30, $0x0  }
0x84: {  	v31, _, _ =	vpop (xrf0)  }
0x85: {  	v30 =	vadd.s32 v31, v30;
	_ =	sdelay $0x3  }
0x86: {  	v57 =	vpop (erf)  }
0x87: {  	[tilespmem:v30+s15+$0x0] =	vst.idx.msk vm1, v57  }
0x88: {  	[tilespmem:v30+s16+$0x0] =	vst.idx.msk vm1, v19  }
0x89: {  	v30 =	vld [tilespmem:$0x160];
	_ =	sdelay $0x4  }
0x8a: {  	(v2sf) =	vpush v31, $0xF;
	v30 =	vsub.f32 $0.0e+00, v30;
	_ =	sdelay $0x1  }
0x8b: {  	v30 =	vmul.f32 $1.442695020e+00, v30;
	_ =	sdelay $0x1  }
0x8c: {  	(erf) = vpow2.f32 v30;
	_ =	sdelay $0x2  }
0x8d: {  	v30 =	vld [tilespmem:$0x260];
	_ =	sdelay $0x4  }
0x8e: {  	vm1 =	vgt.f32 v30, $0.0e+00  }
0x8f: {  	v30 =	vsel vm1, $0x1, v29;
	v31 =	vpop (erf)  }
0x90: {  	(xrf0) =	vadd.scan.msk.s32 $0xffff, v30;
	v30 =	vadd.f32 $1.000000000e+00, v31  }
0x91: {  	s24 =	spop (v2sf)  }
0x92: {  	s18 =	sadd.s32 s18, s24;
	(erf) = vrcp.f32 v30  }
0x93: {  	v30 =	vmov s18  }
0x94: {  	v30 =	vadd.s32 $0xFFFFFFFF, v30  }
0x95: {  	v30 =	vbroadcast v30, $0x0  }
0x96: {  	v31, _, _ =	vpop (xrf0)  }
0x97: {  	v30 =	vadd.s32 v31, v30;
	_ =	sdelay $0x3  }
0x98: {  	v58 =	vpop (erf)  }
0x99: {  	[tilespmem:v30+s15+$0x0] =	vst.idx.msk vm1, v58  }
0x9a: {  	[tilespmem:v30+s16+$0x0] =	vst.idx.msk vm1, v20  }
0x9b: {  	v30 =	vld [tilespmem:$0x170];
	_ =	sdelay $0x4  }
0x9c: {  	(v2sf) =	vpush v31, $0xF;
	v30 =	vsub.f32 $0.0e+00, v30;
	_ =	sdelay $0x1  }
0x9d: {  	v30 =	vmul.f32 $1.442695020e+00, v30;
	_ =	sdelay $0x1  }
0x9e: {  	(erf) = vpow2.f32 v30;
	_ =	sdelay $0x2  }
0x9f: {  	v30 =	vld [tilespmem:$0x270];
	_ =	sdelay $0x4  }
0xa0: {  	vm1 =	vgt.f32 v30, $0.0e+00  }
0xa1: {  	v30 =	vsel vm1, $0x1, v29;
	v31 =	vpop (erf)  }
0xa2: {  	(xrf0) =	vadd.scan.msk.s32 $0xffff, v30;
	v30 =	vadd.f32 $1.000000000e+00, v31  }
0xa3: {  	s25 =	spop (v2sf)  }
0xa4: {  	s18 =	sadd.s32 s18, s25;
	(erf) = vrcp.f32 v30  }
0xa5: {  	v30 =	vmov s18  }
0xa6: {  	v30 =	vadd.s32 $0xFFFFFFFF, v30  }
0xa7: {  	v30 =	vbroadcast v30, $0x0  }
0xa8: {  	v31, _, _ =	vpop (xrf0)  }
0xa9: {  	v30 =	vadd.s32 v31, v30;
	_ =	sdelay $0x3  }
0xaa: {  	v59 =	vpop (erf)  }
0xab: {  	[tilespmem:v30+s15+$0x0] =	vst.idx.msk vm1, v59  }
0xac: {  	[tilespmem:v30+s16+$0x0] =	vst.idx.msk vm1, v21  }
0xad: {  	v30 =	vld [tilespmem:$0x180];
	_ =	sdelay $0x4  }
0xae: {  	(v2sf) =	vpush v31, $0xF;
	v30 =	vsub.f32 $0.0e+00, v30;
	_ =	sdelay $0x1  }
0xaf: {  	v30 =	vmul.f32 $1.442695020e+00, v30;
	_ =	sdelay $0x1  }
0xb0: {  	(erf) = vpow2.f32 v30;
	_ =	sdelay $0x2  }
0xb1: {  	v30 =	vld [tilespmem:$0x280];
	_ =	sdelay $0x4  }
0xb2: {  	vm1 =	vgt.f32 v30, $0.0e+00  }
0xb3: {  	v30 =	vsel vm1, $0x1, v29;
	v31 =	vpop (erf)  }
0xb4: {  	(xrf0) =	vadd.scan.msk.s32 $0xffff, v30;
	v30 =	vadd.f32 $1.000000000e+00, v31  }
0xb5: {  	s26 =	spop (v2sf)  }
0xb6: {  	s18 =	sadd.s32 s18, s26;
	(erf) = vrcp.f32 v30  }
0xb7: {  	v30 =	vmov s18  }
0xb8: {  	v30 =	vadd.s32 $0xFFFFFFFF, v30  }
0xb9: {  	v30 =	vbroadcast v30, $0x0  }
0xba: {  	v31, _, _ =	vpop (xrf0)  }
0xbb: {  	v30 =	vadd.s32 v31, v30;
	_ =	sdelay $0x3  }
0xbc: {  	v60 =	vpop (erf)  }
0xbd: {  	[tilespmem:v30+s15+$0x0] =	vst.idx.msk vm1, v60  }
0xbe: {  	[tilespmem:v30+s16+$0x0] =	vst.idx.msk vm1, v22  }
0xbf: {  	v30 =	vld [tilespmem:$0x190];
	_ =	sdelay $0x4  }
0xc0: {  	(v2sf) =	vpush v31, $0xF;
	v30 =	vsub.f32 $0.0e+00, v30;
	_ =	sdelay $0x1  }
0xc1: {  	v30 =	vmul.f32 $1.442695020e+00, v30;
	_ =	sdelay $0x1  }
0xc2: {  	(erf) = vpow2.f32 v30;
	_ =	sdelay $0x2  }
0xc3: {  	v30 =	vld [tilespmem:$0x290];
	_ =	sdelay $0x4  }
0xc4: {  	vm1 =	vgt.f32 v30, $0.0e+00  }
0xc5: {  	v30 =	vsel vm1, $0x1, v29;
	v31 =	vpop (erf)  }
0xc6: {  	(xrf0) =	vadd.scan.msk.s32 $0xffff, v30;
	v30 =	vadd.f32 $1.000000000e+00, v31  }
0xc7: {  	s28 =	spop (v2sf)  }
0xc8: {  	s18 =	sadd.s32 s18, s28;
	(erf) = vrcp.f32 v30  }
0xc9: {  	v30 =	vmov s18  }
0xca: {  	v30 =	vadd.s32 $0xFFFFFFFF, v30  }
0xcb: {  	v30 =	vbroadcast v30, $0x0  }
0xcc: {  	v31, _, _ =	vpop (xrf0)  }
0xcd: {  	v30 =	vadd.s32 v31, v30;
	_ =	sdelay $0x3  }
0xce: {  	v61 =	vpop (erf)  }
0xcf: {  	[tilespmem:v30+s15+$0x0] =	vst.idx.msk vm1, v61  }
0xd0: {  	[tilespmem:v30+s16+$0x0] =	vst.idx.msk vm1, v23  }
0xd1: {  	v30 =	vld [tilespmem:$0x1A0];
	_ =	sdelay $0x4  }
0xd2: {  	(v2sf) =	vpush v31, $0xF;
	v30 =	vsub.f32 $0.0e+00, v30;
	_ =	sdelay $0x1  }
0xd3: {  	v30 =	vmul.f32 $1.442695020e+00, v30;
	_ =	sdelay $0x1  }
0xd4: {  	(erf) = vpow2.f32 v30;
	_ =	sdelay $0x2  }
0xd5: {  	v30 =	vld [tilespmem:$0x2A0];
	_ =	sdelay $0x4  }
0xd6: {  	vm1 =	vgt.f32 v30, $0.0e+00  }
0xd7: {  	v30 =	vsel vm1, $0x1, v29;
	v31 =	vpop (erf)  }
0xd8: {  	(xrf0) =	vadd.scan.msk.s32 $0xffff, v30;
	v30 =	vadd.f32 $1.000000000e+00, v31  }
0xd9: {  	s29 =	spop (v2sf)  }
0xda: {  	s18 =	sadd.s32 s18, s29;
	(erf) = vrcp.f32 v30  }
0xdb: {  	v30 =	vmov s18  }
0xdc: {  	v30 =	vadd.s32 $0xFFFFFFFF, v30  }
0xdd: {  	v30 =	vbroadcast v30, $0x0  }
0xde: {  	v31, _, _ =	vpop (xrf0)  }
0xdf: {  	v30 =	vadd.s32 v31, v30;
	_ =	sdelay $0x3  }
0xe0: {  	v62 =	vpop (erf)  }
0xe1: {  	[tilespmem:v30+s15+$0x0] =	vst.idx.msk vm1, v62  }
0xe2: {  	[tilespmem:v30+s16+$0x0] =	vst.idx.msk vm1, v24  }
0xe3: {  	v30 =	vld [tilespmem:$0x1B0];
	_ =	sdelay $0x4  }
0xe4: {  	(v2sf) =	vpush v31, $0xF;
	v30 =	vsub.f32 $0.0e+00, v30;
	_ =	sdelay $0x1  }
0xe5: {  	v30 =	vmul.f32 $1.442695020e+00, v30;
	_ =	sdelay $0x1  }
0xe6: {  	(erf) = vpow2.f32 v30;
	_ =	sdelay $0x2  }
0xe7: {  	v30 =	vld [tilespmem:$0x2B0];
	_ =	sdelay $0x4  }
0xe8: {  	vm1 =	vgt.f32 v30, $0.0e+00  }
0xe9: {  	v30 =	vsel vm1, $0x1, v29;
	v31 =	vpop (erf)  }
0xea: {  	(xrf0) =	vadd.scan.msk.s32 $0xffff, v30;
	v30 =	vadd.f32 $1.000000000e+00, v31  }
0xeb: {  	s30 =	spop (v2sf)  }
0xec: {  	s18 =	sadd.s32 s18, s30;
	(erf) = vrcp.f32 v30  }
0xed: {  	v30 =	vmov s18  }
0xee: {  	v30 =	vadd.s32 $0xFFFFFFFF, v30  }
0xef: {  	v30 =	vbroadcast v30, $0x0  }
0xf0: {  	v31, _, _ =	vpop (xrf0)  }
0xf1: {  	v30 =	vadd.s32 v31, v30;
	_ =	sdelay $0x3  }
0xf2: {  	v63 =	vpop (erf)  }
0xf3: {  	[tilespmem:v30+s15+$0x0] =	vst.idx.msk vm1, v63  }
0xf4: {  	[tilespmem:v30+s16+$0x0] =	vst.idx.msk vm1, v25  }
0xf5: {  	v30 =	vld [tilespmem:$0x1C0];
	_ =	sdelay $0x4  }
0xf6: {  	(v2sf) =	vpush v31, $0xF;
	v30 =	vsub.f32 $0.0e+00, v30;
	_ =	sdelay $0x1  }
0xf7: {  	v30 =	vmul.f32 $1.442695020e+00, v30;
	_ =	sdelay $0x1  }
0xf8: {  	(erf) = vpow2.f32 v30;
	_ =	sdelay $0x2  }
0xf9: {  	v30 =	vld [tilespmem:$0x2C0];
	_ =	sdelay $0x4  }
0xfa: {  	vm1 =	vgt.f32 v30, $0.0e+00  }
0xfb: {  	v30 =	vsel vm1, $0x1, v29;
	v31 =	vpop (erf)  }
0xfc: {  	(xrf0) =	vadd.scan.msk.s32 $0xffff, v30;
	v30 =	vadd.f32 $1.000000000e+00, v31  }
0xfd: {  	s31 =	spop (v2sf)  }
0xfe: {  	s18 =	sadd.s32 s18, s31;
	(erf) = vrcp.f32 v30  }
0xff: {  	v30 =	vmov s18  }
0x100: {  	v30 =	vadd.s32 $0xFFFFFFFF, v30  }
0x101: {  	v30 =	vbroadcast v30, $0x0  }
0x102: {  	v31, _, _ =	vpop (xrf0)  }
0x103: {  	v30 =	vadd.s32 v31, v30;
	_ =	sdelay $0x3  }
0x104: {  	v31 =	vpop (erf)  }
0x105: {  	[tilespmem:v30+s15+$0x0] =	vst.idx.msk vm1, v31  }
0x106: {  	[tilespmem:v30+s16+$0x0] =	vst.idx.msk vm1, v26  }
0x107: {  	[hbm4b:s7+s2] =	stream.linear.scatter [tilespmem:s15], [sflag:$0x1], $0x80, $0x38;
	[tilespmem:$0x400] =	vst v63  }
0x108: {  	_ =	swait.ge [sflag:s12], $0x80  }
0x109: {  	[sflag:s12] =	ssyncset.done $0x0  }
0x10a: {  	[sflag:s12] =	ssyncadd.s32 $0xFFFFFF80  }
0x10b: {  	[hbm4b:s8+s2] =	stream.linear.scatter [tilespmem:s16], [sflag:$0x1], $0x80, $0x38;
	[tilespmem:$0x400] =	vst v63  }
0x10c: {  	_ =	swait.ge [sflag:s12], $0x80  }
0x10d: {  	[sflag:s12] =	ssyncset.done $0x0  }
0x10e: {  	[sflag:s12] =	ssyncadd.s32 $0xFFFFFF80  }
.LBB2_7:
0x10f: {  	s17 =	sadd.s32 $0x1, s17  }
0x110: {  	p1 =	sne.s32 s17, s9  }
.Ltmp1:
0x111: {  	_ = 	snop;
	(pc) =	sbr.rel @!p1 .LBB2_8-.Ltmp1, $1  }
0x112: {  	_ =	sdelay $0x3  }
.LBB2_1:
0x113: {  	[tilespmem:s2], [sflag:$0x1] =	stream.strided.gather [hbm4b:s3+s10], $0x100, s11, s10, $0x38;
	[tilespmem:$0x400] =	vst v63  }
0x114: {  	_ =	swait.ge [sflag:s12], $0x100  }
0x115: {  	[sflag:s12] =	ssyncset.done $0x0  }
0x116: {  	[sflag:s12] =	ssyncadd.s32 $0xFFFFFF00  }
0x117: {  	[tilespmem:s13], [sflag:$0x1] =	stream.strided.gather [hbm4b:s3+s10], $0x100, s11, s10, $0x38;
	[tilespmem:$0x400] =	vst v63  }
0x118: {  	_ =	swait.ge [sflag:s12], $0x100  }
0x119: {  	[sflag:s12] =	ssyncset.done $0x0  }
0x11a: {  	[sflag:s12] =	ssyncadd.s32 $0xFFFFFF00  }
0x11b: {  	v30 =	vld [tilespmem:$0x0]  }
0x11c: {  	v31 =	vld [tilespmem:$0x10]  }
0x11d: {  	v32 =	vld [tilespmem:$0x20]  }
0x11e: {  	v33 =	vld [tilespmem:$0x30]  }
0x11f: {  	v34 =	vld [tilespmem:$0x40]  }
0x120: {  	(xrf0) =	vmax.scan.msk.f32 $0xffff, v30;
	v30 =	vld [tilespmem:$0x50]  }
0x121: {  	(xrf0) =	vmax.scan.msk.f32 $0xffff, v31;
	v31 =	vld [tilespmem:$0x60]  }
0x122: {  	v44 =	vld [tilespmem:$0x70];
	(xrf0) =	vmax.scan.msk.f32 $0xffff, v32  }
0x123: {  	v45 =	vld [tilespmem:$0x80];
	(xrf0) =	vmax.scan.msk.f32 $0xffff, v33  }
0x124: {  	v46 =	vld [tilespmem:$0x90];
	(xrf0) =	vmax.scan.msk.f32 $0xffff, v34  }
0x125: {  	(xrf0) =	vmax.scan.msk.f32 $0xffff, v30;
	v30 =	vld [tilespmem:$0xA0]  }
0x126: {  	v35, _, _ =	vpop (xrf0);
	(xrf0) =	vmax.scan.msk.f32 $0xffff, v31;
	v31 =	vld [tilespmem:$0xB0]  }
0x127: {  	v47 =	vld [tilespmem:$0xC0];
	v35 =	vbroadcast v35, $0xF;
	v36, _, _ =	vpop (xrf0);
	(xrf0) =	vmax.scan.msk.f32 $0xffff, v44  }
0x128: {  	v36 =	vbroadcast v36, $0xF;
	v37, _, _ =	vpop (xrf0);
	(xrf0) =	vmax.scan.msk.f32 $0xffff, v45  }
0x129: {  	vm1 =	vcmask $0x334;
	v48, _, _ =	vpop (xrf0);
	(xrf0) =	vmax.scan.msk.f32 $0xffff, v46;
	v49 =	vnsel vm0, $0xFF61B1E6, v35;
	v50 =	vbroadcast v37, $0xF  }
0x12a: {  	v34 =	vsel vm1, v49, v36;
	v51, _, _ =	vpop (xrf0);
	(xrf0) =	vmax.scan.msk.f32 $0xffff, v30;
	v30 =	vbroadcast v48, $0xF  }
0x12b: {  	v52 =	vsel vm2, v34, v50;
	v53, _, _ =	vpop (xrf0);
	(xrf0) =	vmax.scan.msk.f32 $0xffff, v31;
	v31 =	vbroadcast v51, $0xF  }
0x12c: {  	v30 =	vsel vm3, v52, v30;
	v54 =	vbroadcast v53, $0xF;
	v55, _, _ =	vpop (xrf0);
	(xrf0) =	vmax.scan.msk.f32 $0xffff, v47  }
0x12d: {  	v56, _, _ =	vpop (xrf0);
	v30 =	vsel vm4, v30, v31;
	v31 =	vbroadcast v55, $0xF  }
0x12e: {  	v57, _, _ =	vpop (xrf0);
	v30 =	vsel vm5, v30, v54;
	v32 =	vbroadcast v56, $0xF  }
0x12f: {  	v58, _, _ =	vpop (xrf0);
	v30 =	vsel vm6, v30, v31;
	v31 =	vbroadcast v57, $0xF  }
0x130: {  	v59, _, _ =	vpop (xrf0);
	v30 =	vsel vm7, v30, v32;
	v60 =	vbroadcast v58, $0xF  }
0x131: {  	v61, _, _ =	vpop (xrf0);
	v30 =	vsel vm8, v30, v31;
	v31 =	vbroadcast v59, $0xF  }
0x132: {  	v30 =	vsel vm9, v30, v60;
	v62 =	vbroadcast v61, $0xF;
	v63, _, _ =	vpop (xrf0)  }
0x133: {  	v30 =	vsel vm10, v30, v31;
	v31 =	vbroadcast v63, $0xF  }
0x134: {  	v30 =	vsel vm11, v30, v62  }
0x135: {  	v30 =	vsel vm12, v30, v31  }
0x136: {  	(xrf0) =	vmax.scan.msk.f32 $0xffff, v30;
	_ =	sdelay $0x5  }
0x137: {  	v31, _, _ =	vpop (xrf0)  }
0x138: {  	(v2sf) =	vpush v31, $0xF;
	_ =	sdelay $0x8  }
0x139: {  	[tilespmem:$0x200] =	vst v27  }
0x13a: {  	[tilespmem:$0x210] =	vst v27  }
0x13b: {  	[tilespmem:$0x220] =	vst v27  }
0x13c: {  	[tilespmem:$0x230] =	vst v27  }
0x13d: {  	[tilespmem:$0x240] =	vst v27  }
0x13e: {  	[tilespmem:$0x250] =	vst v27  }
0x13f: {  	[tilespmem:$0x260] =	vst v27;
	s18 =	spop (v2sf)  }
0x140: {  	[tilespmem:$0x270] =	vst v27;
	p1 =	sgt.f32 s18, $-1.000000020e+29  }
.Ltmp2:
0x141: {  	[tilespmem:$0x280] =	vst v27;
	(pc) =	sbr.rel @!p1 .LBB2_3-.Ltmp2, $4  }
0x142: {  	[tilespmem:$0x290] =	vst v27  }
0x143: {  	[tilespmem:$0x2A0] =	vst v27  }
0x144: {  	[tilespmem:$0x2B0] =	vst v27  }
0x145: {  	[tilespmem:$0x2C0] =	vst v27  }
.LBB2_2:
0x146: {  	vm13 =	veq.f32 v30, s18  }
0x147: {  	v31 =	vmctz.xlane vm13;
	_ =	sdelay $0x1  }
0x148: {  	v32 =	vshll.u32 v31, $0x4  }
0x149: {  	v33 =	vor.u32 v0, v32;
	_ =	sdelay $0x4  }
0x14a: {  	v33 =	vld.idx.msk [tilespmem:v33+s2+$0x0], $0xffff;
	_ =	sdelay $0x3  }
0x14b: {  	v34 =	vadd.s32 $0xFFFFFFFF, v31  }
0x14c: {  	vm14 =	vgt.s32 v34, $0x0;
	vm13 =	veq.f32 v33, s18  }
0x14d: {  	v36 =	vnsel vm14, $0x0, v34;
	v35 =	vmctz.xlane vm13  }
0x14e: {  	v36 =	vmin.u32 v36, $0xC  }
0x14f: {  	v57 =	vshll.u32 v36, $0x4;
	v32 =	vadd.s32 v32, v35  }
0x150: {  	v35 =	vor.u32 v0, v57  }
0x151: {  	vm14 =	vgt.s32 v31, $0x0  }
0x152: {  	v38 =	vadd.s32 $0x1, v31;
	v39 =	vnsel vm14, $0x0, v31  }
0x153: {  	vm14 =	vgt.s32 v38, $0x0;
	v39 =	vmin.u32 v39, $0xC  }
0x154: {  	v41 =	vnsel vm14, $0x0, v38;
	v42 =	vshll.u32 v39, $0x4;
	[tilespmem:v32+s14+$0x0] =	vst.idx.msk $0x1, v28  }
0x155: {  	vm14 =	veq.s32 v34, v36;
	v41 =	vmin.u32 v41, $0xC;
	v58 =	vor.u32 v0, v42;
	v40 =	vld.idx.msk [tilespmem:v35+s2+$0x0], $0xffff  }
0x156: {  	v59 =	vshll.u32 v41, $0x4;
	v37 =	vadd.s32 $0xFFFFFFF6, v32;
	v32 =	vadd.s32 $0xA, v32  }
0x157: {  	v42 =	vor.u32 v0, v59;
	vm13 =	vge.s32 v35, v37;
	vm15 =	vle.s32 v35, v32  }
0x158: {  	vm1 =	vle.s32 v58, v32;
	vm13 =	vmand vm13, vm15;
	vm15 =	vge.s32 v58, v37  }
0x159: {  	vm13 =	vmand vm14, vm13;
	vm1 =	vmand vm15, vm1;
	vm14 =	veq.s32 v31, v39  }
0x15a: {  	vm1 =	vmand vm14, vm1;
	v31 =	vsel vm13, $0xFF61B1E6, v40  }
0x15b: {  	v33 =	vsel vm1, $0xFF61B1E6, v33;
	[tilespmem:v35+s2+$0x0] =	vst.idx.msk $0xffff, v31  }
0x15c: {  	[tilespmem:v58+s2+$0x0] =	vst.idx.msk $0xffff, v33  }
0x15d: {  	v34 =	vld.idx.msk [tilespmem:v42+s2+$0x0], $0xffff;
	_ =	sdelay $0x1  }
0x15e: {  	vm1 =	vge.s32 v42, v37;
	vm13 =	vle.s32 v42, v32  }
0x15f: {  	vm1 =	vmand vm1, vm13;
	vm13 =	veq.s32 v38, v41  }
0x160: {  	(xrf0) =	vmax.scan.msk.f32 $0xffff, v31;
	vm1 =	vmand vm13, vm1  }
0x161: {  	(xrf0) =	vmax.scan.msk.f32 $0xffff, v33;
	v31 =	vsel vm1, $0xFF61B1E6, v34  }
0x162: {  	(xrf0) =	vmax.scan.msk.f32 $0xffff, v31;
	_ =	sdelay $0x3  }
0x163: {  	v60, _, _ =	vpop (xrf0)  }
0x164: {  	v33, _, _ =	vpop (xrf0);
	v32 =	vbroadcast v60, $0xF  }
0x165: {  	vm1 =	veq.s32 v36, v0;
	v33 =	vbroadcast v33, $0xF;
	v61, _, _ =	vpop (xrf0)  }
0x166: {  	v30 =	vsel vm1, v32, v30;
	vm1 =	veq.s32 v39, v0;
	v62 =	vbroadcast v61, $0xF  }
0x167: {  	v30 =	vsel vm1, v33, v30;
	vm1 =	veq.s32 v41, v0  }
0x168: {  	v30 =	vsel vm1, v62, v30  }
0x169: {  	(xrf0) =	vmax.scan.msk.f32 $0xffff, v30;
	_ =	sdelay $0x5  }
0x16a: {  	v63, _, _ =	vpop (xrf0)  }
0x16b: {  	(v2sf) =	vpush v63, $0xF;
	_ =	sdelay $0xe  }
0x16c: {  	s18 =	spop (v2sf)  }
0x16d: {  	p1 =	sgt.f32 s18, $-1.000000020e+29  }
.Ltmp3:
0x16e: {  	_ = 	snop;
	(pc) =	sbr.rel @p1 .LBB2_2-.Ltmp3, $2  }
0x16f: {  	_ =	sdelay $0x2  }
0x170: {  	[tilespmem:v42+s2+$0x0] =	vst.idx.msk $0xffff, v31  }
.LBB2_3:
0x171: {  	v30 =	vld [tilespmem:$0x100];
	_ =	sdelay $0x4  }
0x172: {  	v30 =	vsub.f32 $0.0e+00, v30;
	_ =	sdelay $0x1  }
0x173: {  	v30 =	vmul.f32 $1.442695020e+00, v30;
	_ =	sdelay $0x1  }
0x174: {  	(erf) = vpow2.f32 v30;
	_ =	sdelay $0x2  }
0x175: {  	v30 =	vld [tilespmem:$0x200];
	_ =	sdelay $0x4  }
0x176: {  	vm1 =	vgt.f32 v30, $0.0e+00  }
0x177: {  	v30 =	vsel vm1, $0x1, v29;
	v31 =	vpop (erf)  }
0x178: {  	(xrf0) =	vadd.scan.msk.s32 $0xffff, v30;
	v30 =	vadd.f32 $1.000000000e+00, v31;
	_ =	sdelay $0x1  }
0x179: {  	(erf) = vrcp.f32 v30;
	_ =	sdelay $0x3  }
0x17a: {  	v30, _, _ =	vpop (xrf0)  }
0x17b: {  	v31 =	vadd.s32 $0xFFFFFFFF, v30  }
0x17c: {  	[tilespmem:$0x300] =	vst v27  }
0x17d: {  	[tilespmem:$0x380] =	vst v27  }
0x17e: {  	[tilespmem:$0x310] =	vst v27  }
0x17f: {  	[tilespmem:$0x390] =	vst v27;
	v32 =	vpop (erf)  }
0x180: {  	[tilespmem:v31+s15+$0x0] =	vst.idx.msk vm1, v32  }
0x181: {  	[tilespmem:v31+s16+$0x0] =	vst.idx.msk vm1, v1  }
0x182: {  	v32 =	vld [tilespmem:$0x110];
	_ =	sdelay $0x4  }
0x183: {  	v32 =	vsub.f32 $0.0e+00, v32;
	_ =	sdelay $0x1  }
0x184: {  	v32 =	vmul.f32 $1.442695020e+00, v32;
	_ =	sdelay $0x1  }
0x185: {  	(erf) = vpow2.f32 v32;
	_ =	sdelay $0x2  }
0x186: {  	v50 =	vld [tilespmem:$0x210];
	_ =	sdelay $0x4  }
0x187: {  	vm1 =	vgt.f32 v50, $0.0e+00  }
0x188: {  	v32 =	vsel vm1, $0x1, v29;
	v33 =	vpop (erf)  }
0x189: {  	(xrf0) =	vadd.scan.msk.s32 $0xffff, v32;
	v51 =	vadd.f32 $1.000000000e+00, v33;
	_ =	sdelay $0x1  }
0x18a: {  	(erf) = vrcp.f32 v51;
	_ =	sdelay $0x2  }
0x18b: {  	v31 =	vbroadcast v31, $0xF  }
0x18c: {  	v52, _, _ =	vpop (xrf0)  }
0x18d: {  	v31 =	vadd.s32 v52, v31;
	_ =	sdelay $0x3  }
0x18e: {  	v53 =	vpop (erf)  }
0x18f: {  	[tilespmem:v31+s15+$0x0] =	vst.idx.msk vm1, v53  }
0x190: {  	[tilespmem:v31+s16+$0x0] =	vst.idx.msk vm1, v2  }
0x191: {  	v31 =	vld [tilespmem:$0x120];
	_ =	sdelay $0x3  }
0x192: {  	(v2sf) =	vpush v30, $0xF  }
0x193: {  	(v2sf) =	vpush v52, $0xF;
	v30 =	vsub.f32 $0.0e+00, v31;
	_ =	sdelay $0x1  }
0x194: {  	v30 =	vmul.f32 $1.442695020e+00, v30;
	_ =	sdelay $0x1  }
0x195: {  	(erf) = vpow2.f32 v30;
	_ =	sdelay $0x2  }
0x196: {  	v30 =	vld [tilespmem:$0x220];
	_ =	sdelay $0x4  }
0x197: {  	vm1 =	vgt.f32 v30, $0.0e+00  }
0x198: {  	v30 =	vsel vm1, $0x1, v29;
	v31 =	vpop (erf)  }
0x199: {  	s18 =	spop (v2sf);
	(xrf0) =	vadd.scan.msk.s32 $0xffff, v30;
	v30 =	vadd.f32 $1.000000000e+00, v31  }
0x19a: {  	s19 =	spop (v2sf)  }
0x19b: {  	s18 =	sadd.s32 s18, s19;
	(erf) = vrcp.f32 v30  }
0x19c: {  	v30 =	vmov s18  }
0x19d: {  	v30 =	vadd.s32 $0xFFFFFFFF, v30  }
0x19e: {  	v30 =	vbroadcast v30, $0x0  }
0x19f: {  	v31, _, _ =	vpop (xrf0)  }
0x1a0: {  	v30 =	vadd.s32 v31, v30;
	_ =	sdelay $0x3  }
0x1a1: {  	v54 =	vpop (erf)  }
0x1a2: {  	[tilespmem:v30+s15+$0x0] =	vst.idx.msk vm1, v54  }
0x1a3: {  	[tilespmem:v30+s16+$0x0] =	vst.idx.msk vm1, v3  }
0x1a4: {  	v30 =	vld [tilespmem:$0x130];
	_ =	sdelay $0x4  }
0x1a5: {  	(v2sf) =	vpush v31, $0xF;
	v30 =	vsub.f32 $0.0e+00, v30;
	_ =	sdelay $0x1  }
0x1a6: {  	v30 =	vmul.f32 $1.442695020e+00, v30;
	_ =	sdelay $0x1  }
0x1a7: {  	(erf) = vpow2.f32 v30;
	_ =	sdelay $0x2  }
0x1a8: {  	v30 =	vld [tilespmem:$0x230];
	_ =	sdelay $0x4  }
0x1a9: {  	vm1 =	vgt.f32 v30, $0.0e+00  }
0x1aa: {  	v30 =	vsel vm1, $0x1, v29;
	v31 =	vpop (erf)  }
0x1ab: {  	(xrf0) =	vadd.scan.msk.s32 $0xffff, v30;
	v30 =	vadd.f32 $1.000000000e+00, v31  }
0x1ac: {  	s21 =	spop (v2sf)  }
0x1ad: {  	s18 =	sadd.s32 s18, s21;
	(erf) = vrcp.f32 v30  }
0x1ae: {  	v30 =	vmov s18  }
0x1af: {  	v30 =	vadd.s32 $0xFFFFFFFF, v30  }
0x1b0: {  	v30 =	vbroadcast v30, $0x0  }
0x1b1: {  	v31, _, _ =	vpop (xrf0)  }
0x1b2: {  	v30 =	vadd.s32 v31, v30;
	_ =	sdelay $0x3  }
0x1b3: {  	v55 =	vpop (erf)  }
0x1b4: {  	[tilespmem:v30+s15+$0x0] =	vst.idx.msk vm1, v55  }
0x1b5: {  	[tilespmem:v30+s16+$0x0] =	vst.idx.msk vm1, v4  }
0x1b6: {  	v30 =	vld [tilespmem:$0x140];
	_ =	sdelay $0x4  }
0x1b7: {  	(v2sf) =	vpush v31, $0xF;
	v30 =	vsub.f32 $0.0e+00, v30;
	_ =	sdelay $0x1  }
0x1b8: {  	v30 =	vmul.f32 $1.442695020e+00, v30;
	_ =	sdelay $0x1  }
0x1b9: {  	(erf) = vpow2.f32 v30;
	_ =	sdelay $0x2  }
0x1ba: {  	v30 =	vld [tilespmem:$0x240];
	_ =	sdelay $0x4  }
0x1bb: {  	vm1 =	vgt.f32 v30, $0.0e+00  }
0x1bc: {  	v30 =	vsel vm1, $0x1, v29;
	v31 =	vpop (erf)  }
0x1bd: {  	(xrf0) =	vadd.scan.msk.s32 $0xffff, v30;
	v30 =	vadd.f32 $1.000000000e+00, v31  }
0x1be: {  	s22 =	spop (v2sf)  }
0x1bf: {  	s18 =	sadd.s32 s18, s22;
	(erf) = vrcp.f32 v30  }
0x1c0: {  	v30 =	vmov s18  }
0x1c1: {  	v30 =	vadd.s32 $0xFFFFFFFF, v30  }
0x1c2: {  	v30 =	vbroadcast v30, $0x0  }
0x1c3: {  	v31, _, _ =	vpop (xrf0)  }
0x1c4: {  	v30 =	vadd.s32 v31, v30;
	_ =	sdelay $0x3  }
0x1c5: {  	v56 =	vpop (erf)  }
0x1c6: {  	[tilespmem:v30+s15+$0x0] =	vst.idx.msk vm1, v56  }
0x1c7: {  	[tilespmem:v30+s16+$0x0] =	vst.idx.msk vm1, v5  }
0x1c8: {  	v30 =	vld [tilespmem:$0x150];
	_ =	sdelay $0x4  }
0x1c9: {  	(v2sf) =	vpush v31, $0xF;
	v30 =	vsub.f32 $0.0e+00, v30;
	_ =	sdelay $0x1  }
0x1ca: {  	v30 =	vmul.f32 $1.442695020e+00, v30;
	_ =	sdelay $0x1  }
0x1cb: {  	(erf) = vpow2.f32 v30;
	_ =	sdelay $0x2  }
0x1cc: {  	v30 =	vld [tilespmem:$0x250];
	_ =	sdelay $0x4  }
0x1cd: {  	vm1 =	vgt.f32 v30, $0.0e+00  }
0x1ce: {  	v30 =	vsel vm1, $0x1, v29;
	v31 =	vpop (erf)  }
0x1cf: {  	(xrf0) =	vadd.scan.msk.s32 $0xffff, v30;
	v30 =	vadd.f32 $1.000000000e+00, v31  }
0x1d0: {  	s23 =	spop (v2sf)  }
0x1d1: {  	s18 =	sadd.s32 s18, s23;
	(erf) = vrcp.f32 v30  }
0x1d2: {  	v30 =	vmov s18  }
0x1d3: {  	v30 =	vadd.s32 $0xFFFFFFFF, v30  }
0x1d4: {  	v30 =	vbroadcast v30, $0x0  }
0x1d5: {  	v31, _, _ =	vpop (xrf0)  }
0x1d6: {  	v30 =	vadd.s32 v31, v30;
	_ =	sdelay $0x3  }
0x1d7: {  	v57 =	vpop (erf)  }
0x1d8: {  	[tilespmem:v30+s15+$0x0] =	vst.idx.msk vm1, v57  }
0x1d9: {  	[tilespmem:v30+s16+$0x0] =	vst.idx.msk vm1, v6  }
0x1da: {  	v30 =	vld [tilespmem:$0x160];
	_ =	sdelay $0x4  }
0x1db: {  	(v2sf) =	vpush v31, $0xF;
	v30 =	vsub.f32 $0.0e+00, v30;
	_ =	sdelay $0x1  }
0x1dc: {  	v30 =	vmul.f32 $1.442695020e+00, v30;
	_ =	sdelay $0x1  }
0x1dd: {  	(erf) = vpow2.f32 v30;
	_ =	sdelay $0x2  }
0x1de: {  	v30 =	vld [tilespmem:$0x260];
	_ =	sdelay $0x4  }
0x1df: {  	vm1 =	vgt.f32 v30, $0.0e+00  }
0x1e0: {  	v30 =	vsel vm1, $0x1, v29;
	v31 =	vpop (erf)  }
0x1e1: {  	(xrf0) =	vadd.scan.msk.s32 $0xffff, v30;
	v30 =	vadd.f32 $1.000000000e+00, v31  }
0x1e2: {  	s24 =	spop (v2sf)  }
0x1e3: {  	s18 =	sadd.s32 s18, s24;
	(erf) = vrcp.f32 v30  }
0x1e4: {  	v30 =	vmov s18  }
0x1e5: {  	v30 =	vadd.s32 $0xFFFFFFFF, v30  }
0x1e6: {  	v30 =	vbroadcast v30, $0x0  }
0x1e7: {  	v31, _, _ =	vpop (xrf0)  }
0x1e8: {  	v30 =	vadd.s32 v31, v30;
	_ =	sdelay $0x3  }
0x1e9: {  	v58 =	vpop (erf)  }
0x1ea: {  	[tilespmem:v30+s15+$0x0] =	vst.idx.msk vm1, v58  }
0x1eb: {  	[tilespmem:v30+s16+$0x0] =	vst.idx.msk vm1, v7  }
0x1ec: {  	v30 =	vld [tilespmem:$0x170];
	_ =	sdelay $0x4  }
0x1ed: {  	(v2sf) =	vpush v31, $0xF;
	v30 =	vsub.f32 $0.0e+00, v30;
	_ =	sdelay $0x1  }
0x1ee: {  	v30 =	vmul.f32 $1.442695020e+00, v30;
	_ =	sdelay $0x1  }
0x1ef: {  	(erf) = vpow2.f32 v30;
	_ =	sdelay $0x2  }
0x1f0: {  	v30 =	vld [tilespmem:$0x270];
	_ =	sdelay $0x4  }
0x1f1: {  	vm1 =	vgt.f32 v30, $0.0e+00  }
0x1f2: {  	v30 =	vsel vm1, $0x1, v29;
	v31 =	vpop (erf)  }
0x1f3: {  	(xrf0) =	vadd.scan.msk.s32 $0xffff, v30;
	v30 =	vadd.f32 $1.000000000e+00, v31  }
0x1f4: {  	s25 =	spop (v2sf)  }
0x1f5: {  	s18 =	sadd.s32 s18, s25;
	(erf) = vrcp.f32 v30  }
0x1f6: {  	v30 =	vmov s18  }
0x1f7: {  	v30 =	vadd.s32 $0xFFFFFFFF, v30  }
0x1f8: {  	v30 =	vbroadcast v30, $0x0  }
0x1f9: {  	v31, _, _ =	vpop (xrf0)  }
0x1fa: {  	v30 =	vadd.s32 v31, v30;
	_ =	sdelay $0x3  }
0x1fb: {  	v59 =	vpop (erf)  }
0x1fc: {  	[tilespmem:v30+s15+$0x0] =	vst.idx.msk vm1, v59  }
0x1fd: {  	[tilespmem:v30+s16+$0x0] =	vst.idx.msk vm1, v8  }
0x1fe: {  	v30 =	vld [tilespmem:$0x180];
	_ =	sdelay $0x4  }
0x1ff: {  	(v2sf) =	vpush v31, $0xF;
	v30 =	vsub.f32 $0.0e+00, v30;
	_ =	sdelay $0x1  }
0x200: {  	v30 =	vmul.f32 $1.442695020e+00, v30;
	_ =	sdelay $0x1  }
0x201: {  	(erf) = vpow2.f32 v30;
	_ =	sdelay $0x2  }
0x202: {  	v30 =	vld [tilespmem:$0x280];
	_ =	sdelay $0x4  }
0x203: {  	vm1 =	vgt.f32 v30, $0.0e+00  }
0x204: {  	v30 =	vsel vm1, $0x1, v29;
	v31 =	vpop (erf)  }
0x205: {  	(xrf0) =	vadd.scan.msk.s32 $0xffff, v30;
	v30 =	vadd.f32 $1.000000000e+00, v31  }
0x206: {  	s26 =	spop (v2sf)  }
0x207: {  	s18 =	sadd.s32 s18, s26;
	(erf) = vrcp.f32 v30  }
0x208: {  	v30 =	vmov s18  }
0x209: {  	v30 =	vadd.s32 $0xFFFFFFFF, v30  }
0x20a: {  	v30 =	vbroadcast v30, $0x0  }
0x20b: {  	v31, _, _ =	vpop (xrf0)  }
0x20c: {  	v30 =	vadd.s32 v31, v30;
	_ =	sdelay $0x3  }
0x20d: {  	v60 =	vpop (erf)  }
0x20e: {  	[tilespmem:v30+s15+$0x0] =	vst.idx.msk vm1, v60  }
0x20f: {  	[tilespmem:v30+s16+$0x0] =	vst.idx.msk vm1, v9  }
0x210: {  	v30 =	vld [tilespmem:$0x190];
	_ =	sdelay $0x4  }
0x211: {  	(v2sf) =	vpush v31, $0xF;
	v30 =	vsub.f32 $0.0e+00, v30;
	_ =	sdelay $0x1  }
0x212: {  	v30 =	vmul.f32 $1.442695020e+00, v30;
	_ =	sdelay $0x1  }
0x213: {  	(erf) = vpow2.f32 v30;
	_ =	sdelay $0x2  }
0x214: {  	v30 =	vld [tilespmem:$0x290];
	_ =	sdelay $0x4  }
0x215: {  	vm1 =	vgt.f32 v30, $0.0e+00  }
0x216: {  	v30 =	vsel vm1, $0x1, v29;
	v31 =	vpop (erf)  }
0x217: {  	(xrf0) =	vadd.scan.msk.s32 $0xffff, v30;
	v30 =	vadd.f32 $1.000000000e+00, v31  }
0x218: {  	s28 =	spop (v2sf)  }
0x219: {  	s18 =	sadd.s32 s18, s28;
	(erf) = vrcp.f32 v30  }
0x21a: {  	v30 =	vmov s18  }
0x21b: {  	v30 =	vadd.s32 $0xFFFFFFFF, v30  }
0x21c: {  	v30 =	vbroadcast v30, $0x0  }
0x21d: {  	v31, _, _ =	vpop (xrf0)  }
0x21e: {  	v30 =	vadd.s32 v31, v30;
	_ =	sdelay $0x3  }
0x21f: {  	v61 =	vpop (erf)  }
0x220: {  	[tilespmem:v30+s15+$0x0] =	vst.idx.msk vm1, v61  }
0x221: {  	[tilespmem:v30+s16+$0x0] =	vst.idx.msk vm1, v10  }
0x222: {  	v30 =	vld [tilespmem:$0x1A0];
	_ =	sdelay $0x4  }
0x223: {  	(v2sf) =	vpush v31, $0xF;
	v30 =	vsub.f32 $0.0e+00, v30;
	_ =	sdelay $0x1  }
0x224: {  	v30 =	vmul.f32 $1.442695020e+00, v30;
	_ =	sdelay $0x1  }
0x225: {  	(erf) = vpow2.f32 v30;
	_ =	sdelay $0x2  }
0x226: {  	v30 =	vld [tilespmem:$0x2A0];
	_ =	sdelay $0x4  }
0x227: {  	vm1 =	vgt.f32 v30, $0.0e+00  }
0x228: {  	v30 =	vsel vm1, $0x1, v29;
	v31 =	vpop (erf)  }
0x229: {  	(xrf0) =	vadd.scan.msk.s32 $0xffff, v30;
	v30 =	vadd.f32 $1.000000000e+00, v31  }
0x22a: {  	s29 =	spop (v2sf)  }
0x22b: {  	s18 =	sadd.s32 s18, s29;
	(erf) = vrcp.f32 v30  }
0x22c: {  	v30 =	vmov s18  }
0x22d: {  	v30 =	vadd.s32 $0xFFFFFFFF, v30  }
0x22e: {  	v30 =	vbroadcast v30, $0x0  }
0x22f: {  	v31, _, _ =	vpop (xrf0)  }
0x230: {  	v30 =	vadd.s32 v31, v30;
	_ =	sdelay $0x3  }
0x231: {  	v62 =	vpop (erf)  }
0x232: {  	[tilespmem:v30+s15+$0x0] =	vst.idx.msk vm1, v62  }
0x233: {  	[tilespmem:v30+s16+$0x0] =	vst.idx.msk vm1, v11  }
0x234: {  	v30 =	vld [tilespmem:$0x1B0];
	_ =	sdelay $0x4  }
0x235: {  	(v2sf) =	vpush v31, $0xF;
	v30 =	vsub.f32 $0.0e+00, v30;
	_ =	sdelay $0x1  }
0x236: {  	v30 =	vmul.f32 $1.442695020e+00, v30;
	_ =	sdelay $0x1  }
0x237: {  	(erf) = vpow2.f32 v30;
	_ =	sdelay $0x2  }
0x238: {  	v30 =	vld [tilespmem:$0x2B0];
	_ =	sdelay $0x4  }
0x239: {  	vm1 =	vgt.f32 v30, $0.0e+00  }
0x23a: {  	v30 =	vsel vm1, $0x1, v29;
	v31 =	vpop (erf)  }
0x23b: {  	(xrf0) =	vadd.scan.msk.s32 $0xffff, v30;
	v30 =	vadd.f32 $1.000000000e+00, v31  }
0x23c: {  	s30 =	spop (v2sf)  }
0x23d: {  	s18 =	sadd.s32 s18, s30;
	(erf) = vrcp.f32 v30  }
0x23e: {  	v30 =	vmov s18  }
0x23f: {  	v30 =	vadd.s32 $0xFFFFFFFF, v30  }
0x240: {  	v30 =	vbroadcast v30, $0x0  }
0x241: {  	v31, _, _ =	vpop (xrf0)  }
0x242: {  	v30 =	vadd.s32 v31, v30;
	_ =	sdelay $0x3  }
0x243: {  	v63 =	vpop (erf)  }
0x244: {  	[tilespmem:v30+s15+$0x0] =	vst.idx.msk vm1, v63  }
0x245: {  	[tilespmem:v30+s16+$0x0] =	vst.idx.msk vm1, v12  }
0x246: {  	v30 =	vld [tilespmem:$0x1C0];
	_ =	sdelay $0x4  }
0x247: {  	(v2sf) =	vpush v31, $0xF;
	v30 =	vsub.f32 $0.0e+00, v30;
	_ =	sdelay $0x1  }
0x248: {  	v30 =	vmul.f32 $1.442695020e+00, v30;
	_ =	sdelay $0x1  }
0x249: {  	(erf) = vpow2.f32 v30;
	_ =	sdelay $0x2  }
0x24a: {  	v30 =	vld [tilespmem:$0x2C0];
	_ =	sdelay $0x4  }
0x24b: {  	vm1 =	vgt.f32 v30, $0.0e+00  }
0x24c: {  	v30 =	vsel vm1, $0x1, v29;
	v31 =	vpop (erf)  }
0x24d: {  	(xrf0) =	vadd.scan.msk.s32 $0xffff, v30;
	v30 =	vadd.f32 $1.000000000e+00, v31  }
0x24e: {  	s31 =	spop (v2sf)  }
0x24f: {  	s18 =	sadd.s32 s18, s31;
	(erf) = vrcp.f32 v30  }
0x250: {  	v30 =	vmov s18  }
0x251: {  	v30 =	vadd.s32 $0xFFFFFFFF, v30  }
0x252: {  	v30 =	vbroadcast v30, $0x0  }
0x253: {  	v31, _, _ =	vpop (xrf0)  }
0x254: {  	v30 =	vadd.s32 v31, v30;
	_ =	sdelay $0x3  }
0x255: {  	v31 =	vpop (erf)  }
0x256: {  	[tilespmem:v30+s15+$0x0] =	vst.idx.msk vm1, v31  }
0x257: {  	[tilespmem:v30+s16+$0x0] =	vst.idx.msk vm1, v13  }
0x258: {  	[hbm4b:s4+s2] =	stream.linear.scatter [tilespmem:s15], [sflag:$0x1], $0x80, $0x38;
	[tilespmem:$0x400] =	vst v63  }
0x259: {  	_ =	swait.ge [sflag:s12], $0x80  }
0x25a: {  	[sflag:s12] =	ssyncset.done $0x0  }
.Ltmp4:
0x25b: {  	[sflag:s12] =	ssyncadd.s32 $0xFFFFFF80;
	(pc) =	sbr.rel @p0 .LBB2_7-.Ltmp4, $4  }
0x25c: {  	[hbm4b:s5+s2] =	stream.linear.scatter [tilespmem:s16], [sflag:$0x1], $0x80, $0x38;
	[tilespmem:$0x400] =	vst v63  }
0x25d: {  	_ =	swait.ge [sflag:s12], $0x80  }
0x25e: {  	[sflag:s12] =	ssyncset.done $0x0  }
0x25f: {  	[sflag:s12] =	ssyncadd.s32 $0xFFFFFF80  }
0x260: {  	[tilespmem:s2], [sflag:$0x1] =	stream.strided.gather [hbm4b:s6+s10], $0x100, s11, s10, $0x38;
	[tilespmem:$0x400] =	vst v63  }
0x261: {  	_ =	swait.ge [sflag:s12], $0x100  }
0x262: {  	[sflag:s12] =	ssyncset.done $0x0  }
0x263: {  	[sflag:s12] =	ssyncadd.s32 $0xFFFFFF00  }
0x264: {  	[tilespmem:s13], [sflag:$0x1] =	stream.strided.gather [hbm4b:s6+s10], $0x100, s11, s10, $0x38;
	[tilespmem:$0x400] =	vst v63  }
0x265: {  	_ =	swait.ge [sflag:s12], $0x100  }
0x266: {  	[sflag:s12] =	ssyncset.done $0x0  }
0x267: {  	[sflag:s12] =	ssyncadd.s32 $0xFFFFFF00  }
0x268: {  	v30 =	vld [tilespmem:$0x0]  }
0x269: {  	v31 =	vld [tilespmem:$0x10]  }
0x26a: {  	v32 =	vld [tilespmem:$0x20]  }
0x26b: {  	v33 =	vld [tilespmem:$0x30]  }
0x26c: {  	v34 =	vld [tilespmem:$0x40]  }
0x26d: {  	(xrf0) =	vmax.scan.msk.f32 $0xffff, v30;
	v30 =	vld [tilespmem:$0x50]  }
0x26e: {  	(xrf0) =	vmax.scan.msk.f32 $0xffff, v31;
	v31 =	vld [tilespmem:$0x60]  }
0x26f: {  	v44 =	vld [tilespmem:$0x70];
	(xrf0) =	vmax.scan.msk.f32 $0xffff, v32  }
0x270: {  	v45 =	vld [tilespmem:$0x80];
	(xrf0) =	vmax.scan.msk.f32 $0xffff, v33  }
0x271: {  	v46 =	vld [tilespmem:$0x90];
	(xrf0) =	vmax.scan.msk.f32 $0xffff, v34  }
0x272: {  	(xrf0) =	vmax.scan.msk.f32 $0xffff, v30;
	v30 =	vld [tilespmem:$0xA0]  }
0x273: {  	v35, _, _ =	vpop (xrf0);
	(xrf0) =	vmax.scan.msk.f32 $0xffff, v31;
	v31 =	vld [tilespmem:$0xB0]  }
0x274: {  	v47 =	vld [tilespmem:$0xC0];
	v35 =	vbroadcast v35, $0xF;
	v36, _, _ =	vpop (xrf0);
	(xrf0) =	vmax.scan.msk.f32 $0xffff, v44  }
0x275: {  	v36 =	vbroadcast v36, $0xF;
	v37, _, _ =	vpop (xrf0);
	(xrf0) =	vmax.scan.msk.f32 $0xffff, v45  }
0x276: {  	vm1 =	vcmask $0x334;
	v48, _, _ =	vpop (xrf0);
	(xrf0) =	vmax.scan.msk.f32 $0xffff, v46;
	v49 =	vnsel vm0, $0xFF61B1E6, v35;
	v50 =	vbroadcast v37, $0xF  }
0x277: {  	v34 =	vsel vm1, v49, v36;
	v51, _, _ =	vpop (xrf0);
	(xrf0) =	vmax.scan.msk.f32 $0xffff, v30;
	v30 =	vbroadcast v48, $0xF  }
0x278: {  	v52 =	vsel vm2, v34, v50;
	v53, _, _ =	vpop (xrf0);
	(xrf0) =	vmax.scan.msk.f32 $0xffff, v31;
	v31 =	vbroadcast v51, $0xF  }
0x279: {  	v30 =	vsel vm3, v52, v30;
	v54 =	vbroadcast v53, $0xF;
	v55, _, _ =	vpop (xrf0);
	(xrf0) =	vmax.scan.msk.f32 $0xffff, v47  }
0x27a: {  	v56, _, _ =	vpop (xrf0);
	v30 =	vsel vm4, v30, v31;
	v31 =	vbroadcast v55, $0xF  }
0x27b: {  	v57, _, _ =	vpop (xrf0);
	v30 =	vsel vm5, v30, v54;
	v32 =	vbroadcast v56, $0xF  }
0x27c: {  	v58, _, _ =	vpop (xrf0);
	v30 =	vsel vm6, v30, v31;
	v31 =	vbroadcast v57, $0xF  }
0x27d: {  	v59, _, _ =	vpop (xrf0);
	v30 =	vsel vm7, v30, v32;
	v60 =	vbroadcast v58, $0xF  }
0x27e: {  	v61, _, _ =	vpop (xrf0);
	v30 =	vsel vm8, v30, v31;
	v31 =	vbroadcast v59, $0xF  }
0x27f: {  	v30 =	vsel vm9, v30, v60;
	v62 =	vbroadcast v61, $0xF;
	v63, _, _ =	vpop (xrf0)  }
0x280: {  	v30 =	vsel vm10, v30, v31;
	v31 =	vbroadcast v63, $0xF  }
0x281: {  	v30 =	vsel vm11, v30, v62  }
0x282: {  	v30 =	vsel vm12, v30, v31  }
0x283: {  	(xrf0) =	vmax.scan.msk.f32 $0xffff, v30;
	_ =	sdelay $0x5  }
0x284: {  	v31, _, _ =	vpop (xrf0)  }
0x285: {  	(v2sf) =	vpush v31, $0xF;
	_ =	sdelay $0x8  }
0x286: {  	[tilespmem:$0x200] =	vst v27  }
0x287: {  	[tilespmem:$0x210] =	vst v27  }
0x288: {  	[tilespmem:$0x220] =	vst v27  }
0x289: {  	[tilespmem:$0x230] =	vst v27  }
0x28a: {  	[tilespmem:$0x240] =	vst v27  }
0x28b: {  	[tilespmem:$0x250] =	vst v27  }
0x28c: {  	[tilespmem:$0x260] =	vst v27;
	s18 =	spop (v2sf)  }
0x28d: {  	[tilespmem:$0x270] =	vst v27;
	p1 =	sgt.f32 s18, $-1.000000020e+29  }
.Ltmp5:
0x28e: {  	[tilespmem:$0x280] =	vst v27;
	(pc) =	sbr.rel @!p1 .LBB2_6-.Ltmp5, $4  }
0x28f: {  	[tilespmem:$0x290] =	vst v27  }
0x290: {  	[tilespmem:$0x2A0] =	vst v27  }
0x291: {  	[tilespmem:$0x2B0] =	vst v27  }
0x292: {  	[tilespmem:$0x2C0] =	vst v27  }
.LBB2_5:
0x293: {  	vm1 =	veq.f32 v30, s18  }
0x294: {  	v31 =	vmctz.xlane vm1;
	_ =	sdelay $0x1  }
0x295: {  	v32 =	vshll.u32 v31, $0x4  }
0x296: {  	v33 =	vor.u32 v0, v32;
	_ =	sdelay $0x4  }
0x297: {  	v33 =	vld.idx.msk [tilespmem:v33+s2+$0x0], $0xffff;
	_ =	sdelay $0x3  }
0x298: {  	v34 =	vadd.s32 $0xFFFFFFFF, v31  }
0x299: {  	vm13 =	vgt.s32 v34, $0x0;
	vm1 =	veq.f32 v33, s18  }
0x29a: {  	v36 =	vnsel vm13, $0x0, v34;
	v35 =	vmctz.xlane vm1  }
0x29b: {  	v36 =	vmin.u32 v36, $0xC  }
0x29c: {  	v57 =	vshll.u32 v36, $0x4;
	v32 =	vadd.s32 v32, v35  }
0x29d: {  	v35 =	vor.u32 v0, v57  }
0x29e: {  	vm13 =	vgt.s32 v31, $0x0  }
0x29f: {  	v38 =	vadd.s32 $0x1, v31;
	v39 =	vnsel vm13, $0x0, v31  }
0x2a0: {  	vm13 =	vgt.s32 v38, $0x0;
	v39 =	vmin.u32 v39, $0xC  }
0x2a1: {  	v41 =	vnsel vm13, $0x0, v38;
	v42 =	vshll.u32 v39, $0x4;
	[tilespmem:v32+s14+$0x0] =	vst.idx.msk $0x1, v28  }
0x2a2: {  	vm13 =	veq.s32 v34, v36;
	v41 =	vmin.u32 v41, $0xC;
	v58 =	vor.u32 v0, v42;
	v40 =	vld.idx.msk [tilespmem:v35+s2+$0x0], $0xffff  }
0x2a3: {  	v59 =	vshll.u32 v41, $0x4;
	v37 =	vadd.s32 $0xFFFFFFF6, v32;
	v32 =	vadd.s32 $0xA, v32  }
0x2a4: {  	v42 =	vor.u32 v0, v59;
	vm1 =	vge.s32 v35, v37;
	vm14 =	vle.s32 v35, v32  }
0x2a5: {  	vm15 =	vle.s32 v58, v32;
	vm1 =	vmand vm1, vm14;
	vm14 =	vge.s32 v58, v37  }
0x2a6: {  	vm1 =	vmand vm13, vm1;
	vm13 =	vmand vm14, vm15;
	vm14 =	veq.s32 v31, v39  }
0x2a7: {  	v31 =	vsel vm1, $0xFF61B1E6, v40;
	vm1 =	vmand vm14, vm13  }
0x2a8: {  	[tilespmem:v35+s2+$0x0] =	vst.idx.msk $0xffff, v31;
	v33 =	vsel vm1, $0xFF61B1E6, v33  }
0x2a9: {  	[tilespmem:v58+s2+$0x0] =	vst.idx.msk $0xffff, v33  }
0x2aa: {  	v34 =	vld.idx.msk [tilespmem:v42+s2+$0x0], $0xffff;
	_ =	sdelay $0x1  }
0x2ab: {  	vm13 =	vle.s32 v42, v32;
	vm1 =	vge.s32 v42, v37  }
0x2ac: {  	vm1 =	vmand vm1, vm13;
	vm13 =	veq.s32 v38, v41  }
0x2ad: {  	(xrf0) =	vmax.scan.msk.f32 $0xffff, v31;
	vm1 =	vmand vm13, vm1  }
0x2ae: {  	(xrf0) =	vmax.scan.msk.f32 $0xffff, v33;
	v31 =	vsel vm1, $0xFF61B1E6, v34  }
0x2af: {  	(xrf0) =	vmax.scan.msk.f32 $0xffff, v31;
	_ =	sdelay $0x3  }
0x2b0: {  	v60, _, _ =	vpop (xrf0)  }
0x2b1: {  	v33, _, _ =	vpop (xrf0);
	v32 =	vbroadcast v60, $0xF  }
0x2b2: {  	vm1 =	veq.s32 v36, v0;
	v33 =	vbroadcast v33, $0xF;
	v61, _, _ =	vpop (xrf0)  }
0x2b3: {  	v30 =	vsel vm1, v32, v30;
	vm1 =	veq.s32 v39, v0;
	v62 =	vbroadcast v61, $0xF  }
0x2b4: {  	v30 =	vsel vm1, v33, v30;
	vm1 =	veq.s32 v41, v0  }
0x2b5: {  	v30 =	vsel vm1, v62, v30  }
0x2b6: {  	(xrf0) =	vmax.scan.msk.f32 $0xffff, v30;
	_ =	sdelay $0x5  }
0x2b7: {  	v63, _, _ =	vpop (xrf0)  }
0x2b8: {  	(v2sf) =	vpush v63, $0xF;
	_ =	sdelay $0xe  }
0x2b9: {  	s18 =	spop (v2sf)  }
0x2ba: {  	p1 =	sgt.f32 s18, $-1.000000020e+29  }
.Ltmp6:
0x2bb: {  	_ = 	snop;
	(pc) =	sbr.rel @p1 .LBB2_5-.Ltmp6, $2  }
0x2bc: {  	_ =	sdelay $0x2  }
0x2bd: {  	[tilespmem:v42+s2+$0x0] =	vst.idx.msk $0xffff, v31  }
.Ltmp7:
0x2be: {  	_ = 	snop;
	(pc) =	sbr.rel .LBB2_6-.Ltmp7, $1  }
0x2bf: {  	_ =	sdelay $0x3  }
.LBB2_8:
0x2c0: {  	_ =	sfence.sel $0x180000  }
0x2c1: {  	[bflag:$0x0] =	sbarrier.arrive $0xFFFF  }
0x2c2: {  	p0 =	sne.s32 s0, $0x0;
	_ =	strace $0x90000047  }
0x2c3: {  	s0 =	sadd.s32 @!p0 $0x100000, s1;
	[bflag:$0x2] =	sbarrier.arrive $0xFFFF  }
0x2c4: {  	[sflag:s0] =	ssyncadd.tile.s32 @!p0 $0x1;
	_ =	shalt  }
.Lfunc_end2:
_tile_overlayer_lowered:
.L_overlay_start_2:
0x2c5: {  	(tag) =	ssettag $0x2  }
0x2c6: {  	s0 =	rddreg [dreg:$0x0];
	s2 =	stileid.u32  }
0x2c7: {  	s1 =	rddreg [dreg:$0x1];
	p0 =	sne.s32 s2, $0x0  }
0x2c8: {  	s3 =	rddreg [dreg:$0x2];
	[bflag:$0x3] =	sbarrier.arrive $0xFFFF;
	s2 =	simm.s32 @!p0 $0x1C01  }
0x2c9: {  	[timem:s3], [sflag:s2] =	dma.local @!p0 [hbm:s0], s1  }
0x2ca: {  	s0 =	simm.s32 @!p0 $0x1  }
0x2cb: {  	_ =	swait.ge @!p0 [sflag:s0], s1  }
0x2cc: {  	s1 =	ssub.s32 @!p0 $0x0, s1;
	[sflag:s0] =	ssyncset.done @!p0 $0x0  }
0x2cd: {  	[sflag:s0] =	ssyncadd.s32 @!p0 s1  }
0x2ce: {  	[bflag:$0x3] =	sbarrier.arrive $0xFFFF  }
0x2cf: {  	_ =	shalt  }

// kernel: kernel.9.cloned.1.call-start
scs
__scs_entry_jumppad:
0x0: {  	(pc) =	sbr.rel $0x88, $3  }
0x1: {  	(tag) =	ssettag $0x0;
	lr =	simm.s32 $0x1  }
0x2: {  	[smem:$0x3F9B] =	sst lr;
	_ =	strace $0xD0000000  }
0x3: {  	_ = 	snop  }
0x4: {  	_ = 	snop  }
0x5: {  	_ = 	snop  }
0x6: {  	_ = 	snop  }
0x7: {  	_ = 	snop  }
__scs_overlays_trampoline_lowered:
0x8: {  	[smem:$0x3FAA] =	sst s0  }
0x9: {  	[smem:$0x3FAB] =	sst s1  }
0xa: {  	[smem:$0x3FAC] =	sst s2  }
0xb: {  	[smem:$0x3FAD] =	sst s3  }
0xc: {  	[smem:$0x3FAE] =	sst s4  }
0xd: {  	[smem:$0x3FAF] =	sst s5  }
0xe: {  	[smem:$0x3FB0] =	sst s6  }
0xf: {  	[smem:$0x3FB1] =	sst s7  }
0x10: {  	[smem:$0x3FB2] =	sst s8  }
0x11: {  	[smem:$0x3FB3] =	sst s9;
	s0 =	simm.s32 @!p0 $0x0  }
0x12: {  	s1 =	sld [smem:$0x3F99];
	s0 =	simm.s32 @p0 $0x1  }
0x13: {  	[smem:$0x3FB4] =	sst s0;
	s0 =	simm.s32 @!p1 $0x0  }
0x14: {  	s2 =	sld [smem:$0x3F98];
	s0 =	simm.s32 @p1 $0x1  }
0x15: {  	[smem:$0x3FB5] =	sst s0;
	s0 =	simm.s32 @!p2 $0x0  }
0x16: {  	s3 =	sld [smem:$0x3FDB];
	s0 =	simm.s32 @p2 $0x1  }
0x17: {  	s4 =	simm.s32 $0x1BF5;
	[smem:$0x3FB7] =	sst s0  }
0x18: {  	s0 =	sld [smem:$0x3F9A];
	_ =	swait.ge [sflag:s4], $0x0  }
0x19: {  	s7 =	sld [smem:$0x3F9B]  }
0x1a: {  	s8 =	sadd.s32 $0xFFFFE003, lr  }
0x1b: {  	s9 =	sadd.s32 $0xFFFFFEF7, lr;
	s5 =	simm.s32 $0xFFFFFFFF;
	p2 =	slt.u32 s8, $0xFFFFF086  }
0x1c: {  	p1 =	slt.u32 s9, $0xF7A;
	s5 =	simm.s32 @!p2 $0x0  }
0x1d: {  	s5 =	simm.s32 @p1 $0x1;
	p0 =	seq.s32 s7, s2  }
0x1e: {  	s7 =	smul.u32 @!p0 $0xF7A, s2;
	p2 =	seq.s32 @!p0 s5, $0x0  }
0x1f: {  	s9 =	smul.u32 $0xF7A, s1;
	s8 =	simm.s32 @!p0 $0x1BF5;
	p2 =	por !p2, p0  }
0x20: {  	[sflag:s8] =	ssyncset.s32 @!p0 $0xFFFFF086;
	s6 =	sadd.s32 @!p0 s3, s7;
	s7 =	simm.s32 @!p0 $0x108  }
0x21: {  	s3 =	sadd.s32 s3, s9;
	s6 =	sadd.s32 @!p0 $0x88, s6;
	s7 =	simm.s32 @p2 $0x1082  }
0x22: {  	[simem:s7], [sflag:s8] =	dma.local @!p0 [hbm:s6], $0xF7A  }
0x23: {  	s9 =	sor.u32 $0xD0000000, s2;
	s6 =	simm.s32 $0x108;
	_ =	swait.ge @!p0 [sflag:s8], $0x0  }
0x24: {  	s3 =	sadd.s32 $0x88, s3;
	s6 =	simm.s32 @!p1 $0x1082;
	[sflag:s4] =	ssyncset.s32 $0xFFFFF086  }
0x25: {  	[simem:s6], [sflag:s4] =	dma.local [hbm:s3], $0xF7A  }
0x26: {  	[smem:$0x3F9B] =	sst s1;
	(tag) =	ssettag s2;
	_ =	strace s9  }
0x27: {  	s1 =	sld [smem:$0x3FAB]  }
0x28: {  	s2 =	sld [smem:$0x3FAC]  }
0x29: {  	s4 =	sld [smem:$0x3FAE]  }
0x2a: {  	p0 =	seq.s32 s5, $0x0;
	s5 =	sld [smem:$0x3FAF]  }
0x2b: {  	s6 =	sld [smem:$0x3FB0]  }
0x2c: {  	s7 =	sld [smem:$0x3FB1]  }
0x2d: {  	s3 =	simm.s32 $0x108;
	s8 =	sld [smem:$0x3FB2]  }
0x2e: {  	s3 =	simm.s32 @!p0 $0x1082;
	s9 =	sld [smem:$0x3FB3]  }
0x2f: {  	lr =	sadd.s32 s0, s3;
	s0 =	sld [smem:$0x3FAA]  }
0x30: {  	s3 =	sld [smem:$0x3FAD]  }
0x31: {  	[smem:$0x3FB6] =	sst s10  }
0x32: {  	s10 =	sld [smem:$0x3FB4];
	_ =	sdelay $0x3  }
0x33: {  	p0 =	seq.s32 s10, $0x1;
	s10 =	sld [smem:$0x3FB6];
	_ =	sdelay $0x3  }
0x34: {  	[smem:$0x3FB6] =	sst s10  }
0x35: {  	s10 =	sld [smem:$0x3FB5];
	_ =	sdelay $0x3  }
0x36: {  	p1 =	seq.s32 s10, $0x1;
	s10 =	sld [smem:$0x3FB6];
	_ =	sdelay $0x3  }
0x37: {  	[smem:$0x3FB6] =	sst s10  }
0x38: {  	s10 =	sld [smem:$0x3FB7]  }
0x39: {  	_ = 	snop;
	(pc) =	sbr.ind lr, $3  }
0x3a: {  	_ = 	snop  }
0x3b: {  	_ = 	snop  }
0x3c: {  	p2 =	seq.s32 s10, $0x1;
	s10 =	sld [smem:$0x3FB6]  }
0x3d: {  	_ =	shalt  }
0x3e: {  	_ =	shalt  }
0x3f: {  	_ =	shalt  }
0x40: {  	_ =	shalt  }
0x41: {  	_ =	shalt  }
0x42: {  	_ =	shalt  }
0x43: {  	_ =	shalt  }
0x44: {  	_ =	shalt  }
0x45: {  	_ =	shalt  }
0x46: {  	_ =	shalt  }
0x47: {  	_ =	shalt  }
0x48: {  	_ =	shalt  }
0x49: {  	_ =	shalt  }
0x4a: {  	_ =	shalt  }
0x4b: {  	_ =	shalt  }
0x4c: {  	_ =	shalt  }
0x4d: {  	_ =	shalt  }
0x4e: {  	_ =	shalt  }
0x4f: {  	_ =	shalt  }
0x50: {  	_ =	shalt  }
0x51: {  	_ =	shalt  }
0x52: {  	_ =	shalt  }
0x53: {  	_ =	shalt  }
0x54: {  	_ =	shalt  }
0x55: {  	_ =	shalt  }
0x56: {  	_ =	shalt  }
0x57: {  	_ =	shalt  }
0x58: {  	_ =	shalt  }
0x59: {  	_ =	shalt  }
0x5a: {  	_ =	shalt  }
0x5b: {  	_ =	shalt  }
0x5c: {  	_ =	shalt  }
0x5d: {  	_ =	shalt  }
0x5e: {  	_ =	shalt  }
0x5f: {  	_ =	shalt  }
0x60: {  	_ =	shalt  }
0x61: {  	_ =	shalt  }
0x62: {  	_ =	shalt  }
0x63: {  	_ =	shalt  }
0x64: {  	_ =	shalt  }
0x65: {  	_ =	shalt  }
0x66: {  	_ =	shalt  }
0x67: {  	_ =	shalt  }
0x68: {  	_ =	shalt  }
0x69: {  	_ =	shalt  }
0x6a: {  	_ =	shalt  }
0x6b: {  	_ =	shalt  }
0x6c: {  	_ =	shalt  }
0x6d: {  	_ =	shalt  }
0x6e: {  	_ =	shalt  }
0x6f: {  	_ =	shalt  }
0x70: {  	_ =	shalt  }
0x71: {  	_ =	shalt  }
0x72: {  	_ =	shalt  }
0x73: {  	_ =	shalt  }
0x74: {  	_ =	shalt  }
0x75: {  	_ =	shalt  }
0x76: {  	_ =	shalt  }
0x77: {  	_ =	shalt  }
0x78: {  	_ =	shalt  }
0x79: {  	_ =	shalt  }
0x7a: {  	_ =	shalt  }
0x7b: {  	_ =	shalt  }
0x7c: {  	_ =	shalt  }
0x7d: {  	_ =	shalt  }
0x7e: {  	_ =	shalt  }
0x7f: {  	_ =	shalt  }
0x80: {  	_ =	shalt  }
0x81: {  	_ =	shalt  }
0x82: {  	_ =	shalt  }
0x83: {  	_ =	shalt  }
0x84: {  	_ =	shalt  }
0x85: {  	_ =	shalt  }
0x86: {  	_ =	shalt  }
0x87: {  	_ =	shalt  }
.Lfunc_end0:
.L_simem_size_0:
called_computation.1_lowered:
.L_overlay_start_0:
0x88: {  	s2 =	sld [smem:$0x3FD9]  }
0x89: {  	s3 =	sld [smem:$0x3FFE];
	_ =	sdelay $0x1  }
0x8a: {  	s1 =	srdreg.scid  }
0x8b: {  	s0 =	sand.u32 $0x1, s1  }
0x8c: {  	s14 =	sshll.u32 s0, $0xA;
	s2 =	sadd.s32 s3, s2  }
0x8d: {  	s2 =	sadd.s32 s2, s14  }
0x8e: {  	[smem:$0x3FC2] =	sst s2  }
0x8f: {  	_ = 	snop  }
0x90: {  	s2 =	sld [smem:$0x3FD0];
	_ =	sdelay $0x2  }
0x91: {  	s15 =	simm.s32 $0xA;
	s4 =	simm.s32 $0x10  }
0x92: {  	[smem:s4], [sflag:s15] =	dma.local [hbm:s2], $0x1  }
0x93: {  	_ =	swait.eq [sflag:s15], $0x1  }
0x94: {  	s16 =	sld [smem:$0x10];
	[sflag:s15] =	ssyncset.done $0x0  }
0x95: {  	s17 =	sld [smem:$0x11];
	[sflag:s15] =	ssyncadd.s32 $0xFFFFFFFF  }
0x96: {  	s18 =	sld [smem:$0x12];
	(tm) =	ssettm $0x1  }
0x97: {  	s5 =	sld [smem:$0x3FFB];
	_ =	sdelay $0x3  }
0x98: {  	_ =	strace s5  }
0x99: {  	s5 =	sld [smem:$0x3FFC];
	_ =	sdelay $0x3  }
0x9a: {  	_ =	strace s5  }
0x9b: {  	s5 =	sld [smem:$0x3FFD];
	_ =	sdelay $0x3  }
0x9c: {  	_ =	strace s5  }
0x9d: {  	_ =	strace $0x8FFFFFFF  }
0x9e: {  	s19 =	sld [smem:$0x3FDB];
	_ =	sdelay $0x1  }
0x9f: {  	s6 =	simm.s32 $_scs_section_size  }
0xa0: {  	s7 =	simm.s32 $_size__tile_overlayer_lowered;
	s8 =	simm.s32 $_tile_overlayer_lowered  }
0xa1: {  	s22 =	simm.s32 $0x1BFF;
	s21 =	sshll.u32 s8, $0x1;
	s5 =	sadd.s32 s6, s19  }
0xa2: {  	s9 =	simm.s32 $0x0;
	s20 =	sshll.u32 s7, $0x1;
	s7 =	sadd.s32 s21, s5  }
0xa3: {  	[timem:s9], [sflag:s22] =	dma.local [hbm:s7], s20  }
0xa4: {  	_ =	swait.ge [sflag:s22], s20  }
0xa5: {  	s6 =	ssub.s32 $0x0, s20;
	[sflag:s22] =	ssyncset.done $0x0  }
0xa6: {  	[sflag:s22] =	ssyncadd.s32 s6;
	_ =	sdelay $0x1  }
0xa7: {  	s23 =	simm.s32 $0x1B8B  }
0xa8: {  	_ =	swait.ge [sflag:s23], $0x1  }
0xa9: {  	[sflag:s23] =	ssyncset.done $0x0  }
0xaa: {  	s25 =	simm.s32 $0x1B8E;
	s24 =	sld [smem:$0x3FFE];
	[sflag:s23] =	ssyncadd.s32 $0xFFFFFFFF  }
0xab: {  	s26 =	simm.s32 $execute0_lowered;
	[smem:$0x3FD2] =	sst s25  }
0xac: {  	s7 =	sshll.u32 s26, $0x1;
	_ =	strace $0x80000049;
	[dreg:$0x1] =	wrdreg $0xFFFFFFFF  }
0xad: {  	s28 =	simm.s32 $_size_execute0_lowered;
	s5 =	sadd.s32 s5, s7;
	[dreg:$0x0] =	wrdreg $0x0  }
0xae: {  	s7 =	sshll.u32 s28, $0x1;
	[dreg:$0x2] =	wrdreg s5  }
0xaf: {  	[dreg:$0x3] =	wrdreg s7  }
0xb0: {  	[dreg:$0x4] =	wrdreg $0xC0  }
0xb1: {  	_ =	task [dreg:s9], $0x5FFFF  }
0xb2: {  	[dreg:$0x1] =	wrdreg $0xFFFFFFFF  }
0xb3: {  	[dreg:$0x0] =	wrdreg $0x60  }
0xb4: {  	[dreg:$0x2] =	wrdreg s16  }
0xb5: {  	[dreg:$0x3] =	wrdreg s17  }
0xb6: {  	[dreg:$0x4] =	wrdreg s24  }
0xb7: {  	[dreg:$0x5] =	wrdreg s18  }
0xb8: {  	[dreg:$0x6] =	wrdreg $0x9  }
0xb9: {  	_ =	task.clear_ibuf [dreg:s9], $0x7FFFF;
	_ =	strace $0x90000049  }
0xba: {  	s29 =	simm.s32 $0x9;
	_ =	strace $0x8000004B  }
0xbb: {  	_ =	swait.ge [sflag:s29], $0x1  }
0xbc: {  	[sflag:s29] =	ssyncadd.s32 $0xFFFFFFFF  }
0xbd: {  	_ =	strace $0x9000004B  }
0xbe: {  	_ =	sfence  }
0xbf: {  	s30 =	sld [smem:$0x0];
	_ =	sdelay $0x2  }
0xc0: {  	s31 =	sshll.u32 s1, $0xD;
	s1 =	sshrl.u32 s1, $0x2  }
0xc1: {  	s3 =	sand.u32 $0x4000, s31;
	s1 =	sadd.s32 s1, s30  }
0xc2: {  	s0 =	sor.u32 s3, s0;
	s1 =	sshll.u32 s1, $0x11  }
0xc3: {  	s0 =	sor.u32 s1, s0  }
0xc4: {  	s0 =	sadd.s32 $0x8F2B, s0  }
0xc5: {  	[sflag:s0] =	ssyncadd.remote.s32 $0x1  }
0xc6: {  	_ =	sfence.sel $0xFFFF  }
0xc7: {  	[dreg:$0x0] =	wrdreg $0xFFFFFFFF;
	(pc) =	sbr.abs _section_cstart, $3  }
0xc8: {  	[dreg:$0x1] =	wrdreg $0xFFFFFFFF  }
0xc9: {  	_ =	task.clear_ibuf [dreg:s9], $0x2FFFF;
	_ =	strace $0x9FFFFFFF  }
0xca: {  	(tm) =	ssettm $0x7FFFFFFF  }
0xcb: {  	_ =	shalt  }
tec
execute0_lowered:
.L_overlay_start_1:
0x0: {  	(tag) =	ssettag $0x1  }
0x1: {  	s0 =	srdreg.scid  }
0x2: {  	s7 =	sand.u32 $0x1, s0  }
0x3: {  	s1 =	stileid.u32;
	s8 =	sshll.u32 s7, $0x4  }
0x4: {  	s8 =	sor.u32 s1, s8  }
0x5: {  	s6 =	rddreg [dreg:$0x0];
	p0 =	sgt.u32 s8, $0x3  }
.Ltmp0:
0x6: {  	s3 =	rddreg [dreg:$0x1];
	(pc) =	sbr.rel @p0 .LBB2_6-.Ltmp0, $4  }
0x7: {  	s4 =	rddreg [dreg:$0x2]  }
0x8: {  	s5 =	rddreg [dreg:$0x3];
	s2 =	simm.s32 $0x0  }
0x9: {  	[smem:$0x7FF] =	sst s2  }
0xa: {  	s0 =	rddreg [dreg:$0x4];
	_ =	strace $0x8000004A  }
0xb: {  	vm0 =	vmmov $0x1  }
0xc: {  	vm1 =	vmmov $0x3;
	v0 =	vimm.s32 $0x0;
	vm3 =	vmmov $0xf  }
0xd: {  	s8 =	sshll.u32 s1, $0x4;
	s7 =	ssub.s32 $0x2, s7;
	vm4 =	vmmov $0x1f;
	vm5 =	vmmov $0x3f;
	vm6 =	vmmov $0x7f;
	s10 =	simm.s32 $0x1  }
.Ltmp1:
0xe: {  	vm7 =	vmmov $0xff;
	vm8 =	vmmov $0x1ff;
	s11 =	simm.s32 $0x180;
	s12 =	simm.s32 $0x300;
	v0 =	vsel vm1, $0xFFFFFFFF, v0;
	(pc) =	sbr.rel .LBB2_2-.Ltmp1, $4  }
0xf: {  	vm9 =	vmmov $0x3ff;
	s13 =	simm.s32 $0xB00;
	s14 =	simm.s32 $0x0;
	vm1 =	vmmov $0x7;
	s4 =	sadd.s32 s8, s4;
	[tilespmem:$0x1FFE0] =	vst v0;
	v0 =	vimm.s32 $0x0  }
0x10: {  	vm10 =	vmmov $0x7ff;
	vm11 =	vmmov $0xfff;
	s3 =	sadd.s32 s3, s8;
	s9 =	sshrl.u32 s7, $0x1;
	s5 =	sadd.s32 s5, s8;
	v0 =	vsel vm1, $0xFFFFFFFF, v0  }
0x11: {  	vm12 =	vmmov $0x1fff;
	vm13 =	vmmov $0x3fff;
	s6 =	sadd.s32 s6, s8;
	s8 =	simm.s32 $0x80;
	s7 =	ssub.s32 s7, s9;
	[tilespmem:$0x1FFF0] =	vst v0;
	v0 =	vlaneseq.u32  }
0x12: {  	vm14 =	vmmov $0x7fff;
	v1 =	vimm.s32 $0x0;
	s4 =	sadd.s32 $0x1C00, s4;
	s9 =	simm.s32 $0x200;
	s7 =	smax.u32 s7, $0x1;
	v2 =	vor.u32 $0x10, v0  }
.LBB2_5:
0x13: {  	v4 =	vadd.f32 v9, v3;
	_ =	sdelay $0x1  }
0x14: {  	v3 =	vsel vm15, v4, v3  }
0x15: {  	v3 =	vadd.f32 $9.999999930e-09, v3;
	_ =	sdelay $0x1  }
0x16: {  	(erf) = vrcp.f32 v3;
	_ =	sdelay $0x4  }
0x17: {  	v30 =	vld [tilespmem:$0x300]  }
0x18: {  	v5 =	vld [tilespmem:$0x310]  }
0x19: {  	v6 =	vld [tilespmem:$0x320]  }
0x1a: {  	v7 =	vld [tilespmem:$0x330]  }
0x1b: {  	v8 =	vld [tilespmem:$0x340];
	v3 =	vpop (erf)  }
0x1c: {  	v31 =	vld [tilespmem:$0x350];
	v4 =	vmul.f32 v30, v3  }
0x1d: {  	v10 =	vld [tilespmem:$0x360];
	v5 =	vmul.f32 v5, v3  }
0x1e: {  	v33 =	vld [tilespmem:$0x370];
	v32 =	vmul.f32 v6, v3;
	[tilespmem:$0xB00] =	vst v4  }
0x1f: {  	v35 =	vld [tilespmem:$0x380];
	v34 =	vmul.f32 v7, v3;
	[tilespmem:$0xB10] =	vst v5  }
0x20: {  	v37 =	vld [tilespmem:$0x390];
	v36 =	vmul.f32 v8, v3;
	[tilespmem:$0xB20] =	vst v32  }
0x21: {  	v39 =	vld [tilespmem:$0x3A0];
	v38 =	vmul.f32 v31, v3;
	[tilespmem:$0xB30] =	vst v34  }
0x22: {  	v41 =	vld [tilespmem:$0x3B0];
	v40 =	vmul.f32 v10, v3;
	[tilespmem:$0xB40] =	vst v36  }
0x23: {  	v43 =	vld [tilespmem:$0x3C0];
	v42 =	vmul.f32 v33, v3;
	[tilespmem:$0xB50] =	vst v38  }
0x24: {  	v45 =	vld [tilespmem:$0x3D0];
	v44 =	vmul.f32 v35, v3;
	[tilespmem:$0xB60] =	vst v40  }
0x25: {  	v47 =	vld [tilespmem:$0x3E0];
	v46 =	vmul.f32 v37, v3;
	[tilespmem:$0xB70] =	vst v42  }
0x26: {  	v49 =	vld [tilespmem:$0x3F0];
	v48 =	vmul.f32 v39, v3;
	[tilespmem:$0xB80] =	vst v44  }
0x27: {  	v51 =	vld [tilespmem:$0x400];
	v50 =	vmul.f32 v41, v3;
	[tilespmem:$0xB90] =	vst v46  }
0x28: {  	v53 =	vld [tilespmem:$0x410];
	v52 =	vmul.f32 v43, v3;
	[tilespmem:$0xBA0] =	vst v48  }
0x29: {  	v55 =	vld [tilespmem:$0x420];
	v54 =	vmul.f32 v45, v3;
	[tilespmem:$0xBB0] =	vst v50  }
0x2a: {  	v57 =	vld [tilespmem:$0x430];
	v56 =	vmul.f32 v47, v3;
	[tilespmem:$0xBC0] =	vst v52  }
0x2b: {  	v59 =	vld [tilespmem:$0x440];
	v58 =	vmul.f32 v49, v3;
	[tilespmem:$0xBD0] =	vst v54  }
0x2c: {  	v61 =	vld [tilespmem:$0x450];
	v60 =	vmul.f32 v51, v3;
	[tilespmem:$0xBE0] =	vst v56  }
0x2d: {  	v63 =	vld [tilespmem:$0x460];
	v62 =	vmul.f32 v53, v3;
	[tilespmem:$0xBF0] =	vst v58  }
0x2e: {  	v13 =	vld [tilespmem:$0x470];
	v12 =	vmul.f32 v55, v3;
	[tilespmem:$0xC00] =	vst v60  }
0x2f: {  	v15 =	vld [tilespmem:$0x480];
	v14 =	vmul.f32 v57, v3;
	[tilespmem:$0xC10] =	vst v62  }
0x30: {  	v17 =	vld [tilespmem:$0x490];
	v16 =	vmul.f32 v59, v3;
	[tilespmem:$0xC20] =	vst v12  }
0x31: {  	v19 =	vld [tilespmem:$0x4A0];
	v18 =	vmul.f32 v61, v3;
	[tilespmem:$0xC30] =	vst v14  }
0x32: {  	v21 =	vld [tilespmem:$0x4B0];
	v20 =	vmul.f32 v63, v3;
	[tilespmem:$0xC40] =	vst v16  }
0x33: {  	v23 =	vld [tilespmem:$0x4C0];
	v22 =	vmul.f32 v13, v3;
	[tilespmem:$0xC50] =	vst v18  }
0x34: {  	v25 =	vld [tilespmem:$0x4D0];
	v24 =	vmul.f32 v15, v3;
	[tilespmem:$0xC60] =	vst v20  }
0x35: {  	v27 =	vld [tilespmem:$0x4E0];
	v26 =	vmul.f32 v17, v3;
	[tilespmem:$0xC70] =	vst v22  }
0x36: {  	v29 =	vld [tilespmem:$0x4F0];
	v28 =	vmul.f32 v19, v3;
	[tilespmem:$0xC80] =	vst v24  }
0x37: {  	v30 =	vmul.f32 v21, v3;
	v31 =	vld [tilespmem:$0x500];
	[tilespmem:$0xC90] =	vst v26  }
0x38: {  	v33 =	vld [tilespmem:$0x510];
	[tilespmem:$0xCA0] =	vst v28;
	v32 =	vmul.f32 v23, v3  }
0x39: {  	v35 =	vld [tilespmem:$0x520];
	[tilespmem:$0xCB0] =	vst v30;
	v34 =	vmul.f32 v25, v3  }
0x3a: {  	v37 =	vld [tilespmem:$0x530];
	v36 =	vmul.f32 v27, v3;
	[tilespmem:$0xCC0] =	vst v32  }
0x3b: {  	v39 =	vld [tilespmem:$0x540];
	v38 =	vmul.f32 v29, v3;
	[tilespmem:$0xCD0] =	vst v34  }
0x3c: {  	v41 =	vld [tilespmem:$0x550];
	[tilespmem:$0xCE0] =	vst v36;
	v40 =	vmul.f32 v31, v3  }
0x3d: {  	v43 =	vld [tilespmem:$0x560];
	[tilespmem:$0xCF0] =	vst v38;
	v42 =	vmul.f32 v33, v3  }
0x3e: {  	v45 =	vld [tilespmem:$0x570];
	v44 =	vmul.f32 v35, v3;
	[tilespmem:$0xD00] =	vst v40  }
0x3f: {  	v47 =	vld [tilespmem:$0x580];
	v46 =	vmul.f32 v37, v3;
	[tilespmem:$0xD10] =	vst v42  }
0x40: {  	v49 =	vld [tilespmem:$0x590];
	v48 =	vmul.f32 v39, v3;
	[tilespmem:$0xD20] =	vst v44  }
0x41: {  	v51 =	vld [tilespmem:$0x5A0];
	v50 =	vmul.f32 v41, v3;
	[tilespmem:$0xD30] =	vst v46  }
0x42: {  	v53 =	vld [tilespmem:$0x5B0];
	v52 =	vmul.f32 v43, v3;
	[tilespmem:$0xD40] =	vst v48  }
0x43: {  	v55 =	vld [tilespmem:$0x5C0];
	v54 =	vmul.f32 v45, v3;
	[tilespmem:$0xD50] =	vst v50  }
0x44: {  	v57 =	vld [tilespmem:$0x5D0];
	v56 =	vmul.f32 v47, v3;
	[tilespmem:$0xD60] =	vst v52  }
0x45: {  	v59 =	vld [tilespmem:$0x5E0];
	v58 =	vmul.f32 v49, v3;
	[tilespmem:$0xD70] =	vst v54  }
0x46: {  	v61 =	vld [tilespmem:$0x5F0];
	v60 =	vmul.f32 v51, v3;
	[tilespmem:$0xD80] =	vst v56  }
0x47: {  	v63 =	vld [tilespmem:$0x600];
	v62 =	vmul.f32 v53, v3;
	[tilespmem:$0xD90] =	vst v58  }
0x48: {  	v13 =	vld [tilespmem:$0x610];
	v12 =	vmul.f32 v55, v3;
	[tilespmem:$0xDA0] =	vst v60  }
0x49: {  	v15 =	vld [tilespmem:$0x620];
	v14 =	vmul.f32 v57, v3;
	[tilespmem:$0xDB0] =	vst v62  }
0x4a: {  	v17 =	vld [tilespmem:$0x630];
	v16 =	vmul.f32 v59, v3;
	[tilespmem:$0xDC0] =	vst v12  }
0x4b: {  	v19 =	vld [tilespmem:$0x640];
	v18 =	vmul.f32 v61, v3;
	[tilespmem:$0xDD0] =	vst v14  }
0x4c: {  	v21 =	vld [tilespmem:$0x650];
	v20 =	vmul.f32 v63, v3;
	[tilespmem:$0xDE0] =	vst v16  }
0x4d: {  	v23 =	vld [tilespmem:$0x660];
	v22 =	vmul.f32 v13, v3;
	[tilespmem:$0xDF0] =	vst v18  }
0x4e: {  	v25 =	vld [tilespmem:$0x670];
	v24 =	vmul.f32 v15, v3;
	[tilespmem:$0xE00] =	vst v20  }
0x4f: {  	v27 =	vld [tilespmem:$0x680];
	v26 =	vmul.f32 v17, v3;
	[tilespmem:$0xE10] =	vst v22  }
0x50: {  	v29 =	vld [tilespmem:$0x690];
	v28 =	vmul.f32 v19, v3;
	[tilespmem:$0xE20] =	vst v24  }
0x51: {  	v30 =	vmul.f32 v21, v3;
	v31 =	vld [tilespmem:$0x6A0];
	[tilespmem:$0xE30] =	vst v26  }
0x52: {  	v33 =	vld [tilespmem:$0x6B0];
	[tilespmem:$0xE40] =	vst v28;
	v32 =	vmul.f32 v23, v3  }
0x53: {  	v35 =	vld [tilespmem:$0x6C0];
	[tilespmem:$0xE50] =	vst v30;
	v34 =	vmul.f32 v25, v3  }
0x54: {  	v37 =	vld [tilespmem:$0x6D0];
	v36 =	vmul.f32 v27, v3;
	[tilespmem:$0xE60] =	vst v32  }
0x55: {  	v39 =	vld [tilespmem:$0x6E0];
	v38 =	vmul.f32 v29, v3;
	[tilespmem:$0xE70] =	vst v34  }
0x56: {  	v41 =	vld [tilespmem:$0x6F0];
	[tilespmem:$0xE80] =	vst v36;
	v40 =	vmul.f32 v31, v3  }
0x57: {  	v43 =	vld [tilespmem:$0x700];
	[tilespmem:$0xE90] =	vst v38;
	v42 =	vmul.f32 v33, v3  }
0x58: {  	v45 =	vld [tilespmem:$0x710];
	v44 =	vmul.f32 v35, v3;
	[tilespmem:$0xEA0] =	vst v40  }
0x59: {  	v47 =	vld [tilespmem:$0x720];
	v46 =	vmul.f32 v37, v3;
	[tilespmem:$0xEB0] =	vst v42  }
0x5a: {  	v49 =	vld [tilespmem:$0x730];
	v48 =	vmul.f32 v39, v3;
	[tilespmem:$0xEC0] =	vst v44  }
0x5b: {  	v51 =	vld [tilespmem:$0x740];
	v50 =	vmul.f32 v41, v3;
	[tilespmem:$0xED0] =	vst v46  }
0x5c: {  	v53 =	vld [tilespmem:$0x750];
	v52 =	vmul.f32 v43, v3;
	[tilespmem:$0xEE0] =	vst v48  }
0x5d: {  	v55 =	vld [tilespmem:$0x760];
	v54 =	vmul.f32 v45, v3;
	[tilespmem:$0xEF0] =	vst v50  }
0x5e: {  	v57 =	vld [tilespmem:$0x770];
	v56 =	vmul.f32 v47, v3;
	[tilespmem:$0xF00] =	vst v52  }
0x5f: {  	v59 =	vld [tilespmem:$0x780];
	v58 =	vmul.f32 v49, v3;
	[tilespmem:$0xF10] =	vst v54  }
0x60: {  	v61 =	vld [tilespmem:$0x790];
	v60 =	vmul.f32 v51, v3;
	[tilespmem:$0xF20] =	vst v56  }
0x61: {  	v63 =	vld [tilespmem:$0x7A0];
	v62 =	vmul.f32 v53, v3;
	[tilespmem:$0xF30] =	vst v58  }
0x62: {  	v13 =	vld [tilespmem:$0x7B0];
	v12 =	vmul.f32 v55, v3;
	[tilespmem:$0xF40] =	vst v60  }
0x63: {  	v15 =	vld [tilespmem:$0x7C0];
	v14 =	vmul.f32 v57, v3;
	[tilespmem:$0xF50] =	vst v62  }
0x64: {  	v17 =	vld [tilespmem:$0x7D0];
	v16 =	vmul.f32 v59, v3;
	[tilespmem:$0xF60] =	vst v12  }
0x65: {  	v19 =	vld [tilespmem:$0x7E0];
	v18 =	vmul.f32 v61, v3;
	[tilespmem:$0xF70] =	vst v14  }
0x66: {  	v21 =	vld [tilespmem:$0x7F0];
	v20 =	vmul.f32 v63, v3;
	[tilespmem:$0xF80] =	vst v16  }
0x67: {  	v23 =	vld [tilespmem:$0x800];
	v22 =	vmul.f32 v13, v3;
	[tilespmem:$0xF90] =	vst v18  }
0x68: {  	v25 =	vld [tilespmem:$0x810];
	v24 =	vmul.f32 v15, v3;
	[tilespmem:$0xFA0] =	vst v20  }
0x69: {  	v27 =	vld [tilespmem:$0x820];
	v26 =	vmul.f32 v17, v3;
	[tilespmem:$0xFB0] =	vst v22  }
0x6a: {  	v29 =	vld [tilespmem:$0x830];
	v28 =	vmul.f32 v19, v3;
	[tilespmem:$0xFC0] =	vst v24  }
0x6b: {  	v30 =	vmul.f32 v21, v3;
	v31 =	vld [tilespmem:$0x840];
	[tilespmem:$0xFD0] =	vst v26  }
0x6c: {  	v33 =	vld [tilespmem:$0x850];
	[tilespmem:$0xFE0] =	vst v28;
	v32 =	vmul.f32 v23, v3  }
0x6d: {  	v35 =	vld [tilespmem:$0x860];
	[tilespmem:$0xFF0] =	vst v30;
	v34 =	vmul.f32 v25, v3  }
0x6e: {  	v37 =	vld [tilespmem:$0x870];
	v36 =	vmul.f32 v27, v3;
	[tilespmem:$0x1000] =	vst v32  }
0x6f: {  	v39 =	vld [tilespmem:$0x880];
	v38 =	vmul.f32 v29, v3;
	[tilespmem:$0x1010] =	vst v34  }
0x70: {  	v41 =	vld [tilespmem:$0x890];
	[tilespmem:$0x1020] =	vst v36;
	v40 =	vmul.f32 v31, v3  }
0x71: {  	v43 =	vld [tilespmem:$0x8A0];
	[tilespmem:$0x1030] =	vst v38;
	v42 =	vmul.f32 v33, v3  }
0x72: {  	v45 =	vld [tilespmem:$0x8B0];
	v44 =	vmul.f32 v35, v3;
	[tilespmem:$0x1040] =	vst v40  }
0x73: {  	v47 =	vld [tilespmem:$0x8C0];
	v46 =	vmul.f32 v37, v3;
	[tilespmem:$0x1050] =	vst v42  }
0x74: {  	v49 =	vld [tilespmem:$0x8D0];
	v48 =	vmul.f32 v39, v3;
	[tilespmem:$0x1060] =	vst v44  }
0x75: {  	v51 =	vld [tilespmem:$0x8E0];
	v50 =	vmul.f32 v41, v3;
	[tilespmem:$0x1070] =	vst v46  }
0x76: {  	v53 =	vld [tilespmem:$0x8F0];
	v52 =	vmul.f32 v43, v3;
	[tilespmem:$0x1080] =	vst v48  }
0x77: {  	v55 =	vld [tilespmem:$0x900];
	v54 =	vmul.f32 v45, v3;
	[tilespmem:$0x1090] =	vst v50  }
0x78: {  	v57 =	vld [tilespmem:$0x910];
	v56 =	vmul.f32 v47, v3;
	[tilespmem:$0x10A0] =	vst v52  }
0x79: {  	v59 =	vld [tilespmem:$0x920];
	v58 =	vmul.f32 v49, v3;
	[tilespmem:$0x10B0] =	vst v54  }
0x7a: {  	v61 =	vld [tilespmem:$0x930];
	v60 =	vmul.f32 v51, v3;
	[tilespmem:$0x10C0] =	vst v56  }
0x7b: {  	v63 =	vld [tilespmem:$0x940];
	v62 =	vmul.f32 v53, v3;
	[tilespmem:$0x10D0] =	vst v58  }
0x7c: {  	v13 =	vld [tilespmem:$0x950];
	v12 =	vmul.f32 v55, v3;
	[tilespmem:$0x10E0] =	vst v60  }
0x7d: {  	v15 =	vld [tilespmem:$0x960];
	v14 =	vmul.f32 v57, v3;
	[tilespmem:$0x10F0] =	vst v62  }
0x7e: {  	v17 =	vld [tilespmem:$0x970];
	v16 =	vmul.f32 v59, v3;
	[tilespmem:$0x1100] =	vst v12  }
0x7f: {  	v19 =	vld [tilespmem:$0x980];
	v18 =	vmul.f32 v61, v3;
	[tilespmem:$0x1110] =	vst v14  }
0x80: {  	v21 =	vld [tilespmem:$0x990];
	v20 =	vmul.f32 v63, v3;
	[tilespmem:$0x1120] =	vst v16  }
0x81: {  	v23 =	vld [tilespmem:$0x9A0];
	v22 =	vmul.f32 v13, v3;
	[tilespmem:$0x1130] =	vst v18  }
0x82: {  	v25 =	vld [tilespmem:$0x9B0];
	v24 =	vmul.f32 v15, v3;
	[tilespmem:$0x1140] =	vst v20  }
0x83: {  	v27 =	vld [tilespmem:$0x9C0];
	v26 =	vmul.f32 v17, v3;
	[tilespmem:$0x1150] =	vst v22  }
0x84: {  	v29 =	vld [tilespmem:$0x9D0];
	v28 =	vmul.f32 v19, v3;
	[tilespmem:$0x1160] =	vst v24  }
0x85: {  	v30 =	vmul.f32 v21, v3;
	v31 =	vld [tilespmem:$0x9E0];
	[tilespmem:$0x1170] =	vst v26  }
0x86: {  	v33 =	vld [tilespmem:$0x9F0];
	[tilespmem:$0x1180] =	vst v28;
	v32 =	vmul.f32 v23, v3  }
0x87: {  	v35 =	vld [tilespmem:$0xA00];
	[tilespmem:$0x1190] =	vst v30;
	v34 =	vmul.f32 v25, v3  }
0x88: {  	v37 =	vld [tilespmem:$0xA10];
	v36 =	vmul.f32 v27, v3;
	[tilespmem:$0x11A0] =	vst v32  }
0x89: {  	v39 =	vld [tilespmem:$0xA20];
	v38 =	vmul.f32 v29, v3;
	[tilespmem:$0x11B0] =	vst v34  }
0x8a: {  	v41 =	vld [tilespmem:$0xA30];
	[tilespmem:$0x11C0] =	vst v36;
	v40 =	vmul.f32 v31, v3  }
0x8b: {  	v43 =	vld [tilespmem:$0xA40];
	[tilespmem:$0x11D0] =	vst v38;
	v42 =	vmul.f32 v33, v3  }
0x8c: {  	v45 =	vld [tilespmem:$0xA50];
	v44 =	vmul.f32 v35, v3;
	[tilespmem:$0x11E0] =	vst v40  }
0x8d: {  	v47 =	vld [tilespmem:$0xA60];
	v46 =	vmul.f32 v37, v3;
	[tilespmem:$0x11F0] =	vst v42  }
0x8e: {  	v49 =	vld [tilespmem:$0xA70];
	v48 =	vmul.f32 v39, v3;
	[tilespmem:$0x1200] =	vst v44  }
0x8f: {  	v51 =	vld [tilespmem:$0xA80];
	v50 =	vmul.f32 v41, v3;
	[tilespmem:$0x1210] =	vst v46  }
0x90: {  	v53 =	vld [tilespmem:$0xA90];
	v52 =	vmul.f32 v43, v3;
	[tilespmem:$0x1220] =	vst v48  }
0x91: {  	v55 =	vld [tilespmem:$0xAA0];
	v54 =	vmul.f32 v45, v3;
	[tilespmem:$0x1230] =	vst v50  }
0x92: {  	v57 =	vld [tilespmem:$0xAB0];
	v56 =	vmul.f32 v47, v3;
	[tilespmem:$0x1240] =	vst v52  }
0x93: {  	v59 =	vld [tilespmem:$0xAC0];
	v58 =	vmul.f32 v49, v3;
	[tilespmem:$0x1250] =	vst v54  }
0x94: {  	v60 =	vmul.f32 v51, v3;
	[tilespmem:$0x1260] =	vst v56  }
0x95: {  	v61 =	vmul.f32 v53, v3;
	[tilespmem:$0x1270] =	vst v58  }
0x96: {  	v62 =	vmul.f32 v55, v3;
	[tilespmem:$0x1280] =	vst v60  }
0x97: {  	v63 =	vmul.f32 v57, v3;
	[tilespmem:$0x1290] =	vst v61  }
0x98: {  	v3 =	vmul.f32 v59, v3;
	[tilespmem:$0x12A0] =	vst v62  }
0x99: {  	[tilespmem:$0x12B0] =	vst v63  }
0x9a: {  	[tilespmem:$0x12C0] =	vst v3  }
0x9b: {  	[hbm4b:s4+s8] =	stream.strided.scatter [tilespmem:s12], [sflag:$0x1], $0x800, s9, s8, $0x38;
	[tilespmem:$0x1300] =	vst v63  }
0x9c: {  	s14 =	sadd.s32 $0x1, s14;
	_ =	swait.ge [sflag:s10], $0x800  }
0x9d: {  	p0 =	sne.s32 s14, s7;
	[sflag:s10] =	ssyncset.done $0x0  }
.Ltmp2:
0x9e: {  	[sflag:s10] =	ssyncadd.s32 $0xFFFFF800;
	(pc) =	sbr.rel @!p0 .LBB2_6-.Ltmp2, $4  }
0x9f: {  	[hbm4b:s5+s8] =	stream.strided.scatter [tilespmem:s13], [sflag:$0x1], $0x800, s9, s8, $0x38;
	[tilespmem:$0x1300] =	vst v63  }
0xa0: {  	_ =	swait.ge [sflag:s10], $0x800  }
0xa1: {  	[sflag:s10] =	ssyncset.done $0x0  }
0xa2: {  	[sflag:s10] =	ssyncadd.s32 $0xFFFFF800  }
.LBB2_2:
0xa3: {  	[tilespmem:s2], [sflag:$0x1] =	stream.strided.gather [hbm4b:s6+s8], $0x180, s9, s8, $0x38;
	[tilespmem:$0x1300] =	vst v63  }
0xa4: {  	_ =	swait.ge [sflag:s10], $0x180  }
0xa5: {  	[sflag:s10] =	ssyncset.done $0x0  }
0xa6: {  	[sflag:s10] =	ssyncadd.s32 $0xFFFFFE80  }
0xa7: {  	[tilespmem:s11], [sflag:$0x1] =	stream.strided.gather [hbm4b:s3+s8], $0x180, s9, s8, $0x38;
	[tilespmem:$0x1300] =	vst v63  }
0xa8: {  	_ =	swait.ge [sflag:s10], $0x180  }
0xa9: {  	[sflag:s10] =	ssyncset.done $0x0  }
0xaa: {  	v3 =	vimm.f32 $0.0e+00;
	[sflag:s10] =	ssyncadd.s32 $0xFFFFFE80  }
0xab: {  	[tilespmem:$0x300] =	vst v3  }
0xac: {  	[tilespmem:$0x310] =	vst v3  }
0xad: {  	[tilespmem:$0x320] =	vst v3  }
0xae: {  	[tilespmem:$0x330] =	vst v3  }
0xaf: {  	[tilespmem:$0x340] =	vst v3  }
0xb0: {  	[tilespmem:$0x350] =	vst v3  }
0xb1: {  	[tilespmem:$0x360] =	vst v3  }
0xb2: {  	[tilespmem:$0x370] =	vst v3  }
0xb3: {  	[tilespmem:$0x380] =	vst v3  }
0xb4: {  	[tilespmem:$0x390] =	vst v3  }
0xb5: {  	[tilespmem:$0x3A0] =	vst v3  }
0xb6: {  	[tilespmem:$0x3B0] =	vst v3  }
0xb7: {  	[tilespmem:$0x3C0] =	vst v3  }
0xb8: {  	[tilespmem:$0x3D0] =	vst v3  }
0xb9: {  	[tilespmem:$0x3E0] =	vst v3  }
0xba: {  	[tilespmem:$0x3F0] =	vst v3  }
0xbb: {  	[tilespmem:$0x400] =	vst v3  }
0xbc: {  	[tilespmem:$0x410] =	vst v3  }
0xbd: {  	[tilespmem:$0x420] =	vst v3  }
0xbe: {  	[tilespmem:$0x430] =	vst v3  }
0xbf: {  	[tilespmem:$0x440] =	vst v3  }
0xc0: {  	[tilespmem:$0x450] =	vst v3  }
0xc1: {  	[tilespmem:$0x460] =	vst v3  }
0xc2: {  	[tilespmem:$0x470] =	vst v3  }
0xc3: {  	[tilespmem:$0x480] =	vst v3  }
0xc4: {  	[tilespmem:$0x490] =	vst v3  }
0xc5: {  	[tilespmem:$0x4A0] =	vst v3  }
0xc6: {  	[tilespmem:$0x4B0] =	vst v3  }
0xc7: {  	[tilespmem:$0x4C0] =	vst v3  }
0xc8: {  	[tilespmem:$0x4D0] =	vst v3  }
0xc9: {  	[tilespmem:$0x4E0] =	vst v3  }
0xca: {  	[tilespmem:$0x4F0] =	vst v3  }
0xcb: {  	[tilespmem:$0x500] =	vst v3  }
0xcc: {  	[tilespmem:$0x510] =	vst v3  }
0xcd: {  	[tilespmem:$0x520] =	vst v3  }
0xce: {  	[tilespmem:$0x530] =	vst v3  }
0xcf: {  	[tilespmem:$0x540] =	vst v3  }
0xd0: {  	[tilespmem:$0x550] =	vst v3  }
0xd1: {  	[tilespmem:$0x560] =	vst v3  }
0xd2: {  	[tilespmem:$0x570] =	vst v3  }
0xd3: {  	[tilespmem:$0x580] =	vst v3  }
0xd4: {  	[tilespmem:$0x590] =	vst v3  }
0xd5: {  	[tilespmem:$0x5A0] =	vst v3  }
0xd6: {  	[tilespmem:$0x5B0] =	vst v3  }
0xd7: {  	[tilespmem:$0x5C0] =	vst v3  }
0xd8: {  	[tilespmem:$0x5D0] =	vst v3  }
0xd9: {  	[tilespmem:$0x5E0] =	vst v3  }
0xda: {  	[tilespmem:$0x5F0] =	vst v3  }
0xdb: {  	[tilespmem:$0x600] =	vst v3  }
0xdc: {  	[tilespmem:$0x610] =	vst v3  }
0xdd: {  	[tilespmem:$0x620] =	vst v3  }
0xde: {  	[tilespmem:$0x630] =	vst v3  }
0xdf: {  	[tilespmem:$0x640] =	vst v3  }
0xe0: {  	[tilespmem:$0x650] =	vst v3  }
0xe1: {  	[tilespmem:$0x660] =	vst v3  }
0xe2: {  	v4 =	vld [tilespmem:$0x0];
	[tilespmem:$0x670] =	vst v3  }
0xe3: {  	[tilespmem:$0x680] =	vst v3  }
0xe4: {  	v5 =	vld [tilespmem:$0x10];
	[tilespmem:$0x690] =	vst v3  }
0xe5: {  	[tilespmem:$0x6A0] =	vst v3  }
0xe6: {  	v6 =	vld [tilespmem:$0x20];
	[tilespmem:$0x6B0] =	vst v3  }
0xe7: {  	[tilespmem:$0x6C0] =	vst v3;
	v7 =	vadd.f32 $0.0e+00, v4  }
0xe8: {  	v8 =	vld [tilespmem:$0x30];
	[tilespmem:$0x6D0] =	vst v3  }
0xe9: {  	[tilespmem:$0x6E0] =	vst v3;
	v7 =	vadd.f32 v5, v7  }
0xea: {  	v9 =	vld [tilespmem:$0x40];
	[tilespmem:$0x6F0] =	vst v3  }
0xeb: {  	[tilespmem:$0x700] =	vst v3;
	v7 =	vadd.f32 v6, v7  }
0xec: {  	v10 =	vld [tilespmem:$0x50];
	[tilespmem:$0x710] =	vst v3  }
0xed: {  	[tilespmem:$0x720] =	vst v3;
	v7 =	vadd.f32 v8, v7  }
0xee: {  	v11 =	vld [tilespmem:$0x60];
	[tilespmem:$0x730] =	vst v3  }
0xef: {  	[tilespmem:$0x740] =	vst v3;
	v7 =	vadd.f32 v9, v7  }
0xf0: {  	v12 =	vld [tilespmem:$0x70];
	[tilespmem:$0x750] =	vst v3  }
0xf1: {  	[tilespmem:$0x760] =	vst v3;
	v7 =	vadd.f32 v10, v7  }
0xf2: {  	v13 =	vld [tilespmem:$0x80];
	[tilespmem:$0x770] =	vst v3  }
0xf3: {  	[tilespmem:$0x780] =	vst v3;
	v7 =	vadd.f32 v11, v7  }
0xf4: {  	v14 =	vld [tilespmem:$0x90];
	[tilespmem:$0x790] =	vst v3  }
0xf5: {  	[tilespmem:$0x7A0] =	vst v3;
	v7 =	vadd.f32 v12, v7  }
0xf6: {  	v15 =	vld [tilespmem:$0xA0];
	[tilespmem:$0x7B0] =	vst v3  }
0xf7: {  	[tilespmem:$0x7C0] =	vst v3;
	v7 =	vadd.f32 v13, v7  }
0xf8: {  	v16 =	vld [tilespmem:$0xB0];
	[tilespmem:$0x7D0] =	vst v3  }
0xf9: {  	[tilespmem:$0x7E0] =	vst v3;
	v7 =	vadd.f32 v14, v7  }
0xfa: {  	v17 =	vld [tilespmem:$0xC0];
	[tilespmem:$0x7F0] =	vst v3  }
0xfb: {  	[tilespmem:$0x800] =	vst v3;
	v7 =	vadd.f32 v15, v7  }
0xfc: {  	v18 =	vld [tilespmem:$0xD0];
	[tilespmem:$0x810] =	vst v3  }
0xfd: {  	[tilespmem:$0x820] =	vst v3;
	v7 =	vadd.f32 v16, v7  }
0xfe: {  	v19 =	vld [tilespmem:$0xE0];
	[tilespmem:$0x830] =	vst v3  }
0xff: {  	[tilespmem:$0x840] =	vst v3;
	v7 =	vadd.f32 v17, v7  }
0x100: {  	v20 =	vld [tilespmem:$0xF0];
	[tilespmem:$0x850] =	vst v3  }
0x101: {  	[tilespmem:$0x860] =	vst v3;
	v7 =	vadd.f32 v18, v7  }
0x102: {  	v21 =	vld [tilespmem:$0x100];
	[tilespmem:$0x870] =	vst v3  }
0x103: {  	[tilespmem:$0x880] =	vst v3;
	v7 =	vadd.f32 v19, v7  }
0x104: {  	v22 =	vld [tilespmem:$0x110];
	[tilespmem:$0x890] =	vst v3  }
0x105: {  	[tilespmem:$0x8A0] =	vst v3;
	v7 =	vadd.f32 v20, v7  }
0x106: {  	v23 =	vld [tilespmem:$0x120];
	[tilespmem:$0x8B0] =	vst v3  }
0x107: {  	[tilespmem:$0x8C0] =	vst v3;
	(xrf0) =	vmax.scan.msk.f32 $0xffff, v4;
	v7 =	vadd.f32 v21, v7  }
0x108: {  	v24 =	vld [tilespmem:$0x130];
	[tilespmem:$0x8D0] =	vst v3;
	(xrf0) =	vmax.scan.msk.f32 $0xffff, v5  }
0x109: {  	[tilespmem:$0x8E0] =	vst v3;
	(xrf0) =	vmax.scan.msk.f32 $0xffff, v6;
	v7 =	vadd.f32 v22, v7  }
0x10a: {  	[tilespmem:$0x8F0] =	vst v3;
	(xrf0) =	vmax.scan.msk.f32 $0xffff, v8  }
0x10b: {  	[tilespmem:$0x900] =	vst v3;
	(xrf0) =	vmax.scan.msk.f32 $0xffff, v9;
	v7 =	vadd.f32 v23, v7  }
0x10c: {  	[tilespmem:$0x910] =	vst v3;
	(xrf0) =	vmax.scan.msk.f32 $0xffff, v10  }
0x10d: {  	[tilespmem:$0x920] =	vst v3;
	v5, _, _ =	vpop (xrf0);
	(xrf0) =	vmax.scan.msk.f32 $0xffff, v11;
	v11 =	vld [tilespmem:$0x1FFE0];
	v7 =	vadd.f32 v24, v7  }
0x10e: {  	[tilespmem:$0x930] =	vst v3  }
0x10f: {  	[tilespmem:$0x940] =	vst v3;
	(xrf2) =	vadd.scan.msk.f32 $0xffff, v7  }
0x110: {  	[tilespmem:$0x950] =	vst v3  }
0x111: {  	[tilespmem:$0x960] =	vst v3  }
0x112: {  	[tilespmem:$0x970] =	vst v3;
	v6, _, _ =	vpop (xrf0);
	(xrf0) =	vmax.scan.msk.f32 $0xffff, v12;
	vm1 =	vnez.u8 v11;
	v11 =	vld [tilespmem:$0x1FFF0]  }
0x113: {  	[tilespmem:$0x980] =	vst v3;
	v7, _, _ =	vpop (xrf0)  }
0x114: {  	[tilespmem:$0x990] =	vst v3;
	v5 =	vbroadcast v5, $0xF;
	v6 =	vbroadcast v6, $0xF;
	(xrf0) =	vmax.scan.msk.f32 $0xffff, v13;
	v8, _, _ =	vpop (xrf0)  }
0x115: {  	[tilespmem:$0x9A0] =	vst v3;
	(xrf0) =	vmax.scan.msk.f32 $0xffff, v14;
	v7 =	vbroadcast v7, $0xF;
	v9, _, _ =	vpop (xrf0)  }
0x116: {  	[tilespmem:$0x9B0] =	vst v3;
	v5 =	vsel vm0, v5, v6;
	(xrf0) =	vmax.scan.msk.f32 $0xffff, v15;
	v6 =	vbroadcast v8, $0xF;
	v10, _, _ =	vpop (xrf0)  }
0x117: {  	(xrf0) =	vmax.scan.msk.f32 $0xffff, v16;
	v5 =	vsel vm1, v5, v7;
	v7 =	vbroadcast v9, $0xF;
	vm1 =	vnez.u8 v11;
	v8, _, _ =	vpop (xrf0)  }
0x118: {  	[tilespmem:$0x9C0] =	vst v3;
	(xrf0) =	vmax.scan.msk.f32 $0xffff, v17;
	v5 =	vsel vm1, v5, v6;
	v9, _, _ =	vpop (xrf0)  }
0x119: {  	[tilespmem:$0x9D0] =	vst v3;
	(xrf0) =	vmax.scan.msk.f32 $0xffff, v18;
	v5 =	vsel vm3, v5, v7;
	v7 =	vbroadcast v8, $0xF;
	v4, _, _ =	vpop (xrf2)  }
0x11a: {  	[tilespmem:$0x9E0] =	vst v3;
	v6 =	vbroadcast v10, $0xF;
	v10, _, _ =	vpop (xrf0);
	(xrf0) =	vmax.scan.msk.f32 $0xffff, v19;
	v4 =	vadd.f32 $9.999999930e-09, v4  }
0x11b: {  	[tilespmem:$0x9F0] =	vst v3;
	v8, _, _ =	vpop (xrf0);
	(xrf0) =	vmax.scan.msk.f32 $0xffff, v20  }
0x11c: {  	v5 =	vsel vm4, v5, v6;
	v6 =	vbroadcast v9, $0xF;
	v9, _, _ =	vpop (xrf0);
	(xrf0) =	vmax.scan.msk.f32 $0xffff, v21;
	v4 =	vbroadcast v4, $0xF  }
0x11d: {  	[tilespmem:$0xA00] =	vst v3;
	v5 =	vsel vm5, v5, v7;
	v7, _, _ =	vpop (xrf0);
	(xrf0) =	vmax.scan.msk.f32 $0xffff, v22  }
0x11e: {  	v5 =	vsel vm6, v5, v6;
	v6 =	vbroadcast v10, $0xF;
	v8 =	vbroadcast v8, $0xF;
	v10, _, _ =	vpop (xrf0);
	(xrf0) =	vmax.scan.msk.f32 $0xffff, v23  }
0x11f: {  	[tilespmem:$0xA10] =	vst v3;
	v11, _, _ =	vpop (xrf0);
	(xrf0) =	vmax.scan.msk.f32 $0xffff, v24  }
0x120: {  	[tilespmem:$0xA20] =	vst v3;
	v5 =	vsel vm7, v5, v6;
	v6 =	vbroadcast v9, $0xF;
	(erf) = vrcp.f32 v4;
	v4, _, _ =	vpop (xrf0)  }
0x121: {  	[tilespmem:$0xA30] =	vst v3;
	v7 =	vbroadcast v7, $0xF;
	v5 =	vsel vm8, v5, v8;
	v9, _, _ =	vpop (xrf0)  }
0x122: {  	[tilespmem:$0xA40] =	vst v3;
	v5 =	vsel vm9, v5, v6;
	v6 =	vbroadcast v10, $0xF;
	v8, _, _ =	vpop (xrf0)  }
0x123: {  	[tilespmem:$0xA50] =	vst v3;
	v5 =	vsel vm10, v5, v7;
	v7 =	vbroadcast v11, $0xF;
	v10, _, _ =	vpop (xrf0);
	v8 =	vbroadcast v8, $0xF  }
0x124: {  	[tilespmem:$0xA60] =	vst v3;
	v5 =	vsel vm11, v5, v6;
	v4 =	vbroadcast v4, $0xF;
	v11, _, _ =	vpop (xrf0);
	v6 =	vbroadcast v10, $0xF  }
0x125: {  	[tilespmem:$0xA70] =	vst v3;
	vm1 =	vcmask $0x310;
	v5 =	vsel vm12, v5, v7;
	v7 =	vnsel vm0, $0xFF61B1E6, v8;
	v10, _, _ =	vpop (xrf0)  }
0x126: {  	[tilespmem:$0xA80] =	vst v3;
	v4 =	vsel vm13, v5, v4;
	v5 =	vsel vm1, v7, v6;
	v6 =	vbroadcast v10, $0xF  }
0x127: {  	[tilespmem:$0xA90] =	vst v3;
	v8 =	vbroadcast v11, $0xF  }
0x128: {  	[tilespmem:$0xAA0] =	vst v3;
	vm1 =	vcmask $0x710  }
0x129: {  	[tilespmem:$0xAB0] =	vst v3;
	v4 =	vsel vm14, v4, v9;
	v5 =	vsel vm1, v5, v8;
	vm1 =	vcmask $0xB10  }
0x12a: {  	[tilespmem:$0xAC0] =	vst v3;
	v7 =	vimm.f32 $0.0e+00;
	v8 =	vimm.s32 $0x0;
	v5 =	vsel vm1, v5, v6;
	v6 =	vpop (erf)  }
.LBB2_3:
0x12b: {  	v9 =	vmax.f32 v4, v5  }
0x12c: {  	(xrf0) =	vmax.scan.msk.f32 $0xffff, v9;
	_ =	sdelay $0x5  }
0x12d: {  	v9, _, _ =	vpop (xrf0)  }
0x12e: {  	v9 =	vbroadcast v9, $0xF;
	_ =	sdelay $0x1  }
0x12f: {  	v10 =	vmul.f32 v9, v6;
	_ =	sdelay $0x1  }
0x130: {  	v10 =	vadd.f32 v10, v7;
	_ =	sdelay $0x1  }
0x131: {  	vm1 =	vlt.s32 v8, $0x3;
	vm15 =	vle.f32 v10, $6.999999880e-01  }
0x132: {  	vm1 =	vmor vm1, vm15;
	vm15 =	vgt.f32 v9, $-1.000000020e+29  }
0x133: {  	vm15 =	vmand vm15, vm1  }
0x134: {  	v11 =	vsel vm15, $0x1, v1  }
0x135: {  	v11 =	vor.u32 $0x80000000, v11  }
0x136: {  	(xrf0) =	vmin.scan.msk.u32 $0xffff, v11  }
0x137: {  	vm1 =	veq.f32 v4, v9  }
0x138: {  	vm2 =	veq.f32 v5, v9;
	v13 =	vmctz.xlane vm1  }
0x139: {  	v12 =	vmpcnt.ones.xlane vm1;
	v11 =	vmctz.xlane vm2;
	_ =	sdelay $0x1  }
0x13a: {  	vm1 =	vgt.s32 v12, $0x0;
	v11 =	vadd.s32 $0x10, v11  }
0x13b: {  	v12 =	vsel vm1, v13, v11;
	v13, _, _ =	vpop (xrf0)  }
0x13c: {  	(v2sf) =	vpush v13, $0xF;
	_ =	sdelay $0x1  }
0x13d: {  	v15 =	vshll.u32 v12, $0x4  }
0x13e: {  	v11 =	vor.u32 v0, v15;
	_ =	sdelay $0x4  }
0x13f: {  	v13 =	vld.idx.msk [tilespmem:v11+s2+$0x0], $0xffff;
	_ =	sdelay $0x4  }
0x140: {  	vm1 =	veq.f32 v13, v9  }
0x141: {  	v14 =	vmctz.xlane vm1  }
0x142: {  	s15 =	spop (v2sf)  }
0x143: {  	v15 =	vadd.s32 v14, v15;
	p0 =	slt.u32 s15, $0x80000001  }
.Ltmp3:
0x144: {  	_ = 	snop;
	(pc) =	sbr.rel @p0 .LBB2_5-.Ltmp3, $2  }
0x145: {  	_ =	sdelay $0x2  }
0x146: {  	v15 =	vld.idx.msk [tilespmem:v15+s11+$0x0], $0xffff  }
0x147: {  	_ = 	snop  }
0x148: {  	vm1 =	veq.s32 v14, v0  }
0x149: {  	v13 =	vsel vm1, $0xFF61B1E6, v13  }
0x14a: {  	(xrf0) =	vmax.scan.msk.f32 $0xffff, v13  }
0x14b: {  	v61 =	vtrunc.f32 v15  }
0x14c: {  	v14 =	vcvt.f32.s32 v61;
	_ =	sdelay $0x2  }
.Ltmp4:
0x14d: {  	_ = 	snop;
	(pc) =	sbr.rel .LBB2_3-.Ltmp4, $4  }
0x14e: {  	vm2 =	veq.s32 v12, v0;
	v63 =	vadd.f32 v9, v3;
	v62, _, _ =	vpop (xrf0)  }
0x14f: {  	v7 =	vsel vm15, v10, v7;
	vm1 =	veq.s32 v12, v2;
	v15 =	vbroadcast v62, $0xF  }
0x150: {  	vm2 =	vmand vm15, vm2;
	vm1 =	vmand vm15, vm1;
	v3 =	vsel vm15, v63, v3;
	[tilespmem:v14+s12+$0x0] =	vst.idx.msk $0x1, v9  }
0x151: {  	v8 =	vadd.s32 $0x1, v8;
	v5 =	vsel vm1, v15, v5;
	v4 =	vsel vm2, v15, v4;
	[tilespmem:v11+s2+$0x0] =	vst.idx.msk $0xffff, v13  }
.LBB2_6:
0x152: {  	_ =	sfence.sel $0x180000  }
0x153: {  	[bflag:$0x0] =	sbarrier.arrive $0xFFFF  }
0x154: {  	p0 =	sne.s32 s1, $0x0;
	_ =	strace $0x9000004A  }
0x155: {  	s0 =	sadd.s32 @!p0 $0x100000, s0;
	[bflag:$0x2] =	sbarrier.arrive $0xFFFF  }
0x156: {  	[sflag:s0] =	ssyncadd.tile.s32 @!p0 $0x1;
	_ =	shalt  }
.Lfunc_end2:
_tile_overlayer_lowered:
.L_overlay_start_2:
0x157: {  	(tag) =	ssettag $0x2  }
0x158: {  	s0 =	rddreg [dreg:$0x0];
	s2 =	stileid.u32  }
0x159: {  	s1 =	rddreg [dreg:$0x1];
	p0 =	sne.s32 s2, $0x0  }
0x15a: {  	s3 =	rddreg [dreg:$0x2];
	[bflag:$0x3] =	sbarrier.arrive $0xFFFF;
	s2 =	simm.s32 @!p0 $0x1C01  }
0x15b: {  	[timem:s3], [sflag:s2] =	dma.local @!p0 [hbm:s0], s1  }
0x15c: {  	s0 =	simm.s32 @!p0 $0x1  }
0x15d: {  	_ =	swait.ge @!p0 [sflag:s0], s1  }
0x15e: {  	s1 =	ssub.s32 @!p0 $0x0, s1;
	[sflag:s0] =	ssyncset.done @!p0 $0x0  }
0x15f: {  	[sflag:s0] =	ssyncadd.s32 @!p0 s1  }
0x160: {  	[bflag:$0x3] =	sbarrier.arrive $0xFFFF  }
0x161: {  	_ =	shalt  }

</sc_bundles>
